<compile_context>
chip_gen: v7x
topology: tpu7x:2x2x1
jax: 0.10.2.dev20260603
libtpu: 0.0.44.dev20260713+nightly
codegen_flags: <defaults>
</compile_context>

<pallas_src>
import functools

import jax
import jax.numpy as jnp
from jax import lax
from jax.experimental import pallas as pl
from jax.experimental.pallas import tpu as pltpu
from jax.experimental.pallas import tpu_sc as plsc

BATCH = 32
BEAM = 4
VOCAB = 10000
MAXLEN = 16
EOS_ID = 2
MIN_LENGTH = 5

ROWS = BATCH * BEAM
NROWS = MAXLEN * ROWS
NOUT = MAXLEN * BATCH
NEG = -1.0e30

SC_CORES = 2
SC_SUBCORES = 16
SC_WORKERS = SC_CORES * SC_SUBCORES
ROWS_PER_W = NOUT // SC_WORKERS
CHUNK = 4
NCHUNK = ROWS_PER_W // CHUNK
VREGS = VOCAB // 16
SUB_UNROLL = 5
SUB_ITERS = VREGS // SUB_UNROLL


STEPS_PER_BLK = 2


def _stats_body(x_ref, lse_ref, eos_ref, top4_ref):
    x = x_ref[...]
    m = jnp.max(x, axis=2, keepdims=True)
    e = jnp.exp(x - m)
    ssum = jnp.sum(e, axis=2, keepdims=True)
    logs = jnp.log(ssum)
    lse_ref[...] = logs + m

    t0 = STEPS_PER_BLK * pl.program_id(0)
    step = t0 + lax.broadcasted_iota(jnp.int32, (STEPS_PER_BLK, ROWS, 1), 0)
    eos_col = x[:, :, EOS_ID:EOS_ID + 1]
    eos_lp = (eos_col - m) - logs
    eos_ref[...] = jnp.where(step < MIN_LENGTH, NEG, eos_lp)

    col = lax.broadcasted_iota(jnp.int32, (STEPS_PER_BLK, ROWS, VOCAB), 2)
    xm = jnp.where(col == EOS_ID, -jnp.inf, x)

    def merge4(A, B):
        c0 = jnp.maximum(A[0], B[3])
        c1 = jnp.maximum(A[1], B[2])
        c2 = jnp.maximum(A[2], B[1])
        c3 = jnp.maximum(A[3], B[0])
        e0 = jnp.maximum(c0, c2)
        e2 = jnp.minimum(c0, c2)
        e1 = jnp.maximum(c1, c3)
        e3 = jnp.minimum(c1, c3)
        return [jnp.maximum(e0, e1), jnp.minimum(e0, e1),
                jnp.maximum(e2, e3), jnp.minimum(e2, e3)]

    w = 500
    neg_inf = jnp.full((STEPS_PER_BLK, ROWS, w), -jnp.inf, jnp.float32)
    S = [neg_inf, neg_inf, neg_inf, neg_inf]
    for cstart in range(0, VOCAB, w):
        e = xm[:, :, cstart:cstart + w]
        d0 = jnp.maximum(S[0], e)
        t_ = jnp.minimum(S[0], e)
        d1 = jnp.maximum(S[1], t_)
        t_ = jnp.minimum(S[1], t_)
        d2 = jnp.maximum(S[2], t_)
        t_ = jnp.minimum(S[2], t_)
        S = [d0, d1, d2, jnp.maximum(S[3], t_)]
    while w > 8:
        if w % 2:
            pad = jnp.full(S[0].shape[:2] + (1,), -jnp.inf, jnp.float32)
            S = [jnp.concatenate([s_, pad], axis=2) for s_ in S]
            w += 1
        h = w // 2
        S = merge4([s_[:, :, :h] for s_ in S], [s_[:, :, h:] for s_ in S])
        w = h
    R = [s_[:, :, 0:1] for s_ in S]
    for j in range(1, w):
        R = merge4(R, [s_[:, :, j:j + 1] for s_ in S])
    top4_ref[...] = jnp.concatenate(
        [(r - m) - logs for r in R], axis=2)


def _beam_body(lp20_ref, lse_ref, rows_ref, lsesel_ref):
    f32 = jnp.float32
    i32 = jnp.int32
    iota4 = lax.broadcasted_iota(i32, (BATCH, BEAM), 1)
    pos20 = lax.broadcasted_iota(i32, (BATCH, 5 * BEAM), 1)
    bidx = lax.broadcasted_iota(i32, (BATCH, 1), 0)
    beam20 = pos20 // 5

    s = jnp.where(iota4 == 0, 0.0, NEG).astype(f32)
    preds = []
    final_scores = None
    for t in range(MAXLEN):
        lp = lp20_ref[t]
        s20 = jnp.zeros((BATCH, 5 * BEAM), f32)
        for k in range(BEAM):
            s20 = jnp.where(beam20 == k, s[:, k:k + 1], s20)
        cands = lp + s20
        vs, fs = [], []
        for _slot in range(BEAM):
            v = jnp.max(cands, axis=1, keepdims=True)
            first = jnp.min(jnp.where(cands == v, pos20, 5 * BEAM),
                            axis=1, keepdims=True)
            vs.append(v)
            fs.append(first)
            cands = jnp.where(pos20 == first, NEG, cands)
        scores = jnp.concatenate(vs, axis=1)
        firsts = jnp.concatenate(fs, axis=1)
        preds.append(firsts // 5)
        if t == MAXLEN - 1:
            final_scores = scores
        s = jnp.where(firsts % 5 == 0, NEG, scores)

    fv = jnp.max(final_scores, axis=1, keepdims=True)
    c = jnp.min(jnp.where(final_scores == fv, iota4, BEAM), axis=1,
                keepdims=True)
    iota128 = lax.broadcasted_iota(i32, (BATCH, ROWS), 1)
    for t in range(MAXLEN - 1, -1, -1):
        row_in_step = BEAM * bidx + c
        rows_ref[:, t:t + 1] = ROWS * t + row_in_step
        lse_row = lax.bitcast_convert_type(
            jnp.broadcast_to(lse_ref[t], (BATCH, ROWS)), i32)
        sel = jnp.sum(jnp.where(iota128 == row_in_step, lse_row, 0),
                      axis=1, keepdims=True)
        lsesel_ref[:, t:t + 1] = lax.bitcast_convert_type(sel, f32)
        if t > 0:
            c = jnp.min(jnp.where(iota4 == c, preds[t], BEAM),
                        axis=1, keepdims=True)


def _sc_gather_body(x_hbm, rows_hbm, lse_hbm, out_hbm,
                    idx_v, lse_scr, buf0, buf1, sem0, sem1):
    wid = lax.axis_index("s") * SC_CORES + lax.axis_index("c")
    base = wid * ROWS_PER_W
    pltpu.sync_copy(rows_hbm.at[wid], idx_v)
    pltpu.sync_copy(lse_hbm.at[pl.ds(base, ROWS_PER_W)], lse_scr)

    bufs = (buf0, buf1)
    sems = (sem0, sem1)

    def start(cc):
        return pltpu.async_copy(x_hbm.at[idx_v.at[cc]], bufs[cc % 2],
                                sems[cc % 2])

    pending = start(0)
    for c in range(NCHUNK):
        pending.wait()
        if c + 1 < NCHUNK:
            pending = start(c + 1)
        buf = bufs[c % 2]
        for r in range(CHUNK):
            lse_vec = lse_scr[CHUNK * c + r]

            def body(i, _, buf=buf, r=r, lse_vec=lse_vec):
                for j in range(SUB_UNROLL):
                    sl = pl.ds(i * (16 * SUB_UNROLL) + j * 16, 16)
                    buf[r, sl] = buf[r, sl] - lse_vec
                return 0

            lax.fori_loop(0, SUB_ITERS, body, 0)
        pltpu.sync_copy(buf, out_hbm.at[pl.ds(base + CHUNK * c, CHUNK)])


def kernel(step_logits, encoder_outputs):
    del encoder_outputs
    f32 = jnp.float32

    lse, eos_lp, top4 = pl.pallas_call(
        _stats_body,
        grid=(MAXLEN // STEPS_PER_BLK,),
        compiler_params=pltpu.CompilerParams(
            dimension_semantics=("parallel",)),
        in_specs=[pl.BlockSpec((STEPS_PER_BLK, ROWS, VOCAB),
                               lambda t: (t, 0, 0))],
        out_specs=[
            pl.BlockSpec((STEPS_PER_BLK, ROWS, 1), lambda t: (t, 0, 0)),
            pl.BlockSpec((STEPS_PER_BLK, ROWS, 1), lambda t: (t, 0, 0)),
            pl.BlockSpec((STEPS_PER_BLK, ROWS, BEAM), lambda t: (t, 0, 0)),
        ],
        out_shape=[
            jax.ShapeDtypeStruct((MAXLEN, ROWS, 1), f32),
            jax.ShapeDtypeStruct((MAXLEN, ROWS, 1), f32),
            jax.ShapeDtypeStruct((MAXLEN, ROWS, BEAM), f32),
        ],
    )(step_logits)

    lp20 = jnp.concatenate([eos_lp, top4], axis=2).reshape(
        MAXLEN, BATCH, 5 * BEAM)

    rows, lse_sel = pl.pallas_call(
        _beam_body,
        out_shape=[
            jax.ShapeDtypeStruct((BATCH, MAXLEN), jnp.int32),
            jax.ShapeDtypeStruct((BATCH, MAXLEN), f32),
        ],
    )(lp20, lse.reshape(MAXLEN, 1, ROWS))

    flat_rows = rows.T.reshape(NOUT)
    flat_lse = lse_sel.T.reshape(NOUT)
    rows4d = flat_rows.reshape(SC_WORKERS, NCHUNK, CHUNK)
    lse16 = jnp.broadcast_to(flat_lse[:, None], (NOUT, 16))

    sc_gather = functools.partial(
        pl.kernel,
        mesh=plsc.VectorSubcoreMesh(core_axis_name="c", subcore_axis_name="s"),
        compiler_params=pltpu.CompilerParams(use_tc_tiling_on_sc=False,
                                             skip_device_barrier=True),
        out_type=jax.ShapeDtypeStruct((NOUT, VOCAB), f32),
        scratch_types=[
            pltpu.VMEM((NCHUNK, CHUNK), jnp.int32),
            pltpu.VMEM((ROWS_PER_W, 16), f32),
            pltpu.VMEM((CHUNK, VOCAB), f32),
            pltpu.VMEM((CHUNK, VOCAB), f32),
            pltpu.SemaphoreType.DMA,
            pltpu.SemaphoreType.DMA,
        ],
    )(_sc_gather_body)

    x_flat = step_logits.reshape(NROWS, VOCAB)
    out_flat = sc_gather(x_flat, rows4d, jnp.asarray(lse16))
    return out_flat.reshape(MAXLEN, BATCH, VOCAB)

# --- scband reference (transcript-rebuilt; emitter-appended) ---
"""Pipeline reference for scband-beam-search-decoder-16836271800404 (READ-ONLY COPY).

The authoritative reference and input builder live on the scoring server;
editing this copy changes nothing except your own understanding.
"""

import jax, jax.numpy as jnp
import numpy as np

BATCH = 32
BEAM = 4
VOCAB = 10000
MAXLEN = 16
HIDDEN = 512
ENC_LEN = 128
SOS_ID = 1
EOS_ID = 2
MIN_LENGTH = 5
ALPHA = 1.2


def _length_penalty(length):
    return ((MIN_LENGTH + length) / (MIN_LENGTH + 1)) ** ALPHA


def setup_inputs(seed: int = 0) -> dict:
    key = jax.random.key(seed)
    k1, k2 = jax.random.split(key)
    # Precomputed per-step decoder outputs (stub for decoder.forward_step),
    # one [batch*beam, vocab] slab per decoding step.
    step_logits = jax.random.normal(k1, (MAXLEN, BATCH * BEAM, VOCAB), dtype=jnp.float32)
    encoder_outputs = jax.random.normal(k2, (BATCH, ENC_LEN, HIDDEN), dtype=jnp.float32)
    return {"step_logits": step_logits, "encoder_outputs": encoder_outputs}


def reference(step_logits, encoder_outputs):
    pos_index = (jnp.arange(BATCH, dtype=jnp.int32) * BEAM)[:, None]  # [B, 1]

    # sequence_scores: 0 for the first hypothesis of each batch, -inf otherwise
    sequence_scores = jnp.full((BATCH * BEAM, 1), -jnp.inf, dtype=jnp.float32)
    fill_index = jnp.arange(BATCH, dtype=jnp.int32) * BEAM
    sequence_scores = sequence_scores.at[fill_index, 0].set(0.0)

    stored_outputs = []
    stored_scores = []
    stored_predecessors = []
    stored_emitted_symbols = []

    for di in range(MAXLEN):
        # forward_step stub: per-step log-probabilities over the vocab
        step_output = jax.nn.log_softmax(step_logits[di], axis=-1)  # [B*beam, V]
        stored_outputs.append(step_output)
        if di < MIN_LENGTH:
            step_output = step_output.at[:, EOS_ID].set(-jnp.inf)
        # inflate sequence_scores across vocab and accumulate
        inflated = sequence_scores + step_output  # broadcast [B*beam,1] + [B*beam,V]
        scores, candidates = jax.lax.top_k(inflated.reshape(BATCH, BEAM * VOCAB), BEAM)
        input_var = (candidates % VOCAB).reshape(BATCH * BEAM, 1)
        sequence_scores = scores.reshape(BATCH * BEAM, 1)
        predecessors = (candidates // VOCAB + pos_index).reshape(BATCH * BEAM)
        stored_scores.append(sequence_scores / _length_penalty(di + 1))
        eos_mask = (input_var == EOS_ID)
        sequence_scores = jnp.where(eos_mask, -jnp.inf, sequence_scores)
        stored_predecessors.append(predecessors)
        stored_emitted_symbols.append(input_var)

    # ---- backtrack ----
    sorted_score, sorted_idx = jax.lax.top_k(stored_scores[-1].reshape(BATCH, BEAM), BEAM)
    t_predecessors = (sorted_idx + pos_index).reshape(BATCH * BEAM)
    output = []
    for t in range(MAXLEN - 1, -1, -1):
        current_output = jnp.take(stored_outputs[t], t_predecessors, axis=0)
        t_predecessors = jnp.take(stored_predecessors[t], t_predecessors, axis=0)
        output.append(current_output)
    s, re_sorted_idx = jax.lax.top_k(sorted_score, BEAM)
    re_sorted = (re_sorted_idx + pos_index).reshape(BATCH * BEAM)
    output = [jnp.take(step, re_sorted, axis=0).reshape(BATCH, BEAM, VOCAB)
              for step in reversed(output)]
    decoder_outputs = jnp.stack([step[:, 0, :] for step in output], axis=0)  # [T, B, V]
    return decoder_outputs

if __name__ == "__main__":
    import jax
    _d = setup_inputs()
    print(jax.jit(kernel)(*tuple(_d.values())))

</pallas_src>

<mosaic_0001>
#map = affine_map<(d0, d1) -> (0, 0)>
#map1 = affine_map<(d0, d1) -> (0, 0, 0)>
module attributes {stable_mosaic.version = 14 : i64} {
  func.func @_sc_gather_body(%arg0: i32, %arg1: i32, %arg2: memref<2048x10000xf32, #tpu.memory_space<hbm>>, %arg3: memref<32x4x4xi32, #tpu.memory_space<hbm>>, %arg4: memref<512x16xf32, #tpu.memory_space<hbm>>, %arg5: memref<512x10000xf32, #tpu.memory_space<hbm>>, %arg6: memref<4x4xi32, #tpu.memory_space<vmem>>, %arg7: memref<16x16xf32, #tpu.memory_space<vmem>>, %arg8: memref<4x10000xf32, #tpu.memory_space<vmem>>, %arg9: memref<4x10000xf32, #tpu.memory_space<vmem>>, %arg10: memref<!tpu.dma_semaphore, #tpu.memory_space<semaphore_mem>>, %arg11: memref<!tpu.dma_semaphore, #tpu.memory_space<semaphore_mem>>) attributes {dimension_semantics = [#tpu.dimension_semantics<core_parallel>, #tpu.dimension_semantics<subcore_parallel>], iteration_bounds = array<i64: 2, 16>, scalar_prefetch = 0 : i64, scratch_operands = 6 : i64, tpu.core_type = #tpu.core_type<sc_vector_subcore>, window_params = [{transform_indices = #map}, {transform_indices = #map1}, {transform_indices = #map}, {transform_indices = #map}]} {
    %mul3A = arith.constant 2 : i32
    %mul3A_0 = arith.muli %arg1, %mul3A : i32
    %add3A = arith.addi %mul3A_0, %arg0 : i32
    %mul3A_1 = arith.constant 16 : i32
    %mul3A_2 = arith.muli %add3A, %mul3A_1 : i32
    "tpu.region"() ({
      %run_scoped3A = tpu.sem_alloc : memref<!tpu.dma_semaphore, #tpu.memory_space<semaphore_mem>>
      %dma_start3A_255 = arith.constant 0 : i32
      %dma_start3A_256 = arith.constant 0 : i32
      %dma_start3A_257 = tpu.memref_slice %arg3[%add3A, %dma_start3A_255, %dma_start3A_256] : memref<32x4x4xi32, #tpu.memory_space<hbm>> -> memref<1x4x4xi32, #tpu.memory_space<hbm>>
      %dma_start3A_258 = tpu.memref_squeeze %dma_start3A_257 : memref<1x4x4xi32, #tpu.memory_space<hbm>> -> memref<4x4xi32, #tpu.memory_space<hbm>>
      %dma_start3A_259 = arith.constant 0 : i32
      %dma_start3A_260 = arith.constant 0 : i32
      %dma_start3A_261 = tpu.memref_slice %arg3[%add3A, %dma_start3A_259, %dma_start3A_260] : memref<32x4x4xi32, #tpu.memory_space<hbm>> -> memref<1x4x4xi32, #tpu.memory_space<hbm>>
      %dma_start3A_262 = tpu.memref_squeeze %dma_start3A_261 : memref<1x4x4xi32, #tpu.memory_space<hbm>> -> memref<4x4xi32, #tpu.memory_space<hbm>>
      tpu.enqueue_dma source(%dma_start3A_262 : memref<4x4xi32, #tpu.memory_space<hbm>>) target(%arg6 : memref<4x4xi32, #tpu.memory_space<vmem>>) target_semaphore(%run_scoped3A : memref<!tpu.dma_semaphore, #tpu.memory_space<semaphore_mem>>)
      %dma_wait3A_263 = arith.constant 0 : i32
      %dma_wait3A_264 = arith.constant 0 : i32
      %dma_wait3A_265 = tpu.memref_slice %arg3[%add3A, %dma_wait3A_263, %dma_wait3A_264] : memref<32x4x4xi32, #tpu.memory_space<hbm>> -> memref<1x4x4xi32, #tpu.memory_space<hbm>>
      %dma_wait3A_266 = tpu.memref_squeeze %dma_wait3A_265 : memref<1x4x4xi32, #tpu.memory_space<hbm>> -> memref<4x4xi32, #tpu.memory_space<hbm>>
      %dma_wait3A_267 = arith.constant 0 : i32
      %dma_wait3A_268 = arith.constant 0 : i32
      %dma_wait3A_269 = tpu.memref_slice %arg3[%add3A, %dma_wait3A_267, %dma_wait3A_268] : memref<32x4x4xi32, #tpu.memory_space<hbm>> -> memref<1x4x4xi32, #tpu.memory_space<hbm>>
      %dma_wait3A_270 = tpu.memref_squeeze %dma_wait3A_269 : memref<1x4x4xi32, #tpu.memory_space<hbm>> -> memref<4x4xi32, #tpu.memory_space<hbm>>
      tpu.wait_dma2 semaphore(%run_scoped3A : memref<!tpu.dma_semaphore, #tpu.memory_space<semaphore_mem>>) src(%dma_wait3A_270 : memref<4x4xi32, #tpu.memory_space<hbm>>) dst(%arg6 : memref<4x4xi32, #tpu.memory_space<vmem>>)
      tpu.yield
    }) : () -> ()
    "tpu.region"() ({
      %run_scoped3A = tpu.sem_alloc : memref<!tpu.dma_semaphore, #tpu.memory_space<semaphore_mem>>
      %dma_start3A_255 = arith.constant 0 : i32
      %dma_start3A_256 = tpu.memref_slice %arg4[%mul3A_2, %dma_start3A_255] : memref<512x16xf32, #tpu.memory_space<hbm>> -> memref<16x16xf32, #tpu.memory_space<hbm>>
      %dma_start3A_257 = arith.constant 0 : i32
      %dma_start3A_258 = tpu.memref_slice %arg4[%mul3A_2, %dma_start3A_257] : memref<512x16xf32, #tpu.memory_space<hbm>> -> memref<16x16xf32, #tpu.memory_space<hbm>>
      tpu.enqueue_dma source(%dma_start3A_258 : memref<16x16xf32, #tpu.memory_space<hbm>>) target(%arg7 : memref<16x16xf32, #tpu.memory_space<vmem>>) target_semaphore(%run_scoped3A : memref<!tpu.dma_semaphore, #tpu.memory_space<semaphore_mem>>)
      %dma_wait3A_259 = arith.constant 0 : i32
      %dma_wait3A_260 = tpu.memref_slice %arg4[%mul3A_2, %dma_wait3A_259] : memref<512x16xf32, #tpu.memory_space<hbm>> -> memref<16x16xf32, #tpu.memory_space<hbm>>
      %dma_wait3A_261 = arith.constant 0 : i32
      %dma_wait3A_262 = tpu.memref_slice %arg4[%mul3A_2, %dma_wait3A_261] : memref<512x16xf32, #tpu.memory_space<hbm>> -> memref<16x16xf32, #tpu.memory_space<hbm>>
      tpu.wait_dma2 semaphore(%run_scoped3A : memref<!tpu.dma_semaphore, #tpu.memory_space<semaphore_mem>>) src(%dma_wait3A_262 : memref<16x16xf32, #tpu.memory_space<hbm>>) dst(%arg7 : memref<16x16xf32, #tpu.memory_space<vmem>>)
      tpu.yield
    }) : () -> ()
    %dma_start3A = arith.constant 0 : i32
    %dma_start3A_3 = arith.constant 0 : i32
    %dma_start3A_4 = tpu.memref_slice %arg6[%dma_start3A, %dma_start3A_3] : memref<4x4xi32, #tpu.memory_space<vmem>> -> memref<1x4xi32, #tpu.memory_space<vmem>>
    %dma_start3A_5 = tpu.memref_squeeze %dma_start3A_4 : memref<1x4xi32, #tpu.memory_space<vmem>> -> memref<4xi32, #tpu.memory_space<vmem>>
    %dma_start3A_6 = arith.constant 0 : i32
    %dma_start3A_7 = arith.constant 0 : i32
    %dma_start3A_8 = tpu.memref_slice %arg2[%dma_start3A_6, %dma_start3A_7] : memref<2048x10000xf32, #tpu.memory_space<hbm>> -> memref<2048x10000xf32, #tpu.memory_space<hbm>>
    tpu.enqueue_indirect_dma source(%dma_start3A_8 : memref<2048x10000xf32, #tpu.memory_space<hbm>>) target(%arg8 : memref<4x10000xf32, #tpu.memory_space<vmem>>) offsets(%dma_start3A_5 : memref<4xi32, #tpu.memory_space<vmem>>) semaphore(%arg10 : memref<!tpu.dma_semaphore, #tpu.memory_space<semaphore_mem>>)
    %dma_wait3A = arith.constant 0 : i32
    %dma_wait3A_9 = arith.constant 0 : i32
    %dma_wait3A_10 = tpu.memref_slice %arg6[%dma_wait3A, %dma_wait3A_9] : memref<4x4xi32, #tpu.memory_space<vmem>> -> memref<1x4xi32, #tpu.memory_space<vmem>>
    %dma_wait3A_11 = tpu.memref_squeeze %dma_wait3A_10 : memref<1x4xi32, #tpu.memory_space<vmem>> -> memref<4xi32, #tpu.memory_space<vmem>>
    %dma_wait3A_12 = arith.constant 0 : i32
    %dma_wait3A_13 = arith.constant 0 : i32
    %dma_wait3A_14 = tpu.memref_slice %arg2[%dma_wait3A_12, %dma_wait3A_13] : memref<2048x10000xf32, #tpu.memory_space<hbm>> -> memref<2048x10000xf32, #tpu.memory_space<hbm>>
    tpu.wait_indirect_dma semaphore(%arg10 : memref<!tpu.dma_semaphore, #tpu.memory_space<semaphore_mem>>) src(%dma_wait3A_14 : memref<2048x10000xf32, #tpu.memory_space<hbm>>) dst(%arg8 : memref<4x10000xf32, #tpu.memory_space<vmem>>)
    %dma_start3A_15 = arith.constant 1 : i32
    %dma_start3A_16 = arith.constant 0 : i32
    %dma_start3A_17 = tpu.memref_slice %arg6[%dma_start3A_15, %dma_start3A_16] : memref<4x4xi32, #tpu.memory_space<vmem>> -> memref<1x4xi32, #tpu.memory_space<vmem>>
    %dma_start3A_18 = tpu.memref_squeeze %dma_start3A_17 : memref<1x4xi32, #tpu.memory_space<vmem>> -> memref<4xi32, #tpu.memory_space<vmem>>
    %dma_start3A_19 = arith.constant 0 : i32
    %dma_start3A_20 = arith.constant 0 : i32
    %dma_start3A_21 = tpu.memref_slice %arg2[%dma_start3A_19, %dma_start3A_20] : memref<2048x10000xf32, #tpu.memory_space<hbm>> -> memref<2048x10000xf32, #tpu.memory_space<hbm>>
    tpu.enqueue_indirect_dma source(%dma_start3A_21 : memref<2048x10000xf32, #tpu.memory_space<hbm>>) target(%arg9 : memref<4x10000xf32, #tpu.memory_space<vmem>>) offsets(%dma_start3A_18 : memref<4xi32, #tpu.memory_space<vmem>>) semaphore(%arg11 : memref<!tpu.dma_semaphore, #tpu.memory_space<semaphore_mem>>)
    %get3A = arith.constant 0 : i32
    %get3A_22 = arith.index_cast %get3A : i32 to index
    %get3A_23 = arith.constant 0 : index
    %get3A_24 = tpu.vector_load %arg7[%get3A_22, %get3A_23] {strides = array<i32>} : memref<16x16xf32, #tpu.memory_space<vmem>>, vector<1x16xf32>,
    %get3A_25 = vector.shape_cast %get3A_24 : vector<1x16xf32> to vector<16xf32>
    %scan3A = arith.constant 0 : i32
    %scan3A_26 = arith.constant 0 : i32
    %scan3A_27 = arith.constant 125 : i32
    %scan3A_28 = arith.addi %scan3A_26, %scan3A_27 : i32
    %scan3A_29 = arith.constant 1 : i32
    %scan3A_30 = scf.for %scan3A_255 = %scan3A_26 to %scan3A_28 step %scan3A_29 iter_args(%scan3A_256 = %scan3A) -> (i32)  : i32 {
      %mul3A_257 = arith.constant 80 : i32
      %mul3A_258 = arith.muli %scan3A_255, %mul3A_257 : i32
      %add3A_259 = arith.constant 0 : i32
      %add3A_260 = arith.addi %mul3A_258, %add3A_259 : i32
      %get3A_261 = arith.constant 0 : i32
      %get3A_262 = arith.index_cast %get3A_261 : i32 to index
      %get3A_263 = arith.index_cast %add3A_260 : i32 to index
      %get3A_264 = tpu.vector_load %arg8[%get3A_262, %get3A_263] {strides = array<i32>} : memref<4x10000xf32, #tpu.memory_space<vmem>>, vector<1x16xf32>,
      %get3A_265 = vector.shape_cast %get3A_264 : vector<1x16xf32> to vector<16xf32>
      %sub3A = arith.subf %get3A_265, %get3A_25 : vector<16xf32>
      %swap3A = arith.constant 0 : i32
      %swap3A_266 = arith.index_cast %swap3A : i32 to index
      %swap3A_267 = arith.index_cast %add3A_260 : i32 to index
      %swap3A_268 = tpu.vector_load %arg8[%swap3A_266, %swap3A_267] {strides = array<i32>} : memref<4x10000xf32, #tpu.memory_space<vmem>>, vector<1x16xf32>,
      %swap3A_269 = vector.shape_cast %swap3A_268 : vector<1x16xf32> to vector<16xf32>
      %swap3A_270 = vector.shape_cast %sub3A : vector<16xf32> to vector<1x16xf32>
      tpu.vector_store %arg8[%swap3A_266, %swap3A_267], %swap3A_270 {strides = array<i32>} : memref<4x10000xf32, #tpu.memory_space<vmem>>, vector<1x16xf32>,
      %mul3A_271 = arith.constant 80 : i32
      %mul3A_272 = arith.muli %scan3A_255, %mul3A_271 : i32
      %add3A_273 = arith.constant 16 : i32
      %add3A_274 = arith.addi %mul3A_272, %add3A_273 : i32
      %get3A_275 = arith.constant 0 : i32
      %get3A_276 = arith.index_cast %get3A_275 : i32 to index
      %get3A_277 = arith.index_cast %add3A_274 : i32 to index
      %get3A_278 = tpu.vector_load %arg8[%get3A_276, %get3A_277] {strides = array<i32>} : memref<4x10000xf32, #tpu.memory_space<vmem>>, vector<1x16xf32>,
      %get3A_279 = vector.shape_cast %get3A_278 : vector<1x16xf32> to vector<16xf32>
      %sub3A_280 = arith.subf %get3A_279, %get3A_25 : vector<16xf32>
      %swap3A_281 = arith.constant 0 : i32
      %swap3A_282 = arith.index_cast %swap3A_281 : i32 to index
      %swap3A_283 = arith.index_cast %add3A_274 : i32 to index
      %swap3A_284 = tpu.vector_load %arg8[%swap3A_282, %swap3A_283] {strides = array<i32>} : memref<4x10000xf32, #tpu.memory_space<vmem>>, vector<1x16xf32>,
      %swap3A_285 = vector.shape_cast %swap3A_284 : vector<1x16xf32> to vector<16xf32>
      %swap3A_286 = vector.shape_cast %sub3A_280 : vector<16xf32> to vector<1x16xf32>
      tpu.vector_store %arg8[%swap3A_282, %swap3A_283], %swap3A_286 {strides = array<i32>} : memref<4x10000xf32, #tpu.memory_space<vmem>>, vector<1x16xf32>,
      %mul3A_287 = arith.constant 80 : i32
      %mul3A_288 = arith.muli %scan3A_255, %mul3A_287 : i32
      %add3A_289 = arith.constant 32 : i32
      %add3A_290 = arith.addi %mul3A_288, %add3A_289 : i32
      %get3A_291 = arith.constant 0 : i32
      %get3A_292 = arith.index_cast %get3A_291 : i32 to index
      %get3A_293 = arith.index_cast %add3A_290 : i32 to index
      %get3A_294 = tpu.vector_load %arg8[%get3A_292, %get3A_293] {strides = array<i32>} : memref<4x10000xf32, #tpu.memory_space<vmem>>, vector<1x16xf32>,
      %get3A_295 = vector.shape_cast %get3A_294 : vector<1x16xf32> to vector<16xf32>
      %sub3A_296 = arith.subf %get3A_295, %get3A_25 : vector<16xf32>
      %swap3A_297 = arith.constant 0 : i32
      %swap3A_298 = arith.index_cast %swap3A_297 : i32 to index
      %swap3A_299 = arith.index_cast %add3A_290 : i32 to index
      %swap3A_300 = tpu.vector_load %arg8[%swap3A_298, %swap3A_299] {strides = array<i32>} : memref<4x10000xf32, #tpu.memory_space<vmem>>, vector<1x16xf32>,
      %swap3A_301 = vector.shape_cast %swap3A_300 : vector<1x16xf32> to vector<16xf32>
      %swap3A_302 = vector.shape_cast %sub3A_296 : vector<16xf32> to vector<1x16xf32>
      tpu.vector_store %arg8[%swap3A_298, %swap3A_299], %swap3A_302 {strides = array<i32>} : memref<4x10000xf32, #tpu.memory_space<vmem>>, vector<1x16xf32>,
      %mul3A_303 = arith.constant 80 : i32
      %mul3A_304 = arith.muli %scan3A_255, %mul3A_303 : i32
      %add3A_305 = arith.constant 48 : i32
      %add3A_306 = arith.addi %mul3A_304, %add3A_305 : i32
      %get3A_307 = arith.constant 0 : i32
      %get3A_308 = arith.index_cast %get3A_307 : i32 to index
      %get3A_309 = arith.index_cast %add3A_306 : i32 to index
      %get3A_310 = tpu.vector_load %arg8[%get3A_308, %get3A_309] {strides = array<i32>} : memref<4x10000xf32, #tpu.memory_space<vmem>>, vector<1x16xf32>,
      %get3A_311 = vector.shape_cast %get3A_310 : vector<1x16xf32> to vector<16xf32>
      %sub3A_312 = arith.subf %get3A_311, %get3A_25 : vector<16xf32>
      %swap3A_313 = arith.constant 0 : i32
      %swap3A_314 = arith.index_cast %swap3A_313 : i32 to index
      %swap3A_315 = arith.index_cast %add3A_306 : i32 to index
      %swap3A_316 = tpu.vector_load %arg8[%swap3A_314, %swap3A_315] {strides = array<i32>} : memref<4x10000xf32, #tpu.memory_space<vmem>>, vector<1x16xf32>,
      %swap3A_317 = vector.shape_cast %swap3A_316 : vector<1x16xf32> to vector<16xf32>
      %swap3A_318 = vector.shape_cast %sub3A_312 : vector<16xf32> to vector<1x16xf32>
      tpu.vector_store %arg8[%swap3A_314, %swap3A_315], %swap3A_318 {strides = array<i32>} : memref<4x10000xf32, #tpu.memory_space<vmem>>, vector<1x16xf32>,
      %mul3A_319 = arith.constant 80 : i32
      %mul3A_320 = arith.muli %scan3A_255, %mul3A_319 : i32
      %add3A_321 = arith.constant 64 : i32
      %add3A_322 = arith.addi %mul3A_320, %add3A_321 : i32
      %get3A_323 = arith.constant 0 : i32
      %get3A_324 = arith.index_cast %get3A_323 : i32 to index
      %get3A_325 = arith.index_cast %add3A_322 : i32 to index
      %get3A_326 = tpu.vector_load %arg8[%get3A_324, %get3A_325] {strides = array<i32>} : memref<4x10000xf32, #tpu.memory_space<vmem>>, vector<1x16xf32>,
      %get3A_327 = vector.shape_cast %get3A_326 : vector<1x16xf32> to vector<16xf32>
      %sub3A_328 = arith.subf %get3A_327, %get3A_25 : vector<16xf32>
      %swap3A_329 = arith.constant 0 : i32
      %swap3A_330 = arith.index_cast %swap3A_329 : i32 to index
      %swap3A_331 = arith.index_cast %add3A_322 : i32 to index
      %swap3A_332 = tpu.vector_load %arg8[%swap3A_330, %swap3A_331] {strides = array<i32>} : memref<4x10000xf32, #tpu.memory_space<vmem>>, vector<1x16xf32>,
      %swap3A_333 = vector.shape_cast %swap3A_332 : vector<1x16xf32> to vector<16xf32>
      %swap3A_334 = vector.shape_cast %sub3A_328 : vector<16xf32> to vector<1x16xf32>
      tpu.vector_store %arg8[%swap3A_330, %swap3A_331], %swap3A_334 {strides = array<i32>} : memref<4x10000xf32, #tpu.memory_space<vmem>>, vector<1x16xf32>,
      %scan3A_335 = arith.constant 0 : i32
      scf.yield %scan3A_335 : i32
    }
    %scan3A_31 = arith.constant 125 : i32
    %get3A_32 = arith.constant 1 : i32
    %get3A_33 = arith.index_cast %get3A_32 : i32 to index
    %get3A_34 = arith.constant 0 : index
    %get3A_35 = tpu.vector_load %arg7[%get3A_33, %get3A_34] {strides = array<i32>} : memref<16x16xf32, #tpu.memory_space<vmem>>, vector<1x16xf32>,
    %get3A_36 = vector.shape_cast %get3A_35 : vector<1x16xf32> to vector<16xf32>
    %scan3A_37 = arith.constant 0 : i32
    %scan3A_38 = arith.constant 0 : i32
    %scan3A_39 = arith.constant 125 : i32
    %scan3A_40 = arith.addi %scan3A_38, %scan3A_39 : i32
    %scan3A_41 = arith.constant 1 : i32
    %scan3A_42 = scf.for %scan3A_255 = %scan3A_38 to %scan3A_40 step %scan3A_41 iter_args(%scan3A_256 = %scan3A_37) -> (i32)  : i32 {
      %mul3A_257 = arith.constant 80 : i32
      %mul3A_258 = arith.muli %scan3A_255, %mul3A_257 : i32
      %add3A_259 = arith.constant 0 : i32
      %add3A_260 = arith.addi %mul3A_258, %add3A_259 : i32
      %get3A_261 = arith.constant 1 : i32
      %get3A_262 = arith.index_cast %get3A_261 : i32 to index
      %get3A_263 = arith.index_cast %add3A_260 : i32 to index
      %get3A_264 = tpu.vector_load %arg8[%get3A_262, %get3A_263] {strides = array<i32>} : memref<4x10000xf32, #tpu.memory_space<vmem>>, vector<1x16xf32>,
      %get3A_265 = vector.shape_cast %get3A_264 : vector<1x16xf32> to vector<16xf32>
      %sub3A = arith.subf %get3A_265, %get3A_36 : vector<16xf32>
      %swap3A = arith.constant 1 : i32
      %swap3A_266 = arith.index_cast %swap3A : i32 to index
      %swap3A_267 = arith.index_cast %add3A_260 : i32 to index
      %swap3A_268 = tpu.vector_load %arg8[%swap3A_266, %swap3A_267] {strides = array<i32>} : memref<4x10000xf32, #tpu.memory_space<vmem>>, vector<1x16xf32>,
      %swap3A_269 = vector.shape_cast %swap3A_268 : vector<1x16xf32> to vector<16xf32>
      %swap3A_270 = vector.shape_cast %sub3A : vector<16xf32> to vector<1x16xf32>
      tpu.vector_store %arg8[%swap3A_266, %swap3A_267], %swap3A_270 {strides = array<i32>} : memref<4x10000xf32, #tpu.memory_space<vmem>>, vector<1x16xf32>,
      %mul3A_271 = arith.constant 80 : i32
      %mul3A_272 = arith.muli %scan3A_255, %mul3A_271 : i32
      %add3A_273 = arith.constant 16 : i32
      %add3A_274 = arith.addi %mul3A_272, %add3A_273 : i32
      %get3A_275 = arith.constant 1 : i32
      %get3A_276 = arith.index_cast %get3A_275 : i32 to index
      %get3A_277 = arith.index_cast %add3A_274 : i32 to index
      %get3A_278 = tpu.vector_load %arg8[%get3A_276, %get3A_277] {strides = array<i32>} : memref<4x10000xf32, #tpu.memory_space<vmem>>, vector<1x16xf32>,
      %get3A_279 = vector.shape_cast %get3A_278 : vector<1x16xf32> to vector<16xf32>
      %sub3A_280 = arith.subf %get3A_279, %get3A_36 : vector<16xf32>
      %swap3A_281 = arith.constant 1 : i32
      %swap3A_282 = arith.index_cast %swap3A_281 : i32 to index
      %swap3A_283 = arith.index_cast %add3A_274 : i32 to index
      %swap3A_284 = tpu.vector_load %arg8[%swap3A_282, %swap3A_283] {strides = array<i32>} : memref<4x10000xf32, #tpu.memory_space<vmem>>, vector<1x16xf32>,
      %swap3A_285 = vector.shape_cast %swap3A_284 : vector<1x16xf32> to vector<16xf32>
      %swap3A_286 = vector.shape_cast %sub3A_280 : vector<16xf32> to vector<1x16xf32>
      tpu.vector_store %arg8[%swap3A_282, %swap3A_283], %swap3A_286 {strides = array<i32>} : memref<4x10000xf32, #tpu.memory_space<vmem>>, vector<1x16xf32>,
      %mul3A_287 = arith.constant 80 : i32
      %mul3A_288 = arith.muli %scan3A_255, %mul3A_287 : i32
      %add3A_289 = arith.constant 32 : i32
      %add3A_290 = arith.addi %mul3A_288, %add3A_289 : i32
      %get3A_291 = arith.constant 1 : i32
      %get3A_292 = arith.index_cast %get3A_291 : i32 to index
      %get3A_293 = arith.index_cast %add3A_290 : i32 to index
      %get3A_294 = tpu.vector_load %arg8[%get3A_292, %get3A_293] {strides = array<i32>} : memref<4x10000xf32, #tpu.memory_space<vmem>>, vector<1x16xf32>,
      %get3A_295 = vector.shape_cast %get3A_294 : vector<1x16xf32> to vector<16xf32>
      %sub3A_296 = arith.subf %get3A_295, %get3A_36 : vector<16xf32>
      %swap3A_297 = arith.constant 1 : i32
      %swap3A_298 = arith.index_cast %swap3A_297 : i32 to index
      %swap3A_299 = arith.index_cast %add3A_290 : i32 to index
      %swap3A_300 = tpu.vector_load %arg8[%swap3A_298, %swap3A_299] {strides = array<i32>} : memref<4x10000xf32, #tpu.memory_space<vmem>>, vector<1x16xf32>,
      %swap3A_301 = vector.shape_cast %swap3A_300 : vector<1x16xf32> to vector<16xf32>
      %swap3A_302 = vector.shape_cast %sub3A_296 : vector<16xf32> to vector<1x16xf32>
      tpu.vector_store %arg8[%swap3A_298, %swap3A_299], %swap3A_302 {strides = array<i32>} : memref<4x10000xf32, #tpu.memory_space<vmem>>, vector<1x16xf32>,
      %mul3A_303 = arith.constant 80 : i32
      %mul3A_304 = arith.muli %scan3A_255, %mul3A_303 : i32
      %add3A_305 = arith.constant 48 : i32
      %add3A_306 = arith.addi %mul3A_304, %add3A_305 : i32
      %get3A_307 = arith.constant 1 : i32
      %get3A_308 = arith.index_cast %get3A_307 : i32 to index
      %get3A_309 = arith.index_cast %add3A_306 : i32 to index
      %get3A_310 = tpu.vector_load %arg8[%get3A_308, %get3A_309] {strides = array<i32>} : memref<4x10000xf32, #tpu.memory_space<vmem>>, vector<1x16xf32>,
      %get3A_311 = vector.shape_cast %get3A_310 : vector<1x16xf32> to vector<16xf32>
      %sub3A_312 = arith.subf %get3A_311, %get3A_36 : vector<16xf32>
      %swap3A_313 = arith.constant 1 : i32
      %swap3A_314 = arith.index_cast %swap3A_313 : i32 to index
      %swap3A_315 = arith.index_cast %add3A_306 : i32 to index
      %swap3A_316 = tpu.vector_load %arg8[%swap3A_314, %swap3A_315] {strides = array<i32>} : memref<4x10000xf32, #tpu.memory_space<vmem>>, vector<1x16xf32>,
      %swap3A_317 = vector.shape_cast %swap3A_316 : vector<1x16xf32> to vector<16xf32>
      %swap3A_318 = vector.shape_cast %sub3A_312 : vector<16xf32> to vector<1x16xf32>
      tpu.vector_store %arg8[%swap3A_314, %swap3A_315], %swap3A_318 {strides = array<i32>} : memref<4x10000xf32, #tpu.memory_space<vmem>>, vector<1x16xf32>,
      %mul3A_319 = arith.constant 80 : i32
      %mul3A_320 = arith.muli %scan3A_255, %mul3A_319 : i32
      %add3A_321 = arith.constant 64 : i32
      %add3A_322 = arith.addi %mul3A_320, %add3A_321 : i32
      %get3A_323 = arith.constant 1 : i32
      %get3A_324 = arith.index_cast %get3A_323 : i32 to index
      %get3A_325 = arith.index_cast %add3A_322 : i32 to index
      %get3A_326 = tpu.vector_load %arg8[%get3A_324, %get3A_325] {strides = array<i32>} : memref<4x10000xf32, #tpu.memory_space<vmem>>, vector<1x16xf32>,
      %get3A_327 = vector.shape_cast %get3A_326 : vector<1x16xf32> to vector<16xf32>
      %sub3A_328 = arith.subf %get3A_327, %get3A_36 : vector<16xf32>
      %swap3A_329 = arith.constant 1 : i32
      %swap3A_330 = arith.index_cast %swap3A_329 : i32 to index
      %swap3A_331 = arith.index_cast %add3A_322 : i32 to index
      %swap3A_332 = tpu.vector_load %arg8[%swap3A_330, %swap3A_331] {strides = array<i32>} : memref<4x10000xf32, #tpu.memory_space<vmem>>, vector<1x16xf32>,
      %swap3A_333 = vector.shape_cast %swap3A_332 : vector<1x16xf32> to vector<16xf32>
      %swap3A_334 = vector.shape_cast %sub3A_328 : vector<16xf32> to vector<1x16xf32>
      tpu.vector_store %arg8[%swap3A_330, %swap3A_331], %swap3A_334 {strides = array<i32>} : memref<4x10000xf32, #tpu.memory_space<vmem>>, vector<1x16xf32>,
      %scan3A_335 = arith.constant 0 : i32
      scf.yield %scan3A_335 : i32
    }
    %scan3A_43 = arith.constant 125 : i32
    %get3A_44 = arith.constant 2 : i32
    %get3A_45 = arith.index_cast %get3A_44 : i32 to index
    %get3A_46 = arith.constant 0 : index
    %get3A_47 = tpu.vector_load %arg7[%get3A_45, %get3A_46] {strides = array<i32>} : memref<16x16xf32, #tpu.memory_space<vmem>>, vector<1x16xf32>,
    %get3A_48 = vector.shape_cast %get3A_47 : vector<1x16xf32> to vector<16xf32>
    %scan3A_49 = arith.constant 0 : i32
    %scan3A_50 = arith.constant 0 : i32
    %scan3A_51 = arith.constant 125 : i32
    %scan3A_52 = arith.addi %scan3A_50, %scan3A_51 : i32
    %scan3A_53 = arith.constant 1 : i32
    %scan3A_54 = scf.for %scan3A_255 = %scan3A_50 to %scan3A_52 step %scan3A_53 iter_args(%scan3A_256 = %scan3A_49) -> (i32)  : i32 {
      %mul3A_257 = arith.constant 80 : i32
      %mul3A_258 = arith.muli %scan3A_255, %mul3A_257 : i32
      %add3A_259 = arith.constant 0 : i32
      %add3A_260 = arith.addi %mul3A_258, %add3A_259 : i32
      %get3A_261 = arith.constant 2 : i32
      %get3A_262 = arith.index_cast %get3A_261 : i32 to index
      %get3A_263 = arith.index_cast %add3A_260 : i32 to index
      %get3A_264 = tpu.vector_load %arg8[%get3A_262, %get3A_263] {strides = array<i32>} : memref<4x10000xf32, #tpu.memory_space<vmem>>, vector<1x16xf32>,
      %get3A_265 = vector.shape_cast %get3A_264 : vector<1x16xf32> to vector<16xf32>
      %sub3A = arith.subf %get3A_265, %get3A_48 : vector<16xf32>
      %swap3A = arith.constant 2 : i32
      %swap3A_266 = arith.index_cast %swap3A : i32 to index
      %swap3A_267 = arith.index_cast %add3A_260 : i32 to index
      %swap3A_268 = tpu.vector_load %arg8[%swap3A_266, %swap3A_267] {strides = array<i32>} : memref<4x10000xf32, #tpu.memory_space<vmem>>, vector<1x16xf32>,
      %swap3A_269 = vector.shape_cast %swap3A_268 : vector<1x16xf32> to vector<16xf32>
      %swap3A_270 = vector.shape_cast %sub3A : vector<16xf32> to vector<1x16xf32>
      tpu.vector_store %arg8[%swap3A_266, %swap3A_267], %swap3A_270 {strides = array<i32>} : memref<4x10000xf32, #tpu.memory_space<vmem>>, vector<1x16xf32>,
      %mul3A_271 = arith.constant 80 : i32
      %mul3A_272 = arith.muli %scan3A_255, %mul3A_271 : i32
      %add3A_273 = arith.constant 16 : i32
      %add3A_274 = arith.addi %mul3A_272, %add3A_273 : i32
      %get3A_275 = arith.constant 2 : i32
      %get3A_276 = arith.index_cast %get3A_275 : i32 to index
      %get3A_277 = arith.index_cast %add3A_274 : i32 to index
      %get3A_278 = tpu.vector_load %arg8[%get3A_276, %get3A_277] {strides = array<i32>} : memref<4x10000xf32, #tpu.memory_space<vmem>>, vector<1x16xf32>,
      %get3A_279 = vector.shape_cast %get3A_278 : vector<1x16xf32> to vector<16xf32>
      %sub3A_280 = arith.subf %get3A_279, %get3A_48 : vector<16xf32>
      %swap3A_281 = arith.constant 2 : i32
      %swap3A_282 = arith.index_cast %swap3A_281 : i32 to index
      %swap3A_283 = arith.index_cast %add3A_274 : i32 to index
      %swap3A_284 = tpu.vector_load %arg8[%swap3A_282, %swap3A_283] {strides = array<i32>} : memref<4x10000xf32, #tpu.memory_space<vmem>>, vector<1x16xf32>,
      %swap3A_285 = vector.shape_cast %swap3A_284 : vector<1x16xf32> to vector<16xf32>
      %swap3A_286 = vector.shape_cast %sub3A_280 : vector<16xf32> to vector<1x16xf32>
      tpu.vector_store %arg8[%swap3A_282, %swap3A_283], %swap3A_286 {strides = array<i32>} : memref<4x10000xf32, #tpu.memory_space<vmem>>, vector<1x16xf32>,
      %mul3A_287 = arith.constant 80 : i32
      %mul3A_288 = arith.muli %scan3A_255, %mul3A_287 : i32
      %add3A_289 = arith.constant 32 : i32
      %add3A_290 = arith.addi %mul3A_288, %add3A_289 : i32
      %get3A_291 = arith.constant 2 : i32
      %get3A_292 = arith.index_cast %get3A_291 : i32 to index
      %get3A_293 = arith.index_cast %add3A_290 : i32 to index
      %get3A_294 = tpu.vector_load %arg8[%get3A_292, %get3A_293] {strides = array<i32>} : memref<4x10000xf32, #tpu.memory_space<vmem>>, vector<1x16xf32>,
      %get3A_295 = vector.shape_cast %get3A_294 : vector<1x16xf32> to vector<16xf32>
      %sub3A_296 = arith.subf %get3A_295, %get3A_48 : vector<16xf32>
      %swap3A_297 = arith.constant 2 : i32
      %swap3A_298 = arith.index_cast %swap3A_297 : i32 to index
      %swap3A_299 = arith.index_cast %add3A_290 : i32 to index
      %swap3A_300 = tpu.vector_load %arg8[%swap3A_298, %swap3A_299] {strides = array<i32>} : memref<4x10000xf32, #tpu.memory_space<vmem>>, vector<1x16xf32>,
      %swap3A_301 = vector.shape_cast %swap3A_300 : vector<1x16xf32> to vector<16xf32>
      %swap3A_302 = vector.shape_cast %sub3A_296 : vector<16xf32> to vector<1x16xf32>
      tpu.vector_store %arg8[%swap3A_298, %swap3A_299], %swap3A_302 {strides = array<i32>} : memref<4x10000xf32, #tpu.memory_space<vmem>>, vector<1x16xf32>,
      %mul3A_303 = arith.constant 80 : i32
      %mul3A_304 = arith.muli %scan3A_255, %mul3A_303 : i32
      %add3A_305 = arith.constant 48 : i32
      %add3A_306 = arith.addi %mul3A_304, %add3A_305 : i32
      %get3A_307 = arith.constant 2 : i32
      %get3A_308 = arith.index_cast %get3A_307 : i32 to index
      %get3A_309 = arith.index_cast %add3A_306 : i32 to index
      %get3A_310 = tpu.vector_load %arg8[%get3A_308, %get3A_309] {strides = array<i32>} : memref<4x10000xf32, #tpu.memory_space<vmem>>, vector<1x16xf32>,
      %get3A_311 = vector.shape_cast %get3A_310 : vector<1x16xf32> to vector<16xf32>
      %sub3A_312 = arith.subf %get3A_311, %get3A_48 : vector<16xf32>
      %swap3A_313 = arith.constant 2 : i32
      %swap3A_314 = arith.index_cast %swap3A_313 : i32 to index
      %swap3A_315 = arith.index_cast %add3A_306 : i32 to index
      %swap3A_316 = tpu.vector_load %arg8[%swap3A_314, %swap3A_315] {strides = array<i32>} : memref<4x10000xf32, #tpu.memory_space<vmem>>, vector<1x16xf32>,
      %swap3A_317 = vector.shape_cast %swap3A_316 : vector<1x16xf32> to vector<16xf32>
      %swap3A_318 = vector.shape_cast %sub3A_312 : vector<16xf32> to vector<1x16xf32>
      tpu.vector_store %arg8[%swap3A_314, %swap3A_315], %swap3A_318 {strides = array<i32>} : memref<4x10000xf32, #tpu.memory_space<vmem>>, vector<1x16xf32>,
      %mul3A_319 = arith.constant 80 : i32
      %mul3A_320 = arith.muli %scan3A_255, %mul3A_319 : i32
      %add3A_321 = arith.constant 64 : i32
      %add3A_322 = arith.addi %mul3A_320, %add3A_321 : i32
      %get3A_323 = arith.constant 2 : i32
      %get3A_324 = arith.index_cast %get3A_323 : i32 to index
      %get3A_325 = arith.index_cast %add3A_322 : i32 to index
      %get3A_326 = tpu.vector_load %arg8[%get3A_324, %get3A_325] {strides = array<i32>} : memref<4x10000xf32, #tpu.memory_space<vmem>>, vector<1x16xf32>,
      %get3A_327 = vector.shape_cast %get3A_326 : vector<1x16xf32> to vector<16xf32>
      %sub3A_328 = arith.subf %get3A_327, %get3A_48 : vector<16xf32>
      %swap3A_329 = arith.constant 2 : i32
      %swap3A_330 = arith.index_cast %swap3A_329 : i32 to index
      %swap3A_331 = arith.index_cast %add3A_322 : i32 to index
      %swap3A_332 = tpu.vector_load %arg8[%swap3A_330, %swap3A_331] {strides = array<i32>} : memref<4x10000xf32, #tpu.memory_space<vmem>>, vector<1x16xf32>,
      %swap3A_333 = vector.shape_cast %swap3A_332 : vector<1x16xf32> to vector<16xf32>
      %swap3A_334 = vector.shape_cast %sub3A_328 : vector<16xf32> to vector<1x16xf32>
      tpu.vector_store %arg8[%swap3A_330, %swap3A_331], %swap3A_334 {strides = array<i32>} : memref<4x10000xf32, #tpu.memory_space<vmem>>, vector<1x16xf32>,
      %scan3A_335 = arith.constant 0 : i32
      scf.yield %scan3A_335 : i32
    }
    %scan3A_55 = arith.constant 125 : i32
    %get3A_56 = arith.constant 3 : i32
    %get3A_57 = arith.index_cast %get3A_56 : i32 to index
    %get3A_58 = arith.constant 0 : index
    %get3A_59 = tpu.vector_load %arg7[%get3A_57, %get3A_58] {strides = array<i32>} : memref<16x16xf32, #tpu.memory_space<vmem>>, vector<1x16xf32>,
    %get3A_60 = vector.shape_cast %get3A_59 : vector<1x16xf32> to vector<16xf32>
    %scan3A_61 = arith.constant 0 : i32
    %scan3A_62 = arith.constant 0 : i32
    %scan3A_63 = arith.constant 125 : i32
    %scan3A_64 = arith.addi %scan3A_62, %scan3A_63 : i32
    %scan3A_65 = arith.constant 1 : i32
    %scan3A_66 = scf.for %scan3A_255 = %scan3A_62 to %scan3A_64 step %scan3A_65 iter_args(%scan3A_256 = %scan3A_61) -> (i32)  : i32 {
      %mul3A_257 = arith.constant 80 : i32
      %mul3A_258 = arith.muli %scan3A_255, %mul3A_257 : i32
      %add3A_259 = arith.constant 0 : i32
      %add3A_260 = arith.addi %mul3A_258, %add3A_259 : i32
      %get3A_261 = arith.constant 3 : i32
      %get3A_262 = arith.index_cast %get3A_261 : i32 to index
      %get3A_263 = arith.index_cast %add3A_260 : i32 to index
      %get3A_264 = tpu.vector_load %arg8[%get3A_262, %get3A_263] {strides = array<i32>} : memref<4x10000xf32, #tpu.memory_space<vmem>>, vector<1x16xf32>,
      %get3A_265 = vector.shape_cast %get3A_264 : vector<1x16xf32> to vector<16xf32>
      %sub3A = arith.subf %get3A_265, %get3A_60 : vector<16xf32>
      %swap3A = arith.constant 3 : i32
      %swap3A_266 = arith.index_cast %swap3A : i32 to index
      %swap3A_267 = arith.index_cast %add3A_260 : i32 to index
      %swap3A_268 = tpu.vector_load %arg8[%swap3A_266, %swap3A_267] {strides = array<i32>} : memref<4x10000xf32, #tpu.memory_space<vmem>>, vector<1x16xf32>,
      %swap3A_269 = vector.shape_cast %swap3A_268 : vector<1x16xf32> to vector<16xf32>
      %swap3A_270 = vector.shape_cast %sub3A : vector<16xf32> to vector<1x16xf32>
      tpu.vector_store %arg8[%swap3A_266, %swap3A_267], %swap3A_270 {strides = array<i32>} : memref<4x10000xf32, #tpu.memory_space<vmem>>, vector<1x16xf32>,
      %mul3A_271 = arith.constant 80 : i32
      %mul3A_272 = arith.muli %scan3A_255, %mul3A_271 : i32
      %add3A_273 = arith.constant 16 : i32
      %add3A_274 = arith.addi %mul3A_272, %add3A_273 : i32
      %get3A_275 = arith.constant 3 : i32
      %get3A_276 = arith.index_cast %get3A_275 : i32 to index
      %get3A_277 = arith.index_cast %add3A_274 : i32 to index
      %get3A_278 = tpu.vector_load %arg8[%get3A_276, %get3A_277] {strides = array<i32>} : memref<4x10000xf32, #tpu.memory_space<vmem>>, vector<1x16xf32>,
      %get3A_279 = vector.shape_cast %get3A_278 : vector<1x16xf32> to vector<16xf32>
      %sub3A_280 = arith.subf %get3A_279, %get3A_60 : vector<16xf32>
      %swap3A_281 = arith.constant 3 : i32
      %swap3A_282 = arith.index_cast %swap3A_281 : i32 to index
      %swap3A_283 = arith.index_cast %add3A_274 : i32 to index
      %swap3A_284 = tpu.vector_load %arg8[%swap3A_282, %swap3A_283] {strides = array<i32>} : memref<4x10000xf32, #tpu.memory_space<vmem>>, vector<1x16xf32>,
      %swap3A_285 = vector.shape_cast %swap3A_284 : vector<1x16xf32> to vector<16xf32>
      %swap3A_286 = vector.shape_cast %sub3A_280 : vector<16xf32> to vector<1x16xf32>
      tpu.vector_store %arg8[%swap3A_282, %swap3A_283], %swap3A_286 {strides = array<i32>} : memref<4x10000xf32, #tpu.memory_space<vmem>>, vector<1x16xf32>,
      %mul3A_287 = arith.constant 80 : i32
      %mul3A_288 = arith.muli %scan3A_255, %mul3A_287 : i32
      %add3A_289 = arith.constant 32 : i32
      %add3A_290 = arith.addi %mul3A_288, %add3A_289 : i32
      %get3A_291 = arith.constant 3 : i32
      %get3A_292 = arith.index_cast %get3A_291 : i32 to index
      %get3A_293 = arith.index_cast %add3A_290 : i32 to index
      %get3A_294 = tpu.vector_load %arg8[%get3A_292, %get3A_293] {strides = array<i32>} : memref<4x10000xf32, #tpu.memory_space<vmem>>, vector<1x16xf32>,
      %get3A_295 = vector.shape_cast %get3A_294 : vector<1x16xf32> to vector<16xf32>
      %sub3A_296 = arith.subf %get3A_295, %get3A_60 : vector<16xf32>
      %swap3A_297 = arith.constant 3 : i32
      %swap3A_298 = arith.index_cast %swap3A_297 : i32 to index
      %swap3A_299 = arith.index_cast %add3A_290 : i32 to index
      %swap3A_300 = tpu.vector_load %arg8[%swap3A_298, %swap3A_299] {strides = array<i32>} : memref<4x10000xf32, #tpu.memory_space<vmem>>, vector<1x16xf32>,
      %swap3A_301 = vector.shape_cast %swap3A_300 : vector<1x16xf32> to vector<16xf32>
      %swap3A_302 = vector.shape_cast %sub3A_296 : vector<16xf32> to vector<1x16xf32>
      tpu.vector_store %arg8[%swap3A_298, %swap3A_299], %swap3A_302 {strides = array<i32>} : memref<4x10000xf32, #tpu.memory_space<vmem>>, vector<1x16xf32>,
      %mul3A_303 = arith.constant 80 : i32
      %mul3A_304 = arith.muli %scan3A_255, %mul3A_303 : i32
      %add3A_305 = arith.constant 48 : i32
      %add3A_306 = arith.addi %mul3A_304, %add3A_305 : i32
      %get3A_307 = arith.constant 3 : i32
      %get3A_308 = arith.index_cast %get3A_307 : i32 to index
      %get3A_309 = arith.index_cast %add3A_306 : i32 to index
      %get3A_310 = tpu.vector_load %arg8[%get3A_308, %get3A_309] {strides = array<i32>} : memref<4x10000xf32, #tpu.memory_space<vmem>>, vector<1x16xf32>,
      %get3A_311 = vector.shape_cast %get3A_310 : vector<1x16xf32> to vector<16xf32>
      %sub3A_312 = arith.subf %get3A_311, %get3A_60 : vector<16xf32>
      %swap3A_313 = arith.constant 3 : i32
      %swap3A_314 = arith.index_cast %swap3A_313 : i32 to index
      %swap3A_315 = arith.index_cast %add3A_306 : i32 to index
      %swap3A_316 = tpu.vector_load %arg8[%swap3A_314, %swap3A_315] {strides = array<i32>} : memref<4x10000xf32, #tpu.memory_space<vmem>>, vector<1x16xf32>,
      %swap3A_317 = vector.shape_cast %swap3A_316 : vector<1x16xf32> to vector<16xf32>
      %swap3A_318 = vector.shape_cast %sub3A_312 : vector<16xf32> to vector<1x16xf32>
      tpu.vector_store %arg8[%swap3A_314, %swap3A_315], %swap3A_318 {strides = array<i32>} : memref<4x10000xf32, #tpu.memory_space<vmem>>, vector<1x16xf32>,
      %mul3A_319 = arith.constant 80 : i32
      %mul3A_320 = arith.muli %scan3A_255, %mul3A_319 : i32
      %add3A_321 = arith.constant 64 : i32
      %add3A_322 = arith.addi %mul3A_320, %add3A_321 : i32
      %get3A_323 = arith.constant 3 : i32
      %get3A_324 = arith.index_cast %get3A_323 : i32 to index
      %get3A_325 = arith.index_cast %add3A_322 : i32 to index
      %get3A_326 = tpu.vector_load %arg8[%get3A_324, %get3A_325] {strides = array<i32>} : memref<4x10000xf32, #tpu.memory_space<vmem>>, vector<1x16xf32>,
      %get3A_327 = vector.shape_cast %get3A_326 : vector<1x16xf32> to vector<16xf32>
      %sub3A_328 = arith.subf %get3A_327, %get3A_60 : vector<16xf32>
      %swap3A_329 = arith.constant 3 : i32
      %swap3A_330 = arith.index_cast %swap3A_329 : i32 to index
      %swap3A_331 = arith.index_cast %add3A_322 : i32 to index
      %swap3A_332 = tpu.vector_load %arg8[%swap3A_330, %swap3A_331] {strides = array<i32>} : memref<4x10000xf32, #tpu.memory_space<vmem>>, vector<1x16xf32>,
      %swap3A_333 = vector.shape_cast %swap3A_332 : vector<1x16xf32> to vector<16xf32>
      %swap3A_334 = vector.shape_cast %sub3A_328 : vector<16xf32> to vector<1x16xf32>
      tpu.vector_store %arg8[%swap3A_330, %swap3A_331], %swap3A_334 {strides = array<i32>} : memref<4x10000xf32, #tpu.memory_space<vmem>>, vector<1x16xf32>,
      %scan3A_335 = arith.constant 0 : i32
      scf.yield %scan3A_335 : i32
    }
    %scan3A_67 = arith.constant 125 : i32
    %add3A_68 = arith.constant 0 : i32
    %add3A_69 = arith.addi %mul3A_2, %add3A_68 : i32
    "tpu.region"() ({
      %run_scoped3A = tpu.sem_alloc : memref<!tpu.dma_semaphore, #tpu.memory_space<semaphore_mem>>
      %dma_start3A_255 = arith.constant 0 : i32
      %dma_start3A_256 = tpu.memref_slice %arg5[%add3A_69, %dma_start3A_255] : memref<512x10000xf32, #tpu.memory_space<hbm>> -> memref<4x10000xf32, #tpu.memory_space<hbm>>
      %dma_start3A_257 = arith.constant 0 : i32
      %dma_start3A_258 = tpu.memref_slice %arg5[%add3A_69, %dma_start3A_257] : memref<512x10000xf32, #tpu.memory_space<hbm>> -> memref<4x10000xf32, #tpu.memory_space<hbm>>
      tpu.enqueue_dma source(%arg8 : memref<4x10000xf32, #tpu.memory_space<vmem>>) target(%dma_start3A_258 : memref<4x10000xf32, #tpu.memory_space<hbm>>) target_semaphore(%run_scoped3A : memref<!tpu.dma_semaphore, #tpu.memory_space<semaphore_mem>>)
      %dma_wait3A_259 = arith.constant 0 : i32
      %dma_wait3A_260 = tpu.memref_slice %arg5[%add3A_69, %dma_wait3A_259] : memref<512x10000xf32, #tpu.memory_space<hbm>> -> memref<4x10000xf32, #tpu.memory_space<hbm>>
      %dma_wait3A_261 = arith.constant 0 : i32
      %dma_wait3A_262 = tpu.memref_slice %arg5[%add3A_69, %dma_wait3A_261] : memref<512x10000xf32, #tpu.memory_space<hbm>> -> memref<4x10000xf32, #tpu.memory_space<hbm>>
      tpu.wait_dma2 semaphore(%run_scoped3A : memref<!tpu.dma_semaphore, #tpu.memory_space<semaphore_mem>>) src(%arg8 : memref<4x10000xf32, #tpu.memory_space<vmem>>) dst(%dma_wait3A_262 : memref<4x10000xf32, #tpu.memory_space<hbm>>)
      tpu.yield
    }) : () -> ()
    %dma_wait3A_70 = arith.constant 1 : i32
    %dma_wait3A_71 = arith.constant 0 : i32
    %dma_wait3A_72 = tpu.memref_slice %arg6[%dma_wait3A_70, %dma_wait3A_71] : memref<4x4xi32, #tpu.memory_space<vmem>> -> memref<1x4xi32, #tpu.memory_space<vmem>>
    %dma_wait3A_73 = tpu.memref_squeeze %dma_wait3A_72 : memref<1x4xi32, #tpu.memory_space<vmem>> -> memref<4xi32, #tpu.memory_space<vmem>>
    %dma_wait3A_74 = arith.constant 0 : i32
    %dma_wait3A_75 = arith.constant 0 : i32
    %dma_wait3A_76 = tpu.memref_slice %arg2[%dma_wait3A_74, %dma_wait3A_75] : memref<2048x10000xf32, #tpu.memory_space<hbm>> -> memref<2048x10000xf32, #tpu.memory_space<hbm>>
    tpu.wait_indirect_dma semaphore(%arg11 : memref<!tpu.dma_semaphore, #tpu.memory_space<semaphore_mem>>) src(%dma_wait3A_76 : memref<2048x10000xf32, #tpu.memory_space<hbm>>) dst(%arg9 : memref<4x10000xf32, #tpu.memory_space<vmem>>)
    %dma_start3A_77 = arith.constant 2 : i32
    %dma_start3A_78 = arith.constant 0 : i32
    %dma_start3A_79 = tpu.memref_slice %arg6[%dma_start3A_77, %dma_start3A_78] : memref<4x4xi32, #tpu.memory_space<vmem>> -> memref<1x4xi32, #tpu.memory_space<vmem>>
    %dma_start3A_80 = tpu.memref_squeeze %dma_start3A_79 : memref<1x4xi32, #tpu.memory_space<vmem>> -> memref<4xi32, #tpu.memory_space<vmem>>
    %dma_start3A_81 = arith.constant 0 : i32
    %dma_start3A_82 = arith.constant 0 : i32
    %dma_start3A_83 = tpu.memref_slice %arg2[%dma_start3A_81, %dma_start3A_82] : memref<2048x10000xf32, #tpu.memory_space<hbm>> -> memref<2048x10000xf32, #tpu.memory_space<hbm>>
    tpu.enqueue_indirect_dma source(%dma_start3A_83 : memref<2048x10000xf32, #tpu.memory_space<hbm>>) target(%arg8 : memref<4x10000xf32, #tpu.memory_space<vmem>>) offsets(%dma_start3A_80 : memref<4xi32, #tpu.memory_space<vmem>>) semaphore(%arg10 : memref<!tpu.dma_semaphore, #tpu.memory_space<semaphore_mem>>)
    %get3A_84 = arith.constant 4 : i32
    %get3A_85 = arith.index_cast %get3A_84 : i32 to index
    %get3A_86 = arith.constant 0 : index
    %get3A_87 = tpu.vector_load %arg7[%get3A_85, %get3A_86] {strides = array<i32>} : memref<16x16xf32, #tpu.memory_space<vmem>>, vector<1x16xf32>,
    %get3A_88 = vector.shape_cast %get3A_87 : vector<1x16xf32> to vector<16xf32>
    %scan3A_89 = arith.constant 0 : i32
    %scan3A_90 = arith.constant 0 : i32
    %scan3A_91 = arith.constant 125 : i32
    %scan3A_92 = arith.addi %scan3A_90, %scan3A_91 : i32
    %scan3A_93 = arith.constant 1 : i32
    %scan3A_94 = scf.for %scan3A_255 = %scan3A_90 to %scan3A_92 step %scan3A_93 iter_args(%scan3A_256 = %scan3A_89) -> (i32)  : i32 {
      %mul3A_257 = arith.constant 80 : i32
      %mul3A_258 = arith.muli %scan3A_255, %mul3A_257 : i32
      %add3A_259 = arith.constant 0 : i32
      %add3A_260 = arith.addi %mul3A_258, %add3A_259 : i32
      %get3A_261 = arith.constant 0 : i32
      %get3A_262 = arith.index_cast %get3A_261 : i32 to index
      %get3A_263 = arith.index_cast %add3A_260 : i32 to index
      %get3A_264 = tpu.vector_load %arg9[%get3A_262, %get3A_263] {strides = array<i32>} : memref<4x10000xf32, #tpu.memory_space<vmem>>, vector<1x16xf32>,
      %get3A_265 = vector.shape_cast %get3A_264 : vector<1x16xf32> to vector<16xf32>
      %sub3A = arith.subf %get3A_265, %get3A_88 : vector<16xf32>
      %swap3A = arith.constant 0 : i32
      %swap3A_266 = arith.index_cast %swap3A : i32 to index
      %swap3A_267 = arith.index_cast %add3A_260 : i32 to index
      %swap3A_268 = tpu.vector_load %arg9[%swap3A_266, %swap3A_267] {strides = array<i32>} : memref<4x10000xf32, #tpu.memory_space<vmem>>, vector<1x16xf32>,
      %swap3A_269 = vector.shape_cast %swap3A_268 : vector<1x16xf32> to vector<16xf32>
      %swap3A_270 = vector.shape_cast %sub3A : vector<16xf32> to vector<1x16xf32>
      tpu.vector_store %arg9[%swap3A_266, %swap3A_267], %swap3A_270 {strides = array<i32>} : memref<4x10000xf32, #tpu.memory_space<vmem>>, vector<1x16xf32>,
      %mul3A_271 = arith.constant 80 : i32
      %mul3A_272 = arith.muli %scan3A_255, %mul3A_271 : i32
      %add3A_273 = arith.constant 16 : i32
      %add3A_274 = arith.addi %mul3A_272, %add3A_273 : i32
      %get3A_275 = arith.constant 0 : i32
      %get3A_276 = arith.index_cast %get3A_275 : i32 to index
      %get3A_277 = arith.index_cast %add3A_274 : i32 to index
      %get3A_278 = tpu.vector_load %arg9[%get3A_276, %get3A_277] {strides = array<i32>} : memref<4x10000xf32, #tpu.memory_space<vmem>>, vector<1x16xf32>,
      %get3A_279 = vector.shape_cast %get3A_278 : vector<1x16xf32> to vector<16xf32>
      %sub3A_280 = arith.subf %get3A_279, %get3A_88 : vector<16xf32>
      %swap3A_281 = arith.constant 0 : i32
      %swap3A_282 = arith.index_cast %swap3A_281 : i32 to index
      %swap3A_283 = arith.index_cast %add3A_274 : i32 to index
      %swap3A_284 = tpu.vector_load %arg9[%swap3A_282, %swap3A_283] {strides = array<i32>} : memref<4x10000xf32, #tpu.memory_space<vmem>>, vector<1x16xf32>,
      %swap3A_285 = vector.shape_cast %swap3A_284 : vector<1x16xf32> to vector<16xf32>
      %swap3A_286 = vector.shape_cast %sub3A_280 : vector<16xf32> to vector<1x16xf32>
      tpu.vector_store %arg9[%swap3A_282, %swap3A_283], %swap3A_286 {strides = array<i32>} : memref<4x10000xf32, #tpu.memory_space<vmem>>, vector<1x16xf32>,
      %mul3A_287 = arith.constant 80 : i32
      %mul3A_288 = arith.muli %scan3A_255, %mul3A_287 : i32
      %add3A_289 = arith.constant 32 : i32
      %add3A_290 = arith.addi %mul3A_288, %add3A_289 : i32
      %get3A_291 = arith.constant 0 : i32
      %get3A_292 = arith.index_cast %get3A_291 : i32 to index
      %get3A_293 = arith.index_cast %add3A_290 : i32 to index
      %get3A_294 = tpu.vector_load %arg9[%get3A_292, %get3A_293] {strides = array<i32>} : memref<4x10000xf32, #tpu.memory_space<vmem>>, vector<1x16xf32>,
      %get3A_295 = vector.shape_cast %get3A_294 : vector<1x16xf32> to vector<16xf32>
      %sub3A_296 = arith.subf %get3A_295, %get3A_88 : vector<16xf32>
      %swap3A_297 = arith.constant 0 : i32
      %swap3A_298 = arith.index_cast %swap3A_297 : i32 to index
      %swap3A_299 = arith.index_cast %add3A_290 : i32 to index
      %swap3A_300 = tpu.vector_load %arg9[%swap3A_298, %swap3A_299] {strides = array<i32>} : memref<4x10000xf32, #tpu.memory_space<vmem>>, vector<1x16xf32>,
      %swap3A_301 = vector.shape_cast %swap3A_300 : vector<1x16xf32> to vector<16xf32>
      %swap3A_302 = vector.shape_cast %sub3A_296 : vector<16xf32> to vector<1x16xf32>
      tpu.vector_store %arg9[%swap3A_298, %swap3A_299], %swap3A_302 {strides = array<i32>} : memref<4x10000xf32, #tpu.memory_space<vmem>>, vector<1x16xf32>,
      %mul3A_303 = arith.constant 80 : i32
      %mul3A_304 = arith.muli %scan3A_255, %mul3A_303 : i32
      %add3A_305 = arith.constant 48 : i32
      %add3A_306 = arith.addi %mul3A_304, %add3A_305 : i32
      %get3A_307 = arith.constant 0 : i32
      %get3A_308 = arith.index_cast %get3A_307 : i32 to index
      %get3A_309 = arith.index_cast %add3A_306 : i32 to index
      %get3A_310 = tpu.vector_load %arg9[%get3A_308, %get3A_309] {strides = array<i32>} : memref<4x10000xf32, #tpu.memory_space<vmem>>, vector<1x16xf32>,
      %get3A_311 = vector.shape_cast %get3A_310 : vector<1x16xf32> to vector<16xf32>
      %sub3A_312 = arith.subf %get3A_311, %get3A_88 : vector<16xf32>
      %swap3A_313 = arith.constant 0 : i32
      %swap3A_314 = arith.index_cast %swap3A_313 : i32 to index
      %swap3A_315 = arith.index_cast %add3A_306 : i32 to index
      %swap3A_316 = tpu.vector_load %arg9[%swap3A_314, %swap3A_315] {strides = array<i32>} : memref<4x10000xf32, #tpu.memory_space<vmem>>, vector<1x16xf32>,
      %swap3A_317 = vector.shape_cast %swap3A_316 : vector<1x16xf32> to vector<16xf32>
      %swap3A_318 = vector.shape_cast %sub3A_312 : vector<16xf32> to vector<1x16xf32>
      tpu.vector_store %arg9[%swap3A_314, %swap3A_315], %swap3A_318 {strides = array<i32>} : memref<4x10000xf32, #tpu.memory_space<vmem>>, vector<1x16xf32>,
      %mul3A_319 = arith.constant 80 : i32
      %mul3A_320 = arith.muli %scan3A_255, %mul3A_319 : i32
      %add3A_321 = arith.constant 64 : i32
      %add3A_322 = arith.addi %mul3A_320, %add3A_321 : i32
      %get3A_323 = arith.constant 0 : i32
      %get3A_324 = arith.index_cast %get3A_323 : i32 to index
      %get3A_325 = arith.index_cast %add3A_322 : i32 to index
      %get3A_326 = tpu.vector_load %arg9[%get3A_324, %get3A_325] {strides = array<i32>} : memref<4x10000xf32, #tpu.memory_space<vmem>>, vector<1x16xf32>,
      %get3A_327 = vector.shape_cast %get3A_326 : vector<1x16xf32> to vector<16xf32>
      %sub3A_328 = arith.subf %get3A_327, %get3A_88 : vector<16xf32>
      %swap3A_329 = arith.constant 0 : i32
      %swap3A_330 = arith.index_cast %swap3A_329 : i32 to index
      %swap3A_331 = arith.index_cast %add3A_322 : i32 to index
      %swap3A_332 = tpu.vector_load %arg9[%swap3A_330, %swap3A_331] {strides = array<i32>} : memref<4x10000xf32, #tpu.memory_space<vmem>>, vector<1x16xf32>,
      %swap3A_333 = vector.shape_cast %swap3A_332 : vector<1x16xf32> to vector<16xf32>
      %swap3A_334 = vector.shape_cast %sub3A_328 : vector<16xf32> to vector<1x16xf32>
      tpu.vector_store %arg9[%swap3A_330, %swap3A_331], %swap3A_334 {strides = array<i32>} : memref<4x10000xf32, #tpu.memory_space<vmem>>, vector<1x16xf32>,
      %scan3A_335 = arith.constant 0 : i32
      scf.yield %scan3A_335 : i32
    }
    %scan3A_95 = arith.constant 125 : i32
    %get3A_96 = arith.constant 5 : i32
    %get3A_97 = arith.index_cast %get3A_96 : i32 to index
    %get3A_98 = arith.constant 0 : index
    %get3A_99 = tpu.vector_load %arg7[%get3A_97, %get3A_98] {strides = array<i32>} : memref<16x16xf32, #tpu.memory_space<vmem>>, vector<1x16xf32>,
    %get3A_100 = vector.shape_cast %get3A_99 : vector<1x16xf32> to vector<16xf32>
    %scan3A_101 = arith.constant 0 : i32
    %scan3A_102 = arith.constant 0 : i32
    %scan3A_103 = arith.constant 125 : i32
    %scan3A_104 = arith.addi %scan3A_102, %scan3A_103 : i32
    %scan3A_105 = arith.constant 1 : i32
    %scan3A_106 = scf.for %scan3A_255 = %scan3A_102 to %scan3A_104 step %scan3A_105 iter_args(%scan3A_256 = %scan3A_101) -> (i32)  : i32 {
      %mul3A_257 = arith.constant 80 : i32
      %mul3A_258 = arith.muli %scan3A_255, %mul3A_257 : i32
      %add3A_259 = arith.constant 0 : i32
      %add3A_260 = arith.addi %mul3A_258, %add3A_259 : i32
      %get3A_261 = arith.constant 1 : i32
      %get3A_262 = arith.index_cast %get3A_261 : i32 to index
      %get3A_263 = arith.index_cast %add3A_260 : i32 to index
      %get3A_264 = tpu.vector_load %arg9[%get3A_262, %get3A_263] {strides = array<i32>} : memref<4x10000xf32, #tpu.memory_space<vmem>>, vector<1x16xf32>,
      %get3A_265 = vector.shape_cast %get3A_264 : vector<1x16xf32> to vector<16xf32>
      %sub3A = arith.subf %get3A_265, %get3A_100 : vector<16xf32>
      %swap3A = arith.constant 1 : i32
      %swap3A_266 = arith.index_cast %swap3A : i32 to index
      %swap3A_267 = arith.index_cast %add3A_260 : i32 to index
      %swap3A_268 = tpu.vector_load %arg9[%swap3A_266, %swap3A_267] {strides = array<i32>} : memref<4x10000xf32, #tpu.memory_space<vmem>>, vector<1x16xf32>,
      %swap3A_269 = vector.shape_cast %swap3A_268 : vector<1x16xf32> to vector<16xf32>
      %swap3A_270 = vector.shape_cast %sub3A : vector<16xf32> to vector<1x16xf32>
      tpu.vector_store %arg9[%swap3A_266, %swap3A_267], %swap3A_270 {strides = array<i32>} : memref<4x10000xf32, #tpu.memory_space<vmem>>, vector<1x16xf32>,
      %mul3A_271 = arith.constant 80 : i32
      %mul3A_272 = arith.muli %scan3A_255, %mul3A_271 : i32
      %add3A_273 = arith.constant 16 : i32
      %add3A_274 = arith.addi %mul3A_272, %add3A_273 : i32
      %get3A_275 = arith.constant 1 : i32
      %get3A_276 = arith.index_cast %get3A_275 : i32 to index
      %get3A_277 = arith.index_cast %add3A_274 : i32 to index
      %get3A_278 = tpu.vector_load %arg9[%get3A_276, %get3A_277] {strides = array<i32>} : memref<4x10000xf32, #tpu.memory_space<vmem>>, vector<1x16xf32>,
      %get3A_279 = vector.shape_cast %get3A_278 : vector<1x16xf32> to vector<16xf32>
      %sub3A_280 = arith.subf %get3A_279, %get3A_100 : vector<16xf32>
      %swap3A_281 = arith.constant 1 : i32
      %swap3A_282 = arith.index_cast %swap3A_281 : i32 to index
      %swap3A_283 = arith.index_cast %add3A_274 : i32 to index
      %swap3A_284 = tpu.vector_load %arg9[%swap3A_282, %swap3A_283] {strides = array<i32>} : memref<4x10000xf32, #tpu.memory_space<vmem>>, vector<1x16xf32>,
      %swap3A_285 = vector.shape_cast %swap3A_284 : vector<1x16xf32> to vector<16xf32>
      %swap3A_286 = vector.shape_cast %sub3A_280 : vector<16xf32> to vector<1x16xf32>
      tpu.vector_store %arg9[%swap3A_282, %swap3A_283], %swap3A_286 {strides = array<i32>} : memref<4x10000xf32, #tpu.memory_space<vmem>>, vector<1x16xf32>,
      %mul3A_287 = arith.constant 80 : i32
      %mul3A_288 = arith.muli %scan3A_255, %mul3A_287 : i32
      %add3A_289 = arith.constant 32 : i32
      %add3A_290 = arith.addi %mul3A_288, %add3A_289 : i32
      %get3A_291 = arith.constant 1 : i32
      %get3A_292 = arith.index_cast %get3A_291 : i32 to index
      %get3A_293 = arith.index_cast %add3A_290 : i32 to index
      %get3A_294 = tpu.vector_load %arg9[%get3A_292, %get3A_293] {strides = array<i32>} : memref<4x10000xf32, #tpu.memory_space<vmem>>, vector<1x16xf32>,
      %get3A_295 = vector.shape_cast %get3A_294 : vector<1x16xf32> to vector<16xf32>
      %sub3A_296 = arith.subf %get3A_295, %get3A_100 : vector<16xf32>
      %swap3A_297 = arith.constant 1 : i32
      %swap3A_298 = arith.index_cast %swap3A_297 : i32 to index
      %swap3A_299 = arith.index_cast %add3A_290 : i32 to index
      %swap3A_300 = tpu.vector_load %arg9[%swap3A_298, %swap3A_299] {strides = array<i32>} : memref<4x10000xf32, #tpu.memory_space<vmem>>, vector<1x16xf32>,
      %swap3A_301 = vector.shape_cast %swap3A_300 : vector<1x16xf32> to vector<16xf32>
      %swap3A_302 = vector.shape_cast %sub3A_296 : vector<16xf32> to vector<1x16xf32>
      tpu.vector_store %arg9[%swap3A_298, %swap3A_299], %swap3A_302 {strides = array<i32>} : memref<4x10000xf32, #tpu.memory_space<vmem>>, vector<1x16xf32>,
      %mul3A_303 = arith.constant 80 : i32
      %mul3A_304 = arith.muli %scan3A_255, %mul3A_303 : i32
      %add3A_305 = arith.constant 48 : i32
      %add3A_306 = arith.addi %mul3A_304, %add3A_305 : i32
      %get3A_307 = arith.constant 1 : i32
      %get3A_308 = arith.index_cast %get3A_307 : i32 to index
      %get3A_309 = arith.index_cast %add3A_306 : i32 to index
      %get3A_310 = tpu.vector_load %arg9[%get3A_308, %get3A_309] {strides = array<i32>} : memref<4x10000xf32, #tpu.memory_space<vmem>>, vector<1x16xf32>,
      %get3A_311 = vector.shape_cast %get3A_310 : vector<1x16xf32> to vector<16xf32>
      %sub3A_312 = arith.subf %get3A_311, %get3A_100 : vector<16xf32>
      %swap3A_313 = arith.constant 1 : i32
      %swap3A_314 = arith.index_cast %swap3A_313 : i32 to index
      %swap3A_315 = arith.index_cast %add3A_306 : i32 to index
      %swap3A_316 = tpu.vector_load %arg9[%swap3A_314, %swap3A_315] {strides = array<i32>} : memref<4x10000xf32, #tpu.memory_space<vmem>>, vector<1x16xf32>,
      %swap3A_317 = vector.shape_cast %swap3A_316 : vector<1x16xf32> to vector<16xf32>
      %swap3A_318 = vector.shape_cast %sub3A_312 : vector<16xf32> to vector<1x16xf32>
      tpu.vector_store %arg9[%swap3A_314, %swap3A_315], %swap3A_318 {strides = array<i32>} : memref<4x10000xf32, #tpu.memory_space<vmem>>, vector<1x16xf32>,
      %mul3A_319 = arith.constant 80 : i32
      %mul3A_320 = arith.muli %scan3A_255, %mul3A_319 : i32
      %add3A_321 = arith.constant 64 : i32
      %add3A_322 = arith.addi %mul3A_320, %add3A_321 : i32
      %get3A_323 = arith.constant 1 : i32
      %get3A_324 = arith.index_cast %get3A_323 : i32 to index
      %get3A_325 = arith.index_cast %add3A_322 : i32 to index
      %get3A_326 = tpu.vector_load %arg9[%get3A_324, %get3A_325] {strides = array<i32>} : memref<4x10000xf32, #tpu.memory_space<vmem>>, vector<1x16xf32>,
      %get3A_327 = vector.shape_cast %get3A_326 : vector<1x16xf32> to vector<16xf32>
      %sub3A_328 = arith.subf %get3A_327, %get3A_100 : vector<16xf32>
      %swap3A_329 = arith.constant 1 : i32
      %swap3A_330 = arith.index_cast %swap3A_329 : i32 to index
      %swap3A_331 = arith.index_cast %add3A_322 : i32 to index
      %swap3A_332 = tpu.vector_load %arg9[%swap3A_330, %swap3A_331] {strides = array<i32>} : memref<4x10000xf32, #tpu.memory_space<vmem>>, vector<1x16xf32>,
      %swap3A_333 = vector.shape_cast %swap3A_332 : vector<1x16xf32> to vector<16xf32>
      %swap3A_334 = vector.shape_cast %sub3A_328 : vector<16xf32> to vector<1x16xf32>
      tpu.vector_store %arg9[%swap3A_330, %swap3A_331], %swap3A_334 {strides = array<i32>} : memref<4x10000xf32, #tpu.memory_space<vmem>>, vector<1x16xf32>,
      %scan3A_335 = arith.constant 0 : i32
      scf.yield %scan3A_335 : i32
    }
    %scan3A_107 = arith.constant 125 : i32
    %get3A_108 = arith.constant 6 : i32
    %get3A_109 = arith.index_cast %get3A_108 : i32 to index
    %get3A_110 = arith.constant 0 : index
    %get3A_111 = tpu.vector_load %arg7[%get3A_109, %get3A_110] {strides = array<i32>} : memref<16x16xf32, #tpu.memory_space<vmem>>, vector<1x16xf32>,
    %get3A_112 = vector.shape_cast %get3A_111 : vector<1x16xf32> to vector<16xf32>
    %scan3A_113 = arith.constant 0 : i32
    %scan3A_114 = arith.constant 0 : i32
    %scan3A_115 = arith.constant 125 : i32
    %scan3A_116 = arith.addi %scan3A_114, %scan3A_115 : i32
    %scan3A_117 = arith.constant 1 : i32
    %scan3A_118 = scf.for %scan3A_255 = %scan3A_114 to %scan3A_116 step %scan3A_117 iter_args(%scan3A_256 = %scan3A_113) -> (i32)  : i32 {
      %mul3A_257 = arith.constant 80 : i32
      %mul3A_258 = arith.muli %scan3A_255, %mul3A_257 : i32
      %add3A_259 = arith.constant 0 : i32
      %add3A_260 = arith.addi %mul3A_258, %add3A_259 : i32
      %get3A_261 = arith.constant 2 : i32
      %get3A_262 = arith.index_cast %get3A_261 : i32 to index
      %get3A_263 = arith.index_cast %add3A_260 : i32 to index
      %get3A_264 = tpu.vector_load %arg9[%get3A_262, %get3A_263] {strides = array<i32>} : memref<4x10000xf32, #tpu.memory_space<vmem>>, vector<1x16xf32>,
      %get3A_265 = vector.shape_cast %get3A_264 : vector<1x16xf32> to vector<16xf32>
      %sub3A = arith.subf %get3A_265, %get3A_112 : vector<16xf32>
      %swap3A = arith.constant 2 : i32
      %swap3A_266 = arith.index_cast %swap3A : i32 to index
      %swap3A_267 = arith.index_cast %add3A_260 : i32 to index
      %swap3A_268 = tpu.vector_load %arg9[%swap3A_266, %swap3A_267] {strides = array<i32>} : memref<4x10000xf32, #tpu.memory_space<vmem>>, vector<1x16xf32>,
      %swap3A_269 = vector.shape_cast %swap3A_268 : vector<1x16xf32> to vector<16xf32>
      %swap3A_270 = vector.shape_cast %sub3A : vector<16xf32> to vector<1x16xf32>
      tpu.vector_store %arg9[%swap3A_266, %swap3A_267], %swap3A_270 {strides = array<i32>} : memref<4x10000xf32, #tpu.memory_space<vmem>>, vector<1x16xf32>,
      %mul3A_271 = arith.constant 80 : i32
      %mul3A_272 = arith.muli %scan3A_255, %mul3A_271 : i32
      %add3A_273 = arith.constant 16 : i32
      %add3A_274 = arith.addi %mul3A_272, %add3A_273 : i32
      %get3A_275 = arith.constant 2 : i32
      %get3A_276 = arith.index_cast %get3A_275 : i32 to index
      %get3A_277 = arith.index_cast %add3A_274 : i32 to index
      %get3A_278 = tpu.vector_load %arg9[%get3A_276, %get3A_277] {strides = array<i32>} : memref<4x10000xf32, #tpu.memory_space<vmem>>, vector<1x16xf32>,
      %get3A_279 = vector.shape_cast %get3A_278 : vector<1x16xf32> to vector<16xf32>
      %sub3A_280 = arith.subf %get3A_279, %get3A_112 : vector<16xf32>
      %swap3A_281 = arith.constant 2 : i32
      %swap3A_282 = arith.index_cast %swap3A_281 : i32 to index
      %swap3A_283 = arith.index_cast %add3A_274 : i32 to index
      %swap3A_284 = tpu.vector_load %arg9[%swap3A_282, %swap3A_283] {strides = array<i32>} : memref<4x10000xf32, #tpu.memory_space<vmem>>, vector<1x16xf32>,
      %swap3A_285 = vector.shape_cast %swap3A_284 : vector<1x16xf32> to vector<16xf32>
      %swap3A_286 = vector.shape_cast %sub3A_280 : vector<16xf32> to vector<1x16xf32>
      tpu.vector_store %arg9[%swap3A_282, %swap3A_283], %swap3A_286 {strides = array<i32>} : memref<4x10000xf32, #tpu.memory_space<vmem>>, vector<1x16xf32>,
      %mul3A_287 = arith.constant 80 : i32
      %mul3A_288 = arith.muli %scan3A_255, %mul3A_287 : i32
      %add3A_289 = arith.constant 32 : i32
      %add3A_290 = arith.addi %mul3A_288, %add3A_289 : i32
      %get3A_291 = arith.constant 2 : i32
      %get3A_292 = arith.index_cast %get3A_291 : i32 to index
      %get3A_293 = arith.index_cast %add3A_290 : i32 to index
      %get3A_294 = tpu.vector_load %arg9[%get3A_292, %get3A_293] {strides = array<i32>} : memref<4x10000xf32, #tpu.memory_space<vmem>>, vector<1x16xf32>,
      %get3A_295 = vector.shape_cast %get3A_294 : vector<1x16xf32> to vector<16xf32>
      %sub3A_296 = arith.subf %get3A_295, %get3A_112 : vector<16xf32>
      %swap3A_297 = arith.constant 2 : i32
      %swap3A_298 = arith.index_cast %swap3A_297 : i32 to index
      %swap3A_299 = arith.index_cast %add3A_290 : i32 to index
      %swap3A_300 = tpu.vector_load %arg9[%swap3A_298, %swap3A_299] {strides = array<i32>} : memref<4x10000xf32, #tpu.memory_space<vmem>>, vector<1x16xf32>,
      %swap3A_301 = vector.shape_cast %swap3A_300 : vector<1x16xf32> to vector<16xf32>
      %swap3A_302 = vector.shape_cast %sub3A_296 : vector<16xf32> to vector<1x16xf32>
      tpu.vector_store %arg9[%swap3A_298, %swap3A_299], %swap3A_302 {strides = array<i32>} : memref<4x10000xf32, #tpu.memory_space<vmem>>, vector<1x16xf32>,
      %mul3A_303 = arith.constant 80 : i32
      %mul3A_304 = arith.muli %scan3A_255, %mul3A_303 : i32
      %add3A_305 = arith.constant 48 : i32
      %add3A_306 = arith.addi %mul3A_304, %add3A_305 : i32
      %get3A_307 = arith.constant 2 : i32
      %get3A_308 = arith.index_cast %get3A_307 : i32 to index
      %get3A_309 = arith.index_cast %add3A_306 : i32 to index
      %get3A_310 = tpu.vector_load %arg9[%get3A_308, %get3A_309] {strides = array<i32>} : memref<4x10000xf32, #tpu.memory_space<vmem>>, vector<1x16xf32>,
      %get3A_311 = vector.shape_cast %get3A_310 : vector<1x16xf32> to vector<16xf32>
      %sub3A_312 = arith.subf %get3A_311, %get3A_112 : vector<16xf32>
      %swap3A_313 = arith.constant 2 : i32
      %swap3A_314 = arith.index_cast %swap3A_313 : i32 to index
      %swap3A_315 = arith.index_cast %add3A_306 : i32 to index
      %swap3A_316 = tpu.vector_load %arg9[%swap3A_314, %swap3A_315] {strides = array<i32>} : memref<4x10000xf32, #tpu.memory_space<vmem>>, vector<1x16xf32>,
      %swap3A_317 = vector.shape_cast %swap3A_316 : vector<1x16xf32> to vector<16xf32>
      %swap3A_318 = vector.shape_cast %sub3A_312 : vector<16xf32> to vector<1x16xf32>
      tpu.vector_store %arg9[%swap3A_314, %swap3A_315], %swap3A_318 {strides = array<i32>} : memref<4x10000xf32, #tpu.memory_space<vmem>>, vector<1x16xf32>,
      %mul3A_319 = arith.constant 80 : i32
      %mul3A_320 = arith.muli %scan3A_255, %mul3A_319 : i32
      %add3A_321 = arith.constant 64 : i32
      %add3A_322 = arith.addi %mul3A_320, %add3A_321 : i32
      %get3A_323 = arith.constant 2 : i32
      %get3A_324 = arith.index_cast %get3A_323 : i32 to index
      %get3A_325 = arith.index_cast %add3A_322 : i32 to index
      %get3A_326 = tpu.vector_load %arg9[%get3A_324, %get3A_325] {strides = array<i32>} : memref<4x10000xf32, #tpu.memory_space<vmem>>, vector<1x16xf32>,
      %get3A_327 = vector.shape_cast %get3A_326 : vector<1x16xf32> to vector<16xf32>
      %sub3A_328 = arith.subf %get3A_327, %get3A_112 : vector<16xf32>
      %swap3A_329 = arith.constant 2 : i32
      %swap3A_330 = arith.index_cast %swap3A_329 : i32 to index
      %swap3A_331 = arith.index_cast %add3A_322 : i32 to index
      %swap3A_332 = tpu.vector_load %arg9[%swap3A_330, %swap3A_331] {strides = array<i32>} : memref<4x10000xf32, #tpu.memory_space<vmem>>, vector<1x16xf32>,
      %swap3A_333 = vector.shape_cast %swap3A_332 : vector<1x16xf32> to vector<16xf32>
      %swap3A_334 = vector.shape_cast %sub3A_328 : vector<16xf32> to vector<1x16xf32>
      tpu.vector_store %arg9[%swap3A_330, %swap3A_331], %swap3A_334 {strides = array<i32>} : memref<4x10000xf32, #tpu.memory_space<vmem>>, vector<1x16xf32>,
      %scan3A_335 = arith.constant 0 : i32
      scf.yield %scan3A_335 : i32
    }
    %scan3A_119 = arith.constant 125 : i32
    %get3A_120 = arith.constant 7 : i32
    %get3A_121 = arith.index_cast %get3A_120 : i32 to index
    %get3A_122 = arith.constant 0 : index
    %get3A_123 = tpu.vector_load %arg7[%get3A_121, %get3A_122] {strides = array<i32>} : memref<16x16xf32, #tpu.memory_space<vmem>>, vector<1x16xf32>,
    %get3A_124 = vector.shape_cast %get3A_123 : vector<1x16xf32> to vector<16xf32>
    %scan3A_125 = arith.constant 0 : i32
    %scan3A_126 = arith.constant 0 : i32
    %scan3A_127 = arith.constant 125 : i32
    %scan3A_128 = arith.addi %scan3A_126, %scan3A_127 : i32
    %scan3A_129 = arith.constant 1 : i32
    %scan3A_130 = scf.for %scan3A_255 = %scan3A_126 to %scan3A_128 step %scan3A_129 iter_args(%scan3A_256 = %scan3A_125) -> (i32)  : i32 {
      %mul3A_257 = arith.constant 80 : i32
      %mul3A_258 = arith.muli %scan3A_255, %mul3A_257 : i32
      %add3A_259 = arith.constant 0 : i32
      %add3A_260 = arith.addi %mul3A_258, %add3A_259 : i32
      %get3A_261 = arith.constant 3 : i32
      %get3A_262 = arith.index_cast %get3A_261 : i32 to index
      %get3A_263 = arith.index_cast %add3A_260 : i32 to index
      %get3A_264 = tpu.vector_load %arg9[%get3A_262, %get3A_263] {strides = array<i32>} : memref<4x10000xf32, #tpu.memory_space<vmem>>, vector<1x16xf32>,
      %get3A_265 = vector.shape_cast %get3A_264 : vector<1x16xf32> to vector<16xf32>
      %sub3A = arith.subf %get3A_265, %get3A_124 : vector<16xf32>
      %swap3A = arith.constant 3 : i32
      %swap3A_266 = arith.index_cast %swap3A : i32 to index
      %swap3A_267 = arith.index_cast %add3A_260 : i32 to index
      %swap3A_268 = tpu.vector_load %arg9[%swap3A_266, %swap3A_267] {strides = array<i32>} : memref<4x10000xf32, #tpu.memory_space<vmem>>, vector<1x16xf32>,
      %swap3A_269 = vector.shape_cast %swap3A_268 : vector<1x16xf32> to vector<16xf32>
      %swap3A_270 = vector.shape_cast %sub3A : vector<16xf32> to vector<1x16xf32>
      tpu.vector_store %arg9[%swap3A_266, %swap3A_267], %swap3A_270 {strides = array<i32>} : memref<4x10000xf32, #tpu.memory_space<vmem>>, vector<1x16xf32>,
      %mul3A_271 = arith.constant 80 : i32
      %mul3A_272 = arith.muli %scan3A_255, %mul3A_271 : i32
      %add3A_273 = arith.constant 16 : i32
      %add3A_274 = arith.addi %mul3A_272, %add3A_273 : i32
      %get3A_275 = arith.constant 3 : i32
      %get3A_276 = arith.index_cast %get3A_275 : i32 to index
      %get3A_277 = arith.index_cast %add3A_274 : i32 to index
      %get3A_278 = tpu.vector_load %arg9[%get3A_276, %get3A_277] {strides = array<i32>} : memref<4x10000xf32, #tpu.memory_space<vmem>>, vector<1x16xf32>,
      %get3A_279 = vector.shape_cast %get3A_278 : vector<1x16xf32> to vector<16xf32>
      %sub3A_280 = arith.subf %get3A_279, %get3A_124 : vector<16xf32>
      %swap3A_281 = arith.constant 3 : i32
      %swap3A_282 = arith.index_cast %swap3A_281 : i32 to index
      %swap3A_283 = arith.index_cast %add3A_274 : i32 to index
      %swap3A_284 = tpu.vector_load %arg9[%swap3A_282, %swap3A_283] {strides = array<i32>} : memref<4x10000xf32, #tpu.memory_space<vmem>>, vector<1x16xf32>,
      %swap3A_285 = vector.shape_cast %swap3A_284 : vector<1x16xf32> to vector<16xf32>
      %swap3A_286 = vector.shape_cast %sub3A_280 : vector<16xf32> to vector<1x16xf32>
      tpu.vector_store %arg9[%swap3A_282, %swap3A_283], %swap3A_286 {strides = array<i32>} : memref<4x10000xf32, #tpu.memory_space<vmem>>, vector<1x16xf32>,
      %mul3A_287 = arith.constant 80 : i32
      %mul3A_288 = arith.muli %scan3A_255, %mul3A_287 : i32
      %add3A_289 = arith.constant 32 : i32
      %add3A_290 = arith.addi %mul3A_288, %add3A_289 : i32
      %get3A_291 = arith.constant 3 : i32
      %get3A_292 = arith.index_cast %get3A_291 : i32 to index
      %get3A_293 = arith.index_cast %add3A_290 : i32 to index
      %get3A_294 = tpu.vector_load %arg9[%get3A_292, %get3A_293] {strides = array<i32>} : memref<4x10000xf32, #tpu.memory_space<vmem>>, vector<1x16xf32>,
      %get3A_295 = vector.shape_cast %get3A_294 : vector<1x16xf32> to vector<16xf32>
      %sub3A_296 = arith.subf %get3A_295, %get3A_124 : vector<16xf32>
      %swap3A_297 = arith.constant 3 : i32
      %swap3A_298 = arith.index_cast %swap3A_297 : i32 to index
      %swap3A_299 = arith.index_cast %add3A_290 : i32 to index
      %swap3A_300 = tpu.vector_load %arg9[%swap3A_298, %swap3A_299] {strides = array<i32>} : memref<4x10000xf32, #tpu.memory_space<vmem>>, vector<1x16xf32>,
      %swap3A_301 = vector.shape_cast %swap3A_300 : vector<1x16xf32> to vector<16xf32>
      %swap3A_302 = vector.shape_cast %sub3A_296 : vector<16xf32> to vector<1x16xf32>
      tpu.vector_store %arg9[%swap3A_298, %swap3A_299], %swap3A_302 {strides = array<i32>} : memref<4x10000xf32, #tpu.memory_space<vmem>>, vector<1x16xf32>,
      %mul3A_303 = arith.constant 80 : i32
      %mul3A_304 = arith.muli %scan3A_255, %mul3A_303 : i32
      %add3A_305 = arith.constant 48 : i32
      %add3A_306 = arith.addi %mul3A_304, %add3A_305 : i32
      %get3A_307 = arith.constant 3 : i32
      %get3A_308 = arith.index_cast %get3A_307 : i32 to index
      %get3A_309 = arith.index_cast %add3A_306 : i32 to index
      %get3A_310 = tpu.vector_load %arg9[%get3A_308, %get3A_309] {strides = array<i32>} : memref<4x10000xf32, #tpu.memory_space<vmem>>, vector<1x16xf32>,
      %get3A_311 = vector.shape_cast %get3A_310 : vector<1x16xf32> to vector<16xf32>
      %sub3A_312 = arith.subf %get3A_311, %get3A_124 : vector<16xf32>
      %swap3A_313 = arith.constant 3 : i32
      %swap3A_314 = arith.index_cast %swap3A_313 : i32 to index
      %swap3A_315 = arith.index_cast %add3A_306 : i32 to index
      %swap3A_316 = tpu.vector_load %arg9[%swap3A_314, %swap3A_315] {strides = array<i32>} : memref<4x10000xf32, #tpu.memory_space<vmem>>, vector<1x16xf32>,
      %swap3A_317 = vector.shape_cast %swap3A_316 : vector<1x16xf32> to vector<16xf32>
      %swap3A_318 = vector.shape_cast %sub3A_312 : vector<16xf32> to vector<1x16xf32>
      tpu.vector_store %arg9[%swap3A_314, %swap3A_315], %swap3A_318 {strides = array<i32>} : memref<4x10000xf32, #tpu.memory_space<vmem>>, vector<1x16xf32>,
      %mul3A_319 = arith.constant 80 : i32
      %mul3A_320 = arith.muli %scan3A_255, %mul3A_319 : i32
      %add3A_321 = arith.constant 64 : i32
      %add3A_322 = arith.addi %mul3A_320, %add3A_321 : i32
      %get3A_323 = arith.constant 3 : i32
      %get3A_324 = arith.index_cast %get3A_323 : i32 to index
      %get3A_325 = arith.index_cast %add3A_322 : i32 to index
      %get3A_326 = tpu.vector_load %arg9[%get3A_324, %get3A_325] {strides = array<i32>} : memref<4x10000xf32, #tpu.memory_space<vmem>>, vector<1x16xf32>,
      %get3A_327 = vector.shape_cast %get3A_326 : vector<1x16xf32> to vector<16xf32>
      %sub3A_328 = arith.subf %get3A_327, %get3A_124 : vector<16xf32>
      %swap3A_329 = arith.constant 3 : i32
      %swap3A_330 = arith.index_cast %swap3A_329 : i32 to index
      %swap3A_331 = arith.index_cast %add3A_322 : i32 to index
      %swap3A_332 = tpu.vector_load %arg9[%swap3A_330, %swap3A_331] {strides = array<i32>} : memref<4x10000xf32, #tpu.memory_space<vmem>>, vector<1x16xf32>,
      %swap3A_333 = vector.shape_cast %swap3A_332 : vector<1x16xf32> to vector<16xf32>
      %swap3A_334 = vector.shape_cast %sub3A_328 : vector<16xf32> to vector<1x16xf32>
      tpu.vector_store %arg9[%swap3A_330, %swap3A_331], %swap3A_334 {strides = array<i32>} : memref<4x10000xf32, #tpu.memory_space<vmem>>, vector<1x16xf32>,
      %scan3A_335 = arith.constant 0 : i32
      scf.yield %scan3A_335 : i32
    }
    %scan3A_131 = arith.constant 125 : i32
    %add3A_132 = arith.constant 4 : i32
    %add3A_133 = arith.addi %mul3A_2, %add3A_132 : i32
    "tpu.region"() ({
      %run_scoped3A = tpu.sem_alloc : memref<!tpu.dma_semaphore, #tpu.memory_space<semaphore_mem>>
      %dma_start3A_255 = arith.constant 0 : i32
      %dma_start3A_256 = tpu.memref_slice %arg5[%add3A_133, %dma_start3A_255] : memref<512x10000xf32, #tpu.memory_space<hbm>> -> memref<4x10000xf32, #tpu.memory_space<hbm>>
      %dma_start3A_257 = arith.constant 0 : i32
      %dma_start3A_258 = tpu.memref_slice %arg5[%add3A_133, %dma_start3A_257] : memref<512x10000xf32, #tpu.memory_space<hbm>> -> memref<4x10000xf32, #tpu.memory_space<hbm>>
      tpu.enqueue_dma source(%arg9 : memref<4x10000xf32, #tpu.memory_space<vmem>>) target(%dma_start3A_258 : memref<4x10000xf32, #tpu.memory_space<hbm>>) target_semaphore(%run_scoped3A : memref<!tpu.dma_semaphore, #tpu.memory_space<semaphore_mem>>)
      %dma_wait3A_259 = arith.constant 0 : i32
      %dma_wait3A_260 = tpu.memref_slice %arg5[%add3A_133, %dma_wait3A_259] : memref<512x10000xf32, #tpu.memory_space<hbm>> -> memref<4x10000xf32, #tpu.memory_space<hbm>>
      %dma_wait3A_261 = arith.constant 0 : i32
      %dma_wait3A_262 = tpu.memref_slice %arg5[%add3A_133, %dma_wait3A_261] : memref<512x10000xf32, #tpu.memory_space<hbm>> -> memref<4x10000xf32, #tpu.memory_space<hbm>>
      tpu.wait_dma2 semaphore(%run_scoped3A : memref<!tpu.dma_semaphore, #tpu.memory_space<semaphore_mem>>) src(%arg9 : memref<4x10000xf32, #tpu.memory_space<vmem>>) dst(%dma_wait3A_262 : memref<4x10000xf32, #tpu.memory_space<hbm>>)
      tpu.yield
    }) : () -> ()
    %dma_wait3A_134 = arith.constant 2 : i32
    %dma_wait3A_135 = arith.constant 0 : i32
    %dma_wait3A_136 = tpu.memref_slice %arg6[%dma_wait3A_134, %dma_wait3A_135] : memref<4x4xi32, #tpu.memory_space<vmem>> -> memref<1x4xi32, #tpu.memory_space<vmem>>
    %dma_wait3A_137 = tpu.memref_squeeze %dma_wait3A_136 : memref<1x4xi32, #tpu.memory_space<vmem>> -> memref<4xi32, #tpu.memory_space<vmem>>
    %dma_wait3A_138 = arith.constant 0 : i32
    %dma_wait3A_139 = arith.constant 0 : i32
    %dma_wait3A_140 = tpu.memref_slice %arg2[%dma_wait3A_138, %dma_wait3A_139] : memref<2048x10000xf32, #tpu.memory_space<hbm>> -> memref<2048x10000xf32, #tpu.memory_space<hbm>>
    tpu.wait_indirect_dma semaphore(%arg10 : memref<!tpu.dma_semaphore, #tpu.memory_space<semaphore_mem>>) src(%dma_wait3A_140 : memref<2048x10000xf32, #tpu.memory_space<hbm>>) dst(%arg8 : memref<4x10000xf32, #tpu.memory_space<vmem>>)
    %dma_start3A_141 = arith.constant 3 : i32
    %dma_start3A_142 = arith.constant 0 : i32
    %dma_start3A_143 = tpu.memref_slice %arg6[%dma_start3A_141, %dma_start3A_142] : memref<4x4xi32, #tpu.memory_space<vmem>> -> memref<1x4xi32, #tpu.memory_space<vmem>>
    %dma_start3A_144 = tpu.memref_squeeze %dma_start3A_143 : memref<1x4xi32, #tpu.memory_space<vmem>> -> memref<4xi32, #tpu.memory_space<vmem>>
    %dma_start3A_145 = arith.constant 0 : i32
    %dma_start3A_146 = arith.constant 0 : i32
    %dma_start3A_147 = tpu.memref_slice %arg2[%dma_start3A_145, %dma_start3A_146] : memref<2048x10000xf32, #tpu.memory_space<hbm>> -> memref<2048x10000xf32, #tpu.memory_space<hbm>>
    tpu.enqueue_indirect_dma source(%dma_start3A_147 : memref<2048x10000xf32, #tpu.memory_space<hbm>>) target(%arg9 : memref<4x10000xf32, #tpu.memory_space<vmem>>) offsets(%dma_start3A_144 : memref<4xi32, #tpu.memory_space<vmem>>) semaphore(%arg11 : memref<!tpu.dma_semaphore, #tpu.memory_space<semaphore_mem>>)
    %get3A_148 = arith.constant 8 : i32
    %get3A_149 = arith.index_cast %get3A_148 : i32 to index
    %get3A_150 = arith.constant 0 : index
    %get3A_151 = tpu.vector_load %arg7[%get3A_149, %get3A_150] {strides = array<i32>} : memref<16x16xf32, #tpu.memory_space<vmem>>, vector<1x16xf32>,
    %get3A_152 = vector.shape_cast %get3A_151 : vector<1x16xf32> to vector<16xf32>
    %scan3A_153 = arith.constant 0 : i32
    %scan3A_154 = arith.constant 0 : i32
    %scan3A_155 = arith.constant 125 : i32
    %scan3A_156 = arith.addi %scan3A_154, %scan3A_155 : i32
    %scan3A_157 = arith.constant 1 : i32
    %scan3A_158 = scf.for %scan3A_255 = %scan3A_154 to %scan3A_156 step %scan3A_157 iter_args(%scan3A_256 = %scan3A_153) -> (i32)  : i32 {
      %mul3A_257 = arith.constant 80 : i32
      %mul3A_258 = arith.muli %scan3A_255, %mul3A_257 : i32
      %add3A_259 = arith.constant 0 : i32
      %add3A_260 = arith.addi %mul3A_258, %add3A_259 : i32
      %get3A_261 = arith.constant 0 : i32
      %get3A_262 = arith.index_cast %get3A_261 : i32 to index
      %get3A_263 = arith.index_cast %add3A_260 : i32 to index
      %get3A_264 = tpu.vector_load %arg8[%get3A_262, %get3A_263] {strides = array<i32>} : memref<4x10000xf32, #tpu.memory_space<vmem>>, vector<1x16xf32>,
      %get3A_265 = vector.shape_cast %get3A_264 : vector<1x16xf32> to vector<16xf32>
      %sub3A = arith.subf %get3A_265, %get3A_152 : vector<16xf32>
      %swap3A = arith.constant 0 : i32
      %swap3A_266 = arith.index_cast %swap3A : i32 to index
      %swap3A_267 = arith.index_cast %add3A_260 : i32 to index
      %swap3A_268 = tpu.vector_load %arg8[%swap3A_266, %swap3A_267] {strides = array<i32>} : memref<4x10000xf32, #tpu.memory_space<vmem>>, vector<1x16xf32>,
      %swap3A_269 = vector.shape_cast %swap3A_268 : vector<1x16xf32> to vector<16xf32>
      %swap3A_270 = vector.shape_cast %sub3A : vector<16xf32> to vector<1x16xf32>
      tpu.vector_store %arg8[%swap3A_266, %swap3A_267], %swap3A_270 {strides = array<i32>} : memref<4x10000xf32, #tpu.memory_space<vmem>>, vector<1x16xf32>,
      %mul3A_271 = arith.constant 80 : i32
      %mul3A_272 = arith.muli %scan3A_255, %mul3A_271 : i32
      %add3A_273 = arith.constant 16 : i32
      %add3A_274 = arith.addi %mul3A_272, %add3A_273 : i32
      %get3A_275 = arith.constant 0 : i32
      %get3A_276 = arith.index_cast %get3A_275 : i32 to index
      %get3A_277 = arith.index_cast %add3A_274 : i32 to index
      %get3A_278 = tpu.vector_load %arg8[%get3A_276, %get3A_277] {strides = array<i32>} : memref<4x10000xf32, #tpu.memory_space<vmem>>, vector<1x16xf32>,
      %get3A_279 = vector.shape_cast %get3A_278 : vector<1x16xf32> to vector<16xf32>
      %sub3A_280 = arith.subf %get3A_279, %get3A_152 : vector<16xf32>
      %swap3A_281 = arith.constant 0 : i32
      %swap3A_282 = arith.index_cast %swap3A_281 : i32 to index
      %swap3A_283 = arith.index_cast %add3A_274 : i32 to index
      %swap3A_284 = tpu.vector_load %arg8[%swap3A_282, %swap3A_283] {strides = array<i32>} : memref<4x10000xf32, #tpu.memory_space<vmem>>, vector<1x16xf32>,
      %swap3A_285 = vector.shape_cast %swap3A_284 : vector<1x16xf32> to vector<16xf32>
      %swap3A_286 = vector.shape_cast %sub3A_280 : vector<16xf32> to vector<1x16xf32>
      tpu.vector_store %arg8[%swap3A_282, %swap3A_283], %swap3A_286 {strides = array<i32>} : memref<4x10000xf32, #tpu.memory_space<vmem>>, vector<1x16xf32>,
      %mul3A_287 = arith.constant 80 : i32
      %mul3A_288 = arith.muli %scan3A_255, %mul3A_287 : i32
      %add3A_289 = arith.constant 32 : i32
      %add3A_290 = arith.addi %mul3A_288, %add3A_289 : i32
      %get3A_291 = arith.constant 0 : i32
      %get3A_292 = arith.index_cast %get3A_291 : i32 to index
      %get3A_293 = arith.index_cast %add3A_290 : i32 to index
      %get3A_294 = tpu.vector_load %arg8[%get3A_292, %get3A_293] {strides = array<i32>} : memref<4x10000xf32, #tpu.memory_space<vmem>>, vector<1x16xf32>,
      %get3A_295 = vector.shape_cast %get3A_294 : vector<1x16xf32> to vector<16xf32>
      %sub3A_296 = arith.subf %get3A_295, %get3A_152 : vector<16xf32>
      %swap3A_297 = arith.constant 0 : i32
      %swap3A_298 = arith.index_cast %swap3A_297 : i32 to index
      %swap3A_299 = arith.index_cast %add3A_290 : i32 to index
      %swap3A_300 = tpu.vector_load %arg8[%swap3A_298, %swap3A_299] {strides = array<i32>} : memref<4x10000xf32, #tpu.memory_space<vmem>>, vector<1x16xf32>,
      %swap3A_301 = vector.shape_cast %swap3A_300 : vector<1x16xf32> to vector<16xf32>
      %swap3A_302 = vector.shape_cast %sub3A_296 : vector<16xf32> to vector<1x16xf32>
      tpu.vector_store %arg8[%swap3A_298, %swap3A_299], %swap3A_302 {strides = array<i32>} : memref<4x10000xf32, #tpu.memory_space<vmem>>, vector<1x16xf32>,
      %mul3A_303 = arith.constant 80 : i32
      %mul3A_304 = arith.muli %scan3A_255, %mul3A_303 : i32
      %add3A_305 = arith.constant 48 : i32
      %add3A_306 = arith.addi %mul3A_304, %add3A_305 : i32
      %get3A_307 = arith.constant 0 : i32
      %get3A_308 = arith.index_cast %get3A_307 : i32 to index
      %get3A_309 = arith.index_cast %add3A_306 : i32 to index
      %get3A_310 = tpu.vector_load %arg8[%get3A_308, %get3A_309] {strides = array<i32>} : memref<4x10000xf32, #tpu.memory_space<vmem>>, vector<1x16xf32>,
      %get3A_311 = vector.shape_cast %get3A_310 : vector<1x16xf32> to vector<16xf32>
      %sub3A_312 = arith.subf %get3A_311, %get3A_152 : vector<16xf32>
      %swap3A_313 = arith.constant 0 : i32
      %swap3A_314 = arith.index_cast %swap3A_313 : i32 to index
      %swap3A_315 = arith.index_cast %add3A_306 : i32 to index
      %swap3A_316 = tpu.vector_load %arg8[%swap3A_314, %swap3A_315] {strides = array<i32>} : memref<4x10000xf32, #tpu.memory_space<vmem>>, vector<1x16xf32>,
      %swap3A_317 = vector.shape_cast %swap3A_316 : vector<1x16xf32> to vector<16xf32>
      %swap3A_318 = vector.shape_cast %sub3A_312 : vector<16xf32> to vector<1x16xf32>
      tpu.vector_store %arg8[%swap3A_314, %swap3A_315], %swap3A_318 {strides = array<i32>} : memref<4x10000xf32, #tpu.memory_space<vmem>>, vector<1x16xf32>,
      %mul3A_319 = arith.constant 80 : i32
      %mul3A_320 = arith.muli %scan3A_255, %mul3A_319 : i32
      %add3A_321 = arith.constant 64 : i32
      %add3A_322 = arith.addi %mul3A_320, %add3A_321 : i32
      %get3A_323 = arith.constant 0 : i32
      %get3A_324 = arith.index_cast %get3A_323 : i32 to index
      %get3A_325 = arith.index_cast %add3A_322 : i32 to index
      %get3A_326 = tpu.vector_load %arg8[%get3A_324, %get3A_325] {strides = array<i32>} : memref<4x10000xf32, #tpu.memory_space<vmem>>, vector<1x16xf32>,
      %get3A_327 = vector.shape_cast %get3A_326 : vector<1x16xf32> to vector<16xf32>
      %sub3A_328 = arith.subf %get3A_327, %get3A_152 : vector<16xf32>
      %swap3A_329 = arith.constant 0 : i32
      %swap3A_330 = arith.index_cast %swap3A_329 : i32 to index
      %swap3A_331 = arith.index_cast %add3A_322 : i32 to index
      %swap3A_332 = tpu.vector_load %arg8[%swap3A_330, %swap3A_331] {strides = array<i32>} : memref<4x10000xf32, #tpu.memory_space<vmem>>, vector<1x16xf32>,
      %swap3A_333 = vector.shape_cast %swap3A_332 : vector<1x16xf32> to vector<16xf32>
      %swap3A_334 = vector.shape_cast %sub3A_328 : vector<16xf32> to vector<1x16xf32>
      tpu.vector_store %arg8[%swap3A_330, %swap3A_331], %swap3A_334 {strides = array<i32>} : memref<4x10000xf32, #tpu.memory_space<vmem>>, vector<1x16xf32>,
      %scan3A_335 = arith.constant 0 : i32
      scf.yield %scan3A_335 : i32
    }
    %scan3A_159 = arith.constant 125 : i32
    %get3A_160 = arith.constant 9 : i32
    %get3A_161 = arith.index_cast %get3A_160 : i32 to index
    %get3A_162 = arith.constant 0 : index
    %get3A_163 = tpu.vector_load %arg7[%get3A_161, %get3A_162] {strides = array<i32>} : memref<16x16xf32, #tpu.memory_space<vmem>>, vector<1x16xf32>,
    %get3A_164 = vector.shape_cast %get3A_163 : vector<1x16xf32> to vector<16xf32>
    %scan3A_165 = arith.constant 0 : i32
    %scan3A_166 = arith.constant 0 : i32
    %scan3A_167 = arith.constant 125 : i32
    %scan3A_168 = arith.addi %scan3A_166, %scan3A_167 : i32
    %scan3A_169 = arith.constant 1 : i32
    %scan3A_170 = scf.for %scan3A_255 = %scan3A_166 to %scan3A_168 step %scan3A_169 iter_args(%scan3A_256 = %scan3A_165) -> (i32)  : i32 {
      %mul3A_257 = arith.constant 80 : i32
      %mul3A_258 = arith.muli %scan3A_255, %mul3A_257 : i32
      %add3A_259 = arith.constant 0 : i32
      %add3A_260 = arith.addi %mul3A_258, %add3A_259 : i32
      %get3A_261 = arith.constant 1 : i32
      %get3A_262 = arith.index_cast %get3A_261 : i32 to index
      %get3A_263 = arith.index_cast %add3A_260 : i32 to index
      %get3A_264 = tpu.vector_load %arg8[%get3A_262, %get3A_263] {strides = array<i32>} : memref<4x10000xf32, #tpu.memory_space<vmem>>, vector<1x16xf32>,
      %get3A_265 = vector.shape_cast %get3A_264 : vector<1x16xf32> to vector<16xf32>
      %sub3A = arith.subf %get3A_265, %get3A_164 : vector<16xf32>
      %swap3A = arith.constant 1 : i32
      %swap3A_266 = arith.index_cast %swap3A : i32 to index
      %swap3A_267 = arith.index_cast %add3A_260 : i32 to index
      %swap3A_268 = tpu.vector_load %arg8[%swap3A_266, %swap3A_267] {strides = array<i32>} : memref<4x10000xf32, #tpu.memory_space<vmem>>, vector<1x16xf32>,
      %swap3A_269 = vector.shape_cast %swap3A_268 : vector<1x16xf32> to vector<16xf32>
      %swap3A_270 = vector.shape_cast %sub3A : vector<16xf32> to vector<1x16xf32>
      tpu.vector_store %arg8[%swap3A_266, %swap3A_267], %swap3A_270 {strides = array<i32>} : memref<4x10000xf32, #tpu.memory_space<vmem>>, vector<1x16xf32>,
      %mul3A_271 = arith.constant 80 : i32
      %mul3A_272 = arith.muli %scan3A_255, %mul3A_271 : i32
      %add3A_273 = arith.constant 16 : i32
      %add3A_274 = arith.addi %mul3A_272, %add3A_273 : i32
      %get3A_275 = arith.constant 1 : i32
      %get3A_276 = arith.index_cast %get3A_275 : i32 to index
      %get3A_277 = arith.index_cast %add3A_274 : i32 to index
      %get3A_278 = tpu.vector_load %arg8[%get3A_276, %get3A_277] {strides = array<i32>} : memref<4x10000xf32, #tpu.memory_space<vmem>>, vector<1x16xf32>,
      %get3A_279 = vector.shape_cast %get3A_278 : vector<1x16xf32> to vector<16xf32>
      %sub3A_280 = arith.subf %get3A_279, %get3A_164 : vector<16xf32>
      %swap3A_281 = arith.constant 1 : i32
      %swap3A_282 = arith.index_cast %swap3A_281 : i32 to index
      %swap3A_283 = arith.index_cast %add3A_274 : i32 to index
      %swap3A_284 = tpu.vector_load %arg8[%swap3A_282, %swap3A_283] {strides = array<i32>} : memref<4x10000xf32, #tpu.memory_space<vmem>>, vector<1x16xf32>,
      %swap3A_285 = vector.shape_cast %swap3A_284 : vector<1x16xf32> to vector<16xf32>
      %swap3A_286 = vector.shape_cast %sub3A_280 : vector<16xf32> to vector<1x16xf32>
      tpu.vector_store %arg8[%swap3A_282, %swap3A_283], %swap3A_286 {strides = array<i32>} : memref<4x10000xf32, #tpu.memory_space<vmem>>, vector<1x16xf32>,
      %mul3A_287 = arith.constant 80 : i32
      %mul3A_288 = arith.muli %scan3A_255, %mul3A_287 : i32
      %add3A_289 = arith.constant 32 : i32
      %add3A_290 = arith.addi %mul3A_288, %add3A_289 : i32
      %get3A_291 = arith.constant 1 : i32
      %get3A_292 = arith.index_cast %get3A_291 : i32 to index
      %get3A_293 = arith.index_cast %add3A_290 : i32 to index
      %get3A_294 = tpu.vector_load %arg8[%get3A_292, %get3A_293] {strides = array<i32>} : memref<4x10000xf32, #tpu.memory_space<vmem>>, vector<1x16xf32>,
      %get3A_295 = vector.shape_cast %get3A_294 : vector<1x16xf32> to vector<16xf32>
      %sub3A_296 = arith.subf %get3A_295, %get3A_164 : vector<16xf32>
      %swap3A_297 = arith.constant 1 : i32
      %swap3A_298 = arith.index_cast %swap3A_297 : i32 to index
      %swap3A_299 = arith.index_cast %add3A_290 : i32 to index
      %swap3A_300 = tpu.vector_load %arg8[%swap3A_298, %swap3A_299] {strides = array<i32>} : memref<4x10000xf32, #tpu.memory_space<vmem>>, vector<1x16xf32>,
      %swap3A_301 = vector.shape_cast %swap3A_300 : vector<1x16xf32> to vector<16xf32>
      %swap3A_302 = vector.shape_cast %sub3A_296 : vector<16xf32> to vector<1x16xf32>
      tpu.vector_store %arg8[%swap3A_298, %swap3A_299], %swap3A_302 {strides = array<i32>} : memref<4x10000xf32, #tpu.memory_space<vmem>>, vector<1x16xf32>,
      %mul3A_303 = arith.constant 80 : i32
      %mul3A_304 = arith.muli %scan3A_255, %mul3A_303 : i32
      %add3A_305 = arith.constant 48 : i32
      %add3A_306 = arith.addi %mul3A_304, %add3A_305 : i32
      %get3A_307 = arith.constant 1 : i32
      %get3A_308 = arith.index_cast %get3A_307 : i32 to index
      %get3A_309 = arith.index_cast %add3A_306 : i32 to index
      %get3A_310 = tpu.vector_load %arg8[%get3A_308, %get3A_309] {strides = array<i32>} : memref<4x10000xf32, #tpu.memory_space<vmem>>, vector<1x16xf32>,
      %get3A_311 = vector.shape_cast %get3A_310 : vector<1x16xf32> to vector<16xf32>
      %sub3A_312 = arith.subf %get3A_311, %get3A_164 : vector<16xf32>
      %swap3A_313 = arith.constant 1 : i32
      %swap3A_314 = arith.index_cast %swap3A_313 : i32 to index
      %swap3A_315 = arith.index_cast %add3A_306 : i32 to index
      %swap3A_316 = tpu.vector_load %arg8[%swap3A_314, %swap3A_315] {strides = array<i32>} : memref<4x10000xf32, #tpu.memory_space<vmem>>, vector<1x16xf32>,
      %swap3A_317 = vector.shape_cast %swap3A_316 : vector<1x16xf32> to vector<16xf32>
      %swap3A_318 = vector.shape_cast %sub3A_312 : vector<16xf32> to vector<1x16xf32>
      tpu.vector_store %arg8[%swap3A_314, %swap3A_315], %swap3A_318 {strides = array<i32>} : memref<4x10000xf32, #tpu.memory_space<vmem>>, vector<1x16xf32>,
      %mul3A_319 = arith.constant 80 : i32
      %mul3A_320 = arith.muli %scan3A_255, %mul3A_319 : i32
      %add3A_321 = arith.constant 64 : i32
      %add3A_322 = arith.addi %mul3A_320, %add3A_321 : i32
      %get3A_323 = arith.constant 1 : i32
      %get3A_324 = arith.index_cast %get3A_323 : i32 to index
      %get3A_325 = arith.index_cast %add3A_322 : i32 to index
      %get3A_326 = tpu.vector_load %arg8[%get3A_324, %get3A_325] {strides = array<i32>} : memref<4x10000xf32, #tpu.memory_space<vmem>>, vector<1x16xf32>,
      %get3A_327 = vector.shape_cast %get3A_326 : vector<1x16xf32> to vector<16xf32>
      %sub3A_328 = arith.subf %get3A_327, %get3A_164 : vector<16xf32>
      %swap3A_329 = arith.constant 1 : i32
      %swap3A_330 = arith.index_cast %swap3A_329 : i32 to index
      %swap3A_331 = arith.index_cast %add3A_322 : i32 to index
      %swap3A_332 = tpu.vector_load %arg8[%swap3A_330, %swap3A_331] {strides = array<i32>} : memref<4x10000xf32, #tpu.memory_space<vmem>>, vector<1x16xf32>,
      %swap3A_333 = vector.shape_cast %swap3A_332 : vector<1x16xf32> to vector<16xf32>
      %swap3A_334 = vector.shape_cast %sub3A_328 : vector<16xf32> to vector<1x16xf32>
      tpu.vector_store %arg8[%swap3A_330, %swap3A_331], %swap3A_334 {strides = array<i32>} : memref<4x10000xf32, #tpu.memory_space<vmem>>, vector<1x16xf32>,
      %scan3A_335 = arith.constant 0 : i32
      scf.yield %scan3A_335 : i32
    }
    %scan3A_171 = arith.constant 125 : i32
    %get3A_172 = arith.constant 10 : i32
    %get3A_173 = arith.index_cast %get3A_172 : i32 to index
    %get3A_174 = arith.constant 0 : index
    %get3A_175 = tpu.vector_load %arg7[%get3A_173, %get3A_174] {strides = array<i32>} : memref<16x16xf32, #tpu.memory_space<vmem>>, vector<1x16xf32>,
    %get3A_176 = vector.shape_cast %get3A_175 : vector<1x16xf32> to vector<16xf32>
    %scan3A_177 = arith.constant 0 : i32
    %scan3A_178 = arith.constant 0 : i32
    %scan3A_179 = arith.constant 125 : i32
    %scan3A_180 = arith.addi %scan3A_178, %scan3A_179 : i32
    %scan3A_181 = arith.constant 1 : i32
    %scan3A_182 = scf.for %scan3A_255 = %scan3A_178 to %scan3A_180 step %scan3A_181 iter_args(%scan3A_256 = %scan3A_177) -> (i32)  : i32 {
      %mul3A_257 = arith.constant 80 : i32
      %mul3A_258 = arith.muli %scan3A_255, %mul3A_257 : i32
      %add3A_259 = arith.constant 0 : i32
      %add3A_260 = arith.addi %mul3A_258, %add3A_259 : i32
      %get3A_261 = arith.constant 2 : i32
      %get3A_262 = arith.index_cast %get3A_261 : i32 to index
      %get3A_263 = arith.index_cast %add3A_260 : i32 to index
      %get3A_264 = tpu.vector_load %arg8[%get3A_262, %get3A_263] {strides = array<i32>} : memref<4x10000xf32, #tpu.memory_space<vmem>>, vector<1x16xf32>,
      %get3A_265 = vector.shape_cast %get3A_264 : vector<1x16xf32> to vector<16xf32>
      %sub3A = arith.subf %get3A_265, %get3A_176 : vector<16xf32>
      %swap3A = arith.constant 2 : i32
      %swap3A_266 = arith.index_cast %swap3A : i32 to index
      %swap3A_267 = arith.index_cast %add3A_260 : i32 to index
      %swap3A_268 = tpu.vector_load %arg8[%swap3A_266, %swap3A_267] {strides = array<i32>} : memref<4x10000xf32, #tpu.memory_space<vmem>>, vector<1x16xf32>,
      %swap3A_269 = vector.shape_cast %swap3A_268 : vector<1x16xf32> to vector<16xf32>
      %swap3A_270 = vector.shape_cast %sub3A : vector<16xf32> to vector<1x16xf32>
      tpu.vector_store %arg8[%swap3A_266, %swap3A_267], %swap3A_270 {strides = array<i32>} : memref<4x10000xf32, #tpu.memory_space<vmem>>, vector<1x16xf32>,
      %mul3A_271 = arith.constant 80 : i32
      %mul3A_272 = arith.muli %scan3A_255, %mul3A_271 : i32
      %add3A_273 = arith.constant 16 : i32
      %add3A_274 = arith.addi %mul3A_272, %add3A_273 : i32
      %get3A_275 = arith.constant 2 : i32
      %get3A_276 = arith.index_cast %get3A_275 : i32 to index
      %get3A_277 = arith.index_cast %add3A_274 : i32 to index
      %get3A_278 = tpu.vector_load %arg8[%get3A_276, %get3A_277] {strides = array<i32>} : memref<4x10000xf32, #tpu.memory_space<vmem>>, vector<1x16xf32>,
      %get3A_279 = vector.shape_cast %get3A_278 : vector<1x16xf32> to vector<16xf32>
      %sub3A_280 = arith.subf %get3A_279, %get3A_176 : vector<16xf32>
      %swap3A_281 = arith.constant 2 : i32
      %swap3A_282 = arith.index_cast %swap3A_281 : i32 to index
      %swap3A_283 = arith.index_cast %add3A_274 : i32 to index
      %swap3A_284 = tpu.vector_load %arg8[%swap3A_282, %swap3A_283] {strides = array<i32>} : memref<4x10000xf32, #tpu.memory_space<vmem>>, vector<1x16xf32>,
      %swap3A_285 = vector.shape_cast %swap3A_284 : vector<1x16xf32> to vector<16xf32>
      %swap3A_286 = vector.shape_cast %sub3A_280 : vector<16xf32> to vector<1x16xf32>
      tpu.vector_store %arg8[%swap3A_282, %swap3A_283], %swap3A_286 {strides = array<i32>} : memref<4x10000xf32, #tpu.memory_space<vmem>>, vector<1x16xf32>,
      %mul3A_287 = arith.constant 80 : i32
      %mul3A_288 = arith.muli %scan3A_255, %mul3A_287 : i32
      %add3A_289 = arith.constant 32 : i32
      %add3A_290 = arith.addi %mul3A_288, %add3A_289 : i32
      %get3A_291 = arith.constant 2 : i32
      %get3A_292 = arith.index_cast %get3A_291 : i32 to index
      %get3A_293 = arith.index_cast %add3A_290 : i32 to index
      %get3A_294 = tpu.vector_load %arg8[%get3A_292, %get3A_293] {strides = array<i32>} : memref<4x10000xf32, #tpu.memory_space<vmem>>, vector<1x16xf32>,
      %get3A_295 = vector.shape_cast %get3A_294 : vector<1x16xf32> to vector<16xf32>
      %sub3A_296 = arith.subf %get3A_295, %get3A_176 : vector<16xf32>
      %swap3A_297 = arith.constant 2 : i32
      %swap3A_298 = arith.index_cast %swap3A_297 : i32 to index
      %swap3A_299 = arith.index_cast %add3A_290 : i32 to index
      %swap3A_300 = tpu.vector_load %arg8[%swap3A_298, %swap3A_299] {strides = array<i32>} : memref<4x10000xf32, #tpu.memory_space<vmem>>, vector<1x16xf32>,
      %swap3A_301 = vector.shape_cast %swap3A_300 : vector<1x16xf32> to vector<16xf32>
      %swap3A_302 = vector.shape_cast %sub3A_296 : vector<16xf32> to vector<1x16xf32>
      tpu.vector_store %arg8[%swap3A_298, %swap3A_299], %swap3A_302 {strides = array<i32>} : memref<4x10000xf32, #tpu.memory_space<vmem>>, vector<1x16xf32>,
      %mul3A_303 = arith.constant 80 : i32
      %mul3A_304 = arith.muli %scan3A_255, %mul3A_303 : i32
      %add3A_305 = arith.constant 48 : i32
      %add3A_306 = arith.addi %mul3A_304, %add3A_305 : i32
      %get3A_307 = arith.constant 2 : i32
      %get3A_308 = arith.index_cast %get3A_307 : i32 to index
      %get3A_309 = arith.index_cast %add3A_306 : i32 to index
      %get3A_310 = tpu.vector_load %arg8[%get3A_308, %get3A_309] {strides = array<i32>} : memref<4x10000xf32, #tpu.memory_space<vmem>>, vector<1x16xf32>,
      %get3A_311 = vector.shape_cast %get3A_310 : vector<1x16xf32> to vector<16xf32>
      %sub3A_312 = arith.subf %get3A_311, %get3A_176 : vector<16xf32>
      %swap3A_313 = arith.constant 2 : i32
      %swap3A_314 = arith.index_cast %swap3A_313 : i32 to index
      %swap3A_315 = arith.index_cast %add3A_306 : i32 to index
      %swap3A_316 = tpu.vector_load %arg8[%swap3A_314, %swap3A_315] {strides = array<i32>} : memref<4x10000xf32, #tpu.memory_space<vmem>>, vector<1x16xf32>,
      %swap3A_317 = vector.shape_cast %swap3A_316 : vector<1x16xf32> to vector<16xf32>
      %swap3A_318 = vector.shape_cast %sub3A_312 : vector<16xf32> to vector<1x16xf32>
      tpu.vector_store %arg8[%swap3A_314, %swap3A_315], %swap3A_318 {strides = array<i32>} : memref<4x10000xf32, #tpu.memory_space<vmem>>, vector<1x16xf32>,
      %mul3A_319 = arith.constant 80 : i32
      %mul3A_320 = arith.muli %scan3A_255, %mul3A_319 : i32
      %add3A_321 = arith.constant 64 : i32
      %add3A_322 = arith.addi %mul3A_320, %add3A_321 : i32
      %get3A_323 = arith.constant 2 : i32
      %get3A_324 = arith.index_cast %get3A_323 : i32 to index
      %get3A_325 = arith.index_cast %add3A_322 : i32 to index
      %get3A_326 = tpu.vector_load %arg8[%get3A_324, %get3A_325] {strides = array<i32>} : memref<4x10000xf32, #tpu.memory_space<vmem>>, vector<1x16xf32>,
      %get3A_327 = vector.shape_cast %get3A_326 : vector<1x16xf32> to vector<16xf32>
      %sub3A_328 = arith.subf %get3A_327, %get3A_176 : vector<16xf32>
      %swap3A_329 = arith.constant 2 : i32
      %swap3A_330 = arith.index_cast %swap3A_329 : i32 to index
      %swap3A_331 = arith.index_cast %add3A_322 : i32 to index
      %swap3A_332 = tpu.vector_load %arg8[%swap3A_330, %swap3A_331] {strides = array<i32>} : memref<4x10000xf32, #tpu.memory_space<vmem>>, vector<1x16xf32>,
      %swap3A_333 = vector.shape_cast %swap3A_332 : vector<1x16xf32> to vector<16xf32>
      %swap3A_334 = vector.shape_cast %sub3A_328 : vector<16xf32> to vector<1x16xf32>
      tpu.vector_store %arg8[%swap3A_330, %swap3A_331], %swap3A_334 {strides = array<i32>} : memref<4x10000xf32, #tpu.memory_space<vmem>>, vector<1x16xf32>,
      %scan3A_335 = arith.constant 0 : i32
      scf.yield %scan3A_335 : i32
    }
    %scan3A_183 = arith.constant 125 : i32
    %get3A_184 = arith.constant 11 : i32
    %get3A_185 = arith.index_cast %get3A_184 : i32 to index
    %get3A_186 = arith.constant 0 : index
    %get3A_187 = tpu.vector_load %arg7[%get3A_185, %get3A_186] {strides = array<i32>} : memref<16x16xf32, #tpu.memory_space<vmem>>, vector<1x16xf32>,
    %get3A_188 = vector.shape_cast %get3A_187 : vector<1x16xf32> to vector<16xf32>
    %scan3A_189 = arith.constant 0 : i32
    %scan3A_190 = arith.constant 0 : i32
    %scan3A_191 = arith.constant 125 : i32
    %scan3A_192 = arith.addi %scan3A_190, %scan3A_191 : i32
    %scan3A_193 = arith.constant 1 : i32
    %scan3A_194 = scf.for %scan3A_255 = %scan3A_190 to %scan3A_192 step %scan3A_193 iter_args(%scan3A_256 = %scan3A_189) -> (i32)  : i32 {
      %mul3A_257 = arith.constant 80 : i32
      %mul3A_258 = arith.muli %scan3A_255, %mul3A_257 : i32
      %add3A_259 = arith.constant 0 : i32
      %add3A_260 = arith.addi %mul3A_258, %add3A_259 : i32
      %get3A_261 = arith.constant 3 : i32
      %get3A_262 = arith.index_cast %get3A_261 : i32 to index
      %get3A_263 = arith.index_cast %add3A_260 : i32 to index
      %get3A_264 = tpu.vector_load %arg8[%get3A_262, %get3A_263] {strides = array<i32>} : memref<4x10000xf32, #tpu.memory_space<vmem>>, vector<1x16xf32>,
      %get3A_265 = vector.shape_cast %get3A_264 : vector<1x16xf32> to vector<16xf32>
      %sub3A = arith.subf %get3A_265, %get3A_188 : vector<16xf32>
      %swap3A = arith.constant 3 : i32
      %swap3A_266 = arith.index_cast %swap3A : i32 to index
      %swap3A_267 = arith.index_cast %add3A_260 : i32 to index
      %swap3A_268 = tpu.vector_load %arg8[%swap3A_266, %swap3A_267] {strides = array<i32>} : memref<4x10000xf32, #tpu.memory_space<vmem>>, vector<1x16xf32>,
      %swap3A_269 = vector.shape_cast %swap3A_268 : vector<1x16xf32> to vector<16xf32>
      %swap3A_270 = vector.shape_cast %sub3A : vector<16xf32> to vector<1x16xf32>
      tpu.vector_store %arg8[%swap3A_266, %swap3A_267], %swap3A_270 {strides = array<i32>} : memref<4x10000xf32, #tpu.memory_space<vmem>>, vector<1x16xf32>,
      %mul3A_271 = arith.constant 80 : i32
      %mul3A_272 = arith.muli %scan3A_255, %mul3A_271 : i32
      %add3A_273 = arith.constant 16 : i32
      %add3A_274 = arith.addi %mul3A_272, %add3A_273 : i32
      %get3A_275 = arith.constant 3 : i32
      %get3A_276 = arith.index_cast %get3A_275 : i32 to index
      %get3A_277 = arith.index_cast %add3A_274 : i32 to index
      %get3A_278 = tpu.vector_load %arg8[%get3A_276, %get3A_277] {strides = array<i32>} : memref<4x10000xf32, #tpu.memory_space<vmem>>, vector<1x16xf32>,
      %get3A_279 = vector.shape_cast %get3A_278 : vector<1x16xf32> to vector<16xf32>
      %sub3A_280 = arith.subf %get3A_279, %get3A_188 : vector<16xf32>
      %swap3A_281 = arith.constant 3 : i32
      %swap3A_282 = arith.index_cast %swap3A_281 : i32 to index
      %swap3A_283 = arith.index_cast %add3A_274 : i32 to index
      %swap3A_284 = tpu.vector_load %arg8[%swap3A_282, %swap3A_283] {strides = array<i32>} : memref<4x10000xf32, #tpu.memory_space<vmem>>, vector<1x16xf32>,
      %swap3A_285 = vector.shape_cast %swap3A_284 : vector<1x16xf32> to vector<16xf32>
      %swap3A_286 = vector.shape_cast %sub3A_280 : vector<16xf32> to vector<1x16xf32>
      tpu.vector_store %arg8[%swap3A_282, %swap3A_283], %swap3A_286 {strides = array<i32>} : memref<4x10000xf32, #tpu.memory_space<vmem>>, vector<1x16xf32>,
      %mul3A_287 = arith.constant 80 : i32
      %mul3A_288 = arith.muli %scan3A_255, %mul3A_287 : i32
      %add3A_289 = arith.constant 32 : i32
      %add3A_290 = arith.addi %mul3A_288, %add3A_289 : i32
      %get3A_291 = arith.constant 3 : i32
      %get3A_292 = arith.index_cast %get3A_291 : i32 to index
      %get3A_293 = arith.index_cast %add3A_290 : i32 to index
      %get3A_294 = tpu.vector_load %arg8[%get3A_292, %get3A_293] {strides = array<i32>} : memref<4x10000xf32, #tpu.memory_space<vmem>>, vector<1x16xf32>,
      %get3A_295 = vector.shape_cast %get3A_294 : vector<1x16xf32> to vector<16xf32>
      %sub3A_296 = arith.subf %get3A_295, %get3A_188 : vector<16xf32>
      %swap3A_297 = arith.constant 3 : i32
      %swap3A_298 = arith.index_cast %swap3A_297 : i32 to index
      %swap3A_299 = arith.index_cast %add3A_290 : i32 to index
      %swap3A_300 = tpu.vector_load %arg8[%swap3A_298, %swap3A_299] {strides = array<i32>} : memref<4x10000xf32, #tpu.memory_space<vmem>>, vector<1x16xf32>,
      %swap3A_301 = vector.shape_cast %swap3A_300 : vector<1x16xf32> to vector<16xf32>
      %swap3A_302 = vector.shape_cast %sub3A_296 : vector<16xf32> to vector<1x16xf32>
      tpu.vector_store %arg8[%swap3A_298, %swap3A_299], %swap3A_302 {strides = array<i32>} : memref<4x10000xf32, #tpu.memory_space<vmem>>, vector<1x16xf32>,
      %mul3A_303 = arith.constant 80 : i32
      %mul3A_304 = arith.muli %scan3A_255, %mul3A_303 : i32
      %add3A_305 = arith.constant 48 : i32
      %add3A_306 = arith.addi %mul3A_304, %add3A_305 : i32
      %get3A_307 = arith.constant 3 : i32
      %get3A_308 = arith.index_cast %get3A_307 : i32 to index
      %get3A_309 = arith.index_cast %add3A_306 : i32 to index
      %get3A_310 = tpu.vector_load %arg8[%get3A_308, %get3A_309] {strides = array<i32>} : memref<4x10000xf32, #tpu.memory_space<vmem>>, vector<1x16xf32>,
      %get3A_311 = vector.shape_cast %get3A_310 : vector<1x16xf32> to vector<16xf32>
      %sub3A_312 = arith.subf %get3A_311, %get3A_188 : vector<16xf32>
      %swap3A_313 = arith.constant 3 : i32
      %swap3A_314 = arith.index_cast %swap3A_313 : i32 to index
      %swap3A_315 = arith.index_cast %add3A_306 : i32 to index
      %swap3A_316 = tpu.vector_load %arg8[%swap3A_314, %swap3A_315] {strides = array<i32>} : memref<4x10000xf32, #tpu.memory_space<vmem>>, vector<1x16xf32>,
      %swap3A_317 = vector.shape_cast %swap3A_316 : vector<1x16xf32> to vector<16xf32>
      %swap3A_318 = vector.shape_cast %sub3A_312 : vector<16xf32> to vector<1x16xf32>
      tpu.vector_store %arg8[%swap3A_314, %swap3A_315], %swap3A_318 {strides = array<i32>} : memref<4x10000xf32, #tpu.memory_space<vmem>>, vector<1x16xf32>,
      %mul3A_319 = arith.constant 80 : i32
      %mul3A_320 = arith.muli %scan3A_255, %mul3A_319 : i32
      %add3A_321 = arith.constant 64 : i32
      %add3A_322 = arith.addi %mul3A_320, %add3A_321 : i32
      %get3A_323 = arith.constant 3 : i32
      %get3A_324 = arith.index_cast %get3A_323 : i32 to index
      %get3A_325 = arith.index_cast %add3A_322 : i32 to index
      %get3A_326 = tpu.vector_load %arg8[%get3A_324, %get3A_325] {strides = array<i32>} : memref<4x10000xf32, #tpu.memory_space<vmem>>, vector<1x16xf32>,
      %get3A_327 = vector.shape_cast %get3A_326 : vector<1x16xf32> to vector<16xf32>
      %sub3A_328 = arith.subf %get3A_327, %get3A_188 : vector<16xf32>
      %swap3A_329 = arith.constant 3 : i32
      %swap3A_330 = arith.index_cast %swap3A_329 : i32 to index
      %swap3A_331 = arith.index_cast %add3A_322 : i32 to index
      %swap3A_332 = tpu.vector_load %arg8[%swap3A_330, %swap3A_331] {strides = array<i32>} : memref<4x10000xf32, #tpu.memory_space<vmem>>, vector<1x16xf32>,
      %swap3A_333 = vector.shape_cast %swap3A_332 : vector<1x16xf32> to vector<16xf32>
      %swap3A_334 = vector.shape_cast %sub3A_328 : vector<16xf32> to vector<1x16xf32>
      tpu.vector_store %arg8[%swap3A_330, %swap3A_331], %swap3A_334 {strides = array<i32>} : memref<4x10000xf32, #tpu.memory_space<vmem>>, vector<1x16xf32>,
      %scan3A_335 = arith.constant 0 : i32
      scf.yield %scan3A_335 : i32
    }
    %scan3A_195 = arith.constant 125 : i32
    %add3A_196 = arith.constant 8 : i32
    %add3A_197 = arith.addi %mul3A_2, %add3A_196 : i32
    "tpu.region"() ({
      %run_scoped3A = tpu.sem_alloc : memref<!tpu.dma_semaphore, #tpu.memory_space<semaphore_mem>>
      %dma_start3A_255 = arith.constant 0 : i32
      %dma_start3A_256 = tpu.memref_slice %arg5[%add3A_197, %dma_start3A_255] : memref<512x10000xf32, #tpu.memory_space<hbm>> -> memref<4x10000xf32, #tpu.memory_space<hbm>>
      %dma_start3A_257 = arith.constant 0 : i32
      %dma_start3A_258 = tpu.memref_slice %arg5[%add3A_197, %dma_start3A_257] : memref<512x10000xf32, #tpu.memory_space<hbm>> -> memref<4x10000xf32, #tpu.memory_space<hbm>>
      tpu.enqueue_dma source(%arg8 : memref<4x10000xf32, #tpu.memory_space<vmem>>) target(%dma_start3A_258 : memref<4x10000xf32, #tpu.memory_space<hbm>>) target_semaphore(%run_scoped3A : memref<!tpu.dma_semaphore, #tpu.memory_space<semaphore_mem>>)
      %dma_wait3A_259 = arith.constant 0 : i32
      %dma_wait3A_260 = tpu.memref_slice %arg5[%add3A_197, %dma_wait3A_259] : memref<512x10000xf32, #tpu.memory_space<hbm>> -> memref<4x10000xf32, #tpu.memory_space<hbm>>
      %dma_wait3A_261 = arith.constant 0 : i32
      %dma_wait3A_262 = tpu.memref_slice %arg5[%add3A_197, %dma_wait3A_261] : memref<512x10000xf32, #tpu.memory_space<hbm>> -> memref<4x10000xf32, #tpu.memory_space<hbm>>
      tpu.wait_dma2 semaphore(%run_scoped3A : memref<!tpu.dma_semaphore, #tpu.memory_space<semaphore_mem>>) src(%arg8 : memref<4x10000xf32, #tpu.memory_space<vmem>>) dst(%dma_wait3A_262 : memref<4x10000xf32, #tpu.memory_space<hbm>>)
      tpu.yield
    }) : () -> ()
    %dma_wait3A_198 = arith.constant 3 : i32
    %dma_wait3A_199 = arith.constant 0 : i32
    %dma_wait3A_200 = tpu.memref_slice %arg6[%dma_wait3A_198, %dma_wait3A_199] : memref<4x4xi32, #tpu.memory_space<vmem>> -> memref<1x4xi32, #tpu.memory_space<vmem>>
    %dma_wait3A_201 = tpu.memref_squeeze %dma_wait3A_200 : memref<1x4xi32, #tpu.memory_space<vmem>> -> memref<4xi32, #tpu.memory_space<vmem>>
    %dma_wait3A_202 = arith.constant 0 : i32
    %dma_wait3A_203 = arith.constant 0 : i32
    %dma_wait3A_204 = tpu.memref_slice %arg2[%dma_wait3A_202, %dma_wait3A_203] : memref<2048x10000xf32, #tpu.memory_space<hbm>> -> memref<2048x10000xf32, #tpu.memory_space<hbm>>
    tpu.wait_indirect_dma semaphore(%arg11 : memref<!tpu.dma_semaphore, #tpu.memory_space<semaphore_mem>>) src(%dma_wait3A_204 : memref<2048x10000xf32, #tpu.memory_space<hbm>>) dst(%arg9 : memref<4x10000xf32, #tpu.memory_space<vmem>>)
    %get3A_205 = arith.constant 12 : i32
    %get3A_206 = arith.index_cast %get3A_205 : i32 to index
    %get3A_207 = arith.constant 0 : index
    %get3A_208 = tpu.vector_load %arg7[%get3A_206, %get3A_207] {strides = array<i32>} : memref<16x16xf32, #tpu.memory_space<vmem>>, vector<1x16xf32>,
    %get3A_209 = vector.shape_cast %get3A_208 : vector<1x16xf32> to vector<16xf32>
    %scan3A_210 = arith.constant 0 : i32
    %scan3A_211 = arith.constant 0 : i32
    %scan3A_212 = arith.constant 125 : i32
    %scan3A_213 = arith.addi %scan3A_211, %scan3A_212 : i32
    %scan3A_214 = arith.constant 1 : i32
    %scan3A_215 = scf.for %scan3A_255 = %scan3A_211 to %scan3A_213 step %scan3A_214 iter_args(%scan3A_256 = %scan3A_210) -> (i32)  : i32 {
      %mul3A_257 = arith.constant 80 : i32
      %mul3A_258 = arith.muli %scan3A_255, %mul3A_257 : i32
      %add3A_259 = arith.constant 0 : i32
      %add3A_260 = arith.addi %mul3A_258, %add3A_259 : i32
      %get3A_261 = arith.constant 0 : i32
      %get3A_262 = arith.index_cast %get3A_261 : i32 to index
      %get3A_263 = arith.index_cast %add3A_260 : i32 to index
      %get3A_264 = tpu.vector_load %arg9[%get3A_262, %get3A_263] {strides = array<i32>} : memref<4x10000xf32, #tpu.memory_space<vmem>>, vector<1x16xf32>,
      %get3A_265 = vector.shape_cast %get3A_264 : vector<1x16xf32> to vector<16xf32>
      %sub3A = arith.subf %get3A_265, %get3A_209 : vector<16xf32>
      %swap3A = arith.constant 0 : i32
      %swap3A_266 = arith.index_cast %swap3A : i32 to index
      %swap3A_267 = arith.index_cast %add3A_260 : i32 to index
      %swap3A_268 = tpu.vector_load %arg9[%swap3A_266, %swap3A_267] {strides = array<i32>} : memref<4x10000xf32, #tpu.memory_space<vmem>>, vector<1x16xf32>,
      %swap3A_269 = vector.shape_cast %swap3A_268 : vector<1x16xf32> to vector<16xf32>
      %swap3A_270 = vector.shape_cast %sub3A : vector<16xf32> to vector<1x16xf32>
      tpu.vector_store %arg9[%swap3A_266, %swap3A_267], %swap3A_270 {strides = array<i32>} : memref<4x10000xf32, #tpu.memory_space<vmem>>, vector<1x16xf32>,
      %mul3A_271 = arith.constant 80 : i32
      %mul3A_272 = arith.muli %scan3A_255, %mul3A_271 : i32
      %add3A_273 = arith.constant 16 : i32
      %add3A_274 = arith.addi %mul3A_272, %add3A_273 : i32
      %get3A_275 = arith.constant 0 : i32
      %get3A_276 = arith.index_cast %get3A_275 : i32 to index
      %get3A_277 = arith.index_cast %add3A_274 : i32 to index
      %get3A_278 = tpu.vector_load %arg9[%get3A_276, %get3A_277] {strides = array<i32>} : memref<4x10000xf32, #tpu.memory_space<vmem>>, vector<1x16xf32>,
      %get3A_279 = vector.shape_cast %get3A_278 : vector<1x16xf32> to vector<16xf32>
      %sub3A_280 = arith.subf %get3A_279, %get3A_209 : vector<16xf32>
      %swap3A_281 = arith.constant 0 : i32
      %swap3A_282 = arith.index_cast %swap3A_281 : i32 to index
      %swap3A_283 = arith.index_cast %add3A_274 : i32 to index
      %swap3A_284 = tpu.vector_load %arg9[%swap3A_282, %swap3A_283] {strides = array<i32>} : memref<4x10000xf32, #tpu.memory_space<vmem>>, vector<1x16xf32>,
      %swap3A_285 = vector.shape_cast %swap3A_284 : vector<1x16xf32> to vector<16xf32>
      %swap3A_286 = vector.shape_cast %sub3A_280 : vector<16xf32> to vector<1x16xf32>
      tpu.vector_store %arg9[%swap3A_282, %swap3A_283], %swap3A_286 {strides = array<i32>} : memref<4x10000xf32, #tpu.memory_space<vmem>>, vector<1x16xf32>,
      %mul3A_287 = arith.constant 80 : i32
      %mul3A_288 = arith.muli %scan3A_255, %mul3A_287 : i32
      %add3A_289 = arith.constant 32 : i32
      %add3A_290 = arith.addi %mul3A_288, %add3A_289 : i32
      %get3A_291 = arith.constant 0 : i32
      %get3A_292 = arith.index_cast %get3A_291 : i32 to index
      %get3A_293 = arith.index_cast %add3A_290 : i32 to index
      %get3A_294 = tpu.vector_load %arg9[%get3A_292, %get3A_293] {strides = array<i32>} : memref<4x10000xf32, #tpu.memory_space<vmem>>, vector<1x16xf32>,
      %get3A_295 = vector.shape_cast %get3A_294 : vector<1x16xf32> to vector<16xf32>
      %sub3A_296 = arith.subf %get3A_295, %get3A_209 : vector<16xf32>
      %swap3A_297 = arith.constant 0 : i32
      %swap3A_298 = arith.index_cast %swap3A_297 : i32 to index
      %swap3A_299 = arith.index_cast %add3A_290 : i32 to index
      %swap3A_300 = tpu.vector_load %arg9[%swap3A_298, %swap3A_299] {strides = array<i32>} : memref<4x10000xf32, #tpu.memory_space<vmem>>, vector<1x16xf32>,
      %swap3A_301 = vector.shape_cast %swap3A_300 : vector<1x16xf32> to vector<16xf32>
      %swap3A_302 = vector.shape_cast %sub3A_296 : vector<16xf32> to vector<1x16xf32>
      tpu.vector_store %arg9[%swap3A_298, %swap3A_299], %swap3A_302 {strides = array<i32>} : memref<4x10000xf32, #tpu.memory_space<vmem>>, vector<1x16xf32>,
      %mul3A_303 = arith.constant 80 : i32
      %mul3A_304 = arith.muli %scan3A_255, %mul3A_303 : i32
      %add3A_305 = arith.constant 48 : i32
      %add3A_306 = arith.addi %mul3A_304, %add3A_305 : i32
      %get3A_307 = arith.constant 0 : i32
      %get3A_308 = arith.index_cast %get3A_307 : i32 to index
      %get3A_309 = arith.index_cast %add3A_306 : i32 to index
      %get3A_310 = tpu.vector_load %arg9[%get3A_308, %get3A_309] {strides = array<i32>} : memref<4x10000xf32, #tpu.memory_space<vmem>>, vector<1x16xf32>,
      %get3A_311 = vector.shape_cast %get3A_310 : vector<1x16xf32> to vector<16xf32>
      %sub3A_312 = arith.subf %get3A_311, %get3A_209 : vector<16xf32>
      %swap3A_313 = arith.constant 0 : i32
      %swap3A_314 = arith.index_cast %swap3A_313 : i32 to index
      %swap3A_315 = arith.index_cast %add3A_306 : i32 to index
      %swap3A_316 = tpu.vector_load %arg9[%swap3A_314, %swap3A_315] {strides = array<i32>} : memref<4x10000xf32, #tpu.memory_space<vmem>>, vector<1x16xf32>,
      %swap3A_317 = vector.shape_cast %swap3A_316 : vector<1x16xf32> to vector<16xf32>
      %swap3A_318 = vector.shape_cast %sub3A_312 : vector<16xf32> to vector<1x16xf32>
      tpu.vector_store %arg9[%swap3A_314, %swap3A_315], %swap3A_318 {strides = array<i32>} : memref<4x10000xf32, #tpu.memory_space<vmem>>, vector<1x16xf32>,
      %mul3A_319 = arith.constant 80 : i32
      %mul3A_320 = arith.muli %scan3A_255, %mul3A_319 : i32
      %add3A_321 = arith.constant 64 : i32
      %add3A_322 = arith.addi %mul3A_320, %add3A_321 : i32
      %get3A_323 = arith.constant 0 : i32
      %get3A_324 = arith.index_cast %get3A_323 : i32 to index
      %get3A_325 = arith.index_cast %add3A_322 : i32 to index
      %get3A_326 = tpu.vector_load %arg9[%get3A_324, %get3A_325] {strides = array<i32>} : memref<4x10000xf32, #tpu.memory_space<vmem>>, vector<1x16xf32>,
      %get3A_327 = vector.shape_cast %get3A_326 : vector<1x16xf32> to vector<16xf32>
      %sub3A_328 = arith.subf %get3A_327, %get3A_209 : vector<16xf32>
      %swap3A_329 = arith.constant 0 : i32
      %swap3A_330 = arith.index_cast %swap3A_329 : i32 to index
      %swap3A_331 = arith.index_cast %add3A_322 : i32 to index
      %swap3A_332 = tpu.vector_load %arg9[%swap3A_330, %swap3A_331] {strides = array<i32>} : memref<4x10000xf32, #tpu.memory_space<vmem>>, vector<1x16xf32>,
      %swap3A_333 = vector.shape_cast %swap3A_332 : vector<1x16xf32> to vector<16xf32>
      %swap3A_334 = vector.shape_cast %sub3A_328 : vector<16xf32> to vector<1x16xf32>
      tpu.vector_store %arg9[%swap3A_330, %swap3A_331], %swap3A_334 {strides = array<i32>} : memref<4x10000xf32, #tpu.memory_space<vmem>>, vector<1x16xf32>,
      %scan3A_335 = arith.constant 0 : i32
      scf.yield %scan3A_335 : i32
    }
    %scan3A_216 = arith.constant 125 : i32
    %get3A_217 = arith.constant 13 : i32
    %get3A_218 = arith.index_cast %get3A_217 : i32 to index
    %get3A_219 = arith.constant 0 : index
    %get3A_220 = tpu.vector_load %arg7[%get3A_218, %get3A_219] {strides = array<i32>} : memref<16x16xf32, #tpu.memory_space<vmem>>, vector<1x16xf32>,
    %get3A_221 = vector.shape_cast %get3A_220 : vector<1x16xf32> to vector<16xf32>
    %scan3A_222 = arith.constant 0 : i32
    %scan3A_223 = arith.constant 0 : i32
    %scan3A_224 = arith.constant 125 : i32
    %scan3A_225 = arith.addi %scan3A_223, %scan3A_224 : i32
    %scan3A_226 = arith.constant 1 : i32
    %scan3A_227 = scf.for %scan3A_255 = %scan3A_223 to %scan3A_225 step %scan3A_226 iter_args(%scan3A_256 = %scan3A_222) -> (i32)  : i32 {
      %mul3A_257 = arith.constant 80 : i32
      %mul3A_258 = arith.muli %scan3A_255, %mul3A_257 : i32
      %add3A_259 = arith.constant 0 : i32
      %add3A_260 = arith.addi %mul3A_258, %add3A_259 : i32
      %get3A_261 = arith.constant 1 : i32
      %get3A_262 = arith.index_cast %get3A_261 : i32 to index
      %get3A_263 = arith.index_cast %add3A_260 : i32 to index
      %get3A_264 = tpu.vector_load %arg9[%get3A_262, %get3A_263] {strides = array<i32>} : memref<4x10000xf32, #tpu.memory_space<vmem>>, vector<1x16xf32>,
      %get3A_265 = vector.shape_cast %get3A_264 : vector<1x16xf32> to vector<16xf32>
      %sub3A = arith.subf %get3A_265, %get3A_221 : vector<16xf32>
      %swap3A = arith.constant 1 : i32
      %swap3A_266 = arith.index_cast %swap3A : i32 to index
      %swap3A_267 = arith.index_cast %add3A_260 : i32 to index
      %swap3A_268 = tpu.vector_load %arg9[%swap3A_266, %swap3A_267] {strides = array<i32>} : memref<4x10000xf32, #tpu.memory_space<vmem>>, vector<1x16xf32>,
      %swap3A_269 = vector.shape_cast %swap3A_268 : vector<1x16xf32> to vector<16xf32>
      %swap3A_270 = vector.shape_cast %sub3A : vector<16xf32> to vector<1x16xf32>
      tpu.vector_store %arg9[%swap3A_266, %swap3A_267], %swap3A_270 {strides = array<i32>} : memref<4x10000xf32, #tpu.memory_space<vmem>>, vector<1x16xf32>,
      %mul3A_271 = arith.constant 80 : i32
      %mul3A_272 = arith.muli %scan3A_255, %mul3A_271 : i32
      %add3A_273 = arith.constant 16 : i32
      %add3A_274 = arith.addi %mul3A_272, %add3A_273 : i32
      %get3A_275 = arith.constant 1 : i32
      %get3A_276 = arith.index_cast %get3A_275 : i32 to index
      %get3A_277 = arith.index_cast %add3A_274 : i32 to index
      %get3A_278 = tpu.vector_load %arg9[%get3A_276, %get3A_277] {strides = array<i32>} : memref<4x10000xf32, #tpu.memory_space<vmem>>, vector<1x16xf32>,
      %get3A_279 = vector.shape_cast %get3A_278 : vector<1x16xf32> to vector<16xf32>
      %sub3A_280 = arith.subf %get3A_279, %get3A_221 : vector<16xf32>
      %swap3A_281 = arith.constant 1 : i32
      %swap3A_282 = arith.index_cast %swap3A_281 : i32 to index
      %swap3A_283 = arith.index_cast %add3A_274 : i32 to index
      %swap3A_284 = tpu.vector_load %arg9[%swap3A_282, %swap3A_283] {strides = array<i32>} : memref<4x10000xf32, #tpu.memory_space<vmem>>, vector<1x16xf32>,
      %swap3A_285 = vector.shape_cast %swap3A_284 : vector<1x16xf32> to vector<16xf32>
      %swap3A_286 = vector.shape_cast %sub3A_280 : vector<16xf32> to vector<1x16xf32>
      tpu.vector_store %arg9[%swap3A_282, %swap3A_283], %swap3A_286 {strides = array<i32>} : memref<4x10000xf32, #tpu.memory_space<vmem>>, vector<1x16xf32>,
      %mul3A_287 = arith.constant 80 : i32
      %mul3A_288 = arith.muli %scan3A_255, %mul3A_287 : i32
      %add3A_289 = arith.constant 32 : i32
      %add3A_290 = arith.addi %mul3A_288, %add3A_289 : i32
      %get3A_291 = arith.constant 1 : i32
      %get3A_292 = arith.index_cast %get3A_291 : i32 to index
      %get3A_293 = arith.index_cast %add3A_290 : i32 to index
      %get3A_294 = tpu.vector_load %arg9[%get3A_292, %get3A_293] {strides = array<i32>} : memref<4x10000xf32, #tpu.memory_space<vmem>>, vector<1x16xf32>,
      %get3A_295 = vector.shape_cast %get3A_294 : vector<1x16xf32> to vector<16xf32>
      %sub3A_296 = arith.subf %get3A_295, %get3A_221 : vector<16xf32>
      %swap3A_297 = arith.constant 1 : i32
      %swap3A_298 = arith.index_cast %swap3A_297 : i32 to index
      %swap3A_299 = arith.index_cast %add3A_290 : i32 to index
      %swap3A_300 = tpu.vector_load %arg9[%swap3A_298, %swap3A_299] {strides = array<i32>} : memref<4x10000xf32, #tpu.memory_space<vmem>>, vector<1x16xf32>,
      %swap3A_301 = vector.shape_cast %swap3A_300 : vector<1x16xf32> to vector<16xf32>
      %swap3A_302 = vector.shape_cast %sub3A_296 : vector<16xf32> to vector<1x16xf32>
      tpu.vector_store %arg9[%swap3A_298, %swap3A_299], %swap3A_302 {strides = array<i32>} : memref<4x10000xf32, #tpu.memory_space<vmem>>, vector<1x16xf32>,
      %mul3A_303 = arith.constant 80 : i32
      %mul3A_304 = arith.muli %scan3A_255, %mul3A_303 : i32
      %add3A_305 = arith.constant 48 : i32
      %add3A_306 = arith.addi %mul3A_304, %add3A_305 : i32
      %get3A_307 = arith.constant 1 : i32
      %get3A_308 = arith.index_cast %get3A_307 : i32 to index
      %get3A_309 = arith.index_cast %add3A_306 : i32 to index
      %get3A_310 = tpu.vector_load %arg9[%get3A_308, %get3A_309] {strides = array<i32>} : memref<4x10000xf32, #tpu.memory_space<vmem>>, vector<1x16xf32>,
      %get3A_311 = vector.shape_cast %get3A_310 : vector<1x16xf32> to vector<16xf32>
      %sub3A_312 = arith.subf %get3A_311, %get3A_221 : vector<16xf32>
      %swap3A_313 = arith.constant 1 : i32
      %swap3A_314 = arith.index_cast %swap3A_313 : i32 to index
      %swap3A_315 = arith.index_cast %add3A_306 : i32 to index
      %swap3A_316 = tpu.vector_load %arg9[%swap3A_314, %swap3A_315] {strides = array<i32>} : memref<4x10000xf32, #tpu.memory_space<vmem>>, vector<1x16xf32>,
      %swap3A_317 = vector.shape_cast %swap3A_316 : vector<1x16xf32> to vector<16xf32>
      %swap3A_318 = vector.shape_cast %sub3A_312 : vector<16xf32> to vector<1x16xf32>
      tpu.vector_store %arg9[%swap3A_314, %swap3A_315], %swap3A_318 {strides = array<i32>} : memref<4x10000xf32, #tpu.memory_space<vmem>>, vector<1x16xf32>,
      %mul3A_319 = arith.constant 80 : i32
      %mul3A_320 = arith.muli %scan3A_255, %mul3A_319 : i32
      %add3A_321 = arith.constant 64 : i32
      %add3A_322 = arith.addi %mul3A_320, %add3A_321 : i32
      %get3A_323 = arith.constant 1 : i32
      %get3A_324 = arith.index_cast %get3A_323 : i32 to index
      %get3A_325 = arith.index_cast %add3A_322 : i32 to index
      %get3A_326 = tpu.vector_load %arg9[%get3A_324, %get3A_325] {strides = array<i32>} : memref<4x10000xf32, #tpu.memory_space<vmem>>, vector<1x16xf32>,
      %get3A_327 = vector.shape_cast %get3A_326 : vector<1x16xf32> to vector<16xf32>
      %sub3A_328 = arith.subf %get3A_327, %get3A_221 : vector<16xf32>
      %swap3A_329 = arith.constant 1 : i32
      %swap3A_330 = arith.index_cast %swap3A_329 : i32 to index
      %swap3A_331 = arith.index_cast %add3A_322 : i32 to index
      %swap3A_332 = tpu.vector_load %arg9[%swap3A_330, %swap3A_331] {strides = array<i32>} : memref<4x10000xf32, #tpu.memory_space<vmem>>, vector<1x16xf32>,
      %swap3A_333 = vector.shape_cast %swap3A_332 : vector<1x16xf32> to vector<16xf32>
      %swap3A_334 = vector.shape_cast %sub3A_328 : vector<16xf32> to vector<1x16xf32>
      tpu.vector_store %arg9[%swap3A_330, %swap3A_331], %swap3A_334 {strides = array<i32>} : memref<4x10000xf32, #tpu.memory_space<vmem>>, vector<1x16xf32>,
      %scan3A_335 = arith.constant 0 : i32
      scf.yield %scan3A_335 : i32
    }
    %scan3A_228 = arith.constant 125 : i32
    %get3A_229 = arith.constant 14 : i32
    %get3A_230 = arith.index_cast %get3A_229 : i32 to index
    %get3A_231 = arith.constant 0 : index
    %get3A_232 = tpu.vector_load %arg7[%get3A_230, %get3A_231] {strides = array<i32>} : memref<16x16xf32, #tpu.memory_space<vmem>>, vector<1x16xf32>,
    %get3A_233 = vector.shape_cast %get3A_232 : vector<1x16xf32> to vector<16xf32>
    %scan3A_234 = arith.constant 0 : i32
    %scan3A_235 = arith.constant 0 : i32
    %scan3A_236 = arith.constant 125 : i32
    %scan3A_237 = arith.addi %scan3A_235, %scan3A_236 : i32
    %scan3A_238 = arith.constant 1 : i32
    %scan3A_239 = scf.for %scan3A_255 = %scan3A_235 to %scan3A_237 step %scan3A_238 iter_args(%scan3A_256 = %scan3A_234) -> (i32)  : i32 {
      %mul3A_257 = arith.constant 80 : i32
      %mul3A_258 = arith.muli %scan3A_255, %mul3A_257 : i32
      %add3A_259 = arith.constant 0 : i32
      %add3A_260 = arith.addi %mul3A_258, %add3A_259 : i32
      %get3A_261 = arith.constant 2 : i32
      %get3A_262 = arith.index_cast %get3A_261 : i32 to index
      %get3A_263 = arith.index_cast %add3A_260 : i32 to index
      %get3A_264 = tpu.vector_load %arg9[%get3A_262, %get3A_263] {strides = array<i32>} : memref<4x10000xf32, #tpu.memory_space<vmem>>, vector<1x16xf32>,
      %get3A_265 = vector.shape_cast %get3A_264 : vector<1x16xf32> to vector<16xf32>
      %sub3A = arith.subf %get3A_265, %get3A_233 : vector<16xf32>
      %swap3A = arith.constant 2 : i32
      %swap3A_266 = arith.index_cast %swap3A : i32 to index
      %swap3A_267 = arith.index_cast %add3A_260 : i32 to index
      %swap3A_268 = tpu.vector_load %arg9[%swap3A_266, %swap3A_267] {strides = array<i32>} : memref<4x10000xf32, #tpu.memory_space<vmem>>, vector<1x16xf32>,
      %swap3A_269 = vector.shape_cast %swap3A_268 : vector<1x16xf32> to vector<16xf32>
      %swap3A_270 = vector.shape_cast %sub3A : vector<16xf32> to vector<1x16xf32>
      tpu.vector_store %arg9[%swap3A_266, %swap3A_267], %swap3A_270 {strides = array<i32>} : memref<4x10000xf32, #tpu.memory_space<vmem>>, vector<1x16xf32>,
      %mul3A_271 = arith.constant 80 : i32
      %mul3A_272 = arith.muli %scan3A_255, %mul3A_271 : i32
      %add3A_273 = arith.constant 16 : i32
      %add3A_274 = arith.addi %mul3A_272, %add3A_273 : i32
      %get3A_275 = arith.constant 2 : i32
      %get3A_276 = arith.index_cast %get3A_275 : i32 to index
      %get3A_277 = arith.index_cast %add3A_274 : i32 to index
      %get3A_278 = tpu.vector_load %arg9[%get3A_276, %get3A_277] {strides = array<i32>} : memref<4x10000xf32, #tpu.memory_space<vmem>>, vector<1x16xf32>,
      %get3A_279 = vector.shape_cast %get3A_278 : vector<1x16xf32> to vector<16xf32>
      %sub3A_280 = arith.subf %get3A_279, %get3A_233 : vector<16xf32>
      %swap3A_281 = arith.constant 2 : i32
      %swap3A_282 = arith.index_cast %swap3A_281 : i32 to index
      %swap3A_283 = arith.index_cast %add3A_274 : i32 to index
      %swap3A_284 = tpu.vector_load %arg9[%swap3A_282, %swap3A_283] {strides = array<i32>} : memref<4x10000xf32, #tpu.memory_space<vmem>>, vector<1x16xf32>,
      %swap3A_285 = vector.shape_cast %swap3A_284 : vector<1x16xf32> to vector<16xf32>
      %swap3A_286 = vector.shape_cast %sub3A_280 : vector<16xf32> to vector<1x16xf32>
      tpu.vector_store %arg9[%swap3A_282, %swap3A_283], %swap3A_286 {strides = array<i32>} : memref<4x10000xf32, #tpu.memory_space<vmem>>, vector<1x16xf32>,
      %mul3A_287 = arith.constant 80 : i32
      %mul3A_288 = arith.muli %scan3A_255, %mul3A_287 : i32
      %add3A_289 = arith.constant 32 : i32
      %add3A_290 = arith.addi %mul3A_288, %add3A_289 : i32
      %get3A_291 = arith.constant 2 : i32
      %get3A_292 = arith.index_cast %get3A_291 : i32 to index
      %get3A_293 = arith.index_cast %add3A_290 : i32 to index
      %get3A_294 = tpu.vector_load %arg9[%get3A_292, %get3A_293] {strides = array<i32>} : memref<4x10000xf32, #tpu.memory_space<vmem>>, vector<1x16xf32>,
      %get3A_295 = vector.shape_cast %get3A_294 : vector<1x16xf32> to vector<16xf32>
      %sub3A_296 = arith.subf %get3A_295, %get3A_233 : vector<16xf32>
      %swap3A_297 = arith.constant 2 : i32
      %swap3A_298 = arith.index_cast %swap3A_297 : i32 to index
      %swap3A_299 = arith.index_cast %add3A_290 : i32 to index
      %swap3A_300 = tpu.vector_load %arg9[%swap3A_298, %swap3A_299] {strides = array<i32>} : memref<4x10000xf32, #tpu.memory_space<vmem>>, vector<1x16xf32>,
      %swap3A_301 = vector.shape_cast %swap3A_300 : vector<1x16xf32> to vector<16xf32>
      %swap3A_302 = vector.shape_cast %sub3A_296 : vector<16xf32> to vector<1x16xf32>
      tpu.vector_store %arg9[%swap3A_298, %swap3A_299], %swap3A_302 {strides = array<i32>} : memref<4x10000xf32, #tpu.memory_space<vmem>>, vector<1x16xf32>,
      %mul3A_303 = arith.constant 80 : i32
      %mul3A_304 = arith.muli %scan3A_255, %mul3A_303 : i32
      %add3A_305 = arith.constant 48 : i32
      %add3A_306 = arith.addi %mul3A_304, %add3A_305 : i32
      %get3A_307 = arith.constant 2 : i32
      %get3A_308 = arith.index_cast %get3A_307 : i32 to index
      %get3A_309 = arith.index_cast %add3A_306 : i32 to index
      %get3A_310 = tpu.vector_load %arg9[%get3A_308, %get3A_309] {strides = array<i32>} : memref<4x10000xf32, #tpu.memory_space<vmem>>, vector<1x16xf32>,
      %get3A_311 = vector.shape_cast %get3A_310 : vector<1x16xf32> to vector<16xf32>
      %sub3A_312 = arith.subf %get3A_311, %get3A_233 : vector<16xf32>
      %swap3A_313 = arith.constant 2 : i32
      %swap3A_314 = arith.index_cast %swap3A_313 : i32 to index
      %swap3A_315 = arith.index_cast %add3A_306 : i32 to index
      %swap3A_316 = tpu.vector_load %arg9[%swap3A_314, %swap3A_315] {strides = array<i32>} : memref<4x10000xf32, #tpu.memory_space<vmem>>, vector<1x16xf32>,
      %swap3A_317 = vector.shape_cast %swap3A_316 : vector<1x16xf32> to vector<16xf32>
      %swap3A_318 = vector.shape_cast %sub3A_312 : vector<16xf32> to vector<1x16xf32>
      tpu.vector_store %arg9[%swap3A_314, %swap3A_315], %swap3A_318 {strides = array<i32>} : memref<4x10000xf32, #tpu.memory_space<vmem>>, vector<1x16xf32>,
      %mul3A_319 = arith.constant 80 : i32
      %mul3A_320 = arith.muli %scan3A_255, %mul3A_319 : i32
      %add3A_321 = arith.constant 64 : i32
      %add3A_322 = arith.addi %mul3A_320, %add3A_321 : i32
      %get3A_323 = arith.constant 2 : i32
      %get3A_324 = arith.index_cast %get3A_323 : i32 to index
      %get3A_325 = arith.index_cast %add3A_322 : i32 to index
      %get3A_326 = tpu.vector_load %arg9[%get3A_324, %get3A_325] {strides = array<i32>} : memref<4x10000xf32, #tpu.memory_space<vmem>>, vector<1x16xf32>,
      %get3A_327 = vector.shape_cast %get3A_326 : vector<1x16xf32> to vector<16xf32>
      %sub3A_328 = arith.subf %get3A_327, %get3A_233 : vector<16xf32>
      %swap3A_329 = arith.constant 2 : i32
      %swap3A_330 = arith.index_cast %swap3A_329 : i32 to index
      %swap3A_331 = arith.index_cast %add3A_322 : i32 to index
      %swap3A_332 = tpu.vector_load %arg9[%swap3A_330, %swap3A_331] {strides = array<i32>} : memref<4x10000xf32, #tpu.memory_space<vmem>>, vector<1x16xf32>,
      %swap3A_333 = vector.shape_cast %swap3A_332 : vector<1x16xf32> to vector<16xf32>
      %swap3A_334 = vector.shape_cast %sub3A_328 : vector<16xf32> to vector<1x16xf32>
      tpu.vector_store %arg9[%swap3A_330, %swap3A_331], %swap3A_334 {strides = array<i32>} : memref<4x10000xf32, #tpu.memory_space<vmem>>, vector<1x16xf32>,
      %scan3A_335 = arith.constant 0 : i32
      scf.yield %scan3A_335 : i32
    }
    %scan3A_240 = arith.constant 125 : i32
    %get3A_241 = arith.constant 15 : i32
    %get3A_242 = arith.index_cast %get3A_241 : i32 to index
    %get3A_243 = arith.constant 0 : index
    %get3A_244 = tpu.vector_load %arg7[%get3A_242, %get3A_243] {strides = array<i32>} : memref<16x16xf32, #tpu.memory_space<vmem>>, vector<1x16xf32>,
    %get3A_245 = vector.shape_cast %get3A_244 : vector<1x16xf32> to vector<16xf32>
    %scan3A_246 = arith.constant 0 : i32
    %scan3A_247 = arith.constant 0 : i32
    %scan3A_248 = arith.constant 125 : i32
    %scan3A_249 = arith.addi %scan3A_247, %scan3A_248 : i32
    %scan3A_250 = arith.constant 1 : i32
    %scan3A_251 = scf.for %scan3A_255 = %scan3A_247 to %scan3A_249 step %scan3A_250 iter_args(%scan3A_256 = %scan3A_246) -> (i32)  : i32 {
      %mul3A_257 = arith.constant 80 : i32
      %mul3A_258 = arith.muli %scan3A_255, %mul3A_257 : i32
      %add3A_259 = arith.constant 0 : i32
      %add3A_260 = arith.addi %mul3A_258, %add3A_259 : i32
      %get3A_261 = arith.constant 3 : i32
      %get3A_262 = arith.index_cast %get3A_261 : i32 to index
      %get3A_263 = arith.index_cast %add3A_260 : i32 to index
      %get3A_264 = tpu.vector_load %arg9[%get3A_262, %get3A_263] {strides = array<i32>} : memref<4x10000xf32, #tpu.memory_space<vmem>>, vector<1x16xf32>,
      %get3A_265 = vector.shape_cast %get3A_264 : vector<1x16xf32> to vector<16xf32>
      %sub3A = arith.subf %get3A_265, %get3A_245 : vector<16xf32>
      %swap3A = arith.constant 3 : i32
      %swap3A_266 = arith.index_cast %swap3A : i32 to index
      %swap3A_267 = arith.index_cast %add3A_260 : i32 to index
      %swap3A_268 = tpu.vector_load %arg9[%swap3A_266, %swap3A_267] {strides = array<i32>} : memref<4x10000xf32, #tpu.memory_space<vmem>>, vector<1x16xf32>,
      %swap3A_269 = vector.shape_cast %swap3A_268 : vector<1x16xf32> to vector<16xf32>
      %swap3A_270 = vector.shape_cast %sub3A : vector<16xf32> to vector<1x16xf32>
      tpu.vector_store %arg9[%swap3A_266, %swap3A_267], %swap3A_270 {strides = array<i32>} : memref<4x10000xf32, #tpu.memory_space<vmem>>, vector<1x16xf32>,
      %mul3A_271 = arith.constant 80 : i32
      %mul3A_272 = arith.muli %scan3A_255, %mul3A_271 : i32
      %add3A_273 = arith.constant 16 : i32
      %add3A_274 = arith.addi %mul3A_272, %add3A_273 : i32
      %get3A_275 = arith.constant 3 : i32
      %get3A_276 = arith.index_cast %get3A_275 : i32 to index
      %get3A_277 = arith.index_cast %add3A_274 : i32 to index
      %get3A_278 = tpu.vector_load %arg9[%get3A_276, %get3A_277] {strides = array<i32>} : memref<4x10000xf32, #tpu.memory_space<vmem>>, vector<1x16xf32>,
      %get3A_279 = vector.shape_cast %get3A_278 : vector<1x16xf32> to vector<16xf32>
      %sub3A_280 = arith.subf %get3A_279, %get3A_245 : vector<16xf32>
      %swap3A_281 = arith.constant 3 : i32
      %swap3A_282 = arith.index_cast %swap3A_281 : i32 to index
      %swap3A_283 = arith.index_cast %add3A_274 : i32 to index
      %swap3A_284 = tpu.vector_load %arg9[%swap3A_282, %swap3A_283] {strides = array<i32>} : memref<4x10000xf32, #tpu.memory_space<vmem>>, vector<1x16xf32>,
      %swap3A_285 = vector.shape_cast %swap3A_284 : vector<1x16xf32> to vector<16xf32>
      %swap3A_286 = vector.shape_cast %sub3A_280 : vector<16xf32> to vector<1x16xf32>
      tpu.vector_store %arg9[%swap3A_282, %swap3A_283], %swap3A_286 {strides = array<i32>} : memref<4x10000xf32, #tpu.memory_space<vmem>>, vector<1x16xf32>,
      %mul3A_287 = arith.constant 80 : i32
      %mul3A_288 = arith.muli %scan3A_255, %mul3A_287 : i32
      %add3A_289 = arith.constant 32 : i32
      %add3A_290 = arith.addi %mul3A_288, %add3A_289 : i32
      %get3A_291 = arith.constant 3 : i32
      %get3A_292 = arith.index_cast %get3A_291 : i32 to index
      %get3A_293 = arith.index_cast %add3A_290 : i32 to index
      %get3A_294 = tpu.vector_load %arg9[%get3A_292, %get3A_293] {strides = array<i32>} : memref<4x10000xf32, #tpu.memory_space<vmem>>, vector<1x16xf32>,
      %get3A_295 = vector.shape_cast %get3A_294 : vector<1x16xf32> to vector<16xf32>
      %sub3A_296 = arith.subf %get3A_295, %get3A_245 : vector<16xf32>
      %swap3A_297 = arith.constant 3 : i32
      %swap3A_298 = arith.index_cast %swap3A_297 : i32 to index
      %swap3A_299 = arith.index_cast %add3A_290 : i32 to index
      %swap3A_300 = tpu.vector_load %arg9[%swap3A_298, %swap3A_299] {strides = array<i32>} : memref<4x10000xf32, #tpu.memory_space<vmem>>, vector<1x16xf32>,
      %swap3A_301 = vector.shape_cast %swap3A_300 : vector<1x16xf32> to vector<16xf32>
      %swap3A_302 = vector.shape_cast %sub3A_296 : vector<16xf32> to vector<1x16xf32>
      tpu.vector_store %arg9[%swap3A_298, %swap3A_299], %swap3A_302 {strides = array<i32>} : memref<4x10000xf32, #tpu.memory_space<vmem>>, vector<1x16xf32>,
      %mul3A_303 = arith.constant 80 : i32
      %mul3A_304 = arith.muli %scan3A_255, %mul3A_303 : i32
      %add3A_305 = arith.constant 48 : i32
      %add3A_306 = arith.addi %mul3A_304, %add3A_305 : i32
      %get3A_307 = arith.constant 3 : i32
      %get3A_308 = arith.index_cast %get3A_307 : i32 to index
      %get3A_309 = arith.index_cast %add3A_306 : i32 to index
      %get3A_310 = tpu.vector_load %arg9[%get3A_308, %get3A_309] {strides = array<i32>} : memref<4x10000xf32, #tpu.memory_space<vmem>>, vector<1x16xf32>,
      %get3A_311 = vector.shape_cast %get3A_310 : vector<1x16xf32> to vector<16xf32>
      %sub3A_312 = arith.subf %get3A_311, %get3A_245 : vector<16xf32>
      %swap3A_313 = arith.constant 3 : i32
      %swap3A_314 = arith.index_cast %swap3A_313 : i32 to index
      %swap3A_315 = arith.index_cast %add3A_306 : i32 to index
      %swap3A_316 = tpu.vector_load %arg9[%swap3A_314, %swap3A_315] {strides = array<i32>} : memref<4x10000xf32, #tpu.memory_space<vmem>>, vector<1x16xf32>,
      %swap3A_317 = vector.shape_cast %swap3A_316 : vector<1x16xf32> to vector<16xf32>
      %swap3A_318 = vector.shape_cast %sub3A_312 : vector<16xf32> to vector<1x16xf32>
      tpu.vector_store %arg9[%swap3A_314, %swap3A_315], %swap3A_318 {strides = array<i32>} : memref<4x10000xf32, #tpu.memory_space<vmem>>, vector<1x16xf32>,
      %mul3A_319 = arith.constant 80 : i32
      %mul3A_320 = arith.muli %scan3A_255, %mul3A_319 : i32
      %add3A_321 = arith.constant 64 : i32
      %add3A_322 = arith.addi %mul3A_320, %add3A_321 : i32
      %get3A_323 = arith.constant 3 : i32
      %get3A_324 = arith.index_cast %get3A_323 : i32 to index
      %get3A_325 = arith.index_cast %add3A_322 : i32 to index
      %get3A_326 = tpu.vector_load %arg9[%get3A_324, %get3A_325] {strides = array<i32>} : memref<4x10000xf32, #tpu.memory_space<vmem>>, vector<1x16xf32>,
      %get3A_327 = vector.shape_cast %get3A_326 : vector<1x16xf32> to vector<16xf32>
      %sub3A_328 = arith.subf %get3A_327, %get3A_245 : vector<16xf32>
      %swap3A_329 = arith.constant 3 : i32
      %swap3A_330 = arith.index_cast %swap3A_329 : i32 to index
      %swap3A_331 = arith.index_cast %add3A_322 : i32 to index
      %swap3A_332 = tpu.vector_load %arg9[%swap3A_330, %swap3A_331] {strides = array<i32>} : memref<4x10000xf32, #tpu.memory_space<vmem>>, vector<1x16xf32>,
      %swap3A_333 = vector.shape_cast %swap3A_332 : vector<1x16xf32> to vector<16xf32>
      %swap3A_334 = vector.shape_cast %sub3A_328 : vector<16xf32> to vector<1x16xf32>
      tpu.vector_store %arg9[%swap3A_330, %swap3A_331], %swap3A_334 {strides = array<i32>} : memref<4x10000xf32, #tpu.memory_space<vmem>>, vector<1x16xf32>,
      %scan3A_335 = arith.constant 0 : i32
      scf.yield %scan3A_335 : i32
    }
    %scan3A_252 = arith.constant 125 : i32
    %add3A_253 = arith.constant 12 : i32
    %add3A_254 = arith.addi %mul3A_2, %add3A_253 : i32
    "tpu.region"() ({
      %run_scoped3A = tpu.sem_alloc : memref<!tpu.dma_semaphore, #tpu.memory_space<semaphore_mem>>
      %dma_start3A_255 = arith.constant 0 : i32
      %dma_start3A_256 = tpu.memref_slice %arg5[%add3A_254, %dma_start3A_255] : memref<512x10000xf32, #tpu.memory_space<hbm>> -> memref<4x10000xf32, #tpu.memory_space<hbm>>
      %dma_start3A_257 = arith.constant 0 : i32
      %dma_start3A_258 = tpu.memref_slice %arg5[%add3A_254, %dma_start3A_257] : memref<512x10000xf32, #tpu.memory_space<hbm>> -> memref<4x10000xf32, #tpu.memory_space<hbm>>
      tpu.enqueue_dma source(%arg9 : memref<4x10000xf32, #tpu.memory_space<vmem>>) target(%dma_start3A_258 : memref<4x10000xf32, #tpu.memory_space<hbm>>) target_semaphore(%run_scoped3A : memref<!tpu.dma_semaphore, #tpu.memory_space<semaphore_mem>>)
      %dma_wait3A_259 = arith.constant 0 : i32
      %dma_wait3A_260 = tpu.memref_slice %arg5[%add3A_254, %dma_wait3A_259] : memref<512x10000xf32, #tpu.memory_space<hbm>> -> memref<4x10000xf32, #tpu.memory_space<hbm>>
      %dma_wait3A_261 = arith.constant 0 : i32
      %dma_wait3A_262 = tpu.memref_slice %arg5[%add3A_254, %dma_wait3A_261] : memref<512x10000xf32, #tpu.memory_space<hbm>> -> memref<4x10000xf32, #tpu.memory_space<hbm>>
      tpu.wait_dma2 semaphore(%run_scoped3A : memref<!tpu.dma_semaphore, #tpu.memory_space<semaphore_mem>>) src(%arg9 : memref<4x10000xf32, #tpu.memory_space<vmem>>) dst(%dma_wait3A_262 : memref<4x10000xf32, #tpu.memory_space<hbm>>)
      tpu.yield
    }) : () -> ()
    return
  }
}

module attributes {stable_mosaic.version = 14 : i64} {
  func.func @_stats_body(%arg0: i32, %arg1: memref<2x128x10000xf32, #tpu.memory_space<vmem>>, %arg2: memref<2x128x1xf32, #tpu.memory_space<vmem>>, %arg3: memref<2x128x1xf32, #tpu.memory_space<vmem>>, %arg4: memref<2x128x4xf32, #tpu.memory_space<vmem>>) attributes {dimension_semantics = [#tpu.dimension_semantics<parallel>], iteration_bounds = array<i64: 8>, scalar_prefetch = 0 : i64, scratch_operands = 0 : i64, tpu.core_type = #tpu.core_type<tc>, window_params = [{transform_indices = @transform_0, window_bounds = array<i64: 2, 128, 10000>}, {transform_indices = @transform_1, window_bounds = array<i64: 2, 128, 1>}, {transform_indices = @transform_2, window_bounds = array<i64: 2, 128, 1>}, {transform_indices = @transform_3, window_bounds = array<i64: 2, 128, 4>}]} {
    %get3A = arith.constant 0 : index
    %get3A_0 = arith.constant 0 : index
    %get3A_1 = arith.constant 0 : index
    %get3A_2 = vector.load %arg1[%get3A, %get3A_0, %get3A_1] : memref<2x128x10000xf32, #tpu.memory_space<vmem>>, vector<2x128x10000xf32>
    %reduce_max3A = arith.constant dense<0xFF800000> : vector<2x128xf32>
    %reduce_max3A_3 = vector.multi_reduction <maximumf>, %get3A_2, %reduce_max3A [2] : vector<2x128x10000xf32> to vector<2x128xf32>
    %broadcast_in_dim3A = vector.shape_cast %reduce_max3A_3 : vector<2x128xf32> to vector<2x128x1xf32>
    %sub3A = vector.broadcast %broadcast_in_dim3A : vector<2x128x1xf32> to vector<2x128x10000xf32>
    %sub3A_4 = arith.subf %get3A_2, %sub3A : vector<2x128x10000xf32>
    %exp3A = math.exp %sub3A_4 : vector<2x128x10000xf32>
    %reduce_sum3A = arith.constant dense<0.000000e+00> : vector<2x128xf32>
    %reduce_sum3A_5 = vector.multi_reduction <add>, %exp3A, %reduce_sum3A [2] : vector<2x128x10000xf32> to vector<2x128xf32>
    %broadcast_in_dim3A_6 = vector.shape_cast %reduce_sum3A_5 : vector<2x128xf32> to vector<2x128x1xf32>
    %log3A = math.log %broadcast_in_dim3A_6 : vector<2x128x1xf32>
    %add3A = arith.addf %log3A, %broadcast_in_dim3A : vector<2x128x1xf32>
    %swap3A = arith.constant 0 : index
    %swap3A_7 = arith.constant 0 : index
    %swap3A_8 = arith.constant 0 : index
    %swap3A_9 = vector.load %arg2[%swap3A, %swap3A_7, %swap3A_8] : memref<2x128x1xf32, #tpu.memory_space<vmem>>, vector<2x128x1xf32>
    tpu.vector_store %arg2[%swap3A, %swap3A_7, %swap3A_8], %add3A {strides = array<i32>} : memref<2x128x1xf32, #tpu.memory_space<vmem>>, vector<2x128x1xf32>,
    %mul3A = arith.constant 2 : i32
    %mul3A_10 = arith.muli %mul3A, %arg0 : i32
    %iota3A = tpu.iota {dimensions = array<i32: 0>} : vector<2x128x1xi32>
    %add3A_11 = vector.broadcast %mul3A_10 : i32 to vector<2x128x1xi32>
    %add3A_12 = arith.addi %add3A_11, %iota3A : vector<2x128x1xi32>
    %slice3A = vector.extract_strided_slice %get3A_2 {offsets = [0, 0, 2], sizes = [2, 128, 1], strides = [1, 1, 1]} : vector<2x128x10000xf32> to vector<2x128x1xf32>
    %sub3A_13 = arith.subf %slice3A, %broadcast_in_dim3A : vector<2x128x1xf32>
    %sub3A_14 = arith.subf %sub3A_13, %log3A : vector<2x128x1xf32>
    %lt3A = arith.constant 5 : i32
    %lt3A_15 = vector.broadcast %lt3A : i32 to vector<2x128x1xi32>
    %lt3A_16 = arith.cmpi slt, %add3A_12, %lt3A_15 : vector<2x128x1xi32>
    %jit3A = arith.constant -1.000000e+30 : f32
    %broadcast_in_dim3A_17 = vector.broadcast %jit3A : f32 to vector<2x128x1xf32>
    %select_n3A = arith.select %lt3A_16, %broadcast_in_dim3A_17, %sub3A_14 : vector<2x128x1xi1>, vector<2x128x1xf32>
    %swap3A_18 = arith.constant 0 : index
    %swap3A_19 = arith.constant 0 : index
    %swap3A_20 = arith.constant 0 : index
    %swap3A_21 = vector.load %arg3[%swap3A_18, %swap3A_19, %swap3A_20] : memref<2x128x1xf32, #tpu.memory_space<vmem>>, vector<2x128x1xf32>
    tpu.vector_store %arg3[%swap3A_18, %swap3A_19, %swap3A_20], %select_n3A {strides = array<i32>} : memref<2x128x1xf32, #tpu.memory_space<vmem>>, vector<2x128x1xf32>,
    %iota3A_22 = tpu.iota {dimensions = array<i32: 2>} : vector<2x128x10000xi32>
    %eq3A = arith.constant 2 : i32
    %eq3A_23 = vector.broadcast %eq3A : i32 to vector<2x128x10000xi32>
    %eq3A_24 = arith.cmpi eq, %iota3A_22, %eq3A_23 : vector<2x128x10000xi32>
    %jit3A_25 = arith.constant 0xFF800000 : f32
    %broadcast_in_dim3A_26 = vector.broadcast %jit3A_25 : f32 to vector<2x128x10000xf32>
    %select_n3A_27 = arith.select %eq3A_24, %broadcast_in_dim3A_26, %get3A_2 : vector<2x128x10000xi1>, vector<2x128x10000xf32>
    %broadcast_in_dim3A_28 = arith.constant 0xFF800000 : f32
    %broadcast_in_dim3A_29 = vector.broadcast %broadcast_in_dim3A_28 : f32 to vector<2x128x500xf32>
    %slice3A_30 = vector.extract_strided_slice %select_n3A_27 {offsets = [0, 0, 0], sizes = [2, 128, 500], strides = [1, 1, 1]} : vector<2x128x10000xf32> to vector<2x128x500xf32>
    %max3A = arith.maximumf %broadcast_in_dim3A_29, %slice3A_30 : vector<2x128x500xf32>
    %min3A = arith.minimumf %broadcast_in_dim3A_29, %slice3A_30 : vector<2x128x500xf32>
    %max3A_31 = arith.maximumf %broadcast_in_dim3A_29, %min3A : vector<2x128x500xf32>
    %min3A_32 = arith.minimumf %broadcast_in_dim3A_29, %min3A : vector<2x128x500xf32>
    %max3A_33 = arith.maximumf %broadcast_in_dim3A_29, %min3A_32 : vector<2x128x500xf32>
    %min3A_34 = arith.minimumf %broadcast_in_dim3A_29, %min3A_32 : vector<2x128x500xf32>
    %max3A_35 = arith.maximumf %broadcast_in_dim3A_29, %min3A_34 : vector<2x128x500xf32>
    %slice3A_36 = vector.extract_strided_slice %select_n3A_27 {offsets = [0, 0, 500], sizes = [2, 128, 500], strides = [1, 1, 1]} : vector<2x128x10000xf32> to vector<2x128x500xf32>
    %max3A_37 = arith.maximumf %max3A, %slice3A_36 : vector<2x128x500xf32>
    %min3A_38 = arith.minimumf %max3A, %slice3A_36 : vector<2x128x500xf32>
    %max3A_39 = arith.maximumf %max3A_31, %min3A_38 : vector<2x128x500xf32>
    %min3A_40 = arith.minimumf %max3A_31, %min3A_38 : vector<2x128x500xf32>
    %max3A_41 = arith.maximumf %max3A_33, %min3A_40 : vector<2x128x500xf32>
    %min3A_42 = arith.minimumf %max3A_33, %min3A_40 : vector<2x128x500xf32>
    %max3A_43 = arith.maximumf %max3A_35, %min3A_42 : vector<2x128x500xf32>
    %slice3A_44 = vector.extract_strided_slice %select_n3A_27 {offsets = [0, 0, 1000], sizes = [2, 128, 500], strides = [1, 1, 1]} : vector<2x128x10000xf32> to vector<2x128x500xf32>
    %max3A_45 = arith.maximumf %max3A_37, %slice3A_44 : vector<2x128x500xf32>
    %min3A_46 = arith.minimumf %max3A_37, %slice3A_44 : vector<2x128x500xf32>
    %max3A_47 = arith.maximumf %max3A_39, %min3A_46 : vector<2x128x500xf32>
    %min3A_48 = arith.minimumf %max3A_39, %min3A_46 : vector<2x128x500xf32>
    %max3A_49 = arith.maximumf %max3A_41, %min3A_48 : vector<2x128x500xf32>
    %min3A_50 = arith.minimumf %max3A_41, %min3A_48 : vector<2x128x500xf32>
    %max3A_51 = arith.maximumf %max3A_43, %min3A_50 : vector<2x128x500xf32>
    %slice3A_52 = vector.extract_strided_slice %select_n3A_27 {offsets = [0, 0, 1500], sizes = [2, 128, 500], strides = [1, 1, 1]} : vector<2x128x10000xf32> to vector<2x128x500xf32>
    %max3A_53 = arith.maximumf %max3A_45, %slice3A_52 : vector<2x128x500xf32>
    %min3A_54 = arith.minimumf %max3A_45, %slice3A_52 : vector<2x128x500xf32>
    %max3A_55 = arith.maximumf %max3A_47, %min3A_54 : vector<2x128x500xf32>
    %min3A_56 = arith.minimumf %max3A_47, %min3A_54 : vector<2x128x500xf32>
    %max3A_57 = arith.maximumf %max3A_49, %min3A_56 : vector<2x128x500xf32>
    %min3A_58 = arith.minimumf %max3A_49, %min3A_56 : vector<2x128x500xf32>
    %max3A_59 = arith.maximumf %max3A_51, %min3A_58 : vector<2x128x500xf32>
    %slice3A_60 = vector.extract_strided_slice %select_n3A_27 {offsets = [0, 0, 2000], sizes = [2, 128, 500], strides = [1, 1, 1]} : vector<2x128x10000xf32> to vector<2x128x500xf32>
    %max3A_61 = arith.maximumf %max3A_53, %slice3A_60 : vector<2x128x500xf32>
    %min3A_62 = arith.minimumf %max3A_53, %slice3A_60 : vector<2x128x500xf32>
    %max3A_63 = arith.maximumf %max3A_55, %min3A_62 : vector<2x128x500xf32>
    %min3A_64 = arith.minimumf %max3A_55, %min3A_62 : vector<2x128x500xf32>
    %max3A_65 = arith.maximumf %max3A_57, %min3A_64 : vector<2x128x500xf32>
    %min3A_66 = arith.minimumf %max3A_57, %min3A_64 : vector<2x128x500xf32>
    %max3A_67 = arith.maximumf %max3A_59, %min3A_66 : vector<2x128x500xf32>
    %slice3A_68 = vector.extract_strided_slice %select_n3A_27 {offsets = [0, 0, 2500], sizes = [2, 128, 500], strides = [1, 1, 1]} : vector<2x128x10000xf32> to vector<2x128x500xf32>
    %max3A_69 = arith.maximumf %max3A_61, %slice3A_68 : vector<2x128x500xf32>
    %min3A_70 = arith.minimumf %max3A_61, %slice3A_68 : vector<2x128x500xf32>
    %max3A_71 = arith.maximumf %max3A_63, %min3A_70 : vector<2x128x500xf32>
    %min3A_72 = arith.minimumf %max3A_63, %min3A_70 : vector<2x128x500xf32>
    %max3A_73 = arith.maximumf %max3A_65, %min3A_72 : vector<2x128x500xf32>
    %min3A_74 = arith.minimumf %max3A_65, %min3A_72 : vector<2x128x500xf32>
    %max3A_75 = arith.maximumf %max3A_67, %min3A_74 : vector<2x128x500xf32>
    %slice3A_76 = vector.extract_strided_slice %select_n3A_27 {offsets = [0, 0, 3000], sizes = [2, 128, 500], strides = [1, 1, 1]} : vector<2x128x10000xf32> to vector<2x128x500xf32>
    %max3A_77 = arith.maximumf %max3A_69, %slice3A_76 : vector<2x128x500xf32>
    %min3A_78 = arith.minimumf %max3A_69, %slice3A_76 : vector<2x128x500xf32>
    %max3A_79 = arith.maximumf %max3A_71, %min3A_78 : vector<2x128x500xf32>
    %min3A_80 = arith.minimumf %max3A_71, %min3A_78 : vector<2x128x500xf32>
    %max3A_81 = arith.maximumf %max3A_73, %min3A_80 : vector<2x128x500xf32>
    %min3A_82 = arith.minimumf %max3A_73, %min3A_80 : vector<2x128x500xf32>
    %max3A_83 = arith.maximumf %max3A_75, %min3A_82 : vector<2x128x500xf32>
    %slice3A_84 = vector.extract_strided_slice %select_n3A_27 {offsets = [0, 0, 3500], sizes = [2, 128, 500], strides = [1, 1, 1]} : vector<2x128x10000xf32> to vector<2x128x500xf32>
    %max3A_85 = arith.maximumf %max3A_77, %slice3A_84 : vector<2x128x500xf32>
    %min3A_86 = arith.minimumf %max3A_77, %slice3A_84 : vector<2x128x500xf32>
    %max3A_87 = arith.maximumf %max3A_79, %min3A_86 : vector<2x128x500xf32>
    %min3A_88 = arith.minimumf %max3A_79, %min3A_86 : vector<2x128x500xf32>
    %max3A_89 = arith.maximumf %max3A_81, %min3A_88 : vector<2x128x500xf32>
    %min3A_90 = arith.minimumf %max3A_81, %min3A_88 : vector<2x128x500xf32>
    %max3A_91 = arith.maximumf %max3A_83, %min3A_90 : vector<2x128x500xf32>
    %slice3A_92 = vector.extract_strided_slice %select_n3A_27 {offsets = [0, 0, 4000], sizes = [2, 128, 500], strides = [1, 1, 1]} : vector<2x128x10000xf32> to vector<2x128x500xf32>
    %max3A_93 = arith.maximumf %max3A_85, %slice3A_92 : vector<2x128x500xf32>
    %min3A_94 = arith.minimumf %max3A_85, %slice3A_92 : vector<2x128x500xf32>
    %max3A_95 = arith.maximumf %max3A_87, %min3A_94 : vector<2x128x500xf32>
    %min3A_96 = arith.minimumf %max3A_87, %min3A_94 : vector<2x128x500xf32>
    %max3A_97 = arith.maximumf %max3A_89, %min3A_96 : vector<2x128x500xf32>
    %min3A_98 = arith.minimumf %max3A_89, %min3A_96 : vector<2x128x500xf32>
    %max3A_99 = arith.maximumf %max3A_91, %min3A_98 : vector<2x128x500xf32>
    %slice3A_100 = vector.extract_strided_slice %select_n3A_27 {offsets = [0, 0, 4500], sizes = [2, 128, 500], strides = [1, 1, 1]} : vector<2x128x10000xf32> to vector<2x128x500xf32>
    %max3A_101 = arith.maximumf %max3A_93, %slice3A_100 : vector<2x128x500xf32>
    %min3A_102 = arith.minimumf %max3A_93, %slice3A_100 : vector<2x128x500xf32>
    %max3A_103 = arith.maximumf %max3A_95, %min3A_102 : vector<2x128x500xf32>
    %min3A_104 = arith.minimumf %max3A_95, %min3A_102 : vector<2x128x500xf32>
    %max3A_105 = arith.maximumf %max3A_97, %min3A_104 : vector<2x128x500xf32>
    %min3A_106 = arith.minimumf %max3A_97, %min3A_104 : vector<2x128x500xf32>
    %max3A_107 = arith.maximumf %max3A_99, %min3A_106 : vector<2x128x500xf32>
    %slice3A_108 = vector.extract_strided_slice %select_n3A_27 {offsets = [0, 0, 5000], sizes = [2, 128, 500], strides = [1, 1, 1]} : vector<2x128x10000xf32> to vector<2x128x500xf32>
    %max3A_109 = arith.maximumf %max3A_101, %slice3A_108 : vector<2x128x500xf32>
    %min3A_110 = arith.minimumf %max3A_101, %slice3A_108 : vector<2x128x500xf32>
    %max3A_111 = arith.maximumf %max3A_103, %min3A_110 : vector<2x128x500xf32>
    %min3A_112 = arith.minimumf %max3A_103, %min3A_110 : vector<2x128x500xf32>
    %max3A_113 = arith.maximumf %max3A_105, %min3A_112 : vector<2x128x500xf32>
    %min3A_114 = arith.minimumf %max3A_105, %min3A_112 : vector<2x128x500xf32>
    %max3A_115 = arith.maximumf %max3A_107, %min3A_114 : vector<2x128x500xf32>
    %slice3A_116 = vector.extract_strided_slice %select_n3A_27 {offsets = [0, 0, 5500], sizes = [2, 128, 500], strides = [1, 1, 1]} : vector<2x128x10000xf32> to vector<2x128x500xf32>
    %max3A_117 = arith.maximumf %max3A_109, %slice3A_116 : vector<2x128x500xf32>
    %min3A_118 = arith.minimumf %max3A_109, %slice3A_116 : vector<2x128x500xf32>
    %max3A_119 = arith.maximumf %max3A_111, %min3A_118 : vector<2x128x500xf32>
    %min3A_120 = arith.minimumf %max3A_111, %min3A_118 : vector<2x128x500xf32>
    %max3A_121 = arith.maximumf %max3A_113, %min3A_120 : vector<2x128x500xf32>
    %min3A_122 = arith.minimumf %max3A_113, %min3A_120 : vector<2x128x500xf32>
    %max3A_123 = arith.maximumf %max3A_115, %min3A_122 : vector<2x128x500xf32>
    %slice3A_124 = vector.extract_strided_slice %select_n3A_27 {offsets = [0, 0, 6000], sizes = [2, 128, 500], strides = [1, 1, 1]} : vector<2x128x10000xf32> to vector<2x128x500xf32>
    %max3A_125 = arith.maximumf %max3A_117, %slice3A_124 : vector<2x128x500xf32>
    %min3A_126 = arith.minimumf %max3A_117, %slice3A_124 : vector<2x128x500xf32>
    %max3A_127 = arith.maximumf %max3A_119, %min3A_126 : vector<2x128x500xf32>
    %min3A_128 = arith.minimumf %max3A_119, %min3A_126 : vector<2x128x500xf32>
    %max3A_129 = arith.maximumf %max3A_121, %min3A_128 : vector<2x128x500xf32>
    %min3A_130 = arith.minimumf %max3A_121, %min3A_128 : vector<2x128x500xf32>
    %max3A_131 = arith.maximumf %max3A_123, %min3A_130 : vector<2x128x500xf32>
    %slice3A_132 = vector.extract_strided_slice %select_n3A_27 {offsets = [0, 0, 6500], sizes = [2, 128, 500], strides = [1, 1, 1]} : vector<2x128x10000xf32> to vector<2x128x500xf32>
    %max3A_133 = arith.maximumf %max3A_125, %slice3A_132 : vector<2x128x500xf32>
    %min3A_134 = arith.minimumf %max3A_125, %slice3A_132 : vector<2x128x500xf32>
    %max3A_135 = arith.maximumf %max3A_127, %min3A_134 : vector<2x128x500xf32>
    %min3A_136 = arith.minimumf %max3A_127, %min3A_134 : vector<2x128x500xf32>
    %max3A_137 = arith.maximumf %max3A_129, %min3A_136 : vector<2x128x500xf32>
    %min3A_138 = arith.minimumf %max3A_129, %min3A_136 : vector<2x128x500xf32>
    %max3A_139 = arith.maximumf %max3A_131, %min3A_138 : vector<2x128x500xf32>
    %slice3A_140 = vector.extract_strided_slice %select_n3A_27 {offsets = [0, 0, 7000], sizes = [2, 128, 500], strides = [1, 1, 1]} : vector<2x128x10000xf32> to vector<2x128x500xf32>
    %max3A_141 = arith.maximumf %max3A_133, %slice3A_140 : vector<2x128x500xf32>
    %min3A_142 = arith.minimumf %max3A_133, %slice3A_140 : vector<2x128x500xf32>
    %max3A_143 = arith.maximumf %max3A_135, %min3A_142 : vector<2x128x500xf32>
    %min3A_144 = arith.minimumf %max3A_135, %min3A_142 : vector<2x128x500xf32>
    %max3A_145 = arith.maximumf %max3A_137, %min3A_144 : vector<2x128x500xf32>
    %min3A_146 = arith.minimumf %max3A_137, %min3A_144 : vector<2x128x500xf32>
    %max3A_147 = arith.maximumf %max3A_139, %min3A_146 : vector<2x128x500xf32>
    %slice3A_148 = vector.extract_strided_slice %select_n3A_27 {offsets = [0, 0, 7500], sizes = [2, 128, 500], strides = [1, 1, 1]} : vector<2x128x10000xf32> to vector<2x128x500xf32>
    %max3A_149 = arith.maximumf %max3A_141, %slice3A_148 : vector<2x128x500xf32>
    %min3A_150 = arith.minimumf %max3A_141, %slice3A_148 : vector<2x128x500xf32>
    %max3A_151 = arith.maximumf %max3A_143, %min3A_150 : vector<2x128x500xf32>
    %min3A_152 = arith.minimumf %max3A_143, %min3A_150 : vector<2x128x500xf32>
    %max3A_153 = arith.maximumf %max3A_145, %min3A_152 : vector<2x128x500xf32>
    %min3A_154 = arith.minimumf %max3A_145, %min3A_152 : vector<2x128x500xf32>
    %max3A_155 = arith.maximumf %max3A_147, %min3A_154 : vector<2x128x500xf32>
    %slice3A_156 = vector.extract_strided_slice %select_n3A_27 {offsets = [0, 0, 8000], sizes = [2, 128, 500], strides = [1, 1, 1]} : vector<2x128x10000xf32> to vector<2x128x500xf32>
    %max3A_157 = arith.maximumf %max3A_149, %slice3A_156 : vector<2x128x500xf32>
    %min3A_158 = arith.minimumf %max3A_149, %slice3A_156 : vector<2x128x500xf32>
    %max3A_159 = arith.maximumf %max3A_151, %min3A_158 : vector<2x128x500xf32>
    %min3A_160 = arith.minimumf %max3A_151, %min3A_158 : vector<2x128x500xf32>
    %max3A_161 = arith.maximumf %max3A_153, %min3A_160 : vector<2x128x500xf32>
    %min3A_162 = arith.minimumf %max3A_153, %min3A_160 : vector<2x128x500xf32>
    %max3A_163 = arith.maximumf %max3A_155, %min3A_162 : vector<2x128x500xf32>
    %slice3A_164 = vector.extract_strided_slice %select_n3A_27 {offsets = [0, 0, 8500], sizes = [2, 128, 500], strides = [1, 1, 1]} : vector<2x128x10000xf32> to vector<2x128x500xf32>
    %max3A_165 = arith.maximumf %max3A_157, %slice3A_164 : vector<2x128x500xf32>
    %min3A_166 = arith.minimumf %max3A_157, %slice3A_164 : vector<2x128x500xf32>
    %max3A_167 = arith.maximumf %max3A_159, %min3A_166 : vector<2x128x500xf32>
    %min3A_168 = arith.minimumf %max3A_159, %min3A_166 : vector<2x128x500xf32>
    %max3A_169 = arith.maximumf %max3A_161, %min3A_168 : vector<2x128x500xf32>
    %min3A_170 = arith.minimumf %max3A_161, %min3A_168 : vector<2x128x500xf32>
    %max3A_171 = arith.maximumf %max3A_163, %min3A_170 : vector<2x128x500xf32>
    %slice3A_172 = vector.extract_strided_slice %select_n3A_27 {offsets = [0, 0, 9000], sizes = [2, 128, 500], strides = [1, 1, 1]} : vector<2x128x10000xf32> to vector<2x128x500xf32>
    %max3A_173 = arith.maximumf %max3A_165, %slice3A_172 : vector<2x128x500xf32>
    %min3A_174 = arith.minimumf %max3A_165, %slice3A_172 : vector<2x128x500xf32>
    %max3A_175 = arith.maximumf %max3A_167, %min3A_174 : vector<2x128x500xf32>
    %min3A_176 = arith.minimumf %max3A_167, %min3A_174 : vector<2x128x500xf32>
    %max3A_177 = arith.maximumf %max3A_169, %min3A_176 : vector<2x128x500xf32>
    %min3A_178 = arith.minimumf %max3A_169, %min3A_176 : vector<2x128x500xf32>
    %max3A_179 = arith.maximumf %max3A_171, %min3A_178 : vector<2x128x500xf32>
    %slice3A_180 = vector.extract_strided_slice %select_n3A_27 {offsets = [0, 0, 9500], sizes = [2, 128, 500], strides = [1, 1, 1]} : vector<2x128x10000xf32> to vector<2x128x500xf32>
    %max3A_181 = arith.maximumf %max3A_173, %slice3A_180 : vector<2x128x500xf32>
    %min3A_182 = arith.minimumf %max3A_173, %slice3A_180 : vector<2x128x500xf32>
    %max3A_183 = arith.maximumf %max3A_175, %min3A_182 : vector<2x128x500xf32>
    %min3A_184 = arith.minimumf %max3A_175, %min3A_182 : vector<2x128x500xf32>
    %max3A_185 = arith.maximumf %max3A_177, %min3A_184 : vector<2x128x500xf32>
    %min3A_186 = arith.minimumf %max3A_177, %min3A_184 : vector<2x128x500xf32>
    %max3A_187 = arith.maximumf %max3A_179, %min3A_186 : vector<2x128x500xf32>
    %slice3A_188 = vector.extract_strided_slice %max3A_181 {offsets = [0, 0, 0], sizes = [2, 128, 250], strides = [1, 1, 1]} : vector<2x128x500xf32> to vector<2x128x250xf32>
    %slice3A_189 = vector.extract_strided_slice %max3A_183 {offsets = [0, 0, 0], sizes = [2, 128, 250], strides = [1, 1, 1]} : vector<2x128x500xf32> to vector<2x128x250xf32>
    %slice3A_190 = vector.extract_strided_slice %max3A_185 {offsets = [0, 0, 0], sizes = [2, 128, 250], strides = [1, 1, 1]} : vector<2x128x500xf32> to vector<2x128x250xf32>
    %slice3A_191 = vector.extract_strided_slice %max3A_187 {offsets = [0, 0, 0], sizes = [2, 128, 250], strides = [1, 1, 1]} : vector<2x128x500xf32> to vector<2x128x250xf32>
    %slice3A_192 = vector.extract_strided_slice %max3A_181 {offsets = [0, 0, 250], sizes = [2, 128, 250], strides = [1, 1, 1]} : vector<2x128x500xf32> to vector<2x128x250xf32>
    %slice3A_193 = vector.extract_strided_slice %max3A_183 {offsets = [0, 0, 250], sizes = [2, 128, 250], strides = [1, 1, 1]} : vector<2x128x500xf32> to vector<2x128x250xf32>
    %slice3A_194 = vector.extract_strided_slice %max3A_185 {offsets = [0, 0, 250], sizes = [2, 128, 250], strides = [1, 1, 1]} : vector<2x128x500xf32> to vector<2x128x250xf32>
    %slice3A_195 = vector.extract_strided_slice %max3A_187 {offsets = [0, 0, 250], sizes = [2, 128, 250], strides = [1, 1, 1]} : vector<2x128x500xf32> to vector<2x128x250xf32>
    %max3A_196 = arith.maximumf %slice3A_188, %slice3A_195 : vector<2x128x250xf32>
    %max3A_197 = arith.maximumf %slice3A_189, %slice3A_194 : vector<2x128x250xf32>
    %max3A_198 = arith.maximumf %slice3A_190, %slice3A_193 : vector<2x128x250xf32>
    %max3A_199 = arith.maximumf %slice3A_191, %slice3A_192 : vector<2x128x250xf32>
    %max3A_200 = arith.maximumf %max3A_196, %max3A_198 : vector<2x128x250xf32>
    %min3A_201 = arith.minimumf %max3A_196, %max3A_198 : vector<2x128x250xf32>
    %max3A_202 = arith.maximumf %max3A_197, %max3A_199 : vector<2x128x250xf32>
    %min3A_203 = arith.minimumf %max3A_197, %max3A_199 : vector<2x128x250xf32>
    %max3A_204 = arith.maximumf %max3A_200, %max3A_202 : vector<2x128x250xf32>
    %min3A_205 = arith.minimumf %max3A_200, %max3A_202 : vector<2x128x250xf32>
    %max3A_206 = arith.maximumf %min3A_201, %min3A_203 : vector<2x128x250xf32>
    %min3A_207 = arith.minimumf %min3A_201, %min3A_203 : vector<2x128x250xf32>
    %slice3A_208 = vector.extract_strided_slice %max3A_204 {offsets = [0, 0, 0], sizes = [2, 128, 125], strides = [1, 1, 1]} : vector<2x128x250xf32> to vector<2x128x125xf32>
    %slice3A_209 = vector.extract_strided_slice %min3A_205 {offsets = [0, 0, 0], sizes = [2, 128, 125], strides = [1, 1, 1]} : vector<2x128x250xf32> to vector<2x128x125xf32>
    %slice3A_210 = vector.extract_strided_slice %max3A_206 {offsets = [0, 0, 0], sizes = [2, 128, 125], strides = [1, 1, 1]} : vector<2x128x250xf32> to vector<2x128x125xf32>
    %slice3A_211 = vector.extract_strided_slice %min3A_207 {offsets = [0, 0, 0], sizes = [2, 128, 125], strides = [1, 1, 1]} : vector<2x128x250xf32> to vector<2x128x125xf32>
    %slice3A_212 = vector.extract_strided_slice %max3A_204 {offsets = [0, 0, 125], sizes = [2, 128, 125], strides = [1, 1, 1]} : vector<2x128x250xf32> to vector<2x128x125xf32>
    %slice3A_213 = vector.extract_strided_slice %min3A_205 {offsets = [0, 0, 125], sizes = [2, 128, 125], strides = [1, 1, 1]} : vector<2x128x250xf32> to vector<2x128x125xf32>
    %slice3A_214 = vector.extract_strided_slice %max3A_206 {offsets = [0, 0, 125], sizes = [2, 128, 125], strides = [1, 1, 1]} : vector<2x128x250xf32> to vector<2x128x125xf32>
    %slice3A_215 = vector.extract_strided_slice %min3A_207 {offsets = [0, 0, 125], sizes = [2, 128, 125], strides = [1, 1, 1]} : vector<2x128x250xf32> to vector<2x128x125xf32>
    %max3A_216 = arith.maximumf %slice3A_208, %slice3A_215 : vector<2x128x125xf32>
    %max3A_217 = arith.maximumf %slice3A_209, %slice3A_214 : vector<2x128x125xf32>
    %max3A_218 = arith.maximumf %slice3A_210, %slice3A_213 : vector<2x128x125xf32>
    %max3A_219 = arith.maximumf %slice3A_211, %slice3A_212 : vector<2x128x125xf32>
    %max3A_220 = arith.maximumf %max3A_216, %max3A_218 : vector<2x128x125xf32>
    %min3A_221 = arith.minimumf %max3A_216, %max3A_218 : vector<2x128x125xf32>
    %max3A_222 = arith.maximumf %max3A_217, %max3A_219 : vector<2x128x125xf32>
    %min3A_223 = arith.minimumf %max3A_217, %max3A_219 : vector<2x128x125xf32>
    %max3A_224 = arith.maximumf %max3A_220, %max3A_222 : vector<2x128x125xf32>
    %min3A_225 = arith.minimumf %max3A_220, %max3A_222 : vector<2x128x125xf32>
    %max3A_226 = arith.maximumf %min3A_221, %min3A_223 : vector<2x128x125xf32>
    %min3A_227 = arith.minimumf %min3A_221, %min3A_223 : vector<2x128x125xf32>
    %broadcast_in_dim3A_228 = arith.constant 0xFF800000 : f32
    %broadcast_in_dim3A_229 = vector.broadcast %broadcast_in_dim3A_228 : f32 to vector<2x128x1xf32>
    %concatenate3A = tpu.concatenate %max3A_224, %broadcast_in_dim3A_229 in 2 : vector<2x128x125xf32>, vector<2x128x1xf32> -> vector<2x128x126xf32>
    %concatenate3A_230 = tpu.concatenate %min3A_225, %broadcast_in_dim3A_229 in 2 : vector<2x128x125xf32>, vector<2x128x1xf32> -> vector<2x128x126xf32>
    %concatenate3A_231 = tpu.concatenate %max3A_226, %broadcast_in_dim3A_229 in 2 : vector<2x128x125xf32>, vector<2x128x1xf32> -> vector<2x128x126xf32>
    %concatenate3A_232 = tpu.concatenate %min3A_227, %broadcast_in_dim3A_229 in 2 : vector<2x128x125xf32>, vector<2x128x1xf32> -> vector<2x128x126xf32>
    %slice3A_233 = vector.extract_strided_slice %concatenate3A {offsets = [0, 0, 0], sizes = [2, 128, 63], strides = [1, 1, 1]} : vector<2x128x126xf32> to vector<2x128x63xf32>
    %slice3A_234 = vector.extract_strided_slice %concatenate3A_230 {offsets = [0, 0, 0], sizes = [2, 128, 63], strides = [1, 1, 1]} : vector<2x128x126xf32> to vector<2x128x63xf32>
    %slice3A_235 = vector.extract_strided_slice %concatenate3A_231 {offsets = [0, 0, 0], sizes = [2, 128, 63], strides = [1, 1, 1]} : vector<2x128x126xf32> to vector<2x128x63xf32>
    %slice3A_236 = vector.extract_strided_slice %concatenate3A_232 {offsets = [0, 0, 0], sizes = [2, 128, 63], strides = [1, 1, 1]} : vector<2x128x126xf32> to vector<2x128x63xf32>
    %slice3A_237 = vector.extract_strided_slice %concatenate3A {offsets = [0, 0, 63], sizes = [2, 128, 63], strides = [1, 1, 1]} : vector<2x128x126xf32> to vector<2x128x63xf32>
    %slice3A_238 = vector.extract_strided_slice %concatenate3A_230 {offsets = [0, 0, 63], sizes = [2, 128, 63], strides = [1, 1, 1]} : vector<2x128x126xf32> to vector<2x128x63xf32>
    %slice3A_239 = vector.extract_strided_slice %concatenate3A_231 {offsets = [0, 0, 63], sizes = [2, 128, 63], strides = [1, 1, 1]} : vector<2x128x126xf32> to vector<2x128x63xf32>
    %slice3A_240 = vector.extract_strided_slice %concatenate3A_232 {offsets = [0, 0, 63], sizes = [2, 128, 63], strides = [1, 1, 1]} : vector<2x128x126xf32> to vector<2x128x63xf32>
    %max3A_241 = arith.maximumf %slice3A_233, %slice3A_240 : vector<2x128x63xf32>
    %max3A_242 = arith.maximumf %slice3A_234, %slice3A_239 : vector<2x128x63xf32>
    %max3A_243 = arith.maximumf %slice3A_235, %slice3A_238 : vector<2x128x63xf32>
    %max3A_244 = arith.maximumf %slice3A_236, %slice3A_237 : vector<2x128x63xf32>
    %max3A_245 = arith.maximumf %max3A_241, %max3A_243 : vector<2x128x63xf32>
    %min3A_246 = arith.minimumf %max3A_241, %max3A_243 : vector<2x128x63xf32>
    %max3A_247 = arith.maximumf %max3A_242, %max3A_244 : vector<2x128x63xf32>
    %min3A_248 = arith.minimumf %max3A_242, %max3A_244 : vector<2x128x63xf32>
    %max3A_249 = arith.maximumf %max3A_245, %max3A_247 : vector<2x128x63xf32>
    %min3A_250 = arith.minimumf %max3A_245, %max3A_247 : vector<2x128x63xf32>
    %max3A_251 = arith.maximumf %min3A_246, %min3A_248 : vector<2x128x63xf32>
    %min3A_252 = arith.minimumf %min3A_246, %min3A_248 : vector<2x128x63xf32>
    %broadcast_in_dim3A_253 = arith.constant 0xFF800000 : f32
    %broadcast_in_dim3A_254 = vector.broadcast %broadcast_in_dim3A_253 : f32 to vector<2x128x1xf32>
    %concatenate3A_255 = tpu.concatenate %max3A_249, %broadcast_in_dim3A_254 in 2 : vector<2x128x63xf32>, vector<2x128x1xf32> -> vector<2x128x64xf32>
    %concatenate3A_256 = tpu.concatenate %min3A_250, %broadcast_in_dim3A_254 in 2 : vector<2x128x63xf32>, vector<2x128x1xf32> -> vector<2x128x64xf32>
    %concatenate3A_257 = tpu.concatenate %max3A_251, %broadcast_in_dim3A_254 in 2 : vector<2x128x63xf32>, vector<2x128x1xf32> -> vector<2x128x64xf32>
    %concatenate3A_258 = tpu.concatenate %min3A_252, %broadcast_in_dim3A_254 in 2 : vector<2x128x63xf32>, vector<2x128x1xf32> -> vector<2x128x64xf32>
    %slice3A_259 = vector.extract_strided_slice %concatenate3A_255 {offsets = [0, 0, 0], sizes = [2, 128, 32], strides = [1, 1, 1]} : vector<2x128x64xf32> to vector<2x128x32xf32>
    %slice3A_260 = vector.extract_strided_slice %concatenate3A_256 {offsets = [0, 0, 0], sizes = [2, 128, 32], strides = [1, 1, 1]} : vector<2x128x64xf32> to vector<2x128x32xf32>
    %slice3A_261 = vector.extract_strided_slice %concatenate3A_257 {offsets = [0, 0, 0], sizes = [2, 128, 32], strides = [1, 1, 1]} : vector<2x128x64xf32> to vector<2x128x32xf32>
    %slice3A_262 = vector.extract_strided_slice %concatenate3A_258 {offsets = [0, 0, 0], sizes = [2, 128, 32], strides = [1, 1, 1]} : vector<2x128x64xf32> to vector<2x128x32xf32>
    %slice3A_263 = vector.extract_strided_slice %concatenate3A_255 {offsets = [0, 0, 32], sizes = [2, 128, 32], strides = [1, 1, 1]} : vector<2x128x64xf32> to vector<2x128x32xf32>
    %slice3A_264 = vector.extract_strided_slice %concatenate3A_256 {offsets = [0, 0, 32], sizes = [2, 128, 32], strides = [1, 1, 1]} : vector<2x128x64xf32> to vector<2x128x32xf32>
    %slice3A_265 = vector.extract_strided_slice %concatenate3A_257 {offsets = [0, 0, 32], sizes = [2, 128, 32], strides = [1, 1, 1]} : vector<2x128x64xf32> to vector<2x128x32xf32>
    %slice3A_266 = vector.extract_strided_slice %concatenate3A_258 {offsets = [0, 0, 32], sizes = [2, 128, 32], strides = [1, 1, 1]} : vector<2x128x64xf32> to vector<2x128x32xf32>
    %max3A_267 = arith.maximumf %slice3A_259, %slice3A_266 : vector<2x128x32xf32>
    %max3A_268 = arith.maximumf %slice3A_260, %slice3A_265 : vector<2x128x32xf32>
    %max3A_269 = arith.maximumf %slice3A_261, %slice3A_264 : vector<2x128x32xf32>
    %max3A_270 = arith.maximumf %slice3A_262, %slice3A_263 : vector<2x128x32xf32>
    %max3A_271 = arith.maximumf %max3A_267, %max3A_269 : vector<2x128x32xf32>
    %min3A_272 = arith.minimumf %max3A_267, %max3A_269 : vector<2x128x32xf32>
    %max3A_273 = arith.maximumf %max3A_268, %max3A_270 : vector<2x128x32xf32>
    %min3A_274 = arith.minimumf %max3A_268, %max3A_270 : vector<2x128x32xf32>
    %max3A_275 = arith.maximumf %max3A_271, %max3A_273 : vector<2x128x32xf32>
    %min3A_276 = arith.minimumf %max3A_271, %max3A_273 : vector<2x128x32xf32>
    %max3A_277 = arith.maximumf %min3A_272, %min3A_274 : vector<2x128x32xf32>
    %min3A_278 = arith.minimumf %min3A_272, %min3A_274 : vector<2x128x32xf32>
    %slice3A_279 = vector.extract_strided_slice %max3A_275 {offsets = [0, 0, 0], sizes = [2, 128, 16], strides = [1, 1, 1]} : vector<2x128x32xf32> to vector<2x128x16xf32>
    %slice3A_280 = vector.extract_strided_slice %min3A_276 {offsets = [0, 0, 0], sizes = [2, 128, 16], strides = [1, 1, 1]} : vector<2x128x32xf32> to vector<2x128x16xf32>
    %slice3A_281 = vector.extract_strided_slice %max3A_277 {offsets = [0, 0, 0], sizes = [2, 128, 16], strides = [1, 1, 1]} : vector<2x128x32xf32> to vector<2x128x16xf32>
    %slice3A_282 = vector.extract_strided_slice %min3A_278 {offsets = [0, 0, 0], sizes = [2, 128, 16], strides = [1, 1, 1]} : vector<2x128x32xf32> to vector<2x128x16xf32>
    %slice3A_283 = vector.extract_strided_slice %max3A_275 {offsets = [0, 0, 16], sizes = [2, 128, 16], strides = [1, 1, 1]} : vector<2x128x32xf32> to vector<2x128x16xf32>
    %slice3A_284 = vector.extract_strided_slice %min3A_276 {offsets = [0, 0, 16], sizes = [2, 128, 16], strides = [1, 1, 1]} : vector<2x128x32xf32> to vector<2x128x16xf32>
    %slice3A_285 = vector.extract_strided_slice %max3A_277 {offsets = [0, 0, 16], sizes = [2, 128, 16], strides = [1, 1, 1]} : vector<2x128x32xf32> to vector<2x128x16xf32>
    %slice3A_286 = vector.extract_strided_slice %min3A_278 {offsets = [0, 0, 16], sizes = [2, 128, 16], strides = [1, 1, 1]} : vector<2x128x32xf32> to vector<2x128x16xf32>
    %max3A_287 = arith.maximumf %slice3A_279, %slice3A_286 : vector<2x128x16xf32>
    %max3A_288 = arith.maximumf %slice3A_280, %slice3A_285 : vector<2x128x16xf32>
    %max3A_289 = arith.maximumf %slice3A_281, %slice3A_284 : vector<2x128x16xf32>
    %max3A_290 = arith.maximumf %slice3A_282, %slice3A_283 : vector<2x128x16xf32>
    %max3A_291 = arith.maximumf %max3A_287, %max3A_289 : vector<2x128x16xf32>
    %min3A_292 = arith.minimumf %max3A_287, %max3A_289 : vector<2x128x16xf32>
    %max3A_293 = arith.maximumf %max3A_288, %max3A_290 : vector<2x128x16xf32>
    %min3A_294 = arith.minimumf %max3A_288, %max3A_290 : vector<2x128x16xf32>
    %max3A_295 = arith.maximumf %max3A_291, %max3A_293 : vector<2x128x16xf32>
    %min3A_296 = arith.minimumf %max3A_291, %max3A_293 : vector<2x128x16xf32>
    %max3A_297 = arith.maximumf %min3A_292, %min3A_294 : vector<2x128x16xf32>
    %min3A_298 = arith.minimumf %min3A_292, %min3A_294 : vector<2x128x16xf32>
    %slice3A_299 = vector.extract_strided_slice %max3A_295 {offsets = [0, 0, 0], sizes = [2, 128, 8], strides = [1, 1, 1]} : vector<2x128x16xf32> to vector<2x128x8xf32>
    %slice3A_300 = vector.extract_strided_slice %min3A_296 {offsets = [0, 0, 0], sizes = [2, 128, 8], strides = [1, 1, 1]} : vector<2x128x16xf32> to vector<2x128x8xf32>
    %slice3A_301 = vector.extract_strided_slice %max3A_297 {offsets = [0, 0, 0], sizes = [2, 128, 8], strides = [1, 1, 1]} : vector<2x128x16xf32> to vector<2x128x8xf32>
    %slice3A_302 = vector.extract_strided_slice %min3A_298 {offsets = [0, 0, 0], sizes = [2, 128, 8], strides = [1, 1, 1]} : vector<2x128x16xf32> to vector<2x128x8xf32>
    %slice3A_303 = vector.extract_strided_slice %max3A_295 {offsets = [0, 0, 8], sizes = [2, 128, 8], strides = [1, 1, 1]} : vector<2x128x16xf32> to vector<2x128x8xf32>
    %slice3A_304 = vector.extract_strided_slice %min3A_296 {offsets = [0, 0, 8], sizes = [2, 128, 8], strides = [1, 1, 1]} : vector<2x128x16xf32> to vector<2x128x8xf32>
    %slice3A_305 = vector.extract_strided_slice %max3A_297 {offsets = [0, 0, 8], sizes = [2, 128, 8], strides = [1, 1, 1]} : vector<2x128x16xf32> to vector<2x128x8xf32>
    %slice3A_306 = vector.extract_strided_slice %min3A_298 {offsets = [0, 0, 8], sizes = [2, 128, 8], strides = [1, 1, 1]} : vector<2x128x16xf32> to vector<2x128x8xf32>
    %max3A_307 = arith.maximumf %slice3A_299, %slice3A_306 : vector<2x128x8xf32>
    %max3A_308 = arith.maximumf %slice3A_300, %slice3A_305 : vector<2x128x8xf32>
    %max3A_309 = arith.maximumf %slice3A_301, %slice3A_304 : vector<2x128x8xf32>
    %max3A_310 = arith.maximumf %slice3A_302, %slice3A_303 : vector<2x128x8xf32>
    %max3A_311 = arith.maximumf %max3A_307, %max3A_309 : vector<2x128x8xf32>
    %min3A_312 = arith.minimumf %max3A_307, %max3A_309 : vector<2x128x8xf32>
    %max3A_313 = arith.maximumf %max3A_308, %max3A_310 : vector<2x128x8xf32>
    %min3A_314 = arith.minimumf %max3A_308, %max3A_310 : vector<2x128x8xf32>
    %max3A_315 = arith.maximumf %max3A_311, %max3A_313 : vector<2x128x8xf32>
    %min3A_316 = arith.minimumf %max3A_311, %max3A_313 : vector<2x128x8xf32>
    %max3A_317 = arith.maximumf %min3A_312, %min3A_314 : vector<2x128x8xf32>
    %min3A_318 = arith.minimumf %min3A_312, %min3A_314 : vector<2x128x8xf32>
    %slice3A_319 = vector.extract_strided_slice %max3A_315 {offsets = [0, 0, 0], sizes = [2, 128, 1], strides = [1, 1, 1]} : vector<2x128x8xf32> to vector<2x128x1xf32>
    %slice3A_320 = vector.extract_strided_slice %min3A_316 {offsets = [0, 0, 0], sizes = [2, 128, 1], strides = [1, 1, 1]} : vector<2x128x8xf32> to vector<2x128x1xf32>
    %slice3A_321 = vector.extract_strided_slice %max3A_317 {offsets = [0, 0, 0], sizes = [2, 128, 1], strides = [1, 1, 1]} : vector<2x128x8xf32> to vector<2x128x1xf32>
    %slice3A_322 = vector.extract_strided_slice %min3A_318 {offsets = [0, 0, 0], sizes = [2, 128, 1], strides = [1, 1, 1]} : vector<2x128x8xf32> to vector<2x128x1xf32>
    %slice3A_323 = vector.extract_strided_slice %max3A_315 {offsets = [0, 0, 1], sizes = [2, 128, 1], strides = [1, 1, 1]} : vector<2x128x8xf32> to vector<2x128x1xf32>
    %slice3A_324 = vector.extract_strided_slice %min3A_316 {offsets = [0, 0, 1], sizes = [2, 128, 1], strides = [1, 1, 1]} : vector<2x128x8xf32> to vector<2x128x1xf32>
    %slice3A_325 = vector.extract_strided_slice %max3A_317 {offsets = [0, 0, 1], sizes = [2, 128, 1], strides = [1, 1, 1]} : vector<2x128x8xf32> to vector<2x128x1xf32>
    %slice3A_326 = vector.extract_strided_slice %min3A_318 {offsets = [0, 0, 1], sizes = [2, 128, 1], strides = [1, 1, 1]} : vector<2x128x8xf32> to vector<2x128x1xf32>
    %max3A_327 = arith.maximumf %slice3A_319, %slice3A_326 : vector<2x128x1xf32>
    %max3A_328 = arith.maximumf %slice3A_320, %slice3A_325 : vector<2x128x1xf32>
    %max3A_329 = arith.maximumf %slice3A_321, %slice3A_324 : vector<2x128x1xf32>
    %max3A_330 = arith.maximumf %slice3A_322, %slice3A_323 : vector<2x128x1xf32>
    %max3A_331 = arith.maximumf %max3A_327, %max3A_329 : vector<2x128x1xf32>
    %min3A_332 = arith.minimumf %max3A_327, %max3A_329 : vector<2x128x1xf32>
    %max3A_333 = arith.maximumf %max3A_328, %max3A_330 : vector<2x128x1xf32>
    %min3A_334 = arith.minimumf %max3A_328, %max3A_330 : vector<2x128x1xf32>
    %max3A_335 = arith.maximumf %max3A_331, %max3A_333 : vector<2x128x1xf32>
    %min3A_336 = arith.minimumf %max3A_331, %max3A_333 : vector<2x128x1xf32>
    %max3A_337 = arith.maximumf %min3A_332, %min3A_334 : vector<2x128x1xf32>
    %min3A_338 = arith.minimumf %min3A_332, %min3A_334 : vector<2x128x1xf32>
    %slice3A_339 = vector.extract_strided_slice %max3A_315 {offsets = [0, 0, 2], sizes = [2, 128, 1], strides = [1, 1, 1]} : vector<2x128x8xf32> to vector<2x128x1xf32>
    %slice3A_340 = vector.extract_strided_slice %min3A_316 {offsets = [0, 0, 2], sizes = [2, 128, 1], strides = [1, 1, 1]} : vector<2x128x8xf32> to vector<2x128x1xf32>
    %slice3A_341 = vector.extract_strided_slice %max3A_317 {offsets = [0, 0, 2], sizes = [2, 128, 1], strides = [1, 1, 1]} : vector<2x128x8xf32> to vector<2x128x1xf32>
    %slice3A_342 = vector.extract_strided_slice %min3A_318 {offsets = [0, 0, 2], sizes = [2, 128, 1], strides = [1, 1, 1]} : vector<2x128x8xf32> to vector<2x128x1xf32>
    %max3A_343 = arith.maximumf %max3A_335, %slice3A_342 : vector<2x128x1xf32>
    %max3A_344 = arith.maximumf %min3A_336, %slice3A_341 : vector<2x128x1xf32>
    %max3A_345 = arith.maximumf %max3A_337, %slice3A_340 : vector<2x128x1xf32>
    %max3A_346 = arith.maximumf %min3A_338, %slice3A_339 : vector<2x128x1xf32>
    %max3A_347 = arith.maximumf %max3A_343, %max3A_345 : vector<2x128x1xf32>
    %min3A_348 = arith.minimumf %max3A_343, %max3A_345 : vector<2x128x1xf32>
    %max3A_349 = arith.maximumf %max3A_344, %max3A_346 : vector<2x128x1xf32>
    %min3A_350 = arith.minimumf %max3A_344, %max3A_346 : vector<2x128x1xf32>
    %max3A_351 = arith.maximumf %max3A_347, %max3A_349 : vector<2x128x1xf32>
    %min3A_352 = arith.minimumf %max3A_347, %max3A_349 : vector<2x128x1xf32>
    %max3A_353 = arith.maximumf %min3A_348, %min3A_350 : vector<2x128x1xf32>
    %min3A_354 = arith.minimumf %min3A_348, %min3A_350 : vector<2x128x1xf32>
    %slice3A_355 = vector.extract_strided_slice %max3A_315 {offsets = [0, 0, 3], sizes = [2, 128, 1], strides = [1, 1, 1]} : vector<2x128x8xf32> to vector<2x128x1xf32>
    %slice3A_356 = vector.extract_strided_slice %min3A_316 {offsets = [0, 0, 3], sizes = [2, 128, 1], strides = [1, 1, 1]} : vector<2x128x8xf32> to vector<2x128x1xf32>
    %slice3A_357 = vector.extract_strided_slice %max3A_317 {offsets = [0, 0, 3], sizes = [2, 128, 1], strides = [1, 1, 1]} : vector<2x128x8xf32> to vector<2x128x1xf32>
    %slice3A_358 = vector.extract_strided_slice %min3A_318 {offsets = [0, 0, 3], sizes = [2, 128, 1], strides = [1, 1, 1]} : vector<2x128x8xf32> to vector<2x128x1xf32>
    %max3A_359 = arith.maximumf %max3A_351, %slice3A_358 : vector<2x128x1xf32>
    %max3A_360 = arith.maximumf %min3A_352, %slice3A_357 : vector<2x128x1xf32>
    %max3A_361 = arith.maximumf %max3A_353, %slice3A_356 : vector<2x128x1xf32>
    %max3A_362 = arith.maximumf %min3A_354, %slice3A_355 : vector<2x128x1xf32>
    %max3A_363 = arith.maximumf %max3A_359, %max3A_361 : vector<2x128x1xf32>
    %min3A_364 = arith.minimumf %max3A_359, %max3A_361 : vector<2x128x1xf32>
    %max3A_365 = arith.maximumf %max3A_360, %max3A_362 : vector<2x128x1xf32>
    %min3A_366 = arith.minimumf %max3A_360, %max3A_362 : vector<2x128x1xf32>
    %max3A_367 = arith.maximumf %max3A_363, %max3A_365 : vector<2x128x1xf32>
    %min3A_368 = arith.minimumf %max3A_363, %max3A_365 : vector<2x128x1xf32>
    %max3A_369 = arith.maximumf %min3A_364, %min3A_366 : vector<2x128x1xf32>
    %min3A_370 = arith.minimumf %min3A_364, %min3A_366 : vector<2x128x1xf32>
    %slice3A_371 = vector.extract_strided_slice %max3A_315 {offsets = [0, 0, 4], sizes = [2, 128, 1], strides = [1, 1, 1]} : vector<2x128x8xf32> to vector<2x128x1xf32>
    %slice3A_372 = vector.extract_strided_slice %min3A_316 {offsets = [0, 0, 4], sizes = [2, 128, 1], strides = [1, 1, 1]} : vector<2x128x8xf32> to vector<2x128x1xf32>
    %slice3A_373 = vector.extract_strided_slice %max3A_317 {offsets = [0, 0, 4], sizes = [2, 128, 1], strides = [1, 1, 1]} : vector<2x128x8xf32> to vector<2x128x1xf32>
    %slice3A_374 = vector.extract_strided_slice %min3A_318 {offsets = [0, 0, 4], sizes = [2, 128, 1], strides = [1, 1, 1]} : vector<2x128x8xf32> to vector<2x128x1xf32>
    %max3A_375 = arith.maximumf %max3A_367, %slice3A_374 : vector<2x128x1xf32>
    %max3A_376 = arith.maximumf %min3A_368, %slice3A_373 : vector<2x128x1xf32>
    %max3A_377 = arith.maximumf %max3A_369, %slice3A_372 : vector<2x128x1xf32>
    %max3A_378 = arith.maximumf %min3A_370, %slice3A_371 : vector<2x128x1xf32>
    %max3A_379 = arith.maximumf %max3A_375, %max3A_377 : vector<2x128x1xf32>
    %min3A_380 = arith.minimumf %max3A_375, %max3A_377 : vector<2x128x1xf32>
    %max3A_381 = arith.maximumf %max3A_376, %max3A_378 : vector<2x128x1xf32>
    %min3A_382 = arith.minimumf %max3A_376, %max3A_378 : vector<2x128x1xf32>
    %max3A_383 = arith.maximumf %max3A_379, %max3A_381 : vector<2x128x1xf32>
    %min3A_384 = arith.minimumf %max3A_379, %max3A_381 : vector<2x128x1xf32>
    %max3A_385 = arith.maximumf %min3A_380, %min3A_382 : vector<2x128x1xf32>
    %min3A_386 = arith.minimumf %min3A_380, %min3A_382 : vector<2x128x1xf32>
    %slice3A_387 = vector.extract_strided_slice %max3A_315 {offsets = [0, 0, 5], sizes = [2, 128, 1], strides = [1, 1, 1]} : vector<2x128x8xf32> to vector<2x128x1xf32>
    %slice3A_388 = vector.extract_strided_slice %min3A_316 {offsets = [0, 0, 5], sizes = [2, 128, 1], strides = [1, 1, 1]} : vector<2x128x8xf32> to vector<2x128x1xf32>
    %slice3A_389 = vector.extract_strided_slice %max3A_317 {offsets = [0, 0, 5], sizes = [2, 128, 1], strides = [1, 1, 1]} : vector<2x128x8xf32> to vector<2x128x1xf32>
    %slice3A_390 = vector.extract_strided_slice %min3A_318 {offsets = [0, 0, 5], sizes = [2, 128, 1], strides = [1, 1, 1]} : vector<2x128x8xf32> to vector<2x128x1xf32>
    %max3A_391 = arith.maximumf %max3A_383, %slice3A_390 : vector<2x128x1xf32>
    %max3A_392 = arith.maximumf %min3A_384, %slice3A_389 : vector<2x128x1xf32>
    %max3A_393 = arith.maximumf %max3A_385, %slice3A_388 : vector<2x128x1xf32>
    %max3A_394 = arith.maximumf %min3A_386, %slice3A_387 : vector<2x128x1xf32>
    %max3A_395 = arith.maximumf %max3A_391, %max3A_393 : vector<2x128x1xf32>
    %min3A_396 = arith.minimumf %max3A_391, %max3A_393 : vector<2x128x1xf32>
    %max3A_397 = arith.maximumf %max3A_392, %max3A_394 : vector<2x128x1xf32>
    %min3A_398 = arith.minimumf %max3A_392, %max3A_394 : vector<2x128x1xf32>
    %max3A_399 = arith.maximumf %max3A_395, %max3A_397 : vector<2x128x1xf32>
    %min3A_400 = arith.minimumf %max3A_395, %max3A_397 : vector<2x128x1xf32>
    %max3A_401 = arith.maximumf %min3A_396, %min3A_398 : vector<2x128x1xf32>
    %min3A_402 = arith.minimumf %min3A_396, %min3A_398 : vector<2x128x1xf32>
    %slice3A_403 = vector.extract_strided_slice %max3A_315 {offsets = [0, 0, 6], sizes = [2, 128, 1], strides = [1, 1, 1]} : vector<2x128x8xf32> to vector<2x128x1xf32>
    %slice3A_404 = vector.extract_strided_slice %min3A_316 {offsets = [0, 0, 6], sizes = [2, 128, 1], strides = [1, 1, 1]} : vector<2x128x8xf32> to vector<2x128x1xf32>
    %slice3A_405 = vector.extract_strided_slice %max3A_317 {offsets = [0, 0, 6], sizes = [2, 128, 1], strides = [1, 1, 1]} : vector<2x128x8xf32> to vector<2x128x1xf32>
    %slice3A_406 = vector.extract_strided_slice %min3A_318 {offsets = [0, 0, 6], sizes = [2, 128, 1], strides = [1, 1, 1]} : vector<2x128x8xf32> to vector<2x128x1xf32>
    %max3A_407 = arith.maximumf %max3A_399, %slice3A_406 : vector<2x128x1xf32>
    %max3A_408 = arith.maximumf %min3A_400, %slice3A_405 : vector<2x128x1xf32>
    %max3A_409 = arith.maximumf %max3A_401, %slice3A_404 : vector<2x128x1xf32>
    %max3A_410 = arith.maximumf %min3A_402, %slice3A_403 : vector<2x128x1xf32>
    %max3A_411 = arith.maximumf %max3A_407, %max3A_409 : vector<2x128x1xf32>
    %min3A_412 = arith.minimumf %max3A_407, %max3A_409 : vector<2x128x1xf32>
    %max3A_413 = arith.maximumf %max3A_408, %max3A_410 : vector<2x128x1xf32>
    %min3A_414 = arith.minimumf %max3A_408, %max3A_410 : vector<2x128x1xf32>
    %max3A_415 = arith.maximumf %max3A_411, %max3A_413 : vector<2x128x1xf32>
    %min3A_416 = arith.minimumf %max3A_411, %max3A_413 : vector<2x128x1xf32>
    %max3A_417 = arith.maximumf %min3A_412, %min3A_414 : vector<2x128x1xf32>
    %min3A_418 = arith.minimumf %min3A_412, %min3A_414 : vector<2x128x1xf32>
    %slice3A_419 = vector.extract_strided_slice %max3A_315 {offsets = [0, 0, 7], sizes = [2, 128, 1], strides = [1, 1, 1]} : vector<2x128x8xf32> to vector<2x128x1xf32>
    %slice3A_420 = vector.extract_strided_slice %min3A_316 {offsets = [0, 0, 7], sizes = [2, 128, 1], strides = [1, 1, 1]} : vector<2x128x8xf32> to vector<2x128x1xf32>
    %slice3A_421 = vector.extract_strided_slice %max3A_317 {offsets = [0, 0, 7], sizes = [2, 128, 1], strides = [1, 1, 1]} : vector<2x128x8xf32> to vector<2x128x1xf32>
    %slice3A_422 = vector.extract_strided_slice %min3A_318 {offsets = [0, 0, 7], sizes = [2, 128, 1], strides = [1, 1, 1]} : vector<2x128x8xf32> to vector<2x128x1xf32>
    %max3A_423 = arith.maximumf %max3A_415, %slice3A_422 : vector<2x128x1xf32>
    %max3A_424 = arith.maximumf %min3A_416, %slice3A_421 : vector<2x128x1xf32>
    %max3A_425 = arith.maximumf %max3A_417, %slice3A_420 : vector<2x128x1xf32>
    %max3A_426 = arith.maximumf %min3A_418, %slice3A_419 : vector<2x128x1xf32>
    %max3A_427 = arith.maximumf %max3A_423, %max3A_425 : vector<2x128x1xf32>
    %min3A_428 = arith.minimumf %max3A_423, %max3A_425 : vector<2x128x1xf32>
    %max3A_429 = arith.maximumf %max3A_424, %max3A_426 : vector<2x128x1xf32>
    %min3A_430 = arith.minimumf %max3A_424, %max3A_426 : vector<2x128x1xf32>
    %max3A_431 = arith.maximumf %max3A_427, %max3A_429 : vector<2x128x1xf32>
    %min3A_432 = arith.minimumf %max3A_427, %max3A_429 : vector<2x128x1xf32>
    %max3A_433 = arith.maximumf %min3A_428, %min3A_430 : vector<2x128x1xf32>
    %min3A_434 = arith.minimumf %min3A_428, %min3A_430 : vector<2x128x1xf32>
    %sub3A_435 = arith.subf %max3A_431, %broadcast_in_dim3A : vector<2x128x1xf32>
    %sub3A_436 = arith.subf %sub3A_435, %log3A : vector<2x128x1xf32>
    %sub3A_437 = arith.subf %min3A_432, %broadcast_in_dim3A : vector<2x128x1xf32>
    %sub3A_438 = arith.subf %sub3A_437, %log3A : vector<2x128x1xf32>
    %sub3A_439 = arith.subf %max3A_433, %broadcast_in_dim3A : vector<2x128x1xf32>
    %sub3A_440 = arith.subf %sub3A_439, %log3A : vector<2x128x1xf32>
    %sub3A_441 = arith.subf %min3A_434, %broadcast_in_dim3A : vector<2x128x1xf32>
    %sub3A_442 = arith.subf %sub3A_441, %log3A : vector<2x128x1xf32>
    %concatenate3A_443 = tpu.concatenate %sub3A_436, %sub3A_438, %sub3A_440, %sub3A_442 in 2 : vector<2x128x1xf32>, vector<2x128x1xf32>, vector<2x128x1xf32>, vector<2x128x1xf32> -> vector<2x128x4xf32>
    %swap3A_444 = arith.constant 0 : index
    %swap3A_445 = arith.constant 0 : index
    %swap3A_446 = arith.constant 0 : index
    %swap3A_447 = vector.load %arg4[%swap3A_444, %swap3A_445, %swap3A_446] : memref<2x128x4xf32, #tpu.memory_space<vmem>>, vector<2x128x4xf32>
    tpu.vector_store %arg4[%swap3A_444, %swap3A_445, %swap3A_446], %concatenate3A_443 {strides = array<i32>} : memref<2x128x4xf32, #tpu.memory_space<vmem>>, vector<2x128x4xf32>,
    return
  }
  func.func @transform_0(%arg0: i32) -> (i32, i32, i32) {
    %c0_i32 = arith.constant 0 : i32
    %c0_i32_0 = arith.constant 0 : i32
    %c0_i32_1 = arith.constant 0 : i32
    return %arg0, %c0_i32, %c0_i32_0 : i32, i32, i32
  }
  func.func @transform_1(%arg0: i32) -> (i32, i32, i32) {
    %c0_i32 = arith.constant 0 : i32
    %c0_i32_0 = arith.constant 0 : i32
    %c0_i32_1 = arith.constant 0 : i32
    return %arg0, %c0_i32, %c0_i32_0 : i32, i32, i32
  }
  func.func @transform_2(%arg0: i32) -> (i32, i32, i32) {
    %c0_i32 = arith.constant 0 : i32
    %c0_i32_0 = arith.constant 0 : i32
    %c0_i32_1 = arith.constant 0 : i32
    return %arg0, %c0_i32, %c0_i32_0 : i32, i32, i32
  }
  func.func @transform_3(%arg0: i32) -> (i32, i32, i32) {
    %c0_i32 = arith.constant 0 : i32
    %c0_i32_0 = arith.constant 0 : i32
    %c0_i32_1 = arith.constant 0 : i32
    return %arg0, %c0_i32, %c0_i32_0 : i32, i32, i32
  }
}

module attributes {stable_mosaic.version = 14 : i64} {
  func.func @_beam_body(%arg0: memref<16x32x20xf32, #tpu.memory_space<vmem>>, %arg1: memref<16x1x128xf32, #tpu.memory_space<vmem>>, %arg2: memref<32x16xi32, #tpu.memory_space<vmem>>, %arg3: memref<32x16xf32, #tpu.memory_space<vmem>>) attributes {dimension_semantics = [], scalar_prefetch = 0 : i64, scratch_operands = 0 : i64, tpu.core_type = #tpu.core_type<tc>} {
    %iota3A = tpu.iota {dimensions = array<i32: 1>} : vector<32x4xi32>
    %iota3A_0 = tpu.iota {dimensions = array<i32: 1>} : vector<32x20xi32>
    %iota3A_1 = tpu.iota {dimensions = array<i32: 0>} : vector<32x1xi32>
    %jit3A = arith.constant 5 : i32
    %div3A = vector.broadcast %jit3A : i32 to vector<32x20xi32>
    %div3A_2 = arith.divsi %iota3A_0, %div3A : vector<32x20xi32>
    %sign3A = arith.constant 0 : i32
    %sign3A_3 = vector.broadcast %sign3A : i32 to vector<32x20xi32>
    %sign3A_4 = arith.cmpi sgt, %iota3A_0, %sign3A_3 : vector<32x20xi32>
    %sign3A_5 = arith.extui %sign3A_4 : vector<32x20xi1> to vector<32x20xi32>
    %sign3A_6 = arith.constant 0 : i32
    %sign3A_7 = vector.broadcast %sign3A_6 : i32 to vector<32x20xi32>
    %sign3A_8 = arith.cmpi slt, %iota3A_0, %sign3A_7 : vector<32x20xi32>
    %sign3A_9 = arith.extui %sign3A_8 : vector<32x20xi1> to vector<32x20xi32>
    %sign3A_10 = arith.subi %sign3A_5, %sign3A_9 : vector<32x20xi32>
    %sign3A_11 = arith.constant 0 : i32
    %sign3A_12 = arith.cmpi sgt, %jit3A, %sign3A_11 : i32
    %sign3A_13 = arith.extui %sign3A_12 : i1 to i32
    %sign3A_14 = arith.constant 0 : i32
    %sign3A_15 = arith.cmpi slt, %jit3A, %sign3A_14 : i32
    %sign3A_16 = arith.extui %sign3A_15 : i1 to i32
    %sign3A_17 = arith.subi %sign3A_13, %sign3A_16 : i32
    %ne3A = vector.broadcast %sign3A_17 : i32 to vector<32x20xi32>
    %ne3A_18 = arith.cmpi ne, %sign3A_10, %ne3A : vector<32x20xi32>
    %rem3A = vector.broadcast %jit3A : i32 to vector<32x20xi32>
    %rem3A_19 = arith.remsi %iota3A_0, %rem3A : vector<32x20xi32>
    %ne3A_20 = arith.constant 0 : i32
    %ne3A_21 = vector.broadcast %ne3A_20 : i32 to vector<32x20xi32>
    %ne3A_22 = arith.cmpi ne, %rem3A_19, %ne3A_21 : vector<32x20xi32>
    %and3A = arith.andi %ne3A_18, %ne3A_22 : vector<32x20xi1>
    %sub3A = arith.constant 1 : i32
    %sub3A_23 = vector.broadcast %sub3A : i32 to vector<32x20xi32>
    %sub3A_24 = arith.subi %div3A_2, %sub3A_23 : vector<32x20xi32>
    %select_n3A = arith.select %and3A, %sub3A_24, %div3A_2 : vector<32x20xi1>, vector<32x20xi32>
    %eq3A = arith.constant 0 : i32
    %eq3A_25 = vector.broadcast %eq3A : i32 to vector<32x4xi32>
    %eq3A_26 = arith.cmpi eq, %iota3A, %eq3A_25 : vector<32x4xi32>
    %jit3A_27 = arith.constant 0.000000e+00 : f32
    %jit3A_28 = arith.constant -1.000000e+30 : f32
    %broadcast_in_dim3A = vector.broadcast %jit3A_27 : f32 to vector<32x4xf32>
    %broadcast_in_dim3A_29 = vector.broadcast %jit3A_28 : f32 to vector<32x4xf32>
    %select_n3A_30 = arith.select %eq3A_26, %broadcast_in_dim3A, %broadcast_in_dim3A_29 : vector<32x4xi1>, vector<32x4xf32>
    %get3A = arith.constant 0 : index
    %get3A_31 = arith.constant 0 : index
    %get3A_32 = arith.constant 0 : index
    %get3A_33 = vector.load %arg0[%get3A, %get3A_31, %get3A_32] : memref<16x32x20xf32, #tpu.memory_space<vmem>>, vector<1x32x20xf32>
    %get3A_34 = vector.shape_cast %get3A_33 : vector<1x32x20xf32> to vector<32x20xf32>
    %broadcast_in_dim3A_35 = arith.constant 0.000000e+00 : f32
    %broadcast_in_dim3A_36 = vector.broadcast %broadcast_in_dim3A_35 : f32 to vector<32x20xf32>
    %eq3A_37 = arith.constant 0 : i32
    %eq3A_38 = vector.broadcast %eq3A_37 : i32 to vector<32x20xi32>
    %eq3A_39 = arith.cmpi eq, %select_n3A, %eq3A_38 : vector<32x20xi32>
    %slice3A = vector.extract_strided_slice %select_n3A_30 {offsets = [0, 0], sizes = [32, 1], strides = [1, 1]} : vector<32x4xf32> to vector<32x1xf32>
    %broadcast_in_dim3A_40 = vector.shape_cast %slice3A : vector<32x1xf32> to vector<32x1xf32>
    %broadcast_in_dim3A_41 = vector.broadcast %broadcast_in_dim3A_40 : vector<32x1xf32> to vector<32x20xf32>
    %select_n3A_42 = arith.select %eq3A_39, %broadcast_in_dim3A_41, %broadcast_in_dim3A_36 : vector<32x20xi1>, vector<32x20xf32>
    %eq3A_43 = arith.constant 1 : i32
    %eq3A_44 = vector.broadcast %eq3A_43 : i32 to vector<32x20xi32>
    %eq3A_45 = arith.cmpi eq, %select_n3A, %eq3A_44 : vector<32x20xi32>
    %slice3A_46 = vector.extract_strided_slice %select_n3A_30 {offsets = [0, 1], sizes = [32, 1], strides = [1, 1]} : vector<32x4xf32> to vector<32x1xf32>
    %broadcast_in_dim3A_47 = vector.shape_cast %slice3A_46 : vector<32x1xf32> to vector<32x1xf32>
    %broadcast_in_dim3A_48 = vector.broadcast %broadcast_in_dim3A_47 : vector<32x1xf32> to vector<32x20xf32>
    %select_n3A_49 = arith.select %eq3A_45, %broadcast_in_dim3A_48, %select_n3A_42 : vector<32x20xi1>, vector<32x20xf32>
    %eq3A_50 = arith.constant 2 : i32
    %eq3A_51 = vector.broadcast %eq3A_50 : i32 to vector<32x20xi32>
    %eq3A_52 = arith.cmpi eq, %select_n3A, %eq3A_51 : vector<32x20xi32>
    %slice3A_53 = vector.extract_strided_slice %select_n3A_30 {offsets = [0, 2], sizes = [32, 1], strides = [1, 1]} : vector<32x4xf32> to vector<32x1xf32>
    %broadcast_in_dim3A_54 = vector.shape_cast %slice3A_53 : vector<32x1xf32> to vector<32x1xf32>
    %broadcast_in_dim3A_55 = vector.broadcast %broadcast_in_dim3A_54 : vector<32x1xf32> to vector<32x20xf32>
    %select_n3A_56 = arith.select %eq3A_52, %broadcast_in_dim3A_55, %select_n3A_49 : vector<32x20xi1>, vector<32x20xf32>
    %eq3A_57 = arith.constant 3 : i32
    %eq3A_58 = vector.broadcast %eq3A_57 : i32 to vector<32x20xi32>
    %eq3A_59 = arith.cmpi eq, %select_n3A, %eq3A_58 : vector<32x20xi32>
    %slice3A_60 = vector.extract_strided_slice %select_n3A_30 {offsets = [0, 3], sizes = [32, 1], strides = [1, 1]} : vector<32x4xf32> to vector<32x1xf32>
    %broadcast_in_dim3A_61 = vector.shape_cast %slice3A_60 : vector<32x1xf32> to vector<32x1xf32>
    %broadcast_in_dim3A_62 = vector.broadcast %broadcast_in_dim3A_61 : vector<32x1xf32> to vector<32x20xf32>
    %select_n3A_63 = arith.select %eq3A_59, %broadcast_in_dim3A_62, %select_n3A_56 : vector<32x20xi1>, vector<32x20xf32>
    %add3A = arith.addf %get3A_34, %select_n3A_63 : vector<32x20xf32>
    %reduce_max3A = arith.constant dense<0xFF800000> : vector<32xf32>
    %reduce_max3A_64 = vector.multi_reduction <maximumf>, %add3A, %reduce_max3A [1] : vector<32x20xf32> to vector<32xf32>
    %broadcast_in_dim3A_65 = vector.shape_cast %reduce_max3A_64 : vector<32xf32> to vector<32x1xf32>
    %eq3A_66 = vector.broadcast %broadcast_in_dim3A_65 : vector<32x1xf32> to vector<32x20xf32>
    %eq3A_67 = arith.cmpf oeq, %add3A, %eq3A_66 : vector<32x20xf32>
    %jit3A_68 = arith.constant 20 : i32
    %broadcast_in_dim3A_69 = vector.broadcast %jit3A_68 : i32 to vector<32x20xi32>
    %select_n3A_70 = arith.select %eq3A_67, %iota3A_0, %broadcast_in_dim3A_69 : vector<32x20xi1>, vector<32x20xi32>
    %reduce_min3A = arith.constant dense<2147483647> : vector<32xi32>
    %reduce_min3A_71 = vector.multi_reduction <minsi>, %select_n3A_70, %reduce_min3A [1] : vector<32x20xi32> to vector<32xi32>
    %broadcast_in_dim3A_72 = vector.shape_cast %reduce_min3A_71 : vector<32xi32> to vector<32x1xi32>
    %eq3A_73 = vector.broadcast %broadcast_in_dim3A_72 : vector<32x1xi32> to vector<32x20xi32>
    %eq3A_74 = arith.cmpi eq, %iota3A_0, %eq3A_73 : vector<32x20xi32>
    %jit3A_75 = arith.constant -1.000000e+30 : f32
    %broadcast_in_dim3A_76 = vector.broadcast %jit3A_75 : f32 to vector<32x20xf32>
    %select_n3A_77 = arith.select %eq3A_74, %broadcast_in_dim3A_76, %add3A : vector<32x20xi1>, vector<32x20xf32>
    %reduce_max3A_78 = arith.constant dense<0xFF800000> : vector<32xf32>
    %reduce_max3A_79 = vector.multi_reduction <maximumf>, %select_n3A_77, %reduce_max3A_78 [1] : vector<32x20xf32> to vector<32xf32>
    %broadcast_in_dim3A_80 = vector.shape_cast %reduce_max3A_79 : vector<32xf32> to vector<32x1xf32>
    %eq3A_81 = vector.broadcast %broadcast_in_dim3A_80 : vector<32x1xf32> to vector<32x20xf32>
    %eq3A_82 = arith.cmpf oeq, %select_n3A_77, %eq3A_81 : vector<32x20xf32>
    %jit3A_83 = arith.constant 20 : i32
    %broadcast_in_dim3A_84 = vector.broadcast %jit3A_83 : i32 to vector<32x20xi32>
    %select_n3A_85 = arith.select %eq3A_82, %iota3A_0, %broadcast_in_dim3A_84 : vector<32x20xi1>, vector<32x20xi32>
    %reduce_min3A_86 = arith.constant dense<2147483647> : vector<32xi32>
    %reduce_min3A_87 = vector.multi_reduction <minsi>, %select_n3A_85, %reduce_min3A_86 [1] : vector<32x20xi32> to vector<32xi32>
    %broadcast_in_dim3A_88 = vector.shape_cast %reduce_min3A_87 : vector<32xi32> to vector<32x1xi32>
    %eq3A_89 = vector.broadcast %broadcast_in_dim3A_88 : vector<32x1xi32> to vector<32x20xi32>
    %eq3A_90 = arith.cmpi eq, %iota3A_0, %eq3A_89 : vector<32x20xi32>
    %jit3A_91 = arith.constant -1.000000e+30 : f32
    %broadcast_in_dim3A_92 = vector.broadcast %jit3A_91 : f32 to vector<32x20xf32>
    %select_n3A_93 = arith.select %eq3A_90, %broadcast_in_dim3A_92, %select_n3A_77 : vector<32x20xi1>, vector<32x20xf32>
    %reduce_max3A_94 = arith.constant dense<0xFF800000> : vector<32xf32>
    %reduce_max3A_95 = vector.multi_reduction <maximumf>, %select_n3A_93, %reduce_max3A_94 [1] : vector<32x20xf32> to vector<32xf32>
    %broadcast_in_dim3A_96 = vector.shape_cast %reduce_max3A_95 : vector<32xf32> to vector<32x1xf32>
    %eq3A_97 = vector.broadcast %broadcast_in_dim3A_96 : vector<32x1xf32> to vector<32x20xf32>
    %eq3A_98 = arith.cmpf oeq, %select_n3A_93, %eq3A_97 : vector<32x20xf32>
    %jit3A_99 = arith.constant 20 : i32
    %broadcast_in_dim3A_100 = vector.broadcast %jit3A_99 : i32 to vector<32x20xi32>
    %select_n3A_101 = arith.select %eq3A_98, %iota3A_0, %broadcast_in_dim3A_100 : vector<32x20xi1>, vector<32x20xi32>
    %reduce_min3A_102 = arith.constant dense<2147483647> : vector<32xi32>
    %reduce_min3A_103 = vector.multi_reduction <minsi>, %select_n3A_101, %reduce_min3A_102 [1] : vector<32x20xi32> to vector<32xi32>
    %broadcast_in_dim3A_104 = vector.shape_cast %reduce_min3A_103 : vector<32xi32> to vector<32x1xi32>
    %eq3A_105 = vector.broadcast %broadcast_in_dim3A_104 : vector<32x1xi32> to vector<32x20xi32>
    %eq3A_106 = arith.cmpi eq, %iota3A_0, %eq3A_105 : vector<32x20xi32>
    %jit3A_107 = arith.constant -1.000000e+30 : f32
    %broadcast_in_dim3A_108 = vector.broadcast %jit3A_107 : f32 to vector<32x20xf32>
    %select_n3A_109 = arith.select %eq3A_106, %broadcast_in_dim3A_108, %select_n3A_93 : vector<32x20xi1>, vector<32x20xf32>
    %reduce_max3A_110 = arith.constant dense<0xFF800000> : vector<32xf32>
    %reduce_max3A_111 = vector.multi_reduction <maximumf>, %select_n3A_109, %reduce_max3A_110 [1] : vector<32x20xf32> to vector<32xf32>
    %broadcast_in_dim3A_112 = vector.shape_cast %reduce_max3A_111 : vector<32xf32> to vector<32x1xf32>
    %eq3A_113 = vector.broadcast %broadcast_in_dim3A_112 : vector<32x1xf32> to vector<32x20xf32>
    %eq3A_114 = arith.cmpf oeq, %select_n3A_109, %eq3A_113 : vector<32x20xf32>
    %jit3A_115 = arith.constant 20 : i32
    %broadcast_in_dim3A_116 = vector.broadcast %jit3A_115 : i32 to vector<32x20xi32>
    %select_n3A_117 = arith.select %eq3A_114, %iota3A_0, %broadcast_in_dim3A_116 : vector<32x20xi1>, vector<32x20xi32>
    %reduce_min3A_118 = arith.constant dense<2147483647> : vector<32xi32>
    %reduce_min3A_119 = vector.multi_reduction <minsi>, %select_n3A_117, %reduce_min3A_118 [1] : vector<32x20xi32> to vector<32xi32>
    %broadcast_in_dim3A_120 = vector.shape_cast %reduce_min3A_119 : vector<32xi32> to vector<32x1xi32>
    %concatenate3A = tpu.concatenate %broadcast_in_dim3A_65, %broadcast_in_dim3A_80, %broadcast_in_dim3A_96, %broadcast_in_dim3A_112 in 1 : vector<32x1xf32>, vector<32x1xf32>, vector<32x1xf32>, vector<32x1xf32> -> vector<32x4xf32>
    %concatenate3A_121 = tpu.concatenate %broadcast_in_dim3A_72, %broadcast_in_dim3A_88, %broadcast_in_dim3A_104, %broadcast_in_dim3A_120 in 1 : vector<32x1xi32>, vector<32x1xi32>, vector<32x1xi32>, vector<32x1xi32> -> vector<32x4xi32>
    %jit3A_122 = arith.constant 5 : i32
    %eq3A_123 = arith.constant 0 : i32
    %eq3A_124 = arith.cmpi eq, %jit3A_122, %eq3A_123 : i32
    %jit3A_125 = arith.constant 1 : i32
    %select_n3A_126 = arith.select %eq3A_124, %jit3A_125, %jit3A_122 : i32
    %rem3A_127 = vector.broadcast %select_n3A_126 : i32 to vector<32x4xi32>
    %rem3A_128 = arith.remsi %concatenate3A_121, %rem3A_127 : vector<32x4xi32>
    %ne3A_129 = arith.constant 0 : i32
    %ne3A_130 = vector.broadcast %ne3A_129 : i32 to vector<32x4xi32>
    %ne3A_131 = arith.cmpi ne, %rem3A_128, %ne3A_130 : vector<32x4xi32>
    %lt3A = arith.constant 0 : i32
    %lt3A_132 = vector.broadcast %lt3A : i32 to vector<32x4xi32>
    %lt3A_133 = arith.cmpi slt, %rem3A_128, %lt3A_132 : vector<32x4xi32>
    %lt3A_134 = arith.constant 0 : i32
    %lt3A_135 = arith.cmpi slt, %select_n3A_126, %lt3A_134 : i32
    %ne3A_136 = vector.broadcast %lt3A_135 : i1 to vector<32x4xi1>
    %ne3A_137 = vector.broadcast %ne3A_136 : vector<32x4xi1> to vector<32x4xi1>
    %ne3A_138 = arith.xori %lt3A_133, %ne3A_137 : vector<32x4xi1>
    %and3A_139 = arith.andi %ne3A_138, %ne3A_131 : vector<32x4xi1>
    %add3A_140 = vector.broadcast %select_n3A_126 : i32 to vector<32x4xi32>
    %add3A_141 = arith.addi %rem3A_128, %add3A_140 : vector<32x4xi32>
    %select_n3A_142 = arith.select %and3A_139, %add3A_141, %rem3A_128 : vector<32x4xi1>, vector<32x4xi32>
    %eq3A_143 = arith.constant 0 : i32
    %eq3A_144 = vector.broadcast %eq3A_143 : i32 to vector<32x4xi32>
    %eq3A_145 = arith.cmpi eq, %select_n3A_142, %eq3A_144 : vector<32x4xi32>
    %jit3A_146 = arith.constant -1.000000e+30 : f32
    %broadcast_in_dim3A_147 = vector.broadcast %jit3A_146 : f32 to vector<32x4xf32>
    %select_n3A_148 = arith.select %eq3A_145, %broadcast_in_dim3A_147, %concatenate3A : vector<32x4xi1>, vector<32x4xf32>
    %get3A_149 = arith.constant 1 : index
    %get3A_150 = arith.constant 0 : index
    %get3A_151 = arith.constant 0 : index
    %get3A_152 = vector.load %arg0[%get3A_149, %get3A_150, %get3A_151] : memref<16x32x20xf32, #tpu.memory_space<vmem>>, vector<1x32x20xf32>
    %get3A_153 = vector.shape_cast %get3A_152 : vector<1x32x20xf32> to vector<32x20xf32>
    %broadcast_in_dim3A_154 = arith.constant 0.000000e+00 : f32
    %broadcast_in_dim3A_155 = vector.broadcast %broadcast_in_dim3A_154 : f32 to vector<32x20xf32>
    %eq3A_156 = arith.constant 0 : i32
    %eq3A_157 = vector.broadcast %eq3A_156 : i32 to vector<32x20xi32>
    %eq3A_158 = arith.cmpi eq, %select_n3A, %eq3A_157 : vector<32x20xi32>
    %slice3A_159 = vector.extract_strided_slice %select_n3A_148 {offsets = [0, 0], sizes = [32, 1], strides = [1, 1]} : vector<32x4xf32> to vector<32x1xf32>
    %broadcast_in_dim3A_160 = vector.shape_cast %slice3A_159 : vector<32x1xf32> to vector<32x1xf32>
    %broadcast_in_dim3A_161 = vector.broadcast %broadcast_in_dim3A_160 : vector<32x1xf32> to vector<32x20xf32>
    %select_n3A_162 = arith.select %eq3A_158, %broadcast_in_dim3A_161, %broadcast_in_dim3A_155 : vector<32x20xi1>, vector<32x20xf32>
    %eq3A_163 = arith.constant 1 : i32
    %eq3A_164 = vector.broadcast %eq3A_163 : i32 to vector<32x20xi32>
    %eq3A_165 = arith.cmpi eq, %select_n3A, %eq3A_164 : vector<32x20xi32>
    %slice3A_166 = vector.extract_strided_slice %select_n3A_148 {offsets = [0, 1], sizes = [32, 1], strides = [1, 1]} : vector<32x4xf32> to vector<32x1xf32>
    %broadcast_in_dim3A_167 = vector.shape_cast %slice3A_166 : vector<32x1xf32> to vector<32x1xf32>
    %broadcast_in_dim3A_168 = vector.broadcast %broadcast_in_dim3A_167 : vector<32x1xf32> to vector<32x20xf32>
    %select_n3A_169 = arith.select %eq3A_165, %broadcast_in_dim3A_168, %select_n3A_162 : vector<32x20xi1>, vector<32x20xf32>
    %eq3A_170 = arith.constant 2 : i32
    %eq3A_171 = vector.broadcast %eq3A_170 : i32 to vector<32x20xi32>
    %eq3A_172 = arith.cmpi eq, %select_n3A, %eq3A_171 : vector<32x20xi32>
    %slice3A_173 = vector.extract_strided_slice %select_n3A_148 {offsets = [0, 2], sizes = [32, 1], strides = [1, 1]} : vector<32x4xf32> to vector<32x1xf32>
    %broadcast_in_dim3A_174 = vector.shape_cast %slice3A_173 : vector<32x1xf32> to vector<32x1xf32>
    %broadcast_in_dim3A_175 = vector.broadcast %broadcast_in_dim3A_174 : vector<32x1xf32> to vector<32x20xf32>
    %select_n3A_176 = arith.select %eq3A_172, %broadcast_in_dim3A_175, %select_n3A_169 : vector<32x20xi1>, vector<32x20xf32>
    %eq3A_177 = arith.constant 3 : i32
    %eq3A_178 = vector.broadcast %eq3A_177 : i32 to vector<32x20xi32>
    %eq3A_179 = arith.cmpi eq, %select_n3A, %eq3A_178 : vector<32x20xi32>
    %slice3A_180 = vector.extract_strided_slice %select_n3A_148 {offsets = [0, 3], sizes = [32, 1], strides = [1, 1]} : vector<32x4xf32> to vector<32x1xf32>
    %broadcast_in_dim3A_181 = vector.shape_cast %slice3A_180 : vector<32x1xf32> to vector<32x1xf32>
    %broadcast_in_dim3A_182 = vector.broadcast %broadcast_in_dim3A_181 : vector<32x1xf32> to vector<32x20xf32>
    %select_n3A_183 = arith.select %eq3A_179, %broadcast_in_dim3A_182, %select_n3A_176 : vector<32x20xi1>, vector<32x20xf32>
    %add3A_184 = arith.addf %get3A_153, %select_n3A_183 : vector<32x20xf32>
    %reduce_max3A_185 = arith.constant dense<0xFF800000> : vector<32xf32>
    %reduce_max3A_186 = vector.multi_reduction <maximumf>, %add3A_184, %reduce_max3A_185 [1] : vector<32x20xf32> to vector<32xf32>
    %broadcast_in_dim3A_187 = vector.shape_cast %reduce_max3A_186 : vector<32xf32> to vector<32x1xf32>
    %eq3A_188 = vector.broadcast %broadcast_in_dim3A_187 : vector<32x1xf32> to vector<32x20xf32>
    %eq3A_189 = arith.cmpf oeq, %add3A_184, %eq3A_188 : vector<32x20xf32>
    %jit3A_190 = arith.constant 20 : i32
    %broadcast_in_dim3A_191 = vector.broadcast %jit3A_190 : i32 to vector<32x20xi32>
    %select_n3A_192 = arith.select %eq3A_189, %iota3A_0, %broadcast_in_dim3A_191 : vector<32x20xi1>, vector<32x20xi32>
    %reduce_min3A_193 = arith.constant dense<2147483647> : vector<32xi32>
    %reduce_min3A_194 = vector.multi_reduction <minsi>, %select_n3A_192, %reduce_min3A_193 [1] : vector<32x20xi32> to vector<32xi32>
    %broadcast_in_dim3A_195 = vector.shape_cast %reduce_min3A_194 : vector<32xi32> to vector<32x1xi32>
    %eq3A_196 = vector.broadcast %broadcast_in_dim3A_195 : vector<32x1xi32> to vector<32x20xi32>
    %eq3A_197 = arith.cmpi eq, %iota3A_0, %eq3A_196 : vector<32x20xi32>
    %jit3A_198 = arith.constant -1.000000e+30 : f32
    %broadcast_in_dim3A_199 = vector.broadcast %jit3A_198 : f32 to vector<32x20xf32>
    %select_n3A_200 = arith.select %eq3A_197, %broadcast_in_dim3A_199, %add3A_184 : vector<32x20xi1>, vector<32x20xf32>
    %reduce_max3A_201 = arith.constant dense<0xFF800000> : vector<32xf32>
    %reduce_max3A_202 = vector.multi_reduction <maximumf>, %select_n3A_200, %reduce_max3A_201 [1] : vector<32x20xf32> to vector<32xf32>
    %broadcast_in_dim3A_203 = vector.shape_cast %reduce_max3A_202 : vector<32xf32> to vector<32x1xf32>
    %eq3A_204 = vector.broadcast %broadcast_in_dim3A_203 : vector<32x1xf32> to vector<32x20xf32>
    %eq3A_205 = arith.cmpf oeq, %select_n3A_200, %eq3A_204 : vector<32x20xf32>
    %jit3A_206 = arith.constant 20 : i32
    %broadcast_in_dim3A_207 = vector.broadcast %jit3A_206 : i32 to vector<32x20xi32>
    %select_n3A_208 = arith.select %eq3A_205, %iota3A_0, %broadcast_in_dim3A_207 : vector<32x20xi1>, vector<32x20xi32>
    %reduce_min3A_209 = arith.constant dense<2147483647> : vector<32xi32>
    %reduce_min3A_210 = vector.multi_reduction <minsi>, %select_n3A_208, %reduce_min3A_209 [1] : vector<32x20xi32> to vector<32xi32>
    %broadcast_in_dim3A_211 = vector.shape_cast %reduce_min3A_210 : vector<32xi32> to vector<32x1xi32>
    %eq3A_212 = vector.broadcast %broadcast_in_dim3A_211 : vector<32x1xi32> to vector<32x20xi32>
    %eq3A_213 = arith.cmpi eq, %iota3A_0, %eq3A_212 : vector<32x20xi32>
    %jit3A_214 = arith.constant -1.000000e+30 : f32
    %broadcast_in_dim3A_215 = vector.broadcast %jit3A_214 : f32 to vector<32x20xf32>
    %select_n3A_216 = arith.select %eq3A_213, %broadcast_in_dim3A_215, %select_n3A_200 : vector<32x20xi1>, vector<32x20xf32>
    %reduce_max3A_217 = arith.constant dense<0xFF800000> : vector<32xf32>
    %reduce_max3A_218 = vector.multi_reduction <maximumf>, %select_n3A_216, %reduce_max3A_217 [1] : vector<32x20xf32> to vector<32xf32>
    %broadcast_in_dim3A_219 = vector.shape_cast %reduce_max3A_218 : vector<32xf32> to vector<32x1xf32>
    %eq3A_220 = vector.broadcast %broadcast_in_dim3A_219 : vector<32x1xf32> to vector<32x20xf32>
    %eq3A_221 = arith.cmpf oeq, %select_n3A_216, %eq3A_220 : vector<32x20xf32>
    %jit3A_222 = arith.constant 20 : i32
    %broadcast_in_dim3A_223 = vector.broadcast %jit3A_222 : i32 to vector<32x20xi32>
    %select_n3A_224 = arith.select %eq3A_221, %iota3A_0, %broadcast_in_dim3A_223 : vector<32x20xi1>, vector<32x20xi32>
    %reduce_min3A_225 = arith.constant dense<2147483647> : vector<32xi32>
    %reduce_min3A_226 = vector.multi_reduction <minsi>, %select_n3A_224, %reduce_min3A_225 [1] : vector<32x20xi32> to vector<32xi32>
    %broadcast_in_dim3A_227 = vector.shape_cast %reduce_min3A_226 : vector<32xi32> to vector<32x1xi32>
    %eq3A_228 = vector.broadcast %broadcast_in_dim3A_227 : vector<32x1xi32> to vector<32x20xi32>
    %eq3A_229 = arith.cmpi eq, %iota3A_0, %eq3A_228 : vector<32x20xi32>
    %jit3A_230 = arith.constant -1.000000e+30 : f32
    %broadcast_in_dim3A_231 = vector.broadcast %jit3A_230 : f32 to vector<32x20xf32>
    %select_n3A_232 = arith.select %eq3A_229, %broadcast_in_dim3A_231, %select_n3A_216 : vector<32x20xi1>, vector<32x20xf32>
    %reduce_max3A_233 = arith.constant dense<0xFF800000> : vector<32xf32>
    %reduce_max3A_234 = vector.multi_reduction <maximumf>, %select_n3A_232, %reduce_max3A_233 [1] : vector<32x20xf32> to vector<32xf32>
    %broadcast_in_dim3A_235 = vector.shape_cast %reduce_max3A_234 : vector<32xf32> to vector<32x1xf32>
    %eq3A_236 = vector.broadcast %broadcast_in_dim3A_235 : vector<32x1xf32> to vector<32x20xf32>
    %eq3A_237 = arith.cmpf oeq, %select_n3A_232, %eq3A_236 : vector<32x20xf32>
    %jit3A_238 = arith.constant 20 : i32
    %broadcast_in_dim3A_239 = vector.broadcast %jit3A_238 : i32 to vector<32x20xi32>
    %select_n3A_240 = arith.select %eq3A_237, %iota3A_0, %broadcast_in_dim3A_239 : vector<32x20xi1>, vector<32x20xi32>
    %reduce_min3A_241 = arith.constant dense<2147483647> : vector<32xi32>
    %reduce_min3A_242 = vector.multi_reduction <minsi>, %select_n3A_240, %reduce_min3A_241 [1] : vector<32x20xi32> to vector<32xi32>
    %broadcast_in_dim3A_243 = vector.shape_cast %reduce_min3A_242 : vector<32xi32> to vector<32x1xi32>
    %concatenate3A_244 = tpu.concatenate %broadcast_in_dim3A_187, %broadcast_in_dim3A_203, %broadcast_in_dim3A_219, %broadcast_in_dim3A_235 in 1 : vector<32x1xf32>, vector<32x1xf32>, vector<32x1xf32>, vector<32x1xf32> -> vector<32x4xf32>
    %concatenate3A_245 = tpu.concatenate %broadcast_in_dim3A_195, %broadcast_in_dim3A_211, %broadcast_in_dim3A_227, %broadcast_in_dim3A_243 in 1 : vector<32x1xi32>, vector<32x1xi32>, vector<32x1xi32>, vector<32x1xi32> -> vector<32x4xi32>
    %jit3A_246 = arith.constant 5 : i32
    %div3A_247 = vector.broadcast %jit3A_246 : i32 to vector<32x4xi32>
    %div3A_248 = arith.divsi %concatenate3A_245, %div3A_247 : vector<32x4xi32>
    %sign3A_249 = arith.constant 0 : i32
    %sign3A_250 = vector.broadcast %sign3A_249 : i32 to vector<32x4xi32>
    %sign3A_251 = arith.cmpi sgt, %concatenate3A_245, %sign3A_250 : vector<32x4xi32>
    %sign3A_252 = arith.extui %sign3A_251 : vector<32x4xi1> to vector<32x4xi32>
    %sign3A_253 = arith.constant 0 : i32
    %sign3A_254 = vector.broadcast %sign3A_253 : i32 to vector<32x4xi32>
    %sign3A_255 = arith.cmpi slt, %concatenate3A_245, %sign3A_254 : vector<32x4xi32>
    %sign3A_256 = arith.extui %sign3A_255 : vector<32x4xi1> to vector<32x4xi32>
    %sign3A_257 = arith.subi %sign3A_252, %sign3A_256 : vector<32x4xi32>
    %sign3A_258 = arith.constant 0 : i32
    %sign3A_259 = arith.cmpi sgt, %jit3A_246, %sign3A_258 : i32
    %sign3A_260 = arith.extui %sign3A_259 : i1 to i32
    %sign3A_261 = arith.constant 0 : i32
    %sign3A_262 = arith.cmpi slt, %jit3A_246, %sign3A_261 : i32
    %sign3A_263 = arith.extui %sign3A_262 : i1 to i32
    %sign3A_264 = arith.subi %sign3A_260, %sign3A_263 : i32
    %ne3A_265 = vector.broadcast %sign3A_264 : i32 to vector<32x4xi32>
    %ne3A_266 = arith.cmpi ne, %sign3A_257, %ne3A_265 : vector<32x4xi32>
    %rem3A_267 = vector.broadcast %jit3A_246 : i32 to vector<32x4xi32>
    %rem3A_268 = arith.remsi %concatenate3A_245, %rem3A_267 : vector<32x4xi32>
    %ne3A_269 = arith.constant 0 : i32
    %ne3A_270 = vector.broadcast %ne3A_269 : i32 to vector<32x4xi32>
    %ne3A_271 = arith.cmpi ne, %rem3A_268, %ne3A_270 : vector<32x4xi32>
    %and3A_272 = arith.andi %ne3A_266, %ne3A_271 : vector<32x4xi1>
    %sub3A_273 = arith.constant 1 : i32
    %sub3A_274 = vector.broadcast %sub3A_273 : i32 to vector<32x4xi32>
    %sub3A_275 = arith.subi %div3A_248, %sub3A_274 : vector<32x4xi32>
    %select_n3A_276 = arith.select %and3A_272, %sub3A_275, %div3A_248 : vector<32x4xi1>, vector<32x4xi32>
    %jit3A_277 = arith.constant 5 : i32
    %eq3A_278 = arith.constant 0 : i32
    %eq3A_279 = arith.cmpi eq, %jit3A_277, %eq3A_278 : i32
    %jit3A_280 = arith.constant 1 : i32
    %select_n3A_281 = arith.select %eq3A_279, %jit3A_280, %jit3A_277 : i32
    %rem3A_282 = vector.broadcast %select_n3A_281 : i32 to vector<32x4xi32>
    %rem3A_283 = arith.remsi %concatenate3A_245, %rem3A_282 : vector<32x4xi32>
    %ne3A_284 = arith.constant 0 : i32
    %ne3A_285 = vector.broadcast %ne3A_284 : i32 to vector<32x4xi32>
    %ne3A_286 = arith.cmpi ne, %rem3A_283, %ne3A_285 : vector<32x4xi32>
    %lt3A_287 = arith.constant 0 : i32
    %lt3A_288 = vector.broadcast %lt3A_287 : i32 to vector<32x4xi32>
    %lt3A_289 = arith.cmpi slt, %rem3A_283, %lt3A_288 : vector<32x4xi32>
    %lt3A_290 = arith.constant 0 : i32
    %lt3A_291 = arith.cmpi slt, %select_n3A_281, %lt3A_290 : i32
    %ne3A_292 = vector.broadcast %lt3A_291 : i1 to vector<32x4xi1>
    %ne3A_293 = vector.broadcast %ne3A_292 : vector<32x4xi1> to vector<32x4xi1>
    %ne3A_294 = arith.xori %lt3A_289, %ne3A_293 : vector<32x4xi1>
    %and3A_295 = arith.andi %ne3A_294, %ne3A_286 : vector<32x4xi1>
    %add3A_296 = vector.broadcast %select_n3A_281 : i32 to vector<32x4xi32>
    %add3A_297 = arith.addi %rem3A_283, %add3A_296 : vector<32x4xi32>
    %select_n3A_298 = arith.select %and3A_295, %add3A_297, %rem3A_283 : vector<32x4xi1>, vector<32x4xi32>
    %eq3A_299 = arith.constant 0 : i32
    %eq3A_300 = vector.broadcast %eq3A_299 : i32 to vector<32x4xi32>
    %eq3A_301 = arith.cmpi eq, %select_n3A_298, %eq3A_300 : vector<32x4xi32>
    %jit3A_302 = arith.constant -1.000000e+30 : f32
    %broadcast_in_dim3A_303 = vector.broadcast %jit3A_302 : f32 to vector<32x4xf32>
    %select_n3A_304 = arith.select %eq3A_301, %broadcast_in_dim3A_303, %concatenate3A_244 : vector<32x4xi1>, vector<32x4xf32>
    %get3A_305 = arith.constant 2 : index
    %get3A_306 = arith.constant 0 : index
    %get3A_307 = arith.constant 0 : index
    %get3A_308 = vector.load %arg0[%get3A_305, %get3A_306, %get3A_307] : memref<16x32x20xf32, #tpu.memory_space<vmem>>, vector<1x32x20xf32>
    %get3A_309 = vector.shape_cast %get3A_308 : vector<1x32x20xf32> to vector<32x20xf32>
    %broadcast_in_dim3A_310 = arith.constant 0.000000e+00 : f32
    %broadcast_in_dim3A_311 = vector.broadcast %broadcast_in_dim3A_310 : f32 to vector<32x20xf32>
    %eq3A_312 = arith.constant 0 : i32
    %eq3A_313 = vector.broadcast %eq3A_312 : i32 to vector<32x20xi32>
    %eq3A_314 = arith.cmpi eq, %select_n3A, %eq3A_313 : vector<32x20xi32>
    %slice3A_315 = vector.extract_strided_slice %select_n3A_304 {offsets = [0, 0], sizes = [32, 1], strides = [1, 1]} : vector<32x4xf32> to vector<32x1xf32>
    %broadcast_in_dim3A_316 = vector.shape_cast %slice3A_315 : vector<32x1xf32> to vector<32x1xf32>
    %broadcast_in_dim3A_317 = vector.broadcast %broadcast_in_dim3A_316 : vector<32x1xf32> to vector<32x20xf32>
    %select_n3A_318 = arith.select %eq3A_314, %broadcast_in_dim3A_317, %broadcast_in_dim3A_311 : vector<32x20xi1>, vector<32x20xf32>
    %eq3A_319 = arith.constant 1 : i32
    %eq3A_320 = vector.broadcast %eq3A_319 : i32 to vector<32x20xi32>
    %eq3A_321 = arith.cmpi eq, %select_n3A, %eq3A_320 : vector<32x20xi32>
    %slice3A_322 = vector.extract_strided_slice %select_n3A_304 {offsets = [0, 1], sizes = [32, 1], strides = [1, 1]} : vector<32x4xf32> to vector<32x1xf32>
    %broadcast_in_dim3A_323 = vector.shape_cast %slice3A_322 : vector<32x1xf32> to vector<32x1xf32>
    %broadcast_in_dim3A_324 = vector.broadcast %broadcast_in_dim3A_323 : vector<32x1xf32> to vector<32x20xf32>
    %select_n3A_325 = arith.select %eq3A_321, %broadcast_in_dim3A_324, %select_n3A_318 : vector<32x20xi1>, vector<32x20xf32>
    %eq3A_326 = arith.constant 2 : i32
    %eq3A_327 = vector.broadcast %eq3A_326 : i32 to vector<32x20xi32>
    %eq3A_328 = arith.cmpi eq, %select_n3A, %eq3A_327 : vector<32x20xi32>
    %slice3A_329 = vector.extract_strided_slice %select_n3A_304 {offsets = [0, 2], sizes = [32, 1], strides = [1, 1]} : vector<32x4xf32> to vector<32x1xf32>
    %broadcast_in_dim3A_330 = vector.shape_cast %slice3A_329 : vector<32x1xf32> to vector<32x1xf32>
    %broadcast_in_dim3A_331 = vector.broadcast %broadcast_in_dim3A_330 : vector<32x1xf32> to vector<32x20xf32>
    %select_n3A_332 = arith.select %eq3A_328, %broadcast_in_dim3A_331, %select_n3A_325 : vector<32x20xi1>, vector<32x20xf32>
    %eq3A_333 = arith.constant 3 : i32
    %eq3A_334 = vector.broadcast %eq3A_333 : i32 to vector<32x20xi32>
    %eq3A_335 = arith.cmpi eq, %select_n3A, %eq3A_334 : vector<32x20xi32>
    %slice3A_336 = vector.extract_strided_slice %select_n3A_304 {offsets = [0, 3], sizes = [32, 1], strides = [1, 1]} : vector<32x4xf32> to vector<32x1xf32>
    %broadcast_in_dim3A_337 = vector.shape_cast %slice3A_336 : vector<32x1xf32> to vector<32x1xf32>
    %broadcast_in_dim3A_338 = vector.broadcast %broadcast_in_dim3A_337 : vector<32x1xf32> to vector<32x20xf32>
    %select_n3A_339 = arith.select %eq3A_335, %broadcast_in_dim3A_338, %select_n3A_332 : vector<32x20xi1>, vector<32x20xf32>
    %add3A_340 = arith.addf %get3A_309, %select_n3A_339 : vector<32x20xf32>
    %reduce_max3A_341 = arith.constant dense<0xFF800000> : vector<32xf32>
    %reduce_max3A_342 = vector.multi_reduction <maximumf>, %add3A_340, %reduce_max3A_341 [1] : vector<32x20xf32> to vector<32xf32>
    %broadcast_in_dim3A_343 = vector.shape_cast %reduce_max3A_342 : vector<32xf32> to vector<32x1xf32>
    %eq3A_344 = vector.broadcast %broadcast_in_dim3A_343 : vector<32x1xf32> to vector<32x20xf32>
    %eq3A_345 = arith.cmpf oeq, %add3A_340, %eq3A_344 : vector<32x20xf32>
    %jit3A_346 = arith.constant 20 : i32
    %broadcast_in_dim3A_347 = vector.broadcast %jit3A_346 : i32 to vector<32x20xi32>
    %select_n3A_348 = arith.select %eq3A_345, %iota3A_0, %broadcast_in_dim3A_347 : vector<32x20xi1>, vector<32x20xi32>
    %reduce_min3A_349 = arith.constant dense<2147483647> : vector<32xi32>
    %reduce_min3A_350 = vector.multi_reduction <minsi>, %select_n3A_348, %reduce_min3A_349 [1] : vector<32x20xi32> to vector<32xi32>
    %broadcast_in_dim3A_351 = vector.shape_cast %reduce_min3A_350 : vector<32xi32> to vector<32x1xi32>
    %eq3A_352 = vector.broadcast %broadcast_in_dim3A_351 : vector<32x1xi32> to vector<32x20xi32>
    %eq3A_353 = arith.cmpi eq, %iota3A_0, %eq3A_352 : vector<32x20xi32>
    %jit3A_354 = arith.constant -1.000000e+30 : f32
    %broadcast_in_dim3A_355 = vector.broadcast %jit3A_354 : f32 to vector<32x20xf32>
    %select_n3A_356 = arith.select %eq3A_353, %broadcast_in_dim3A_355, %add3A_340 : vector<32x20xi1>, vector<32x20xf32>
    %reduce_max3A_357 = arith.constant dense<0xFF800000> : vector<32xf32>
    %reduce_max3A_358 = vector.multi_reduction <maximumf>, %select_n3A_356, %reduce_max3A_357 [1] : vector<32x20xf32> to vector<32xf32>
    %broadcast_in_dim3A_359 = vector.shape_cast %reduce_max3A_358 : vector<32xf32> to vector<32x1xf32>
    %eq3A_360 = vector.broadcast %broadcast_in_dim3A_359 : vector<32x1xf32> to vector<32x20xf32>
    %eq3A_361 = arith.cmpf oeq, %select_n3A_356, %eq3A_360 : vector<32x20xf32>
    %jit3A_362 = arith.constant 20 : i32
    %broadcast_in_dim3A_363 = vector.broadcast %jit3A_362 : i32 to vector<32x20xi32>
    %select_n3A_364 = arith.select %eq3A_361, %iota3A_0, %broadcast_in_dim3A_363 : vector<32x20xi1>, vector<32x20xi32>
    %reduce_min3A_365 = arith.constant dense<2147483647> : vector<32xi32>
    %reduce_min3A_366 = vector.multi_reduction <minsi>, %select_n3A_364, %reduce_min3A_365 [1] : vector<32x20xi32> to vector<32xi32>
    %broadcast_in_dim3A_367 = vector.shape_cast %reduce_min3A_366 : vector<32xi32> to vector<32x1xi32>
    %eq3A_368 = vector.broadcast %broadcast_in_dim3A_367 : vector<32x1xi32> to vector<32x20xi32>
    %eq3A_369 = arith.cmpi eq, %iota3A_0, %eq3A_368 : vector<32x20xi32>
    %jit3A_370 = arith.constant -1.000000e+30 : f32
    %broadcast_in_dim3A_371 = vector.broadcast %jit3A_370 : f32 to vector<32x20xf32>
    %select_n3A_372 = arith.select %eq3A_369, %broadcast_in_dim3A_371, %select_n3A_356 : vector<32x20xi1>, vector<32x20xf32>
    %reduce_max3A_373 = arith.constant dense<0xFF800000> : vector<32xf32>
    %reduce_max3A_374 = vector.multi_reduction <maximumf>, %select_n3A_372, %reduce_max3A_373 [1] : vector<32x20xf32> to vector<32xf32>
    %broadcast_in_dim3A_375 = vector.shape_cast %reduce_max3A_374 : vector<32xf32> to vector<32x1xf32>
    %eq3A_376 = vector.broadcast %broadcast_in_dim3A_375 : vector<32x1xf32> to vector<32x20xf32>
    %eq3A_377 = arith.cmpf oeq, %select_n3A_372, %eq3A_376 : vector<32x20xf32>
    %jit3A_378 = arith.constant 20 : i32
    %broadcast_in_dim3A_379 = vector.broadcast %jit3A_378 : i32 to vector<32x20xi32>
    %select_n3A_380 = arith.select %eq3A_377, %iota3A_0, %broadcast_in_dim3A_379 : vector<32x20xi1>, vector<32x20xi32>
    %reduce_min3A_381 = arith.constant dense<2147483647> : vector<32xi32>
    %reduce_min3A_382 = vector.multi_reduction <minsi>, %select_n3A_380, %reduce_min3A_381 [1] : vector<32x20xi32> to vector<32xi32>
    %broadcast_in_dim3A_383 = vector.shape_cast %reduce_min3A_382 : vector<32xi32> to vector<32x1xi32>
    %eq3A_384 = vector.broadcast %broadcast_in_dim3A_383 : vector<32x1xi32> to vector<32x20xi32>
    %eq3A_385 = arith.cmpi eq, %iota3A_0, %eq3A_384 : vector<32x20xi32>
    %jit3A_386 = arith.constant -1.000000e+30 : f32
    %broadcast_in_dim3A_387 = vector.broadcast %jit3A_386 : f32 to vector<32x20xf32>
    %select_n3A_388 = arith.select %eq3A_385, %broadcast_in_dim3A_387, %select_n3A_372 : vector<32x20xi1>, vector<32x20xf32>
    %reduce_max3A_389 = arith.constant dense<0xFF800000> : vector<32xf32>
    %reduce_max3A_390 = vector.multi_reduction <maximumf>, %select_n3A_388, %reduce_max3A_389 [1] : vector<32x20xf32> to vector<32xf32>
    %broadcast_in_dim3A_391 = vector.shape_cast %reduce_max3A_390 : vector<32xf32> to vector<32x1xf32>
    %eq3A_392 = vector.broadcast %broadcast_in_dim3A_391 : vector<32x1xf32> to vector<32x20xf32>
    %eq3A_393 = arith.cmpf oeq, %select_n3A_388, %eq3A_392 : vector<32x20xf32>
    %jit3A_394 = arith.constant 20 : i32
    %broadcast_in_dim3A_395 = vector.broadcast %jit3A_394 : i32 to vector<32x20xi32>
    %select_n3A_396 = arith.select %eq3A_393, %iota3A_0, %broadcast_in_dim3A_395 : vector<32x20xi1>, vector<32x20xi32>
    %reduce_min3A_397 = arith.constant dense<2147483647> : vector<32xi32>
    %reduce_min3A_398 = vector.multi_reduction <minsi>, %select_n3A_396, %reduce_min3A_397 [1] : vector<32x20xi32> to vector<32xi32>
    %broadcast_in_dim3A_399 = vector.shape_cast %reduce_min3A_398 : vector<32xi32> to vector<32x1xi32>
    %concatenate3A_400 = tpu.concatenate %broadcast_in_dim3A_343, %broadcast_in_dim3A_359, %broadcast_in_dim3A_375, %broadcast_in_dim3A_391 in 1 : vector<32x1xf32>, vector<32x1xf32>, vector<32x1xf32>, vector<32x1xf32> -> vector<32x4xf32>
    %concatenate3A_401 = tpu.concatenate %broadcast_in_dim3A_351, %broadcast_in_dim3A_367, %broadcast_in_dim3A_383, %broadcast_in_dim3A_399 in 1 : vector<32x1xi32>, vector<32x1xi32>, vector<32x1xi32>, vector<32x1xi32> -> vector<32x4xi32>
    %jit3A_402 = arith.constant 5 : i32
    %div3A_403 = vector.broadcast %jit3A_402 : i32 to vector<32x4xi32>
    %div3A_404 = arith.divsi %concatenate3A_401, %div3A_403 : vector<32x4xi32>
    %sign3A_405 = arith.constant 0 : i32
    %sign3A_406 = vector.broadcast %sign3A_405 : i32 to vector<32x4xi32>
    %sign3A_407 = arith.cmpi sgt, %concatenate3A_401, %sign3A_406 : vector<32x4xi32>
    %sign3A_408 = arith.extui %sign3A_407 : vector<32x4xi1> to vector<32x4xi32>
    %sign3A_409 = arith.constant 0 : i32
    %sign3A_410 = vector.broadcast %sign3A_409 : i32 to vector<32x4xi32>
    %sign3A_411 = arith.cmpi slt, %concatenate3A_401, %sign3A_410 : vector<32x4xi32>
    %sign3A_412 = arith.extui %sign3A_411 : vector<32x4xi1> to vector<32x4xi32>
    %sign3A_413 = arith.subi %sign3A_408, %sign3A_412 : vector<32x4xi32>
    %sign3A_414 = arith.constant 0 : i32
    %sign3A_415 = arith.cmpi sgt, %jit3A_402, %sign3A_414 : i32
    %sign3A_416 = arith.extui %sign3A_415 : i1 to i32
    %sign3A_417 = arith.constant 0 : i32
    %sign3A_418 = arith.cmpi slt, %jit3A_402, %sign3A_417 : i32
    %sign3A_419 = arith.extui %sign3A_418 : i1 to i32
    %sign3A_420 = arith.subi %sign3A_416, %sign3A_419 : i32
    %ne3A_421 = vector.broadcast %sign3A_420 : i32 to vector<32x4xi32>
    %ne3A_422 = arith.cmpi ne, %sign3A_413, %ne3A_421 : vector<32x4xi32>
    %rem3A_423 = vector.broadcast %jit3A_402 : i32 to vector<32x4xi32>
    %rem3A_424 = arith.remsi %concatenate3A_401, %rem3A_423 : vector<32x4xi32>
    %ne3A_425 = arith.constant 0 : i32
    %ne3A_426 = vector.broadcast %ne3A_425 : i32 to vector<32x4xi32>
    %ne3A_427 = arith.cmpi ne, %rem3A_424, %ne3A_426 : vector<32x4xi32>
    %and3A_428 = arith.andi %ne3A_422, %ne3A_427 : vector<32x4xi1>
    %sub3A_429 = arith.constant 1 : i32
    %sub3A_430 = vector.broadcast %sub3A_429 : i32 to vector<32x4xi32>
    %sub3A_431 = arith.subi %div3A_404, %sub3A_430 : vector<32x4xi32>
    %select_n3A_432 = arith.select %and3A_428, %sub3A_431, %div3A_404 : vector<32x4xi1>, vector<32x4xi32>
    %jit3A_433 = arith.constant 5 : i32
    %eq3A_434 = arith.constant 0 : i32
    %eq3A_435 = arith.cmpi eq, %jit3A_433, %eq3A_434 : i32
    %jit3A_436 = arith.constant 1 : i32
    %select_n3A_437 = arith.select %eq3A_435, %jit3A_436, %jit3A_433 : i32
    %rem3A_438 = vector.broadcast %select_n3A_437 : i32 to vector<32x4xi32>
    %rem3A_439 = arith.remsi %concatenate3A_401, %rem3A_438 : vector<32x4xi32>
    %ne3A_440 = arith.constant 0 : i32
    %ne3A_441 = vector.broadcast %ne3A_440 : i32 to vector<32x4xi32>
    %ne3A_442 = arith.cmpi ne, %rem3A_439, %ne3A_441 : vector<32x4xi32>
    %lt3A_443 = arith.constant 0 : i32
    %lt3A_444 = vector.broadcast %lt3A_443 : i32 to vector<32x4xi32>
    %lt3A_445 = arith.cmpi slt, %rem3A_439, %lt3A_444 : vector<32x4xi32>
    %lt3A_446 = arith.constant 0 : i32
    %lt3A_447 = arith.cmpi slt, %select_n3A_437, %lt3A_446 : i32
    %ne3A_448 = vector.broadcast %lt3A_447 : i1 to vector<32x4xi1>
    %ne3A_449 = vector.broadcast %ne3A_448 : vector<32x4xi1> to vector<32x4xi1>
    %ne3A_450 = arith.xori %lt3A_445, %ne3A_449 : vector<32x4xi1>
    %and3A_451 = arith.andi %ne3A_450, %ne3A_442 : vector<32x4xi1>
    %add3A_452 = vector.broadcast %select_n3A_437 : i32 to vector<32x4xi32>
    %add3A_453 = arith.addi %rem3A_439, %add3A_452 : vector<32x4xi32>
    %select_n3A_454 = arith.select %and3A_451, %add3A_453, %rem3A_439 : vector<32x4xi1>, vector<32x4xi32>
    %eq3A_455 = arith.constant 0 : i32
    %eq3A_456 = vector.broadcast %eq3A_455 : i32 to vector<32x4xi32>
    %eq3A_457 = arith.cmpi eq, %select_n3A_454, %eq3A_456 : vector<32x4xi32>
    %jit3A_458 = arith.constant -1.000000e+30 : f32
    %broadcast_in_dim3A_459 = vector.broadcast %jit3A_458 : f32 to vector<32x4xf32>
    %select_n3A_460 = arith.select %eq3A_457, %broadcast_in_dim3A_459, %concatenate3A_400 : vector<32x4xi1>, vector<32x4xf32>
    %get3A_461 = arith.constant 3 : index
    %get3A_462 = arith.constant 0 : index
    %get3A_463 = arith.constant 0 : index
    %get3A_464 = vector.load %arg0[%get3A_461, %get3A_462, %get3A_463] : memref<16x32x20xf32, #tpu.memory_space<vmem>>, vector<1x32x20xf32>
    %get3A_465 = vector.shape_cast %get3A_464 : vector<1x32x20xf32> to vector<32x20xf32>
    %broadcast_in_dim3A_466 = arith.constant 0.000000e+00 : f32
    %broadcast_in_dim3A_467 = vector.broadcast %broadcast_in_dim3A_466 : f32 to vector<32x20xf32>
    %eq3A_468 = arith.constant 0 : i32
    %eq3A_469 = vector.broadcast %eq3A_468 : i32 to vector<32x20xi32>
    %eq3A_470 = arith.cmpi eq, %select_n3A, %eq3A_469 : vector<32x20xi32>
    %slice3A_471 = vector.extract_strided_slice %select_n3A_460 {offsets = [0, 0], sizes = [32, 1], strides = [1, 1]} : vector<32x4xf32> to vector<32x1xf32>
    %broadcast_in_dim3A_472 = vector.shape_cast %slice3A_471 : vector<32x1xf32> to vector<32x1xf32>
    %broadcast_in_dim3A_473 = vector.broadcast %broadcast_in_dim3A_472 : vector<32x1xf32> to vector<32x20xf32>
    %select_n3A_474 = arith.select %eq3A_470, %broadcast_in_dim3A_473, %broadcast_in_dim3A_467 : vector<32x20xi1>, vector<32x20xf32>
    %eq3A_475 = arith.constant 1 : i32
    %eq3A_476 = vector.broadcast %eq3A_475 : i32 to vector<32x20xi32>
    %eq3A_477 = arith.cmpi eq, %select_n3A, %eq3A_476 : vector<32x20xi32>
    %slice3A_478 = vector.extract_strided_slice %select_n3A_460 {offsets = [0, 1], sizes = [32, 1], strides = [1, 1]} : vector<32x4xf32> to vector<32x1xf32>
    %broadcast_in_dim3A_479 = vector.shape_cast %slice3A_478 : vector<32x1xf32> to vector<32x1xf32>
    %broadcast_in_dim3A_480 = vector.broadcast %broadcast_in_dim3A_479 : vector<32x1xf32> to vector<32x20xf32>
    %select_n3A_481 = arith.select %eq3A_477, %broadcast_in_dim3A_480, %select_n3A_474 : vector<32x20xi1>, vector<32x20xf32>
    %eq3A_482 = arith.constant 2 : i32
    %eq3A_483 = vector.broadcast %eq3A_482 : i32 to vector<32x20xi32>
    %eq3A_484 = arith.cmpi eq, %select_n3A, %eq3A_483 : vector<32x20xi32>
    %slice3A_485 = vector.extract_strided_slice %select_n3A_460 {offsets = [0, 2], sizes = [32, 1], strides = [1, 1]} : vector<32x4xf32> to vector<32x1xf32>
    %broadcast_in_dim3A_486 = vector.shape_cast %slice3A_485 : vector<32x1xf32> to vector<32x1xf32>
    %broadcast_in_dim3A_487 = vector.broadcast %broadcast_in_dim3A_486 : vector<32x1xf32> to vector<32x20xf32>
    %select_n3A_488 = arith.select %eq3A_484, %broadcast_in_dim3A_487, %select_n3A_481 : vector<32x20xi1>, vector<32x20xf32>
    %eq3A_489 = arith.constant 3 : i32
    %eq3A_490 = vector.broadcast %eq3A_489 : i32 to vector<32x20xi32>
    %eq3A_491 = arith.cmpi eq, %select_n3A, %eq3A_490 : vector<32x20xi32>
    %slice3A_492 = vector.extract_strided_slice %select_n3A_460 {offsets = [0, 3], sizes = [32, 1], strides = [1, 1]} : vector<32x4xf32> to vector<32x1xf32>
    %broadcast_in_dim3A_493 = vector.shape_cast %slice3A_492 : vector<32x1xf32> to vector<32x1xf32>
    %broadcast_in_dim3A_494 = vector.broadcast %broadcast_in_dim3A_493 : vector<32x1xf32> to vector<32x20xf32>
    %select_n3A_495 = arith.select %eq3A_491, %broadcast_in_dim3A_494, %select_n3A_488 : vector<32x20xi1>, vector<32x20xf32>
    %add3A_496 = arith.addf %get3A_465, %select_n3A_495 : vector<32x20xf32>
    %reduce_max3A_497 = arith.constant dense<0xFF800000> : vector<32xf32>
    %reduce_max3A_498 = vector.multi_reduction <maximumf>, %add3A_496, %reduce_max3A_497 [1] : vector<32x20xf32> to vector<32xf32>
    %broadcast_in_dim3A_499 = vector.shape_cast %reduce_max3A_498 : vector<32xf32> to vector<32x1xf32>
    %eq3A_500 = vector.broadcast %broadcast_in_dim3A_499 : vector<32x1xf32> to vector<32x20xf32>
    %eq3A_501 = arith.cmpf oeq, %add3A_496, %eq3A_500 : vector<32x20xf32>
    %jit3A_502 = arith.constant 20 : i32
    %broadcast_in_dim3A_503 = vector.broadcast %jit3A_502 : i32 to vector<32x20xi32>
    %select_n3A_504 = arith.select %eq3A_501, %iota3A_0, %broadcast_in_dim3A_503 : vector<32x20xi1>, vector<32x20xi32>
    %reduce_min3A_505 = arith.constant dense<2147483647> : vector<32xi32>
    %reduce_min3A_506 = vector.multi_reduction <minsi>, %select_n3A_504, %reduce_min3A_505 [1] : vector<32x20xi32> to vector<32xi32>
    %broadcast_in_dim3A_507 = vector.shape_cast %reduce_min3A_506 : vector<32xi32> to vector<32x1xi32>
    %eq3A_508 = vector.broadcast %broadcast_in_dim3A_507 : vector<32x1xi32> to vector<32x20xi32>
    %eq3A_509 = arith.cmpi eq, %iota3A_0, %eq3A_508 : vector<32x20xi32>
    %jit3A_510 = arith.constant -1.000000e+30 : f32
    %broadcast_in_dim3A_511 = vector.broadcast %jit3A_510 : f32 to vector<32x20xf32>
    %select_n3A_512 = arith.select %eq3A_509, %broadcast_in_dim3A_511, %add3A_496 : vector<32x20xi1>, vector<32x20xf32>
    %reduce_max3A_513 = arith.constant dense<0xFF800000> : vector<32xf32>
    %reduce_max3A_514 = vector.multi_reduction <maximumf>, %select_n3A_512, %reduce_max3A_513 [1] : vector<32x20xf32> to vector<32xf32>
    %broadcast_in_dim3A_515 = vector.shape_cast %reduce_max3A_514 : vector<32xf32> to vector<32x1xf32>
    %eq3A_516 = vector.broadcast %broadcast_in_dim3A_515 : vector<32x1xf32> to vector<32x20xf32>
    %eq3A_517 = arith.cmpf oeq, %select_n3A_512, %eq3A_516 : vector<32x20xf32>
    %jit3A_518 = arith.constant 20 : i32
    %broadcast_in_dim3A_519 = vector.broadcast %jit3A_518 : i32 to vector<32x20xi32>
    %select_n3A_520 = arith.select %eq3A_517, %iota3A_0, %broadcast_in_dim3A_519 : vector<32x20xi1>, vector<32x20xi32>
    %reduce_min3A_521 = arith.constant dense<2147483647> : vector<32xi32>
    %reduce_min3A_522 = vector.multi_reduction <minsi>, %select_n3A_520, %reduce_min3A_521 [1] : vector<32x20xi32> to vector<32xi32>
    %broadcast_in_dim3A_523 = vector.shape_cast %reduce_min3A_522 : vector<32xi32> to vector<32x1xi32>
    %eq3A_524 = vector.broadcast %broadcast_in_dim3A_523 : vector<32x1xi32> to vector<32x20xi32>
    %eq3A_525 = arith.cmpi eq, %iota3A_0, %eq3A_524 : vector<32x20xi32>
    %jit3A_526 = arith.constant -1.000000e+30 : f32
    %broadcast_in_dim3A_527 = vector.broadcast %jit3A_526 : f32 to vector<32x20xf32>
    %select_n3A_528 = arith.select %eq3A_525, %broadcast_in_dim3A_527, %select_n3A_512 : vector<32x20xi1>, vector<32x20xf32>
    %reduce_max3A_529 = arith.constant dense<0xFF800000> : vector<32xf32>
    %reduce_max3A_530 = vector.multi_reduction <maximumf>, %select_n3A_528, %reduce_max3A_529 [1] : vector<32x20xf32> to vector<32xf32>
    %broadcast_in_dim3A_531 = vector.shape_cast %reduce_max3A_530 : vector<32xf32> to vector<32x1xf32>
    %eq3A_532 = vector.broadcast %broadcast_in_dim3A_531 : vector<32x1xf32> to vector<32x20xf32>
    %eq3A_533 = arith.cmpf oeq, %select_n3A_528, %eq3A_532 : vector<32x20xf32>
    %jit3A_534 = arith.constant 20 : i32
    %broadcast_in_dim3A_535 = vector.broadcast %jit3A_534 : i32 to vector<32x20xi32>
    %select_n3A_536 = arith.select %eq3A_533, %iota3A_0, %broadcast_in_dim3A_535 : vector<32x20xi1>, vector<32x20xi32>
    %reduce_min3A_537 = arith.constant dense<2147483647> : vector<32xi32>
    %reduce_min3A_538 = vector.multi_reduction <minsi>, %select_n3A_536, %reduce_min3A_537 [1] : vector<32x20xi32> to vector<32xi32>
    %broadcast_in_dim3A_539 = vector.shape_cast %reduce_min3A_538 : vector<32xi32> to vector<32x1xi32>
    %eq3A_540 = vector.broadcast %broadcast_in_dim3A_539 : vector<32x1xi32> to vector<32x20xi32>
    %eq3A_541 = arith.cmpi eq, %iota3A_0, %eq3A_540 : vector<32x20xi32>
    %jit3A_542 = arith.constant -1.000000e+30 : f32
    %broadcast_in_dim3A_543 = vector.broadcast %jit3A_542 : f32 to vector<32x20xf32>
    %select_n3A_544 = arith.select %eq3A_541, %broadcast_in_dim3A_543, %select_n3A_528 : vector<32x20xi1>, vector<32x20xf32>
    %reduce_max3A_545 = arith.constant dense<0xFF800000> : vector<32xf32>
    %reduce_max3A_546 = vector.multi_reduction <maximumf>, %select_n3A_544, %reduce_max3A_545 [1] : vector<32x20xf32> to vector<32xf32>
    %broadcast_in_dim3A_547 = vector.shape_cast %reduce_max3A_546 : vector<32xf32> to vector<32x1xf32>
    %eq3A_548 = vector.broadcast %broadcast_in_dim3A_547 : vector<32x1xf32> to vector<32x20xf32>
    %eq3A_549 = arith.cmpf oeq, %select_n3A_544, %eq3A_548 : vector<32x20xf32>
    %jit3A_550 = arith.constant 20 : i32
    %broadcast_in_dim3A_551 = vector.broadcast %jit3A_550 : i32 to vector<32x20xi32>
    %select_n3A_552 = arith.select %eq3A_549, %iota3A_0, %broadcast_in_dim3A_551 : vector<32x20xi1>, vector<32x20xi32>
    %reduce_min3A_553 = arith.constant dense<2147483647> : vector<32xi32>
    %reduce_min3A_554 = vector.multi_reduction <minsi>, %select_n3A_552, %reduce_min3A_553 [1] : vector<32x20xi32> to vector<32xi32>
    %broadcast_in_dim3A_555 = vector.shape_cast %reduce_min3A_554 : vector<32xi32> to vector<32x1xi32>
    %concatenate3A_556 = tpu.concatenate %broadcast_in_dim3A_499, %broadcast_in_dim3A_515, %broadcast_in_dim3A_531, %broadcast_in_dim3A_547 in 1 : vector<32x1xf32>, vector<32x1xf32>, vector<32x1xf32>, vector<32x1xf32> -> vector<32x4xf32>
    %concatenate3A_557 = tpu.concatenate %broadcast_in_dim3A_507, %broadcast_in_dim3A_523, %broadcast_in_dim3A_539, %broadcast_in_dim3A_555 in 1 : vector<32x1xi32>, vector<32x1xi32>, vector<32x1xi32>, vector<32x1xi32> -> vector<32x4xi32>
    %jit3A_558 = arith.constant 5 : i32
    %div3A_559 = vector.broadcast %jit3A_558 : i32 to vector<32x4xi32>
    %div3A_560 = arith.divsi %concatenate3A_557, %div3A_559 : vector<32x4xi32>
    %sign3A_561 = arith.constant 0 : i32
    %sign3A_562 = vector.broadcast %sign3A_561 : i32 to vector<32x4xi32>
    %sign3A_563 = arith.cmpi sgt, %concatenate3A_557, %sign3A_562 : vector<32x4xi32>
    %sign3A_564 = arith.extui %sign3A_563 : vector<32x4xi1> to vector<32x4xi32>
    %sign3A_565 = arith.constant 0 : i32
    %sign3A_566 = vector.broadcast %sign3A_565 : i32 to vector<32x4xi32>
    %sign3A_567 = arith.cmpi slt, %concatenate3A_557, %sign3A_566 : vector<32x4xi32>
    %sign3A_568 = arith.extui %sign3A_567 : vector<32x4xi1> to vector<32x4xi32>
    %sign3A_569 = arith.subi %sign3A_564, %sign3A_568 : vector<32x4xi32>
    %sign3A_570 = arith.constant 0 : i32
    %sign3A_571 = arith.cmpi sgt, %jit3A_558, %sign3A_570 : i32
    %sign3A_572 = arith.extui %sign3A_571 : i1 to i32
    %sign3A_573 = arith.constant 0 : i32
    %sign3A_574 = arith.cmpi slt, %jit3A_558, %sign3A_573 : i32
    %sign3A_575 = arith.extui %sign3A_574 : i1 to i32
    %sign3A_576 = arith.subi %sign3A_572, %sign3A_575 : i32
    %ne3A_577 = vector.broadcast %sign3A_576 : i32 to vector<32x4xi32>
    %ne3A_578 = arith.cmpi ne, %sign3A_569, %ne3A_577 : vector<32x4xi32>
    %rem3A_579 = vector.broadcast %jit3A_558 : i32 to vector<32x4xi32>
    %rem3A_580 = arith.remsi %concatenate3A_557, %rem3A_579 : vector<32x4xi32>
    %ne3A_581 = arith.constant 0 : i32
    %ne3A_582 = vector.broadcast %ne3A_581 : i32 to vector<32x4xi32>
    %ne3A_583 = arith.cmpi ne, %rem3A_580, %ne3A_582 : vector<32x4xi32>
    %and3A_584 = arith.andi %ne3A_578, %ne3A_583 : vector<32x4xi1>
    %sub3A_585 = arith.constant 1 : i32
    %sub3A_586 = vector.broadcast %sub3A_585 : i32 to vector<32x4xi32>
    %sub3A_587 = arith.subi %div3A_560, %sub3A_586 : vector<32x4xi32>
    %select_n3A_588 = arith.select %and3A_584, %sub3A_587, %div3A_560 : vector<32x4xi1>, vector<32x4xi32>
    %jit3A_589 = arith.constant 5 : i32
    %eq3A_590 = arith.constant 0 : i32
    %eq3A_591 = arith.cmpi eq, %jit3A_589, %eq3A_590 : i32
    %jit3A_592 = arith.constant 1 : i32
    %select_n3A_593 = arith.select %eq3A_591, %jit3A_592, %jit3A_589 : i32
    %rem3A_594 = vector.broadcast %select_n3A_593 : i32 to vector<32x4xi32>
    %rem3A_595 = arith.remsi %concatenate3A_557, %rem3A_594 : vector<32x4xi32>
    %ne3A_596 = arith.constant 0 : i32
    %ne3A_597 = vector.broadcast %ne3A_596 : i32 to vector<32x4xi32>
    %ne3A_598 = arith.cmpi ne, %rem3A_595, %ne3A_597 : vector<32x4xi32>
    %lt3A_599 = arith.constant 0 : i32
    %lt3A_600 = vector.broadcast %lt3A_599 : i32 to vector<32x4xi32>
    %lt3A_601 = arith.cmpi slt, %rem3A_595, %lt3A_600 : vector<32x4xi32>
    %lt3A_602 = arith.constant 0 : i32
    %lt3A_603 = arith.cmpi slt, %select_n3A_593, %lt3A_602 : i32
    %ne3A_604 = vector.broadcast %lt3A_603 : i1 to vector<32x4xi1>
    %ne3A_605 = vector.broadcast %ne3A_604 : vector<32x4xi1> to vector<32x4xi1>
    %ne3A_606 = arith.xori %lt3A_601, %ne3A_605 : vector<32x4xi1>
    %and3A_607 = arith.andi %ne3A_606, %ne3A_598 : vector<32x4xi1>
    %add3A_608 = vector.broadcast %select_n3A_593 : i32 to vector<32x4xi32>
    %add3A_609 = arith.addi %rem3A_595, %add3A_608 : vector<32x4xi32>
    %select_n3A_610 = arith.select %and3A_607, %add3A_609, %rem3A_595 : vector<32x4xi1>, vector<32x4xi32>
    %eq3A_611 = arith.constant 0 : i32
    %eq3A_612 = vector.broadcast %eq3A_611 : i32 to vector<32x4xi32>
    %eq3A_613 = arith.cmpi eq, %select_n3A_610, %eq3A_612 : vector<32x4xi32>
    %jit3A_614 = arith.constant -1.000000e+30 : f32
    %broadcast_in_dim3A_615 = vector.broadcast %jit3A_614 : f32 to vector<32x4xf32>
    %select_n3A_616 = arith.select %eq3A_613, %broadcast_in_dim3A_615, %concatenate3A_556 : vector<32x4xi1>, vector<32x4xf32>
    %get3A_617 = arith.constant 4 : index
    %get3A_618 = arith.constant 0 : index
    %get3A_619 = arith.constant 0 : index
    %get3A_620 = vector.load %arg0[%get3A_617, %get3A_618, %get3A_619] : memref<16x32x20xf32, #tpu.memory_space<vmem>>, vector<1x32x20xf32>
    %get3A_621 = vector.shape_cast %get3A_620 : vector<1x32x20xf32> to vector<32x20xf32>
    %broadcast_in_dim3A_622 = arith.constant 0.000000e+00 : f32
    %broadcast_in_dim3A_623 = vector.broadcast %broadcast_in_dim3A_622 : f32 to vector<32x20xf32>
    %eq3A_624 = arith.constant 0 : i32
    %eq3A_625 = vector.broadcast %eq3A_624 : i32 to vector<32x20xi32>
    %eq3A_626 = arith.cmpi eq, %select_n3A, %eq3A_625 : vector<32x20xi32>
    %slice3A_627 = vector.extract_strided_slice %select_n3A_616 {offsets = [0, 0], sizes = [32, 1], strides = [1, 1]} : vector<32x4xf32> to vector<32x1xf32>
    %broadcast_in_dim3A_628 = vector.shape_cast %slice3A_627 : vector<32x1xf32> to vector<32x1xf32>
    %broadcast_in_dim3A_629 = vector.broadcast %broadcast_in_dim3A_628 : vector<32x1xf32> to vector<32x20xf32>
    %select_n3A_630 = arith.select %eq3A_626, %broadcast_in_dim3A_629, %broadcast_in_dim3A_623 : vector<32x20xi1>, vector<32x20xf32>
    %eq3A_631 = arith.constant 1 : i32
    %eq3A_632 = vector.broadcast %eq3A_631 : i32 to vector<32x20xi32>
    %eq3A_633 = arith.cmpi eq, %select_n3A, %eq3A_632 : vector<32x20xi32>
    %slice3A_634 = vector.extract_strided_slice %select_n3A_616 {offsets = [0, 1], sizes = [32, 1], strides = [1, 1]} : vector<32x4xf32> to vector<32x1xf32>
    %broadcast_in_dim3A_635 = vector.shape_cast %slice3A_634 : vector<32x1xf32> to vector<32x1xf32>
    %broadcast_in_dim3A_636 = vector.broadcast %broadcast_in_dim3A_635 : vector<32x1xf32> to vector<32x20xf32>
    %select_n3A_637 = arith.select %eq3A_633, %broadcast_in_dim3A_636, %select_n3A_630 : vector<32x20xi1>, vector<32x20xf32>
    %eq3A_638 = arith.constant 2 : i32
    %eq3A_639 = vector.broadcast %eq3A_638 : i32 to vector<32x20xi32>
    %eq3A_640 = arith.cmpi eq, %select_n3A, %eq3A_639 : vector<32x20xi32>
    %slice3A_641 = vector.extract_strided_slice %select_n3A_616 {offsets = [0, 2], sizes = [32, 1], strides = [1, 1]} : vector<32x4xf32> to vector<32x1xf32>
    %broadcast_in_dim3A_642 = vector.shape_cast %slice3A_641 : vector<32x1xf32> to vector<32x1xf32>
    %broadcast_in_dim3A_643 = vector.broadcast %broadcast_in_dim3A_642 : vector<32x1xf32> to vector<32x20xf32>
    %select_n3A_644 = arith.select %eq3A_640, %broadcast_in_dim3A_643, %select_n3A_637 : vector<32x20xi1>, vector<32x20xf32>
    %eq3A_645 = arith.constant 3 : i32
    %eq3A_646 = vector.broadcast %eq3A_645 : i32 to vector<32x20xi32>
    %eq3A_647 = arith.cmpi eq, %select_n3A, %eq3A_646 : vector<32x20xi32>
    %slice3A_648 = vector.extract_strided_slice %select_n3A_616 {offsets = [0, 3], sizes = [32, 1], strides = [1, 1]} : vector<32x4xf32> to vector<32x1xf32>
    %broadcast_in_dim3A_649 = vector.shape_cast %slice3A_648 : vector<32x1xf32> to vector<32x1xf32>
    %broadcast_in_dim3A_650 = vector.broadcast %broadcast_in_dim3A_649 : vector<32x1xf32> to vector<32x20xf32>
    %select_n3A_651 = arith.select %eq3A_647, %broadcast_in_dim3A_650, %select_n3A_644 : vector<32x20xi1>, vector<32x20xf32>
    %add3A_652 = arith.addf %get3A_621, %select_n3A_651 : vector<32x20xf32>
    %reduce_max3A_653 = arith.constant dense<0xFF800000> : vector<32xf32>
    %reduce_max3A_654 = vector.multi_reduction <maximumf>, %add3A_652, %reduce_max3A_653 [1] : vector<32x20xf32> to vector<32xf32>
    %broadcast_in_dim3A_655 = vector.shape_cast %reduce_max3A_654 : vector<32xf32> to vector<32x1xf32>
    %eq3A_656 = vector.broadcast %broadcast_in_dim3A_655 : vector<32x1xf32> to vector<32x20xf32>
    %eq3A_657 = arith.cmpf oeq, %add3A_652, %eq3A_656 : vector<32x20xf32>
    %jit3A_658 = arith.constant 20 : i32
    %broadcast_in_dim3A_659 = vector.broadcast %jit3A_658 : i32 to vector<32x20xi32>
    %select_n3A_660 = arith.select %eq3A_657, %iota3A_0, %broadcast_in_dim3A_659 : vector<32x20xi1>, vector<32x20xi32>
    %reduce_min3A_661 = arith.constant dense<2147483647> : vector<32xi32>
    %reduce_min3A_662 = vector.multi_reduction <minsi>, %select_n3A_660, %reduce_min3A_661 [1] : vector<32x20xi32> to vector<32xi32>
    %broadcast_in_dim3A_663 = vector.shape_cast %reduce_min3A_662 : vector<32xi32> to vector<32x1xi32>
    %eq3A_664 = vector.broadcast %broadcast_in_dim3A_663 : vector<32x1xi32> to vector<32x20xi32>
    %eq3A_665 = arith.cmpi eq, %iota3A_0, %eq3A_664 : vector<32x20xi32>
    %jit3A_666 = arith.constant -1.000000e+30 : f32
    %broadcast_in_dim3A_667 = vector.broadcast %jit3A_666 : f32 to vector<32x20xf32>
    %select_n3A_668 = arith.select %eq3A_665, %broadcast_in_dim3A_667, %add3A_652 : vector<32x20xi1>, vector<32x20xf32>
    %reduce_max3A_669 = arith.constant dense<0xFF800000> : vector<32xf32>
    %reduce_max3A_670 = vector.multi_reduction <maximumf>, %select_n3A_668, %reduce_max3A_669 [1] : vector<32x20xf32> to vector<32xf32>
    %broadcast_in_dim3A_671 = vector.shape_cast %reduce_max3A_670 : vector<32xf32> to vector<32x1xf32>
    %eq3A_672 = vector.broadcast %broadcast_in_dim3A_671 : vector<32x1xf32> to vector<32x20xf32>
    %eq3A_673 = arith.cmpf oeq, %select_n3A_668, %eq3A_672 : vector<32x20xf32>
    %jit3A_674 = arith.constant 20 : i32
    %broadcast_in_dim3A_675 = vector.broadcast %jit3A_674 : i32 to vector<32x20xi32>
    %select_n3A_676 = arith.select %eq3A_673, %iota3A_0, %broadcast_in_dim3A_675 : vector<32x20xi1>, vector<32x20xi32>
    %reduce_min3A_677 = arith.constant dense<2147483647> : vector<32xi32>
    %reduce_min3A_678 = vector.multi_reduction <minsi>, %select_n3A_676, %reduce_min3A_677 [1] : vector<32x20xi32> to vector<32xi32>
    %broadcast_in_dim3A_679 = vector.shape_cast %reduce_min3A_678 : vector<32xi32> to vector<32x1xi32>
    %eq3A_680 = vector.broadcast %broadcast_in_dim3A_679 : vector<32x1xi32> to vector<32x20xi32>
    %eq3A_681 = arith.cmpi eq, %iota3A_0, %eq3A_680 : vector<32x20xi32>
    %jit3A_682 = arith.constant -1.000000e+30 : f32
    %broadcast_in_dim3A_683 = vector.broadcast %jit3A_682 : f32 to vector<32x20xf32>
    %select_n3A_684 = arith.select %eq3A_681, %broadcast_in_dim3A_683, %select_n3A_668 : vector<32x20xi1>, vector<32x20xf32>
    %reduce_max3A_685 = arith.constant dense<0xFF800000> : vector<32xf32>
    %reduce_max3A_686 = vector.multi_reduction <maximumf>, %select_n3A_684, %reduce_max3A_685 [1] : vector<32x20xf32> to vector<32xf32>
    %broadcast_in_dim3A_687 = vector.shape_cast %reduce_max3A_686 : vector<32xf32> to vector<32x1xf32>
    %eq3A_688 = vector.broadcast %broadcast_in_dim3A_687 : vector<32x1xf32> to vector<32x20xf32>
    %eq3A_689 = arith.cmpf oeq, %select_n3A_684, %eq3A_688 : vector<32x20xf32>
    %jit3A_690 = arith.constant 20 : i32
    %broadcast_in_dim3A_691 = vector.broadcast %jit3A_690 : i32 to vector<32x20xi32>
    %select_n3A_692 = arith.select %eq3A_689, %iota3A_0, %broadcast_in_dim3A_691 : vector<32x20xi1>, vector<32x20xi32>
    %reduce_min3A_693 = arith.constant dense<2147483647> : vector<32xi32>
    %reduce_min3A_694 = vector.multi_reduction <minsi>, %select_n3A_692, %reduce_min3A_693 [1] : vector<32x20xi32> to vector<32xi32>
    %broadcast_in_dim3A_695 = vector.shape_cast %reduce_min3A_694 : vector<32xi32> to vector<32x1xi32>
    %eq3A_696 = vector.broadcast %broadcast_in_dim3A_695 : vector<32x1xi32> to vector<32x20xi32>
    %eq3A_697 = arith.cmpi eq, %iota3A_0, %eq3A_696 : vector<32x20xi32>
    %jit3A_698 = arith.constant -1.000000e+30 : f32
    %broadcast_in_dim3A_699 = vector.broadcast %jit3A_698 : f32 to vector<32x20xf32>
    %select_n3A_700 = arith.select %eq3A_697, %broadcast_in_dim3A_699, %select_n3A_684 : vector<32x20xi1>, vector<32x20xf32>
    %reduce_max3A_701 = arith.constant dense<0xFF800000> : vector<32xf32>
    %reduce_max3A_702 = vector.multi_reduction <maximumf>, %select_n3A_700, %reduce_max3A_701 [1] : vector<32x20xf32> to vector<32xf32>
    %broadcast_in_dim3A_703 = vector.shape_cast %reduce_max3A_702 : vector<32xf32> to vector<32x1xf32>
    %eq3A_704 = vector.broadcast %broadcast_in_dim3A_703 : vector<32x1xf32> to vector<32x20xf32>
    %eq3A_705 = arith.cmpf oeq, %select_n3A_700, %eq3A_704 : vector<32x20xf32>
    %jit3A_706 = arith.constant 20 : i32
    %broadcast_in_dim3A_707 = vector.broadcast %jit3A_706 : i32 to vector<32x20xi32>
    %select_n3A_708 = arith.select %eq3A_705, %iota3A_0, %broadcast_in_dim3A_707 : vector<32x20xi1>, vector<32x20xi32>
    %reduce_min3A_709 = arith.constant dense<2147483647> : vector<32xi32>
    %reduce_min3A_710 = vector.multi_reduction <minsi>, %select_n3A_708, %reduce_min3A_709 [1] : vector<32x20xi32> to vector<32xi32>
    %broadcast_in_dim3A_711 = vector.shape_cast %reduce_min3A_710 : vector<32xi32> to vector<32x1xi32>
    %concatenate3A_712 = tpu.concatenate %broadcast_in_dim3A_655, %broadcast_in_dim3A_671, %broadcast_in_dim3A_687, %broadcast_in_dim3A_703 in 1 : vector<32x1xf32>, vector<32x1xf32>, vector<32x1xf32>, vector<32x1xf32> -> vector<32x4xf32>
    %concatenate3A_713 = tpu.concatenate %broadcast_in_dim3A_663, %broadcast_in_dim3A_679, %broadcast_in_dim3A_695, %broadcast_in_dim3A_711 in 1 : vector<32x1xi32>, vector<32x1xi32>, vector<32x1xi32>, vector<32x1xi32> -> vector<32x4xi32>
    %jit3A_714 = arith.constant 5 : i32
    %div3A_715 = vector.broadcast %jit3A_714 : i32 to vector<32x4xi32>
    %div3A_716 = arith.divsi %concatenate3A_713, %div3A_715 : vector<32x4xi32>
    %sign3A_717 = arith.constant 0 : i32
    %sign3A_718 = vector.broadcast %sign3A_717 : i32 to vector<32x4xi32>
    %sign3A_719 = arith.cmpi sgt, %concatenate3A_713, %sign3A_718 : vector<32x4xi32>
    %sign3A_720 = arith.extui %sign3A_719 : vector<32x4xi1> to vector<32x4xi32>
    %sign3A_721 = arith.constant 0 : i32
    %sign3A_722 = vector.broadcast %sign3A_721 : i32 to vector<32x4xi32>
    %sign3A_723 = arith.cmpi slt, %concatenate3A_713, %sign3A_722 : vector<32x4xi32>
    %sign3A_724 = arith.extui %sign3A_723 : vector<32x4xi1> to vector<32x4xi32>
    %sign3A_725 = arith.subi %sign3A_720, %sign3A_724 : vector<32x4xi32>
    %sign3A_726 = arith.constant 0 : i32
    %sign3A_727 = arith.cmpi sgt, %jit3A_714, %sign3A_726 : i32
    %sign3A_728 = arith.extui %sign3A_727 : i1 to i32
    %sign3A_729 = arith.constant 0 : i32
    %sign3A_730 = arith.cmpi slt, %jit3A_714, %sign3A_729 : i32
    %sign3A_731 = arith.extui %sign3A_730 : i1 to i32
    %sign3A_732 = arith.subi %sign3A_728, %sign3A_731 : i32
    %ne3A_733 = vector.broadcast %sign3A_732 : i32 to vector<32x4xi32>
    %ne3A_734 = arith.cmpi ne, %sign3A_725, %ne3A_733 : vector<32x4xi32>
    %rem3A_735 = vector.broadcast %jit3A_714 : i32 to vector<32x4xi32>
    %rem3A_736 = arith.remsi %concatenate3A_713, %rem3A_735 : vector<32x4xi32>
    %ne3A_737 = arith.constant 0 : i32
    %ne3A_738 = vector.broadcast %ne3A_737 : i32 to vector<32x4xi32>
    %ne3A_739 = arith.cmpi ne, %rem3A_736, %ne3A_738 : vector<32x4xi32>
    %and3A_740 = arith.andi %ne3A_734, %ne3A_739 : vector<32x4xi1>
    %sub3A_741 = arith.constant 1 : i32
    %sub3A_742 = vector.broadcast %sub3A_741 : i32 to vector<32x4xi32>
    %sub3A_743 = arith.subi %div3A_716, %sub3A_742 : vector<32x4xi32>
    %select_n3A_744 = arith.select %and3A_740, %sub3A_743, %div3A_716 : vector<32x4xi1>, vector<32x4xi32>
    %jit3A_745 = arith.constant 5 : i32
    %eq3A_746 = arith.constant 0 : i32
    %eq3A_747 = arith.cmpi eq, %jit3A_745, %eq3A_746 : i32
    %jit3A_748 = arith.constant 1 : i32
    %select_n3A_749 = arith.select %eq3A_747, %jit3A_748, %jit3A_745 : i32
    %rem3A_750 = vector.broadcast %select_n3A_749 : i32 to vector<32x4xi32>
    %rem3A_751 = arith.remsi %concatenate3A_713, %rem3A_750 : vector<32x4xi32>
    %ne3A_752 = arith.constant 0 : i32
    %ne3A_753 = vector.broadcast %ne3A_752 : i32 to vector<32x4xi32>
    %ne3A_754 = arith.cmpi ne, %rem3A_751, %ne3A_753 : vector<32x4xi32>
    %lt3A_755 = arith.constant 0 : i32
    %lt3A_756 = vector.broadcast %lt3A_755 : i32 to vector<32x4xi32>
    %lt3A_757 = arith.cmpi slt, %rem3A_751, %lt3A_756 : vector<32x4xi32>
    %lt3A_758 = arith.constant 0 : i32
    %lt3A_759 = arith.cmpi slt, %select_n3A_749, %lt3A_758 : i32
    %ne3A_760 = vector.broadcast %lt3A_759 : i1 to vector<32x4xi1>
    %ne3A_761 = vector.broadcast %ne3A_760 : vector<32x4xi1> to vector<32x4xi1>
    %ne3A_762 = arith.xori %lt3A_757, %ne3A_761 : vector<32x4xi1>
    %and3A_763 = arith.andi %ne3A_762, %ne3A_754 : vector<32x4xi1>
    %add3A_764 = vector.broadcast %select_n3A_749 : i32 to vector<32x4xi32>
    %add3A_765 = arith.addi %rem3A_751, %add3A_764 : vector<32x4xi32>
    %select_n3A_766 = arith.select %and3A_763, %add3A_765, %rem3A_751 : vector<32x4xi1>, vector<32x4xi32>
    %eq3A_767 = arith.constant 0 : i32
    %eq3A_768 = vector.broadcast %eq3A_767 : i32 to vector<32x4xi32>
    %eq3A_769 = arith.cmpi eq, %select_n3A_766, %eq3A_768 : vector<32x4xi32>
    %jit3A_770 = arith.constant -1.000000e+30 : f32
    %broadcast_in_dim3A_771 = vector.broadcast %jit3A_770 : f32 to vector<32x4xf32>
    %select_n3A_772 = arith.select %eq3A_769, %broadcast_in_dim3A_771, %concatenate3A_712 : vector<32x4xi1>, vector<32x4xf32>
    %get3A_773 = arith.constant 5 : index
    %get3A_774 = arith.constant 0 : index
    %get3A_775 = arith.constant 0 : index
    %get3A_776 = vector.load %arg0[%get3A_773, %get3A_774, %get3A_775] : memref<16x32x20xf32, #tpu.memory_space<vmem>>, vector<1x32x20xf32>
    %get3A_777 = vector.shape_cast %get3A_776 : vector<1x32x20xf32> to vector<32x20xf32>
    %broadcast_in_dim3A_778 = arith.constant 0.000000e+00 : f32
    %broadcast_in_dim3A_779 = vector.broadcast %broadcast_in_dim3A_778 : f32 to vector<32x20xf32>
    %eq3A_780 = arith.constant 0 : i32
    %eq3A_781 = vector.broadcast %eq3A_780 : i32 to vector<32x20xi32>
    %eq3A_782 = arith.cmpi eq, %select_n3A, %eq3A_781 : vector<32x20xi32>
    %slice3A_783 = vector.extract_strided_slice %select_n3A_772 {offsets = [0, 0], sizes = [32, 1], strides = [1, 1]} : vector<32x4xf32> to vector<32x1xf32>
    %broadcast_in_dim3A_784 = vector.shape_cast %slice3A_783 : vector<32x1xf32> to vector<32x1xf32>
    %broadcast_in_dim3A_785 = vector.broadcast %broadcast_in_dim3A_784 : vector<32x1xf32> to vector<32x20xf32>
    %select_n3A_786 = arith.select %eq3A_782, %broadcast_in_dim3A_785, %broadcast_in_dim3A_779 : vector<32x20xi1>, vector<32x20xf32>
    %eq3A_787 = arith.constant 1 : i32
    %eq3A_788 = vector.broadcast %eq3A_787 : i32 to vector<32x20xi32>
    %eq3A_789 = arith.cmpi eq, %select_n3A, %eq3A_788 : vector<32x20xi32>
    %slice3A_790 = vector.extract_strided_slice %select_n3A_772 {offsets = [0, 1], sizes = [32, 1], strides = [1, 1]} : vector<32x4xf32> to vector<32x1xf32>
    %broadcast_in_dim3A_791 = vector.shape_cast %slice3A_790 : vector<32x1xf32> to vector<32x1xf32>
    %broadcast_in_dim3A_792 = vector.broadcast %broadcast_in_dim3A_791 : vector<32x1xf32> to vector<32x20xf32>
    %select_n3A_793 = arith.select %eq3A_789, %broadcast_in_dim3A_792, %select_n3A_786 : vector<32x20xi1>, vector<32x20xf32>
    %eq3A_794 = arith.constant 2 : i32
    %eq3A_795 = vector.broadcast %eq3A_794 : i32 to vector<32x20xi32>
    %eq3A_796 = arith.cmpi eq, %select_n3A, %eq3A_795 : vector<32x20xi32>
    %slice3A_797 = vector.extract_strided_slice %select_n3A_772 {offsets = [0, 2], sizes = [32, 1], strides = [1, 1]} : vector<32x4xf32> to vector<32x1xf32>
    %broadcast_in_dim3A_798 = vector.shape_cast %slice3A_797 : vector<32x1xf32> to vector<32x1xf32>
    %broadcast_in_dim3A_799 = vector.broadcast %broadcast_in_dim3A_798 : vector<32x1xf32> to vector<32x20xf32>
    %select_n3A_800 = arith.select %eq3A_796, %broadcast_in_dim3A_799, %select_n3A_793 : vector<32x20xi1>, vector<32x20xf32>
    %eq3A_801 = arith.constant 3 : i32
    %eq3A_802 = vector.broadcast %eq3A_801 : i32 to vector<32x20xi32>
    %eq3A_803 = arith.cmpi eq, %select_n3A, %eq3A_802 : vector<32x20xi32>
    %slice3A_804 = vector.extract_strided_slice %select_n3A_772 {offsets = [0, 3], sizes = [32, 1], strides = [1, 1]} : vector<32x4xf32> to vector<32x1xf32>
    %broadcast_in_dim3A_805 = vector.shape_cast %slice3A_804 : vector<32x1xf32> to vector<32x1xf32>
    %broadcast_in_dim3A_806 = vector.broadcast %broadcast_in_dim3A_805 : vector<32x1xf32> to vector<32x20xf32>
    %select_n3A_807 = arith.select %eq3A_803, %broadcast_in_dim3A_806, %select_n3A_800 : vector<32x20xi1>, vector<32x20xf32>
    %add3A_808 = arith.addf %get3A_777, %select_n3A_807 : vector<32x20xf32>
    %reduce_max3A_809 = arith.constant dense<0xFF800000> : vector<32xf32>
    %reduce_max3A_810 = vector.multi_reduction <maximumf>, %add3A_808, %reduce_max3A_809 [1] : vector<32x20xf32> to vector<32xf32>
    %broadcast_in_dim3A_811 = vector.shape_cast %reduce_max3A_810 : vector<32xf32> to vector<32x1xf32>
    %eq3A_812 = vector.broadcast %broadcast_in_dim3A_811 : vector<32x1xf32> to vector<32x20xf32>
    %eq3A_813 = arith.cmpf oeq, %add3A_808, %eq3A_812 : vector<32x20xf32>
    %jit3A_814 = arith.constant 20 : i32
    %broadcast_in_dim3A_815 = vector.broadcast %jit3A_814 : i32 to vector<32x20xi32>
    %select_n3A_816 = arith.select %eq3A_813, %iota3A_0, %broadcast_in_dim3A_815 : vector<32x20xi1>, vector<32x20xi32>
    %reduce_min3A_817 = arith.constant dense<2147483647> : vector<32xi32>
    %reduce_min3A_818 = vector.multi_reduction <minsi>, %select_n3A_816, %reduce_min3A_817 [1] : vector<32x20xi32> to vector<32xi32>
    %broadcast_in_dim3A_819 = vector.shape_cast %reduce_min3A_818 : vector<32xi32> to vector<32x1xi32>
    %eq3A_820 = vector.broadcast %broadcast_in_dim3A_819 : vector<32x1xi32> to vector<32x20xi32>
    %eq3A_821 = arith.cmpi eq, %iota3A_0, %eq3A_820 : vector<32x20xi32>
    %jit3A_822 = arith.constant -1.000000e+30 : f32
    %broadcast_in_dim3A_823 = vector.broadcast %jit3A_822 : f32 to vector<32x20xf32>
    %select_n3A_824 = arith.select %eq3A_821, %broadcast_in_dim3A_823, %add3A_808 : vector<32x20xi1>, vector<32x20xf32>
    %reduce_max3A_825 = arith.constant dense<0xFF800000> : vector<32xf32>
    %reduce_max3A_826 = vector.multi_reduction <maximumf>, %select_n3A_824, %reduce_max3A_825 [1] : vector<32x20xf32> to vector<32xf32>
    %broadcast_in_dim3A_827 = vector.shape_cast %reduce_max3A_826 : vector<32xf32> to vector<32x1xf32>
    %eq3A_828 = vector.broadcast %broadcast_in_dim3A_827 : vector<32x1xf32> to vector<32x20xf32>
    %eq3A_829 = arith.cmpf oeq, %select_n3A_824, %eq3A_828 : vector<32x20xf32>
    %jit3A_830 = arith.constant 20 : i32
    %broadcast_in_dim3A_831 = vector.broadcast %jit3A_830 : i32 to vector<32x20xi32>
    %select_n3A_832 = arith.select %eq3A_829, %iota3A_0, %broadcast_in_dim3A_831 : vector<32x20xi1>, vector<32x20xi32>
    %reduce_min3A_833 = arith.constant dense<2147483647> : vector<32xi32>
    %reduce_min3A_834 = vector.multi_reduction <minsi>, %select_n3A_832, %reduce_min3A_833 [1] : vector<32x20xi32> to vector<32xi32>
    %broadcast_in_dim3A_835 = vector.shape_cast %reduce_min3A_834 : vector<32xi32> to vector<32x1xi32>
    %eq3A_836 = vector.broadcast %broadcast_in_dim3A_835 : vector<32x1xi32> to vector<32x20xi32>
    %eq3A_837 = arith.cmpi eq, %iota3A_0, %eq3A_836 : vector<32x20xi32>
    %jit3A_838 = arith.constant -1.000000e+30 : f32
    %broadcast_in_dim3A_839 = vector.broadcast %jit3A_838 : f32 to vector<32x20xf32>
    %select_n3A_840 = arith.select %eq3A_837, %broadcast_in_dim3A_839, %select_n3A_824 : vector<32x20xi1>, vector<32x20xf32>
    %reduce_max3A_841 = arith.constant dense<0xFF800000> : vector<32xf32>
    %reduce_max3A_842 = vector.multi_reduction <maximumf>, %select_n3A_840, %reduce_max3A_841 [1] : vector<32x20xf32> to vector<32xf32>
    %broadcast_in_dim3A_843 = vector.shape_cast %reduce_max3A_842 : vector<32xf32> to vector<32x1xf32>
    %eq3A_844 = vector.broadcast %broadcast_in_dim3A_843 : vector<32x1xf32> to vector<32x20xf32>
    %eq3A_845 = arith.cmpf oeq, %select_n3A_840, %eq3A_844 : vector<32x20xf32>
    %jit3A_846 = arith.constant 20 : i32
    %broadcast_in_dim3A_847 = vector.broadcast %jit3A_846 : i32 to vector<32x20xi32>
    %select_n3A_848 = arith.select %eq3A_845, %iota3A_0, %broadcast_in_dim3A_847 : vector<32x20xi1>, vector<32x20xi32>
    %reduce_min3A_849 = arith.constant dense<2147483647> : vector<32xi32>
    %reduce_min3A_850 = vector.multi_reduction <minsi>, %select_n3A_848, %reduce_min3A_849 [1] : vector<32x20xi32> to vector<32xi32>
    %broadcast_in_dim3A_851 = vector.shape_cast %reduce_min3A_850 : vector<32xi32> to vector<32x1xi32>
    %eq3A_852 = vector.broadcast %broadcast_in_dim3A_851 : vector<32x1xi32> to vector<32x20xi32>
    %eq3A_853 = arith.cmpi eq, %iota3A_0, %eq3A_852 : vector<32x20xi32>
    %jit3A_854 = arith.constant -1.000000e+30 : f32
    %broadcast_in_dim3A_855 = vector.broadcast %jit3A_854 : f32 to vector<32x20xf32>
    %select_n3A_856 = arith.select %eq3A_853, %broadcast_in_dim3A_855, %select_n3A_840 : vector<32x20xi1>, vector<32x20xf32>
    %reduce_max3A_857 = arith.constant dense<0xFF800000> : vector<32xf32>
    %reduce_max3A_858 = vector.multi_reduction <maximumf>, %select_n3A_856, %reduce_max3A_857 [1] : vector<32x20xf32> to vector<32xf32>
    %broadcast_in_dim3A_859 = vector.shape_cast %reduce_max3A_858 : vector<32xf32> to vector<32x1xf32>
    %eq3A_860 = vector.broadcast %broadcast_in_dim3A_859 : vector<32x1xf32> to vector<32x20xf32>
    %eq3A_861 = arith.cmpf oeq, %select_n3A_856, %eq3A_860 : vector<32x20xf32>
    %jit3A_862 = arith.constant 20 : i32
    %broadcast_in_dim3A_863 = vector.broadcast %jit3A_862 : i32 to vector<32x20xi32>
    %select_n3A_864 = arith.select %eq3A_861, %iota3A_0, %broadcast_in_dim3A_863 : vector<32x20xi1>, vector<32x20xi32>
    %reduce_min3A_865 = arith.constant dense<2147483647> : vector<32xi32>
    %reduce_min3A_866 = vector.multi_reduction <minsi>, %select_n3A_864, %reduce_min3A_865 [1] : vector<32x20xi32> to vector<32xi32>
    %broadcast_in_dim3A_867 = vector.shape_cast %reduce_min3A_866 : vector<32xi32> to vector<32x1xi32>
    %concatenate3A_868 = tpu.concatenate %broadcast_in_dim3A_811, %broadcast_in_dim3A_827, %broadcast_in_dim3A_843, %broadcast_in_dim3A_859 in 1 : vector<32x1xf32>, vector<32x1xf32>, vector<32x1xf32>, vector<32x1xf32> -> vector<32x4xf32>
    %concatenate3A_869 = tpu.concatenate %broadcast_in_dim3A_819, %broadcast_in_dim3A_835, %broadcast_in_dim3A_851, %broadcast_in_dim3A_867 in 1 : vector<32x1xi32>, vector<32x1xi32>, vector<32x1xi32>, vector<32x1xi32> -> vector<32x4xi32>
    %jit3A_870 = arith.constant 5 : i32
    %div3A_871 = vector.broadcast %jit3A_870 : i32 to vector<32x4xi32>
    %div3A_872 = arith.divsi %concatenate3A_869, %div3A_871 : vector<32x4xi32>
    %sign3A_873 = arith.constant 0 : i32
    %sign3A_874 = vector.broadcast %sign3A_873 : i32 to vector<32x4xi32>
    %sign3A_875 = arith.cmpi sgt, %concatenate3A_869, %sign3A_874 : vector<32x4xi32>
    %sign3A_876 = arith.extui %sign3A_875 : vector<32x4xi1> to vector<32x4xi32>
    %sign3A_877 = arith.constant 0 : i32
    %sign3A_878 = vector.broadcast %sign3A_877 : i32 to vector<32x4xi32>
    %sign3A_879 = arith.cmpi slt, %concatenate3A_869, %sign3A_878 : vector<32x4xi32>
    %sign3A_880 = arith.extui %sign3A_879 : vector<32x4xi1> to vector<32x4xi32>
    %sign3A_881 = arith.subi %sign3A_876, %sign3A_880 : vector<32x4xi32>
    %sign3A_882 = arith.constant 0 : i32
    %sign3A_883 = arith.cmpi sgt, %jit3A_870, %sign3A_882 : i32
    %sign3A_884 = arith.extui %sign3A_883 : i1 to i32
    %sign3A_885 = arith.constant 0 : i32
    %sign3A_886 = arith.cmpi slt, %jit3A_870, %sign3A_885 : i32
    %sign3A_887 = arith.extui %sign3A_886 : i1 to i32
    %sign3A_888 = arith.subi %sign3A_884, %sign3A_887 : i32
    %ne3A_889 = vector.broadcast %sign3A_888 : i32 to vector<32x4xi32>
    %ne3A_890 = arith.cmpi ne, %sign3A_881, %ne3A_889 : vector<32x4xi32>
    %rem3A_891 = vector.broadcast %jit3A_870 : i32 to vector<32x4xi32>
    %rem3A_892 = arith.remsi %concatenate3A_869, %rem3A_891 : vector<32x4xi32>
    %ne3A_893 = arith.constant 0 : i32
    %ne3A_894 = vector.broadcast %ne3A_893 : i32 to vector<32x4xi32>
    %ne3A_895 = arith.cmpi ne, %rem3A_892, %ne3A_894 : vector<32x4xi32>
    %and3A_896 = arith.andi %ne3A_890, %ne3A_895 : vector<32x4xi1>
    %sub3A_897 = arith.constant 1 : i32
    %sub3A_898 = vector.broadcast %sub3A_897 : i32 to vector<32x4xi32>
    %sub3A_899 = arith.subi %div3A_872, %sub3A_898 : vector<32x4xi32>
    %select_n3A_900 = arith.select %and3A_896, %sub3A_899, %div3A_872 : vector<32x4xi1>, vector<32x4xi32>
    %jit3A_901 = arith.constant 5 : i32
    %eq3A_902 = arith.constant 0 : i32
    %eq3A_903 = arith.cmpi eq, %jit3A_901, %eq3A_902 : i32
    %jit3A_904 = arith.constant 1 : i32
    %select_n3A_905 = arith.select %eq3A_903, %jit3A_904, %jit3A_901 : i32
    %rem3A_906 = vector.broadcast %select_n3A_905 : i32 to vector<32x4xi32>
    %rem3A_907 = arith.remsi %concatenate3A_869, %rem3A_906 : vector<32x4xi32>
    %ne3A_908 = arith.constant 0 : i32
    %ne3A_909 = vector.broadcast %ne3A_908 : i32 to vector<32x4xi32>
    %ne3A_910 = arith.cmpi ne, %rem3A_907, %ne3A_909 : vector<32x4xi32>
    %lt3A_911 = arith.constant 0 : i32
    %lt3A_912 = vector.broadcast %lt3A_911 : i32 to vector<32x4xi32>
    %lt3A_913 = arith.cmpi slt, %rem3A_907, %lt3A_912 : vector<32x4xi32>
    %lt3A_914 = arith.constant 0 : i32
    %lt3A_915 = arith.cmpi slt, %select_n3A_905, %lt3A_914 : i32
    %ne3A_916 = vector.broadcast %lt3A_915 : i1 to vector<32x4xi1>
    %ne3A_917 = vector.broadcast %ne3A_916 : vector<32x4xi1> to vector<32x4xi1>
    %ne3A_918 = arith.xori %lt3A_913, %ne3A_917 : vector<32x4xi1>
    %and3A_919 = arith.andi %ne3A_918, %ne3A_910 : vector<32x4xi1>
    %add3A_920 = vector.broadcast %select_n3A_905 : i32 to vector<32x4xi32>
    %add3A_921 = arith.addi %rem3A_907, %add3A_920 : vector<32x4xi32>
    %select_n3A_922 = arith.select %and3A_919, %add3A_921, %rem3A_907 : vector<32x4xi1>, vector<32x4xi32>
    %eq3A_923 = arith.constant 0 : i32
    %eq3A_924 = vector.broadcast %eq3A_923 : i32 to vector<32x4xi32>
    %eq3A_925 = arith.cmpi eq, %select_n3A_922, %eq3A_924 : vector<32x4xi32>
    %jit3A_926 = arith.constant -1.000000e+30 : f32
    %broadcast_in_dim3A_927 = vector.broadcast %jit3A_926 : f32 to vector<32x4xf32>
    %select_n3A_928 = arith.select %eq3A_925, %broadcast_in_dim3A_927, %concatenate3A_868 : vector<32x4xi1>, vector<32x4xf32>
    %get3A_929 = arith.constant 6 : index
    %get3A_930 = arith.constant 0 : index
    %get3A_931 = arith.constant 0 : index
    %get3A_932 = vector.load %arg0[%get3A_929, %get3A_930, %get3A_931] : memref<16x32x20xf32, #tpu.memory_space<vmem>>, vector<1x32x20xf32>
    %get3A_933 = vector.shape_cast %get3A_932 : vector<1x32x20xf32> to vector<32x20xf32>
    %broadcast_in_dim3A_934 = arith.constant 0.000000e+00 : f32
    %broadcast_in_dim3A_935 = vector.broadcast %broadcast_in_dim3A_934 : f32 to vector<32x20xf32>
    %eq3A_936 = arith.constant 0 : i32
    %eq3A_937 = vector.broadcast %eq3A_936 : i32 to vector<32x20xi32>
    %eq3A_938 = arith.cmpi eq, %select_n3A, %eq3A_937 : vector<32x20xi32>
    %slice3A_939 = vector.extract_strided_slice %select_n3A_928 {offsets = [0, 0], sizes = [32, 1], strides = [1, 1]} : vector<32x4xf32> to vector<32x1xf32>
    %broadcast_in_dim3A_940 = vector.shape_cast %slice3A_939 : vector<32x1xf32> to vector<32x1xf32>
    %broadcast_in_dim3A_941 = vector.broadcast %broadcast_in_dim3A_940 : vector<32x1xf32> to vector<32x20xf32>
    %select_n3A_942 = arith.select %eq3A_938, %broadcast_in_dim3A_941, %broadcast_in_dim3A_935 : vector<32x20xi1>, vector<32x20xf32>
    %eq3A_943 = arith.constant 1 : i32
    %eq3A_944 = vector.broadcast %eq3A_943 : i32 to vector<32x20xi32>
    %eq3A_945 = arith.cmpi eq, %select_n3A, %eq3A_944 : vector<32x20xi32>
    %slice3A_946 = vector.extract_strided_slice %select_n3A_928 {offsets = [0, 1], sizes = [32, 1], strides = [1, 1]} : vector<32x4xf32> to vector<32x1xf32>
    %broadcast_in_dim3A_947 = vector.shape_cast %slice3A_946 : vector<32x1xf32> to vector<32x1xf32>
    %broadcast_in_dim3A_948 = vector.broadcast %broadcast_in_dim3A_947 : vector<32x1xf32> to vector<32x20xf32>
    %select_n3A_949 = arith.select %eq3A_945, %broadcast_in_dim3A_948, %select_n3A_942 : vector<32x20xi1>, vector<32x20xf32>
    %eq3A_950 = arith.constant 2 : i32
    %eq3A_951 = vector.broadcast %eq3A_950 : i32 to vector<32x20xi32>
    %eq3A_952 = arith.cmpi eq, %select_n3A, %eq3A_951 : vector<32x20xi32>
    %slice3A_953 = vector.extract_strided_slice %select_n3A_928 {offsets = [0, 2], sizes = [32, 1], strides = [1, 1]} : vector<32x4xf32> to vector<32x1xf32>
    %broadcast_in_dim3A_954 = vector.shape_cast %slice3A_953 : vector<32x1xf32> to vector<32x1xf32>
    %broadcast_in_dim3A_955 = vector.broadcast %broadcast_in_dim3A_954 : vector<32x1xf32> to vector<32x20xf32>
    %select_n3A_956 = arith.select %eq3A_952, %broadcast_in_dim3A_955, %select_n3A_949 : vector<32x20xi1>, vector<32x20xf32>
    %eq3A_957 = arith.constant 3 : i32
    %eq3A_958 = vector.broadcast %eq3A_957 : i32 to vector<32x20xi32>
    %eq3A_959 = arith.cmpi eq, %select_n3A, %eq3A_958 : vector<32x20xi32>
    %slice3A_960 = vector.extract_strided_slice %select_n3A_928 {offsets = [0, 3], sizes = [32, 1], strides = [1, 1]} : vector<32x4xf32> to vector<32x1xf32>
    %broadcast_in_dim3A_961 = vector.shape_cast %slice3A_960 : vector<32x1xf32> to vector<32x1xf32>
    %broadcast_in_dim3A_962 = vector.broadcast %broadcast_in_dim3A_961 : vector<32x1xf32> to vector<32x20xf32>
    %select_n3A_963 = arith.select %eq3A_959, %broadcast_in_dim3A_962, %select_n3A_956 : vector<32x20xi1>, vector<32x20xf32>
    %add3A_964 = arith.addf %get3A_933, %select_n3A_963 : vector<32x20xf32>
    %reduce_max3A_965 = arith.constant dense<0xFF800000> : vector<32xf32>
    %reduce_max3A_966 = vector.multi_reduction <maximumf>, %add3A_964, %reduce_max3A_965 [1] : vector<32x20xf32> to vector<32xf32>
    %broadcast_in_dim3A_967 = vector.shape_cast %reduce_max3A_966 : vector<32xf32> to vector<32x1xf32>
    %eq3A_968 = vector.broadcast %broadcast_in_dim3A_967 : vector<32x1xf32> to vector<32x20xf32>
    %eq3A_969 = arith.cmpf oeq, %add3A_964, %eq3A_968 : vector<32x20xf32>
    %jit3A_970 = arith.constant 20 : i32
    %broadcast_in_dim3A_971 = vector.broadcast %jit3A_970 : i32 to vector<32x20xi32>
    %select_n3A_972 = arith.select %eq3A_969, %iota3A_0, %broadcast_in_dim3A_971 : vector<32x20xi1>, vector<32x20xi32>
    %reduce_min3A_973 = arith.constant dense<2147483647> : vector<32xi32>
    %reduce_min3A_974 = vector.multi_reduction <minsi>, %select_n3A_972, %reduce_min3A_973 [1] : vector<32x20xi32> to vector<32xi32>
    %broadcast_in_dim3A_975 = vector.shape_cast %reduce_min3A_974 : vector<32xi32> to vector<32x1xi32>
    %eq3A_976 = vector.broadcast %broadcast_in_dim3A_975 : vector<32x1xi32> to vector<32x20xi32>
    %eq3A_977 = arith.cmpi eq, %iota3A_0, %eq3A_976 : vector<32x20xi32>
    %jit3A_978 = arith.constant -1.000000e+30 : f32
    %broadcast_in_dim3A_979 = vector.broadcast %jit3A_978 : f32 to vector<32x20xf32>
    %select_n3A_980 = arith.select %eq3A_977, %broadcast_in_dim3A_979, %add3A_964 : vector<32x20xi1>, vector<32x20xf32>
    %reduce_max3A_981 = arith.constant dense<0xFF800000> : vector<32xf32>
    %reduce_max3A_982 = vector.multi_reduction <maximumf>, %select_n3A_980, %reduce_max3A_981 [1] : vector<32x20xf32> to vector<32xf32>
    %broadcast_in_dim3A_983 = vector.shape_cast %reduce_max3A_982 : vector<32xf32> to vector<32x1xf32>
    %eq3A_984 = vector.broadcast %broadcast_in_dim3A_983 : vector<32x1xf32> to vector<32x20xf32>
    %eq3A_985 = arith.cmpf oeq, %select_n3A_980, %eq3A_984 : vector<32x20xf32>
    %jit3A_986 = arith.constant 20 : i32
    %broadcast_in_dim3A_987 = vector.broadcast %jit3A_986 : i32 to vector<32x20xi32>
    %select_n3A_988 = arith.select %eq3A_985, %iota3A_0, %broadcast_in_dim3A_987 : vector<32x20xi1>, vector<32x20xi32>
    %reduce_min3A_989 = arith.constant dense<2147483647> : vector<32xi32>
    %reduce_min3A_990 = vector.multi_reduction <minsi>, %select_n3A_988, %reduce_min3A_989 [1] : vector<32x20xi32> to vector<32xi32>
    %broadcast_in_dim3A_991 = vector.shape_cast %reduce_min3A_990 : vector<32xi32> to vector<32x1xi32>
    %eq3A_992 = vector.broadcast %broadcast_in_dim3A_991 : vector<32x1xi32> to vector<32x20xi32>
    %eq3A_993 = arith.cmpi eq, %iota3A_0, %eq3A_992 : vector<32x20xi32>
    %jit3A_994 = arith.constant -1.000000e+30 : f32
    %broadcast_in_dim3A_995 = vector.broadcast %jit3A_994 : f32 to vector<32x20xf32>
    %select_n3A_996 = arith.select %eq3A_993, %broadcast_in_dim3A_995, %select_n3A_980 : vector<32x20xi1>, vector<32x20xf32>
    %reduce_max3A_997 = arith.constant dense<0xFF800000> : vector<32xf32>
    %reduce_max3A_998 = vector.multi_reduction <maximumf>, %select_n3A_996, %reduce_max3A_997 [1] : vector<32x20xf32> to vector<32xf32>
    %broadcast_in_dim3A_999 = vector.shape_cast %reduce_max3A_998 : vector<32xf32> to vector<32x1xf32>
    %eq3A_1000 = vector.broadcast %broadcast_in_dim3A_999 : vector<32x1xf32> to vector<32x20xf32>
    %eq3A_1001 = arith.cmpf oeq, %select_n3A_996, %eq3A_1000 : vector<32x20xf32>
    %jit3A_1002 = arith.constant 20 : i32
    %broadcast_in_dim3A_1003 = vector.broadcast %jit3A_1002 : i32 to vector<32x20xi32>
    %select_n3A_1004 = arith.select %eq3A_1001, %iota3A_0, %broadcast_in_dim3A_1003 : vector<32x20xi1>, vector<32x20xi32>
    %reduce_min3A_1005 = arith.constant dense<2147483647> : vector<32xi32>
    %reduce_min3A_1006 = vector.multi_reduction <minsi>, %select_n3A_1004, %reduce_min3A_1005 [1] : vector<32x20xi32> to vector<32xi32>
    %broadcast_in_dim3A_1007 = vector.shape_cast %reduce_min3A_1006 : vector<32xi32> to vector<32x1xi32>
    %eq3A_1008 = vector.broadcast %broadcast_in_dim3A_1007 : vector<32x1xi32> to vector<32x20xi32>
    %eq3A_1009 = arith.cmpi eq, %iota3A_0, %eq3A_1008 : vector<32x20xi32>
    %jit3A_1010 = arith.constant -1.000000e+30 : f32
    %broadcast_in_dim3A_1011 = vector.broadcast %jit3A_1010 : f32 to vector<32x20xf32>
    %select_n3A_1012 = arith.select %eq3A_1009, %broadcast_in_dim3A_1011, %select_n3A_996 : vector<32x20xi1>, vector<32x20xf32>
    %reduce_max3A_1013 = arith.constant dense<0xFF800000> : vector<32xf32>
    %reduce_max3A_1014 = vector.multi_reduction <maximumf>, %select_n3A_1012, %reduce_max3A_1013 [1] : vector<32x20xf32> to vector<32xf32>
    %broadcast_in_dim3A_1015 = vector.shape_cast %reduce_max3A_1014 : vector<32xf32> to vector<32x1xf32>
    %eq3A_1016 = vector.broadcast %broadcast_in_dim3A_1015 : vector<32x1xf32> to vector<32x20xf32>
    %eq3A_1017 = arith.cmpf oeq, %select_n3A_1012, %eq3A_1016 : vector<32x20xf32>
    %jit3A_1018 = arith.constant 20 : i32
    %broadcast_in_dim3A_1019 = vector.broadcast %jit3A_1018 : i32 to vector<32x20xi32>
    %select_n3A_1020 = arith.select %eq3A_1017, %iota3A_0, %broadcast_in_dim3A_1019 : vector<32x20xi1>, vector<32x20xi32>
    %reduce_min3A_1021 = arith.constant dense<2147483647> : vector<32xi32>
    %reduce_min3A_1022 = vector.multi_reduction <minsi>, %select_n3A_1020, %reduce_min3A_1021 [1] : vector<32x20xi32> to vector<32xi32>
    %broadcast_in_dim3A_1023 = vector.shape_cast %reduce_min3A_1022 : vector<32xi32> to vector<32x1xi32>
    %concatenate3A_1024 = tpu.concatenate %broadcast_in_dim3A_967, %broadcast_in_dim3A_983, %broadcast_in_dim3A_999, %broadcast_in_dim3A_1015 in 1 : vector<32x1xf32>, vector<32x1xf32>, vector<32x1xf32>, vector<32x1xf32> -> vector<32x4xf32>
    %concatenate3A_1025 = tpu.concatenate %broadcast_in_dim3A_975, %broadcast_in_dim3A_991, %broadcast_in_dim3A_1007, %broadcast_in_dim3A_1023 in 1 : vector<32x1xi32>, vector<32x1xi32>, vector<32x1xi32>, vector<32x1xi32> -> vector<32x4xi32>
    %jit3A_1026 = arith.constant 5 : i32
    %div3A_1027 = vector.broadcast %jit3A_1026 : i32 to vector<32x4xi32>
    %div3A_1028 = arith.divsi %concatenate3A_1025, %div3A_1027 : vector<32x4xi32>
    %sign3A_1029 = arith.constant 0 : i32
    %sign3A_1030 = vector.broadcast %sign3A_1029 : i32 to vector<32x4xi32>
    %sign3A_1031 = arith.cmpi sgt, %concatenate3A_1025, %sign3A_1030 : vector<32x4xi32>
    %sign3A_1032 = arith.extui %sign3A_1031 : vector<32x4xi1> to vector<32x4xi32>
    %sign3A_1033 = arith.constant 0 : i32
    %sign3A_1034 = vector.broadcast %sign3A_1033 : i32 to vector<32x4xi32>
    %sign3A_1035 = arith.cmpi slt, %concatenate3A_1025, %sign3A_1034 : vector<32x4xi32>
    %sign3A_1036 = arith.extui %sign3A_1035 : vector<32x4xi1> to vector<32x4xi32>
    %sign3A_1037 = arith.subi %sign3A_1032, %sign3A_1036 : vector<32x4xi32>
    %sign3A_1038 = arith.constant 0 : i32
    %sign3A_1039 = arith.cmpi sgt, %jit3A_1026, %sign3A_1038 : i32
    %sign3A_1040 = arith.extui %sign3A_1039 : i1 to i32
    %sign3A_1041 = arith.constant 0 : i32
    %sign3A_1042 = arith.cmpi slt, %jit3A_1026, %sign3A_1041 : i32
    %sign3A_1043 = arith.extui %sign3A_1042 : i1 to i32
    %sign3A_1044 = arith.subi %sign3A_1040, %sign3A_1043 : i32
    %ne3A_1045 = vector.broadcast %sign3A_1044 : i32 to vector<32x4xi32>
    %ne3A_1046 = arith.cmpi ne, %sign3A_1037, %ne3A_1045 : vector<32x4xi32>
    %rem3A_1047 = vector.broadcast %jit3A_1026 : i32 to vector<32x4xi32>
    %rem3A_1048 = arith.remsi %concatenate3A_1025, %rem3A_1047 : vector<32x4xi32>
    %ne3A_1049 = arith.constant 0 : i32
    %ne3A_1050 = vector.broadcast %ne3A_1049 : i32 to vector<32x4xi32>
    %ne3A_1051 = arith.cmpi ne, %rem3A_1048, %ne3A_1050 : vector<32x4xi32>
    %and3A_1052 = arith.andi %ne3A_1046, %ne3A_1051 : vector<32x4xi1>
    %sub3A_1053 = arith.constant 1 : i32
    %sub3A_1054 = vector.broadcast %sub3A_1053 : i32 to vector<32x4xi32>
    %sub3A_1055 = arith.subi %div3A_1028, %sub3A_1054 : vector<32x4xi32>
    %select_n3A_1056 = arith.select %and3A_1052, %sub3A_1055, %div3A_1028 : vector<32x4xi1>, vector<32x4xi32>
    %jit3A_1057 = arith.constant 5 : i32
    %eq3A_1058 = arith.constant 0 : i32
    %eq3A_1059 = arith.cmpi eq, %jit3A_1057, %eq3A_1058 : i32
    %jit3A_1060 = arith.constant 1 : i32
    %select_n3A_1061 = arith.select %eq3A_1059, %jit3A_1060, %jit3A_1057 : i32
    %rem3A_1062 = vector.broadcast %select_n3A_1061 : i32 to vector<32x4xi32>
    %rem3A_1063 = arith.remsi %concatenate3A_1025, %rem3A_1062 : vector<32x4xi32>
    %ne3A_1064 = arith.constant 0 : i32
    %ne3A_1065 = vector.broadcast %ne3A_1064 : i32 to vector<32x4xi32>
    %ne3A_1066 = arith.cmpi ne, %rem3A_1063, %ne3A_1065 : vector<32x4xi32>
    %lt3A_1067 = arith.constant 0 : i32
    %lt3A_1068 = vector.broadcast %lt3A_1067 : i32 to vector<32x4xi32>
    %lt3A_1069 = arith.cmpi slt, %rem3A_1063, %lt3A_1068 : vector<32x4xi32>
    %lt3A_1070 = arith.constant 0 : i32
    %lt3A_1071 = arith.cmpi slt, %select_n3A_1061, %lt3A_1070 : i32
    %ne3A_1072 = vector.broadcast %lt3A_1071 : i1 to vector<32x4xi1>
    %ne3A_1073 = vector.broadcast %ne3A_1072 : vector<32x4xi1> to vector<32x4xi1>
    %ne3A_1074 = arith.xori %lt3A_1069, %ne3A_1073 : vector<32x4xi1>
    %and3A_1075 = arith.andi %ne3A_1074, %ne3A_1066 : vector<32x4xi1>
    %add3A_1076 = vector.broadcast %select_n3A_1061 : i32 to vector<32x4xi32>
    %add3A_1077 = arith.addi %rem3A_1063, %add3A_1076 : vector<32x4xi32>
    %select_n3A_1078 = arith.select %and3A_1075, %add3A_1077, %rem3A_1063 : vector<32x4xi1>, vector<32x4xi32>
    %eq3A_1079 = arith.constant 0 : i32
    %eq3A_1080 = vector.broadcast %eq3A_1079 : i32 to vector<32x4xi32>
    %eq3A_1081 = arith.cmpi eq, %select_n3A_1078, %eq3A_1080 : vector<32x4xi32>
    %jit3A_1082 = arith.constant -1.000000e+30 : f32
    %broadcast_in_dim3A_1083 = vector.broadcast %jit3A_1082 : f32 to vector<32x4xf32>
    %select_n3A_1084 = arith.select %eq3A_1081, %broadcast_in_dim3A_1083, %concatenate3A_1024 : vector<32x4xi1>, vector<32x4xf32>
    %get3A_1085 = arith.constant 7 : index
    %get3A_1086 = arith.constant 0 : index
    %get3A_1087 = arith.constant 0 : index
    %get3A_1088 = vector.load %arg0[%get3A_1085, %get3A_1086, %get3A_1087] : memref<16x32x20xf32, #tpu.memory_space<vmem>>, vector<1x32x20xf32>
    %get3A_1089 = vector.shape_cast %get3A_1088 : vector<1x32x20xf32> to vector<32x20xf32>
    %broadcast_in_dim3A_1090 = arith.constant 0.000000e+00 : f32
    %broadcast_in_dim3A_1091 = vector.broadcast %broadcast_in_dim3A_1090 : f32 to vector<32x20xf32>
    %eq3A_1092 = arith.constant 0 : i32
    %eq3A_1093 = vector.broadcast %eq3A_1092 : i32 to vector<32x20xi32>
    %eq3A_1094 = arith.cmpi eq, %select_n3A, %eq3A_1093 : vector<32x20xi32>
    %slice3A_1095 = vector.extract_strided_slice %select_n3A_1084 {offsets = [0, 0], sizes = [32, 1], strides = [1, 1]} : vector<32x4xf32> to vector<32x1xf32>
    %broadcast_in_dim3A_1096 = vector.shape_cast %slice3A_1095 : vector<32x1xf32> to vector<32x1xf32>
    %broadcast_in_dim3A_1097 = vector.broadcast %broadcast_in_dim3A_1096 : vector<32x1xf32> to vector<32x20xf32>
    %select_n3A_1098 = arith.select %eq3A_1094, %broadcast_in_dim3A_1097, %broadcast_in_dim3A_1091 : vector<32x20xi1>, vector<32x20xf32>
    %eq3A_1099 = arith.constant 1 : i32
    %eq3A_1100 = vector.broadcast %eq3A_1099 : i32 to vector<32x20xi32>
    %eq3A_1101 = arith.cmpi eq, %select_n3A, %eq3A_1100 : vector<32x20xi32>
    %slice3A_1102 = vector.extract_strided_slice %select_n3A_1084 {offsets = [0, 1], sizes = [32, 1], strides = [1, 1]} : vector<32x4xf32> to vector<32x1xf32>
    %broadcast_in_dim3A_1103 = vector.shape_cast %slice3A_1102 : vector<32x1xf32> to vector<32x1xf32>
    %broadcast_in_dim3A_1104 = vector.broadcast %broadcast_in_dim3A_1103 : vector<32x1xf32> to vector<32x20xf32>
    %select_n3A_1105 = arith.select %eq3A_1101, %broadcast_in_dim3A_1104, %select_n3A_1098 : vector<32x20xi1>, vector<32x20xf32>
    %eq3A_1106 = arith.constant 2 : i32
    %eq3A_1107 = vector.broadcast %eq3A_1106 : i32 to vector<32x20xi32>
    %eq3A_1108 = arith.cmpi eq, %select_n3A, %eq3A_1107 : vector<32x20xi32>
    %slice3A_1109 = vector.extract_strided_slice %select_n3A_1084 {offsets = [0, 2], sizes = [32, 1], strides = [1, 1]} : vector<32x4xf32> to vector<32x1xf32>
    %broadcast_in_dim3A_1110 = vector.shape_cast %slice3A_1109 : vector<32x1xf32> to vector<32x1xf32>
    %broadcast_in_dim3A_1111 = vector.broadcast %broadcast_in_dim3A_1110 : vector<32x1xf32> to vector<32x20xf32>
    %select_n3A_1112 = arith.select %eq3A_1108, %broadcast_in_dim3A_1111, %select_n3A_1105 : vector<32x20xi1>, vector<32x20xf32>
    %eq3A_1113 = arith.constant 3 : i32
    %eq3A_1114 = vector.broadcast %eq3A_1113 : i32 to vector<32x20xi32>
    %eq3A_1115 = arith.cmpi eq, %select_n3A, %eq3A_1114 : vector<32x20xi32>
    %slice3A_1116 = vector.extract_strided_slice %select_n3A_1084 {offsets = [0, 3], sizes = [32, 1], strides = [1, 1]} : vector<32x4xf32> to vector<32x1xf32>
    %broadcast_in_dim3A_1117 = vector.shape_cast %slice3A_1116 : vector<32x1xf32> to vector<32x1xf32>
    %broadcast_in_dim3A_1118 = vector.broadcast %broadcast_in_dim3A_1117 : vector<32x1xf32> to vector<32x20xf32>
    %select_n3A_1119 = arith.select %eq3A_1115, %broadcast_in_dim3A_1118, %select_n3A_1112 : vector<32x20xi1>, vector<32x20xf32>
    %add3A_1120 = arith.addf %get3A_1089, %select_n3A_1119 : vector<32x20xf32>
    %reduce_max3A_1121 = arith.constant dense<0xFF800000> : vector<32xf32>
    %reduce_max3A_1122 = vector.multi_reduction <maximumf>, %add3A_1120, %reduce_max3A_1121 [1] : vector<32x20xf32> to vector<32xf32>
    %broadcast_in_dim3A_1123 = vector.shape_cast %reduce_max3A_1122 : vector<32xf32> to vector<32x1xf32>
    %eq3A_1124 = vector.broadcast %broadcast_in_dim3A_1123 : vector<32x1xf32> to vector<32x20xf32>
    %eq3A_1125 = arith.cmpf oeq, %add3A_1120, %eq3A_1124 : vector<32x20xf32>
    %jit3A_1126 = arith.constant 20 : i32
    %broadcast_in_dim3A_1127 = vector.broadcast %jit3A_1126 : i32 to vector<32x20xi32>
    %select_n3A_1128 = arith.select %eq3A_1125, %iota3A_0, %broadcast_in_dim3A_1127 : vector<32x20xi1>, vector<32x20xi32>
    %reduce_min3A_1129 = arith.constant dense<2147483647> : vector<32xi32>
    %reduce_min3A_1130 = vector.multi_reduction <minsi>, %select_n3A_1128, %reduce_min3A_1129 [1] : vector<32x20xi32> to vector<32xi32>
    %broadcast_in_dim3A_1131 = vector.shape_cast %reduce_min3A_1130 : vector<32xi32> to vector<32x1xi32>
    %eq3A_1132 = vector.broadcast %broadcast_in_dim3A_1131 : vector<32x1xi32> to vector<32x20xi32>
    %eq3A_1133 = arith.cmpi eq, %iota3A_0, %eq3A_1132 : vector<32x20xi32>
    %jit3A_1134 = arith.constant -1.000000e+30 : f32
    %broadcast_in_dim3A_1135 = vector.broadcast %jit3A_1134 : f32 to vector<32x20xf32>
    %select_n3A_1136 = arith.select %eq3A_1133, %broadcast_in_dim3A_1135, %add3A_1120 : vector<32x20xi1>, vector<32x20xf32>
    %reduce_max3A_1137 = arith.constant dense<0xFF800000> : vector<32xf32>
    %reduce_max3A_1138 = vector.multi_reduction <maximumf>, %select_n3A_1136, %reduce_max3A_1137 [1] : vector<32x20xf32> to vector<32xf32>
    %broadcast_in_dim3A_1139 = vector.shape_cast %reduce_max3A_1138 : vector<32xf32> to vector<32x1xf32>
    %eq3A_1140 = vector.broadcast %broadcast_in_dim3A_1139 : vector<32x1xf32> to vector<32x20xf32>
    %eq3A_1141 = arith.cmpf oeq, %select_n3A_1136, %eq3A_1140 : vector<32x20xf32>
    %jit3A_1142 = arith.constant 20 : i32
    %broadcast_in_dim3A_1143 = vector.broadcast %jit3A_1142 : i32 to vector<32x20xi32>
    %select_n3A_1144 = arith.select %eq3A_1141, %iota3A_0, %broadcast_in_dim3A_1143 : vector<32x20xi1>, vector<32x20xi32>
    %reduce_min3A_1145 = arith.constant dense<2147483647> : vector<32xi32>
    %reduce_min3A_1146 = vector.multi_reduction <minsi>, %select_n3A_1144, %reduce_min3A_1145 [1] : vector<32x20xi32> to vector<32xi32>
    %broadcast_in_dim3A_1147 = vector.shape_cast %reduce_min3A_1146 : vector<32xi32> to vector<32x1xi32>
    %eq3A_1148 = vector.broadcast %broadcast_in_dim3A_1147 : vector<32x1xi32> to vector<32x20xi32>
    %eq3A_1149 = arith.cmpi eq, %iota3A_0, %eq3A_1148 : vector<32x20xi32>
    %jit3A_1150 = arith.constant -1.000000e+30 : f32
    %broadcast_in_dim3A_1151 = vector.broadcast %jit3A_1150 : f32 to vector<32x20xf32>
    %select_n3A_1152 = arith.select %eq3A_1149, %broadcast_in_dim3A_1151, %select_n3A_1136 : vector<32x20xi1>, vector<32x20xf32>
    %reduce_max3A_1153 = arith.constant dense<0xFF800000> : vector<32xf32>
    %reduce_max3A_1154 = vector.multi_reduction <maximumf>, %select_n3A_1152, %reduce_max3A_1153 [1] : vector<32x20xf32> to vector<32xf32>
    %broadcast_in_dim3A_1155 = vector.shape_cast %reduce_max3A_1154 : vector<32xf32> to vector<32x1xf32>
    %eq3A_1156 = vector.broadcast %broadcast_in_dim3A_1155 : vector<32x1xf32> to vector<32x20xf32>
    %eq3A_1157 = arith.cmpf oeq, %select_n3A_1152, %eq3A_1156 : vector<32x20xf32>
    %jit3A_1158 = arith.constant 20 : i32
    %broadcast_in_dim3A_1159 = vector.broadcast %jit3A_1158 : i32 to vector<32x20xi32>
    %select_n3A_1160 = arith.select %eq3A_1157, %iota3A_0, %broadcast_in_dim3A_1159 : vector<32x20xi1>, vector<32x20xi32>
    %reduce_min3A_1161 = arith.constant dense<2147483647> : vector<32xi32>
    %reduce_min3A_1162 = vector.multi_reduction <minsi>, %select_n3A_1160, %reduce_min3A_1161 [1] : vector<32x20xi32> to vector<32xi32>
    %broadcast_in_dim3A_1163 = vector.shape_cast %reduce_min3A_1162 : vector<32xi32> to vector<32x1xi32>
    %eq3A_1164 = vector.broadcast %broadcast_in_dim3A_1163 : vector<32x1xi32> to vector<32x20xi32>
    %eq3A_1165 = arith.cmpi eq, %iota3A_0, %eq3A_1164 : vector<32x20xi32>
    %jit3A_1166 = arith.constant -1.000000e+30 : f32
    %broadcast_in_dim3A_1167 = vector.broadcast %jit3A_1166 : f32 to vector<32x20xf32>
    %select_n3A_1168 = arith.select %eq3A_1165, %broadcast_in_dim3A_1167, %select_n3A_1152 : vector<32x20xi1>, vector<32x20xf32>
    %reduce_max3A_1169 = arith.constant dense<0xFF800000> : vector<32xf32>
    %reduce_max3A_1170 = vector.multi_reduction <maximumf>, %select_n3A_1168, %reduce_max3A_1169 [1] : vector<32x20xf32> to vector<32xf32>
    %broadcast_in_dim3A_1171 = vector.shape_cast %reduce_max3A_1170 : vector<32xf32> to vector<32x1xf32>
    %eq3A_1172 = vector.broadcast %broadcast_in_dim3A_1171 : vector<32x1xf32> to vector<32x20xf32>
    %eq3A_1173 = arith.cmpf oeq, %select_n3A_1168, %eq3A_1172 : vector<32x20xf32>
    %jit3A_1174 = arith.constant 20 : i32
    %broadcast_in_dim3A_1175 = vector.broadcast %jit3A_1174 : i32 to vector<32x20xi32>
    %select_n3A_1176 = arith.select %eq3A_1173, %iota3A_0, %broadcast_in_dim3A_1175 : vector<32x20xi1>, vector<32x20xi32>
    %reduce_min3A_1177 = arith.constant dense<2147483647> : vector<32xi32>
    %reduce_min3A_1178 = vector.multi_reduction <minsi>, %select_n3A_1176, %reduce_min3A_1177 [1] : vector<32x20xi32> to vector<32xi32>
    %broadcast_in_dim3A_1179 = vector.shape_cast %reduce_min3A_1178 : vector<32xi32> to vector<32x1xi32>
    %concatenate3A_1180 = tpu.concatenate %broadcast_in_dim3A_1123, %broadcast_in_dim3A_1139, %broadcast_in_dim3A_1155, %broadcast_in_dim3A_1171 in 1 : vector<32x1xf32>, vector<32x1xf32>, vector<32x1xf32>, vector<32x1xf32> -> vector<32x4xf32>
    %concatenate3A_1181 = tpu.concatenate %broadcast_in_dim3A_1131, %broadcast_in_dim3A_1147, %broadcast_in_dim3A_1163, %broadcast_in_dim3A_1179 in 1 : vector<32x1xi32>, vector<32x1xi32>, vector<32x1xi32>, vector<32x1xi32> -> vector<32x4xi32>
    %jit3A_1182 = arith.constant 5 : i32
    %div3A_1183 = vector.broadcast %jit3A_1182 : i32 to vector<32x4xi32>
    %div3A_1184 = arith.divsi %concatenate3A_1181, %div3A_1183 : vector<32x4xi32>
    %sign3A_1185 = arith.constant 0 : i32
    %sign3A_1186 = vector.broadcast %sign3A_1185 : i32 to vector<32x4xi32>
    %sign3A_1187 = arith.cmpi sgt, %concatenate3A_1181, %sign3A_1186 : vector<32x4xi32>
    %sign3A_1188 = arith.extui %sign3A_1187 : vector<32x4xi1> to vector<32x4xi32>
    %sign3A_1189 = arith.constant 0 : i32
    %sign3A_1190 = vector.broadcast %sign3A_1189 : i32 to vector<32x4xi32>
    %sign3A_1191 = arith.cmpi slt, %concatenate3A_1181, %sign3A_1190 : vector<32x4xi32>
    %sign3A_1192 = arith.extui %sign3A_1191 : vector<32x4xi1> to vector<32x4xi32>
    %sign3A_1193 = arith.subi %sign3A_1188, %sign3A_1192 : vector<32x4xi32>
    %sign3A_1194 = arith.constant 0 : i32
    %sign3A_1195 = arith.cmpi sgt, %jit3A_1182, %sign3A_1194 : i32
    %sign3A_1196 = arith.extui %sign3A_1195 : i1 to i32
    %sign3A_1197 = arith.constant 0 : i32
    %sign3A_1198 = arith.cmpi slt, %jit3A_1182, %sign3A_1197 : i32
    %sign3A_1199 = arith.extui %sign3A_1198 : i1 to i32
    %sign3A_1200 = arith.subi %sign3A_1196, %sign3A_1199 : i32
    %ne3A_1201 = vector.broadcast %sign3A_1200 : i32 to vector<32x4xi32>
    %ne3A_1202 = arith.cmpi ne, %sign3A_1193, %ne3A_1201 : vector<32x4xi32>
    %rem3A_1203 = vector.broadcast %jit3A_1182 : i32 to vector<32x4xi32>
    %rem3A_1204 = arith.remsi %concatenate3A_1181, %rem3A_1203 : vector<32x4xi32>
    %ne3A_1205 = arith.constant 0 : i32
    %ne3A_1206 = vector.broadcast %ne3A_1205 : i32 to vector<32x4xi32>
    %ne3A_1207 = arith.cmpi ne, %rem3A_1204, %ne3A_1206 : vector<32x4xi32>
    %and3A_1208 = arith.andi %ne3A_1202, %ne3A_1207 : vector<32x4xi1>
    %sub3A_1209 = arith.constant 1 : i32
    %sub3A_1210 = vector.broadcast %sub3A_1209 : i32 to vector<32x4xi32>
    %sub3A_1211 = arith.subi %div3A_1184, %sub3A_1210 : vector<32x4xi32>
    %select_n3A_1212 = arith.select %and3A_1208, %sub3A_1211, %div3A_1184 : vector<32x4xi1>, vector<32x4xi32>
    %jit3A_1213 = arith.constant 5 : i32
    %eq3A_1214 = arith.constant 0 : i32
    %eq3A_1215 = arith.cmpi eq, %jit3A_1213, %eq3A_1214 : i32
    %jit3A_1216 = arith.constant 1 : i32
    %select_n3A_1217 = arith.select %eq3A_1215, %jit3A_1216, %jit3A_1213 : i32
    %rem3A_1218 = vector.broadcast %select_n3A_1217 : i32 to vector<32x4xi32>
    %rem3A_1219 = arith.remsi %concatenate3A_1181, %rem3A_1218 : vector<32x4xi32>
    %ne3A_1220 = arith.constant 0 : i32
    %ne3A_1221 = vector.broadcast %ne3A_1220 : i32 to vector<32x4xi32>
    %ne3A_1222 = arith.cmpi ne, %rem3A_1219, %ne3A_1221 : vector<32x4xi32>
    %lt3A_1223 = arith.constant 0 : i32
    %lt3A_1224 = vector.broadcast %lt3A_1223 : i32 to vector<32x4xi32>
    %lt3A_1225 = arith.cmpi slt, %rem3A_1219, %lt3A_1224 : vector<32x4xi32>
    %lt3A_1226 = arith.constant 0 : i32
    %lt3A_1227 = arith.cmpi slt, %select_n3A_1217, %lt3A_1226 : i32
    %ne3A_1228 = vector.broadcast %lt3A_1227 : i1 to vector<32x4xi1>
    %ne3A_1229 = vector.broadcast %ne3A_1228 : vector<32x4xi1> to vector<32x4xi1>
    %ne3A_1230 = arith.xori %lt3A_1225, %ne3A_1229 : vector<32x4xi1>
    %and3A_1231 = arith.andi %ne3A_1230, %ne3A_1222 : vector<32x4xi1>
    %add3A_1232 = vector.broadcast %select_n3A_1217 : i32 to vector<32x4xi32>
    %add3A_1233 = arith.addi %rem3A_1219, %add3A_1232 : vector<32x4xi32>
    %select_n3A_1234 = arith.select %and3A_1231, %add3A_1233, %rem3A_1219 : vector<32x4xi1>, vector<32x4xi32>
    %eq3A_1235 = arith.constant 0 : i32
    %eq3A_1236 = vector.broadcast %eq3A_1235 : i32 to vector<32x4xi32>
    %eq3A_1237 = arith.cmpi eq, %select_n3A_1234, %eq3A_1236 : vector<32x4xi32>
    %jit3A_1238 = arith.constant -1.000000e+30 : f32
    %broadcast_in_dim3A_1239 = vector.broadcast %jit3A_1238 : f32 to vector<32x4xf32>
    %select_n3A_1240 = arith.select %eq3A_1237, %broadcast_in_dim3A_1239, %concatenate3A_1180 : vector<32x4xi1>, vector<32x4xf32>
    %get3A_1241 = arith.constant 8 : index
    %get3A_1242 = arith.constant 0 : index
    %get3A_1243 = arith.constant 0 : index
    %get3A_1244 = vector.load %arg0[%get3A_1241, %get3A_1242, %get3A_1243] : memref<16x32x20xf32, #tpu.memory_space<vmem>>, vector<1x32x20xf32>
    %get3A_1245 = vector.shape_cast %get3A_1244 : vector<1x32x20xf32> to vector<32x20xf32>
    %broadcast_in_dim3A_1246 = arith.constant 0.000000e+00 : f32
    %broadcast_in_dim3A_1247 = vector.broadcast %broadcast_in_dim3A_1246 : f32 to vector<32x20xf32>
    %eq3A_1248 = arith.constant 0 : i32
    %eq3A_1249 = vector.broadcast %eq3A_1248 : i32 to vector<32x20xi32>
    %eq3A_1250 = arith.cmpi eq, %select_n3A, %eq3A_1249 : vector<32x20xi32>
    %slice3A_1251 = vector.extract_strided_slice %select_n3A_1240 {offsets = [0, 0], sizes = [32, 1], strides = [1, 1]} : vector<32x4xf32> to vector<32x1xf32>
    %broadcast_in_dim3A_1252 = vector.shape_cast %slice3A_1251 : vector<32x1xf32> to vector<32x1xf32>
    %broadcast_in_dim3A_1253 = vector.broadcast %broadcast_in_dim3A_1252 : vector<32x1xf32> to vector<32x20xf32>
    %select_n3A_1254 = arith.select %eq3A_1250, %broadcast_in_dim3A_1253, %broadcast_in_dim3A_1247 : vector<32x20xi1>, vector<32x20xf32>
    %eq3A_1255 = arith.constant 1 : i32
    %eq3A_1256 = vector.broadcast %eq3A_1255 : i32 to vector<32x20xi32>
    %eq3A_1257 = arith.cmpi eq, %select_n3A, %eq3A_1256 : vector<32x20xi32>
    %slice3A_1258 = vector.extract_strided_slice %select_n3A_1240 {offsets = [0, 1], sizes = [32, 1], strides = [1, 1]} : vector<32x4xf32> to vector<32x1xf32>
    %broadcast_in_dim3A_1259 = vector.shape_cast %slice3A_1258 : vector<32x1xf32> to vector<32x1xf32>
    %broadcast_in_dim3A_1260 = vector.broadcast %broadcast_in_dim3A_1259 : vector<32x1xf32> to vector<32x20xf32>
    %select_n3A_1261 = arith.select %eq3A_1257, %broadcast_in_dim3A_1260, %select_n3A_1254 : vector<32x20xi1>, vector<32x20xf32>
    %eq3A_1262 = arith.constant 2 : i32
    %eq3A_1263 = vector.broadcast %eq3A_1262 : i32 to vector<32x20xi32>
    %eq3A_1264 = arith.cmpi eq, %select_n3A, %eq3A_1263 : vector<32x20xi32>
    %slice3A_1265 = vector.extract_strided_slice %select_n3A_1240 {offsets = [0, 2], sizes = [32, 1], strides = [1, 1]} : vector<32x4xf32> to vector<32x1xf32>
    %broadcast_in_dim3A_1266 = vector.shape_cast %slice3A_1265 : vector<32x1xf32> to vector<32x1xf32>
    %broadcast_in_dim3A_1267 = vector.broadcast %broadcast_in_dim3A_1266 : vector<32x1xf32> to vector<32x20xf32>
    %select_n3A_1268 = arith.select %eq3A_1264, %broadcast_in_dim3A_1267, %select_n3A_1261 : vector<32x20xi1>, vector<32x20xf32>
    %eq3A_1269 = arith.constant 3 : i32
    %eq3A_1270 = vector.broadcast %eq3A_1269 : i32 to vector<32x20xi32>
    %eq3A_1271 = arith.cmpi eq, %select_n3A, %eq3A_1270 : vector<32x20xi32>
    %slice3A_1272 = vector.extract_strided_slice %select_n3A_1240 {offsets = [0, 3], sizes = [32, 1], strides = [1, 1]} : vector<32x4xf32> to vector<32x1xf32>
    %broadcast_in_dim3A_1273 = vector.shape_cast %slice3A_1272 : vector<32x1xf32> to vector<32x1xf32>
    %broadcast_in_dim3A_1274 = vector.broadcast %broadcast_in_dim3A_1273 : vector<32x1xf32> to vector<32x20xf32>
    %select_n3A_1275 = arith.select %eq3A_1271, %broadcast_in_dim3A_1274, %select_n3A_1268 : vector<32x20xi1>, vector<32x20xf32>
    %add3A_1276 = arith.addf %get3A_1245, %select_n3A_1275 : vector<32x20xf32>
    %reduce_max3A_1277 = arith.constant dense<0xFF800000> : vector<32xf32>
    %reduce_max3A_1278 = vector.multi_reduction <maximumf>, %add3A_1276, %reduce_max3A_1277 [1] : vector<32x20xf32> to vector<32xf32>
    %broadcast_in_dim3A_1279 = vector.shape_cast %reduce_max3A_1278 : vector<32xf32> to vector<32x1xf32>
    %eq3A_1280 = vector.broadcast %broadcast_in_dim3A_1279 : vector<32x1xf32> to vector<32x20xf32>
    %eq3A_1281 = arith.cmpf oeq, %add3A_1276, %eq3A_1280 : vector<32x20xf32>
    %jit3A_1282 = arith.constant 20 : i32
    %broadcast_in_dim3A_1283 = vector.broadcast %jit3A_1282 : i32 to vector<32x20xi32>
    %select_n3A_1284 = arith.select %eq3A_1281, %iota3A_0, %broadcast_in_dim3A_1283 : vector<32x20xi1>, vector<32x20xi32>
    %reduce_min3A_1285 = arith.constant dense<2147483647> : vector<32xi32>
    %reduce_min3A_1286 = vector.multi_reduction <minsi>, %select_n3A_1284, %reduce_min3A_1285 [1] : vector<32x20xi32> to vector<32xi32>
    %broadcast_in_dim3A_1287 = vector.shape_cast %reduce_min3A_1286 : vector<32xi32> to vector<32x1xi32>
    %eq3A_1288 = vector.broadcast %broadcast_in_dim3A_1287 : vector<32x1xi32> to vector<32x20xi32>
    %eq3A_1289 = arith.cmpi eq, %iota3A_0, %eq3A_1288 : vector<32x20xi32>
    %jit3A_1290 = arith.constant -1.000000e+30 : f32
    %broadcast_in_dim3A_1291 = vector.broadcast %jit3A_1290 : f32 to vector<32x20xf32>
    %select_n3A_1292 = arith.select %eq3A_1289, %broadcast_in_dim3A_1291, %add3A_1276 : vector<32x20xi1>, vector<32x20xf32>
    %reduce_max3A_1293 = arith.constant dense<0xFF800000> : vector<32xf32>
    %reduce_max3A_1294 = vector.multi_reduction <maximumf>, %select_n3A_1292, %reduce_max3A_1293 [1] : vector<32x20xf32> to vector<32xf32>
    %broadcast_in_dim3A_1295 = vector.shape_cast %reduce_max3A_1294 : vector<32xf32> to vector<32x1xf32>
    %eq3A_1296 = vector.broadcast %broadcast_in_dim3A_1295 : vector<32x1xf32> to vector<32x20xf32>
    %eq3A_1297 = arith.cmpf oeq, %select_n3A_1292, %eq3A_1296 : vector<32x20xf32>
    %jit3A_1298 = arith.constant 20 : i32
    %broadcast_in_dim3A_1299 = vector.broadcast %jit3A_1298 : i32 to vector<32x20xi32>
    %select_n3A_1300 = arith.select %eq3A_1297, %iota3A_0, %broadcast_in_dim3A_1299 : vector<32x20xi1>, vector<32x20xi32>
    %reduce_min3A_1301 = arith.constant dense<2147483647> : vector<32xi32>
    %reduce_min3A_1302 = vector.multi_reduction <minsi>, %select_n3A_1300, %reduce_min3A_1301 [1] : vector<32x20xi32> to vector<32xi32>
    %broadcast_in_dim3A_1303 = vector.shape_cast %reduce_min3A_1302 : vector<32xi32> to vector<32x1xi32>
    %eq3A_1304 = vector.broadcast %broadcast_in_dim3A_1303 : vector<32x1xi32> to vector<32x20xi32>
    %eq3A_1305 = arith.cmpi eq, %iota3A_0, %eq3A_1304 : vector<32x20xi32>
    %jit3A_1306 = arith.constant -1.000000e+30 : f32
    %broadcast_in_dim3A_1307 = vector.broadcast %jit3A_1306 : f32 to vector<32x20xf32>
    %select_n3A_1308 = arith.select %eq3A_1305, %broadcast_in_dim3A_1307, %select_n3A_1292 : vector<32x20xi1>, vector<32x20xf32>
    %reduce_max3A_1309 = arith.constant dense<0xFF800000> : vector<32xf32>
    %reduce_max3A_1310 = vector.multi_reduction <maximumf>, %select_n3A_1308, %reduce_max3A_1309 [1] : vector<32x20xf32> to vector<32xf32>
    %broadcast_in_dim3A_1311 = vector.shape_cast %reduce_max3A_1310 : vector<32xf32> to vector<32x1xf32>
    %eq3A_1312 = vector.broadcast %broadcast_in_dim3A_1311 : vector<32x1xf32> to vector<32x20xf32>
    %eq3A_1313 = arith.cmpf oeq, %select_n3A_1308, %eq3A_1312 : vector<32x20xf32>
    %jit3A_1314 = arith.constant 20 : i32
    %broadcast_in_dim3A_1315 = vector.broadcast %jit3A_1314 : i32 to vector<32x20xi32>
    %select_n3A_1316 = arith.select %eq3A_1313, %iota3A_0, %broadcast_in_dim3A_1315 : vector<32x20xi1>, vector<32x20xi32>
    %reduce_min3A_1317 = arith.constant dense<2147483647> : vector<32xi32>
    %reduce_min3A_1318 = vector.multi_reduction <minsi>, %select_n3A_1316, %reduce_min3A_1317 [1] : vector<32x20xi32> to vector<32xi32>
    %broadcast_in_dim3A_1319 = vector.shape_cast %reduce_min3A_1318 : vector<32xi32> to vector<32x1xi32>
    %eq3A_1320 = vector.broadcast %broadcast_in_dim3A_1319 : vector<32x1xi32> to vector<32x20xi32>
    %eq3A_1321 = arith.cmpi eq, %iota3A_0, %eq3A_1320 : vector<32x20xi32>
    %jit3A_1322 = arith.constant -1.000000e+30 : f32
    %broadcast_in_dim3A_1323 = vector.broadcast %jit3A_1322 : f32 to vector<32x20xf32>
    %select_n3A_1324 = arith.select %eq3A_1321, %broadcast_in_dim3A_1323, %select_n3A_1308 : vector<32x20xi1>, vector<32x20xf32>
    %reduce_max3A_1325 = arith.constant dense<0xFF800000> : vector<32xf32>
    %reduce_max3A_1326 = vector.multi_reduction <maximumf>, %select_n3A_1324, %reduce_max3A_1325 [1] : vector<32x20xf32> to vector<32xf32>
    %broadcast_in_dim3A_1327 = vector.shape_cast %reduce_max3A_1326 : vector<32xf32> to vector<32x1xf32>
    %eq3A_1328 = vector.broadcast %broadcast_in_dim3A_1327 : vector<32x1xf32> to vector<32x20xf32>
    %eq3A_1329 = arith.cmpf oeq, %select_n3A_1324, %eq3A_1328 : vector<32x20xf32>
    %jit3A_1330 = arith.constant 20 : i32
    %broadcast_in_dim3A_1331 = vector.broadcast %jit3A_1330 : i32 to vector<32x20xi32>
    %select_n3A_1332 = arith.select %eq3A_1329, %iota3A_0, %broadcast_in_dim3A_1331 : vector<32x20xi1>, vector<32x20xi32>
    %reduce_min3A_1333 = arith.constant dense<2147483647> : vector<32xi32>
    %reduce_min3A_1334 = vector.multi_reduction <minsi>, %select_n3A_1332, %reduce_min3A_1333 [1] : vector<32x20xi32> to vector<32xi32>
    %broadcast_in_dim3A_1335 = vector.shape_cast %reduce_min3A_1334 : vector<32xi32> to vector<32x1xi32>
    %concatenate3A_1336 = tpu.concatenate %broadcast_in_dim3A_1279, %broadcast_in_dim3A_1295, %broadcast_in_dim3A_1311, %broadcast_in_dim3A_1327 in 1 : vector<32x1xf32>, vector<32x1xf32>, vector<32x1xf32>, vector<32x1xf32> -> vector<32x4xf32>
    %concatenate3A_1337 = tpu.concatenate %broadcast_in_dim3A_1287, %broadcast_in_dim3A_1303, %broadcast_in_dim3A_1319, %broadcast_in_dim3A_1335 in 1 : vector<32x1xi32>, vector<32x1xi32>, vector<32x1xi32>, vector<32x1xi32> -> vector<32x4xi32>
    %jit3A_1338 = arith.constant 5 : i32
    %div3A_1339 = vector.broadcast %jit3A_1338 : i32 to vector<32x4xi32>
    %div3A_1340 = arith.divsi %concatenate3A_1337, %div3A_1339 : vector<32x4xi32>
    %sign3A_1341 = arith.constant 0 : i32
    %sign3A_1342 = vector.broadcast %sign3A_1341 : i32 to vector<32x4xi32>
    %sign3A_1343 = arith.cmpi sgt, %concatenate3A_1337, %sign3A_1342 : vector<32x4xi32>
    %sign3A_1344 = arith.extui %sign3A_1343 : vector<32x4xi1> to vector<32x4xi32>
    %sign3A_1345 = arith.constant 0 : i32
    %sign3A_1346 = vector.broadcast %sign3A_1345 : i32 to vector<32x4xi32>
    %sign3A_1347 = arith.cmpi slt, %concatenate3A_1337, %sign3A_1346 : vector<32x4xi32>
    %sign3A_1348 = arith.extui %sign3A_1347 : vector<32x4xi1> to vector<32x4xi32>
    %sign3A_1349 = arith.subi %sign3A_1344, %sign3A_1348 : vector<32x4xi32>
    %sign3A_1350 = arith.constant 0 : i32
    %sign3A_1351 = arith.cmpi sgt, %jit3A_1338, %sign3A_1350 : i32
    %sign3A_1352 = arith.extui %sign3A_1351 : i1 to i32
    %sign3A_1353 = arith.constant 0 : i32
    %sign3A_1354 = arith.cmpi slt, %jit3A_1338, %sign3A_1353 : i32
    %sign3A_1355 = arith.extui %sign3A_1354 : i1 to i32
    %sign3A_1356 = arith.subi %sign3A_1352, %sign3A_1355 : i32
    %ne3A_1357 = vector.broadcast %sign3A_1356 : i32 to vector<32x4xi32>
    %ne3A_1358 = arith.cmpi ne, %sign3A_1349, %ne3A_1357 : vector<32x4xi32>
    %rem3A_1359 = vector.broadcast %jit3A_1338 : i32 to vector<32x4xi32>
    %rem3A_1360 = arith.remsi %concatenate3A_1337, %rem3A_1359 : vector<32x4xi32>
    %ne3A_1361 = arith.constant 0 : i32
    %ne3A_1362 = vector.broadcast %ne3A_1361 : i32 to vector<32x4xi32>
    %ne3A_1363 = arith.cmpi ne, %rem3A_1360, %ne3A_1362 : vector<32x4xi32>
    %and3A_1364 = arith.andi %ne3A_1358, %ne3A_1363 : vector<32x4xi1>
    %sub3A_1365 = arith.constant 1 : i32
    %sub3A_1366 = vector.broadcast %sub3A_1365 : i32 to vector<32x4xi32>
    %sub3A_1367 = arith.subi %div3A_1340, %sub3A_1366 : vector<32x4xi32>
    %select_n3A_1368 = arith.select %and3A_1364, %sub3A_1367, %div3A_1340 : vector<32x4xi1>, vector<32x4xi32>
    %jit3A_1369 = arith.constant 5 : i32
    %eq3A_1370 = arith.constant 0 : i32
    %eq3A_1371 = arith.cmpi eq, %jit3A_1369, %eq3A_1370 : i32
    %jit3A_1372 = arith.constant 1 : i32
    %select_n3A_1373 = arith.select %eq3A_1371, %jit3A_1372, %jit3A_1369 : i32
    %rem3A_1374 = vector.broadcast %select_n3A_1373 : i32 to vector<32x4xi32>
    %rem3A_1375 = arith.remsi %concatenate3A_1337, %rem3A_1374 : vector<32x4xi32>
    %ne3A_1376 = arith.constant 0 : i32
    %ne3A_1377 = vector.broadcast %ne3A_1376 : i32 to vector<32x4xi32>
    %ne3A_1378 = arith.cmpi ne, %rem3A_1375, %ne3A_1377 : vector<32x4xi32>
    %lt3A_1379 = arith.constant 0 : i32
    %lt3A_1380 = vector.broadcast %lt3A_1379 : i32 to vector<32x4xi32>
    %lt3A_1381 = arith.cmpi slt, %rem3A_1375, %lt3A_1380 : vector<32x4xi32>
    %lt3A_1382 = arith.constant 0 : i32
    %lt3A_1383 = arith.cmpi slt, %select_n3A_1373, %lt3A_1382 : i32
    %ne3A_1384 = vector.broadcast %lt3A_1383 : i1 to vector<32x4xi1>
    %ne3A_1385 = vector.broadcast %ne3A_1384 : vector<32x4xi1> to vector<32x4xi1>
    %ne3A_1386 = arith.xori %lt3A_1381, %ne3A_1385 : vector<32x4xi1>
    %and3A_1387 = arith.andi %ne3A_1386, %ne3A_1378 : vector<32x4xi1>
    %add3A_1388 = vector.broadcast %select_n3A_1373 : i32 to vector<32x4xi32>
    %add3A_1389 = arith.addi %rem3A_1375, %add3A_1388 : vector<32x4xi32>
    %select_n3A_1390 = arith.select %and3A_1387, %add3A_1389, %rem3A_1375 : vector<32x4xi1>, vector<32x4xi32>
    %eq3A_1391 = arith.constant 0 : i32
    %eq3A_1392 = vector.broadcast %eq3A_1391 : i32 to vector<32x4xi32>
    %eq3A_1393 = arith.cmpi eq, %select_n3A_1390, %eq3A_1392 : vector<32x4xi32>
    %jit3A_1394 = arith.constant -1.000000e+30 : f32
    %broadcast_in_dim3A_1395 = vector.broadcast %jit3A_1394 : f32 to vector<32x4xf32>
    %select_n3A_1396 = arith.select %eq3A_1393, %broadcast_in_dim3A_1395, %concatenate3A_1336 : vector<32x4xi1>, vector<32x4xf32>
    %get3A_1397 = arith.constant 9 : index
    %get3A_1398 = arith.constant 0 : index
    %get3A_1399 = arith.constant 0 : index
    %get3A_1400 = vector.load %arg0[%get3A_1397, %get3A_1398, %get3A_1399] : memref<16x32x20xf32, #tpu.memory_space<vmem>>, vector<1x32x20xf32>
    %get3A_1401 = vector.shape_cast %get3A_1400 : vector<1x32x20xf32> to vector<32x20xf32>
    %broadcast_in_dim3A_1402 = arith.constant 0.000000e+00 : f32
    %broadcast_in_dim3A_1403 = vector.broadcast %broadcast_in_dim3A_1402 : f32 to vector<32x20xf32>
    %eq3A_1404 = arith.constant 0 : i32
    %eq3A_1405 = vector.broadcast %eq3A_1404 : i32 to vector<32x20xi32>
    %eq3A_1406 = arith.cmpi eq, %select_n3A, %eq3A_1405 : vector<32x20xi32>
    %slice3A_1407 = vector.extract_strided_slice %select_n3A_1396 {offsets = [0, 0], sizes = [32, 1], strides = [1, 1]} : vector<32x4xf32> to vector<32x1xf32>
    %broadcast_in_dim3A_1408 = vector.shape_cast %slice3A_1407 : vector<32x1xf32> to vector<32x1xf32>
    %broadcast_in_dim3A_1409 = vector.broadcast %broadcast_in_dim3A_1408 : vector<32x1xf32> to vector<32x20xf32>
    %select_n3A_1410 = arith.select %eq3A_1406, %broadcast_in_dim3A_1409, %broadcast_in_dim3A_1403 : vector<32x20xi1>, vector<32x20xf32>
    %eq3A_1411 = arith.constant 1 : i32
    %eq3A_1412 = vector.broadcast %eq3A_1411 : i32 to vector<32x20xi32>
    %eq3A_1413 = arith.cmpi eq, %select_n3A, %eq3A_1412 : vector<32x20xi32>
    %slice3A_1414 = vector.extract_strided_slice %select_n3A_1396 {offsets = [0, 1], sizes = [32, 1], strides = [1, 1]} : vector<32x4xf32> to vector<32x1xf32>
    %broadcast_in_dim3A_1415 = vector.shape_cast %slice3A_1414 : vector<32x1xf32> to vector<32x1xf32>
    %broadcast_in_dim3A_1416 = vector.broadcast %broadcast_in_dim3A_1415 : vector<32x1xf32> to vector<32x20xf32>
    %select_n3A_1417 = arith.select %eq3A_1413, %broadcast_in_dim3A_1416, %select_n3A_1410 : vector<32x20xi1>, vector<32x20xf32>
    %eq3A_1418 = arith.constant 2 : i32
    %eq3A_1419 = vector.broadcast %eq3A_1418 : i32 to vector<32x20xi32>
    %eq3A_1420 = arith.cmpi eq, %select_n3A, %eq3A_1419 : vector<32x20xi32>
    %slice3A_1421 = vector.extract_strided_slice %select_n3A_1396 {offsets = [0, 2], sizes = [32, 1], strides = [1, 1]} : vector<32x4xf32> to vector<32x1xf32>
    %broadcast_in_dim3A_1422 = vector.shape_cast %slice3A_1421 : vector<32x1xf32> to vector<32x1xf32>
    %broadcast_in_dim3A_1423 = vector.broadcast %broadcast_in_dim3A_1422 : vector<32x1xf32> to vector<32x20xf32>
    %select_n3A_1424 = arith.select %eq3A_1420, %broadcast_in_dim3A_1423, %select_n3A_1417 : vector<32x20xi1>, vector<32x20xf32>
    %eq3A_1425 = arith.constant 3 : i32
    %eq3A_1426 = vector.broadcast %eq3A_1425 : i32 to vector<32x20xi32>
    %eq3A_1427 = arith.cmpi eq, %select_n3A, %eq3A_1426 : vector<32x20xi32>
    %slice3A_1428 = vector.extract_strided_slice %select_n3A_1396 {offsets = [0, 3], sizes = [32, 1], strides = [1, 1]} : vector<32x4xf32> to vector<32x1xf32>
    %broadcast_in_dim3A_1429 = vector.shape_cast %slice3A_1428 : vector<32x1xf32> to vector<32x1xf32>
    %broadcast_in_dim3A_1430 = vector.broadcast %broadcast_in_dim3A_1429 : vector<32x1xf32> to vector<32x20xf32>
    %select_n3A_1431 = arith.select %eq3A_1427, %broadcast_in_dim3A_1430, %select_n3A_1424 : vector<32x20xi1>, vector<32x20xf32>
    %add3A_1432 = arith.addf %get3A_1401, %select_n3A_1431 : vector<32x20xf32>
    %reduce_max3A_1433 = arith.constant dense<0xFF800000> : vector<32xf32>
    %reduce_max3A_1434 = vector.multi_reduction <maximumf>, %add3A_1432, %reduce_max3A_1433 [1] : vector<32x20xf32> to vector<32xf32>
    %broadcast_in_dim3A_1435 = vector.shape_cast %reduce_max3A_1434 : vector<32xf32> to vector<32x1xf32>
    %eq3A_1436 = vector.broadcast %broadcast_in_dim3A_1435 : vector<32x1xf32> to vector<32x20xf32>
    %eq3A_1437 = arith.cmpf oeq, %add3A_1432, %eq3A_1436 : vector<32x20xf32>
    %jit3A_1438 = arith.constant 20 : i32
    %broadcast_in_dim3A_1439 = vector.broadcast %jit3A_1438 : i32 to vector<32x20xi32>
    %select_n3A_1440 = arith.select %eq3A_1437, %iota3A_0, %broadcast_in_dim3A_1439 : vector<32x20xi1>, vector<32x20xi32>
    %reduce_min3A_1441 = arith.constant dense<2147483647> : vector<32xi32>
    %reduce_min3A_1442 = vector.multi_reduction <minsi>, %select_n3A_1440, %reduce_min3A_1441 [1] : vector<32x20xi32> to vector<32xi32>
    %broadcast_in_dim3A_1443 = vector.shape_cast %reduce_min3A_1442 : vector<32xi32> to vector<32x1xi32>
    %eq3A_1444 = vector.broadcast %broadcast_in_dim3A_1443 : vector<32x1xi32> to vector<32x20xi32>
    %eq3A_1445 = arith.cmpi eq, %iota3A_0, %eq3A_1444 : vector<32x20xi32>
    %jit3A_1446 = arith.constant -1.000000e+30 : f32
    %broadcast_in_dim3A_1447 = vector.broadcast %jit3A_1446 : f32 to vector<32x20xf32>
    %select_n3A_1448 = arith.select %eq3A_1445, %broadcast_in_dim3A_1447, %add3A_1432 : vector<32x20xi1>, vector<32x20xf32>
    %reduce_max3A_1449 = arith.constant dense<0xFF800000> : vector<32xf32>
    %reduce_max3A_1450 = vector.multi_reduction <maximumf>, %select_n3A_1448, %reduce_max3A_1449 [1] : vector<32x20xf32> to vector<32xf32>
    %broadcast_in_dim3A_1451 = vector.shape_cast %reduce_max3A_1450 : vector<32xf32> to vector<32x1xf32>
    %eq3A_1452 = vector.broadcast %broadcast_in_dim3A_1451 : vector<32x1xf32> to vector<32x20xf32>
    %eq3A_1453 = arith.cmpf oeq, %select_n3A_1448, %eq3A_1452 : vector<32x20xf32>
    %jit3A_1454 = arith.constant 20 : i32
    %broadcast_in_dim3A_1455 = vector.broadcast %jit3A_1454 : i32 to vector<32x20xi32>
    %select_n3A_1456 = arith.select %eq3A_1453, %iota3A_0, %broadcast_in_dim3A_1455 : vector<32x20xi1>, vector<32x20xi32>
    %reduce_min3A_1457 = arith.constant dense<2147483647> : vector<32xi32>
    %reduce_min3A_1458 = vector.multi_reduction <minsi>, %select_n3A_1456, %reduce_min3A_1457 [1] : vector<32x20xi32> to vector<32xi32>
    %broadcast_in_dim3A_1459 = vector.shape_cast %reduce_min3A_1458 : vector<32xi32> to vector<32x1xi32>
    %eq3A_1460 = vector.broadcast %broadcast_in_dim3A_1459 : vector<32x1xi32> to vector<32x20xi32>
    %eq3A_1461 = arith.cmpi eq, %iota3A_0, %eq3A_1460 : vector<32x20xi32>
    %jit3A_1462 = arith.constant -1.000000e+30 : f32
    %broadcast_in_dim3A_1463 = vector.broadcast %jit3A_1462 : f32 to vector<32x20xf32>
    %select_n3A_1464 = arith.select %eq3A_1461, %broadcast_in_dim3A_1463, %select_n3A_1448 : vector<32x20xi1>, vector<32x20xf32>
    %reduce_max3A_1465 = arith.constant dense<0xFF800000> : vector<32xf32>
    %reduce_max3A_1466 = vector.multi_reduction <maximumf>, %select_n3A_1464, %reduce_max3A_1465 [1] : vector<32x20xf32> to vector<32xf32>
    %broadcast_in_dim3A_1467 = vector.shape_cast %reduce_max3A_1466 : vector<32xf32> to vector<32x1xf32>
    %eq3A_1468 = vector.broadcast %broadcast_in_dim3A_1467 : vector<32x1xf32> to vector<32x20xf32>
    %eq3A_1469 = arith.cmpf oeq, %select_n3A_1464, %eq3A_1468 : vector<32x20xf32>
    %jit3A_1470 = arith.constant 20 : i32
    %broadcast_in_dim3A_1471 = vector.broadcast %jit3A_1470 : i32 to vector<32x20xi32>
    %select_n3A_1472 = arith.select %eq3A_1469, %iota3A_0, %broadcast_in_dim3A_1471 : vector<32x20xi1>, vector<32x20xi32>
    %reduce_min3A_1473 = arith.constant dense<2147483647> : vector<32xi32>
    %reduce_min3A_1474 = vector.multi_reduction <minsi>, %select_n3A_1472, %reduce_min3A_1473 [1] : vector<32x20xi32> to vector<32xi32>
    %broadcast_in_dim3A_1475 = vector.shape_cast %reduce_min3A_1474 : vector<32xi32> to vector<32x1xi32>
    %eq3A_1476 = vector.broadcast %broadcast_in_dim3A_1475 : vector<32x1xi32> to vector<32x20xi32>
    %eq3A_1477 = arith.cmpi eq, %iota3A_0, %eq3A_1476 : vector<32x20xi32>
    %jit3A_1478 = arith.constant -1.000000e+30 : f32
    %broadcast_in_dim3A_1479 = vector.broadcast %jit3A_1478 : f32 to vector<32x20xf32>
    %select_n3A_1480 = arith.select %eq3A_1477, %broadcast_in_dim3A_1479, %select_n3A_1464 : vector<32x20xi1>, vector<32x20xf32>
    %reduce_max3A_1481 = arith.constant dense<0xFF800000> : vector<32xf32>
    %reduce_max3A_1482 = vector.multi_reduction <maximumf>, %select_n3A_1480, %reduce_max3A_1481 [1] : vector<32x20xf32> to vector<32xf32>
    %broadcast_in_dim3A_1483 = vector.shape_cast %reduce_max3A_1482 : vector<32xf32> to vector<32x1xf32>
    %eq3A_1484 = vector.broadcast %broadcast_in_dim3A_1483 : vector<32x1xf32> to vector<32x20xf32>
    %eq3A_1485 = arith.cmpf oeq, %select_n3A_1480, %eq3A_1484 : vector<32x20xf32>
    %jit3A_1486 = arith.constant 20 : i32
    %broadcast_in_dim3A_1487 = vector.broadcast %jit3A_1486 : i32 to vector<32x20xi32>
    %select_n3A_1488 = arith.select %eq3A_1485, %iota3A_0, %broadcast_in_dim3A_1487 : vector<32x20xi1>, vector<32x20xi32>
    %reduce_min3A_1489 = arith.constant dense<2147483647> : vector<32xi32>
    %reduce_min3A_1490 = vector.multi_reduction <minsi>, %select_n3A_1488, %reduce_min3A_1489 [1] : vector<32x20xi32> to vector<32xi32>
    %broadcast_in_dim3A_1491 = vector.shape_cast %reduce_min3A_1490 : vector<32xi32> to vector<32x1xi32>
    %concatenate3A_1492 = tpu.concatenate %broadcast_in_dim3A_1435, %broadcast_in_dim3A_1451, %broadcast_in_dim3A_1467, %broadcast_in_dim3A_1483 in 1 : vector<32x1xf32>, vector<32x1xf32>, vector<32x1xf32>, vector<32x1xf32> -> vector<32x4xf32>
    %concatenate3A_1493 = tpu.concatenate %broadcast_in_dim3A_1443, %broadcast_in_dim3A_1459, %broadcast_in_dim3A_1475, %broadcast_in_dim3A_1491 in 1 : vector<32x1xi32>, vector<32x1xi32>, vector<32x1xi32>, vector<32x1xi32> -> vector<32x4xi32>
    %jit3A_1494 = arith.constant 5 : i32
    %div3A_1495 = vector.broadcast %jit3A_1494 : i32 to vector<32x4xi32>
    %div3A_1496 = arith.divsi %concatenate3A_1493, %div3A_1495 : vector<32x4xi32>
    %sign3A_1497 = arith.constant 0 : i32
    %sign3A_1498 = vector.broadcast %sign3A_1497 : i32 to vector<32x4xi32>
    %sign3A_1499 = arith.cmpi sgt, %concatenate3A_1493, %sign3A_1498 : vector<32x4xi32>
    %sign3A_1500 = arith.extui %sign3A_1499 : vector<32x4xi1> to vector<32x4xi32>
    %sign3A_1501 = arith.constant 0 : i32
    %sign3A_1502 = vector.broadcast %sign3A_1501 : i32 to vector<32x4xi32>
    %sign3A_1503 = arith.cmpi slt, %concatenate3A_1493, %sign3A_1502 : vector<32x4xi32>
    %sign3A_1504 = arith.extui %sign3A_1503 : vector<32x4xi1> to vector<32x4xi32>
    %sign3A_1505 = arith.subi %sign3A_1500, %sign3A_1504 : vector<32x4xi32>
    %sign3A_1506 = arith.constant 0 : i32
    %sign3A_1507 = arith.cmpi sgt, %jit3A_1494, %sign3A_1506 : i32
    %sign3A_1508 = arith.extui %sign3A_1507 : i1 to i32
    %sign3A_1509 = arith.constant 0 : i32
    %sign3A_1510 = arith.cmpi slt, %jit3A_1494, %sign3A_1509 : i32
    %sign3A_1511 = arith.extui %sign3A_1510 : i1 to i32
    %sign3A_1512 = arith.subi %sign3A_1508, %sign3A_1511 : i32
    %ne3A_1513 = vector.broadcast %sign3A_1512 : i32 to vector<32x4xi32>
    %ne3A_1514 = arith.cmpi ne, %sign3A_1505, %ne3A_1513 : vector<32x4xi32>
    %rem3A_1515 = vector.broadcast %jit3A_1494 : i32 to vector<32x4xi32>
    %rem3A_1516 = arith.remsi %concatenate3A_1493, %rem3A_1515 : vector<32x4xi32>
    %ne3A_1517 = arith.constant 0 : i32
    %ne3A_1518 = vector.broadcast %ne3A_1517 : i32 to vector<32x4xi32>
    %ne3A_1519 = arith.cmpi ne, %rem3A_1516, %ne3A_1518 : vector<32x4xi32>
    %and3A_1520 = arith.andi %ne3A_1514, %ne3A_1519 : vector<32x4xi1>
    %sub3A_1521 = arith.constant 1 : i32
    %sub3A_1522 = vector.broadcast %sub3A_1521 : i32 to vector<32x4xi32>
    %sub3A_1523 = arith.subi %div3A_1496, %sub3A_1522 : vector<32x4xi32>
    %select_n3A_1524 = arith.select %and3A_1520, %sub3A_1523, %div3A_1496 : vector<32x4xi1>, vector<32x4xi32>
    %jit3A_1525 = arith.constant 5 : i32
    %eq3A_1526 = arith.constant 0 : i32
    %eq3A_1527 = arith.cmpi eq, %jit3A_1525, %eq3A_1526 : i32
    %jit3A_1528 = arith.constant 1 : i32
    %select_n3A_1529 = arith.select %eq3A_1527, %jit3A_1528, %jit3A_1525 : i32
    %rem3A_1530 = vector.broadcast %select_n3A_1529 : i32 to vector<32x4xi32>
    %rem3A_1531 = arith.remsi %concatenate3A_1493, %rem3A_1530 : vector<32x4xi32>
    %ne3A_1532 = arith.constant 0 : i32
    %ne3A_1533 = vector.broadcast %ne3A_1532 : i32 to vector<32x4xi32>
    %ne3A_1534 = arith.cmpi ne, %rem3A_1531, %ne3A_1533 : vector<32x4xi32>
    %lt3A_1535 = arith.constant 0 : i32
    %lt3A_1536 = vector.broadcast %lt3A_1535 : i32 to vector<32x4xi32>
    %lt3A_1537 = arith.cmpi slt, %rem3A_1531, %lt3A_1536 : vector<32x4xi32>
    %lt3A_1538 = arith.constant 0 : i32
    %lt3A_1539 = arith.cmpi slt, %select_n3A_1529, %lt3A_1538 : i32
    %ne3A_1540 = vector.broadcast %lt3A_1539 : i1 to vector<32x4xi1>
    %ne3A_1541 = vector.broadcast %ne3A_1540 : vector<32x4xi1> to vector<32x4xi1>
    %ne3A_1542 = arith.xori %lt3A_1537, %ne3A_1541 : vector<32x4xi1>
    %and3A_1543 = arith.andi %ne3A_1542, %ne3A_1534 : vector<32x4xi1>
    %add3A_1544 = vector.broadcast %select_n3A_1529 : i32 to vector<32x4xi32>
    %add3A_1545 = arith.addi %rem3A_1531, %add3A_1544 : vector<32x4xi32>
    %select_n3A_1546 = arith.select %and3A_1543, %add3A_1545, %rem3A_1531 : vector<32x4xi1>, vector<32x4xi32>
    %eq3A_1547 = arith.constant 0 : i32
    %eq3A_1548 = vector.broadcast %eq3A_1547 : i32 to vector<32x4xi32>
    %eq3A_1549 = arith.cmpi eq, %select_n3A_1546, %eq3A_1548 : vector<32x4xi32>
    %jit3A_1550 = arith.constant -1.000000e+30 : f32
    %broadcast_in_dim3A_1551 = vector.broadcast %jit3A_1550 : f32 to vector<32x4xf32>
    %select_n3A_1552 = arith.select %eq3A_1549, %broadcast_in_dim3A_1551, %concatenate3A_1492 : vector<32x4xi1>, vector<32x4xf32>
    %get3A_1553 = arith.constant 10 : index
    %get3A_1554 = arith.constant 0 : index
    %get3A_1555 = arith.constant 0 : index
    %get3A_1556 = vector.load %arg0[%get3A_1553, %get3A_1554, %get3A_1555] : memref<16x32x20xf32, #tpu.memory_space<vmem>>, vector<1x32x20xf32>
    %get3A_1557 = vector.shape_cast %get3A_1556 : vector<1x32x20xf32> to vector<32x20xf32>
    %broadcast_in_dim3A_1558 = arith.constant 0.000000e+00 : f32
    %broadcast_in_dim3A_1559 = vector.broadcast %broadcast_in_dim3A_1558 : f32 to vector<32x20xf32>
    %eq3A_1560 = arith.constant 0 : i32
    %eq3A_1561 = vector.broadcast %eq3A_1560 : i32 to vector<32x20xi32>
    %eq3A_1562 = arith.cmpi eq, %select_n3A, %eq3A_1561 : vector<32x20xi32>
    %slice3A_1563 = vector.extract_strided_slice %select_n3A_1552 {offsets = [0, 0], sizes = [32, 1], strides = [1, 1]} : vector<32x4xf32> to vector<32x1xf32>
    %broadcast_in_dim3A_1564 = vector.shape_cast %slice3A_1563 : vector<32x1xf32> to vector<32x1xf32>
    %broadcast_in_dim3A_1565 = vector.broadcast %broadcast_in_dim3A_1564 : vector<32x1xf32> to vector<32x20xf32>
    %select_n3A_1566 = arith.select %eq3A_1562, %broadcast_in_dim3A_1565, %broadcast_in_dim3A_1559 : vector<32x20xi1>, vector<32x20xf32>
    %eq3A_1567 = arith.constant 1 : i32
    %eq3A_1568 = vector.broadcast %eq3A_1567 : i32 to vector<32x20xi32>
    %eq3A_1569 = arith.cmpi eq, %select_n3A, %eq3A_1568 : vector<32x20xi32>
    %slice3A_1570 = vector.extract_strided_slice %select_n3A_1552 {offsets = [0, 1], sizes = [32, 1], strides = [1, 1]} : vector<32x4xf32> to vector<32x1xf32>
    %broadcast_in_dim3A_1571 = vector.shape_cast %slice3A_1570 : vector<32x1xf32> to vector<32x1xf32>
    %broadcast_in_dim3A_1572 = vector.broadcast %broadcast_in_dim3A_1571 : vector<32x1xf32> to vector<32x20xf32>
    %select_n3A_1573 = arith.select %eq3A_1569, %broadcast_in_dim3A_1572, %select_n3A_1566 : vector<32x20xi1>, vector<32x20xf32>
    %eq3A_1574 = arith.constant 2 : i32
    %eq3A_1575 = vector.broadcast %eq3A_1574 : i32 to vector<32x20xi32>
    %eq3A_1576 = arith.cmpi eq, %select_n3A, %eq3A_1575 : vector<32x20xi32>
    %slice3A_1577 = vector.extract_strided_slice %select_n3A_1552 {offsets = [0, 2], sizes = [32, 1], strides = [1, 1]} : vector<32x4xf32> to vector<32x1xf32>
    %broadcast_in_dim3A_1578 = vector.shape_cast %slice3A_1577 : vector<32x1xf32> to vector<32x1xf32>
    %broadcast_in_dim3A_1579 = vector.broadcast %broadcast_in_dim3A_1578 : vector<32x1xf32> to vector<32x20xf32>
    %select_n3A_1580 = arith.select %eq3A_1576, %broadcast_in_dim3A_1579, %select_n3A_1573 : vector<32x20xi1>, vector<32x20xf32>
    %eq3A_1581 = arith.constant 3 : i32
    %eq3A_1582 = vector.broadcast %eq3A_1581 : i32 to vector<32x20xi32>
    %eq3A_1583 = arith.cmpi eq, %select_n3A, %eq3A_1582 : vector<32x20xi32>
    %slice3A_1584 = vector.extract_strided_slice %select_n3A_1552 {offsets = [0, 3], sizes = [32, 1], strides = [1, 1]} : vector<32x4xf32> to vector<32x1xf32>
    %broadcast_in_dim3A_1585 = vector.shape_cast %slice3A_1584 : vector<32x1xf32> to vector<32x1xf32>
    %broadcast_in_dim3A_1586 = vector.broadcast %broadcast_in_dim3A_1585 : vector<32x1xf32> to vector<32x20xf32>
    %select_n3A_1587 = arith.select %eq3A_1583, %broadcast_in_dim3A_1586, %select_n3A_1580 : vector<32x20xi1>, vector<32x20xf32>
    %add3A_1588 = arith.addf %get3A_1557, %select_n3A_1587 : vector<32x20xf32>
    %reduce_max3A_1589 = arith.constant dense<0xFF800000> : vector<32xf32>
    %reduce_max3A_1590 = vector.multi_reduction <maximumf>, %add3A_1588, %reduce_max3A_1589 [1] : vector<32x20xf32> to vector<32xf32>
    %broadcast_in_dim3A_1591 = vector.shape_cast %reduce_max3A_1590 : vector<32xf32> to vector<32x1xf32>
    %eq3A_1592 = vector.broadcast %broadcast_in_dim3A_1591 : vector<32x1xf32> to vector<32x20xf32>
    %eq3A_1593 = arith.cmpf oeq, %add3A_1588, %eq3A_1592 : vector<32x20xf32>
    %jit3A_1594 = arith.constant 20 : i32
    %broadcast_in_dim3A_1595 = vector.broadcast %jit3A_1594 : i32 to vector<32x20xi32>
    %select_n3A_1596 = arith.select %eq3A_1593, %iota3A_0, %broadcast_in_dim3A_1595 : vector<32x20xi1>, vector<32x20xi32>
    %reduce_min3A_1597 = arith.constant dense<2147483647> : vector<32xi32>
    %reduce_min3A_1598 = vector.multi_reduction <minsi>, %select_n3A_1596, %reduce_min3A_1597 [1] : vector<32x20xi32> to vector<32xi32>
    %broadcast_in_dim3A_1599 = vector.shape_cast %reduce_min3A_1598 : vector<32xi32> to vector<32x1xi32>
    %eq3A_1600 = vector.broadcast %broadcast_in_dim3A_1599 : vector<32x1xi32> to vector<32x20xi32>
    %eq3A_1601 = arith.cmpi eq, %iota3A_0, %eq3A_1600 : vector<32x20xi32>
    %jit3A_1602 = arith.constant -1.000000e+30 : f32
    %broadcast_in_dim3A_1603 = vector.broadcast %jit3A_1602 : f32 to vector<32x20xf32>
    %select_n3A_1604 = arith.select %eq3A_1601, %broadcast_in_dim3A_1603, %add3A_1588 : vector<32x20xi1>, vector<32x20xf32>
    %reduce_max3A_1605 = arith.constant dense<0xFF800000> : vector<32xf32>
    %reduce_max3A_1606 = vector.multi_reduction <maximumf>, %select_n3A_1604, %reduce_max3A_1605 [1] : vector<32x20xf32> to vector<32xf32>
    %broadcast_in_dim3A_1607 = vector.shape_cast %reduce_max3A_1606 : vector<32xf32> to vector<32x1xf32>
    %eq3A_1608 = vector.broadcast %broadcast_in_dim3A_1607 : vector<32x1xf32> to vector<32x20xf32>
    %eq3A_1609 = arith.cmpf oeq, %select_n3A_1604, %eq3A_1608 : vector<32x20xf32>
    %jit3A_1610 = arith.constant 20 : i32
    %broadcast_in_dim3A_1611 = vector.broadcast %jit3A_1610 : i32 to vector<32x20xi32>
    %select_n3A_1612 = arith.select %eq3A_1609, %iota3A_0, %broadcast_in_dim3A_1611 : vector<32x20xi1>, vector<32x20xi32>
    %reduce_min3A_1613 = arith.constant dense<2147483647> : vector<32xi32>
    %reduce_min3A_1614 = vector.multi_reduction <minsi>, %select_n3A_1612, %reduce_min3A_1613 [1] : vector<32x20xi32> to vector<32xi32>
    %broadcast_in_dim3A_1615 = vector.shape_cast %reduce_min3A_1614 : vector<32xi32> to vector<32x1xi32>
    %eq3A_1616 = vector.broadcast %broadcast_in_dim3A_1615 : vector<32x1xi32> to vector<32x20xi32>
    %eq3A_1617 = arith.cmpi eq, %iota3A_0, %eq3A_1616 : vector<32x20xi32>
    %jit3A_1618 = arith.constant -1.000000e+30 : f32
    %broadcast_in_dim3A_1619 = vector.broadcast %jit3A_1618 : f32 to vector<32x20xf32>
    %select_n3A_1620 = arith.select %eq3A_1617, %broadcast_in_dim3A_1619, %select_n3A_1604 : vector<32x20xi1>, vector<32x20xf32>
    %reduce_max3A_1621 = arith.constant dense<0xFF800000> : vector<32xf32>
    %reduce_max3A_1622 = vector.multi_reduction <maximumf>, %select_n3A_1620, %reduce_max3A_1621 [1] : vector<32x20xf32> to vector<32xf32>
    %broadcast_in_dim3A_1623 = vector.shape_cast %reduce_max3A_1622 : vector<32xf32> to vector<32x1xf32>
    %eq3A_1624 = vector.broadcast %broadcast_in_dim3A_1623 : vector<32x1xf32> to vector<32x20xf32>
    %eq3A_1625 = arith.cmpf oeq, %select_n3A_1620, %eq3A_1624 : vector<32x20xf32>
    %jit3A_1626 = arith.constant 20 : i32
    %broadcast_in_dim3A_1627 = vector.broadcast %jit3A_1626 : i32 to vector<32x20xi32>
    %select_n3A_1628 = arith.select %eq3A_1625, %iota3A_0, %broadcast_in_dim3A_1627 : vector<32x20xi1>, vector<32x20xi32>
    %reduce_min3A_1629 = arith.constant dense<2147483647> : vector<32xi32>
    %reduce_min3A_1630 = vector.multi_reduction <minsi>, %select_n3A_1628, %reduce_min3A_1629 [1] : vector<32x20xi32> to vector<32xi32>
    %broadcast_in_dim3A_1631 = vector.shape_cast %reduce_min3A_1630 : vector<32xi32> to vector<32x1xi32>
    %eq3A_1632 = vector.broadcast %broadcast_in_dim3A_1631 : vector<32x1xi32> to vector<32x20xi32>
    %eq3A_1633 = arith.cmpi eq, %iota3A_0, %eq3A_1632 : vector<32x20xi32>
    %jit3A_1634 = arith.constant -1.000000e+30 : f32
    %broadcast_in_dim3A_1635 = vector.broadcast %jit3A_1634 : f32 to vector<32x20xf32>
    %select_n3A_1636 = arith.select %eq3A_1633, %broadcast_in_dim3A_1635, %select_n3A_1620 : vector<32x20xi1>, vector<32x20xf32>
    %reduce_max3A_1637 = arith.constant dense<0xFF800000> : vector<32xf32>
    %reduce_max3A_1638 = vector.multi_reduction <maximumf>, %select_n3A_1636, %reduce_max3A_1637 [1] : vector<32x20xf32> to vector<32xf32>
    %broadcast_in_dim3A_1639 = vector.shape_cast %reduce_max3A_1638 : vector<32xf32> to vector<32x1xf32>
    %eq3A_1640 = vector.broadcast %broadcast_in_dim3A_1639 : vector<32x1xf32> to vector<32x20xf32>
    %eq3A_1641 = arith.cmpf oeq, %select_n3A_1636, %eq3A_1640 : vector<32x20xf32>
    %jit3A_1642 = arith.constant 20 : i32
    %broadcast_in_dim3A_1643 = vector.broadcast %jit3A_1642 : i32 to vector<32x20xi32>
    %select_n3A_1644 = arith.select %eq3A_1641, %iota3A_0, %broadcast_in_dim3A_1643 : vector<32x20xi1>, vector<32x20xi32>
    %reduce_min3A_1645 = arith.constant dense<2147483647> : vector<32xi32>
    %reduce_min3A_1646 = vector.multi_reduction <minsi>, %select_n3A_1644, %reduce_min3A_1645 [1] : vector<32x20xi32> to vector<32xi32>
    %broadcast_in_dim3A_1647 = vector.shape_cast %reduce_min3A_1646 : vector<32xi32> to vector<32x1xi32>
    %concatenate3A_1648 = tpu.concatenate %broadcast_in_dim3A_1591, %broadcast_in_dim3A_1607, %broadcast_in_dim3A_1623, %broadcast_in_dim3A_1639 in 1 : vector<32x1xf32>, vector<32x1xf32>, vector<32x1xf32>, vector<32x1xf32> -> vector<32x4xf32>
    %concatenate3A_1649 = tpu.concatenate %broadcast_in_dim3A_1599, %broadcast_in_dim3A_1615, %broadcast_in_dim3A_1631, %broadcast_in_dim3A_1647 in 1 : vector<32x1xi32>, vector<32x1xi32>, vector<32x1xi32>, vector<32x1xi32> -> vector<32x4xi32>
    %jit3A_1650 = arith.constant 5 : i32
    %div3A_1651 = vector.broadcast %jit3A_1650 : i32 to vector<32x4xi32>
    %div3A_1652 = arith.divsi %concatenate3A_1649, %div3A_1651 : vector<32x4xi32>
    %sign3A_1653 = arith.constant 0 : i32
    %sign3A_1654 = vector.broadcast %sign3A_1653 : i32 to vector<32x4xi32>
    %sign3A_1655 = arith.cmpi sgt, %concatenate3A_1649, %sign3A_1654 : vector<32x4xi32>
    %sign3A_1656 = arith.extui %sign3A_1655 : vector<32x4xi1> to vector<32x4xi32>
    %sign3A_1657 = arith.constant 0 : i32
    %sign3A_1658 = vector.broadcast %sign3A_1657 : i32 to vector<32x4xi32>
    %sign3A_1659 = arith.cmpi slt, %concatenate3A_1649, %sign3A_1658 : vector<32x4xi32>
    %sign3A_1660 = arith.extui %sign3A_1659 : vector<32x4xi1> to vector<32x4xi32>
    %sign3A_1661 = arith.subi %sign3A_1656, %sign3A_1660 : vector<32x4xi32>
    %sign3A_1662 = arith.constant 0 : i32
    %sign3A_1663 = arith.cmpi sgt, %jit3A_1650, %sign3A_1662 : i32
    %sign3A_1664 = arith.extui %sign3A_1663 : i1 to i32
    %sign3A_1665 = arith.constant 0 : i32
    %sign3A_1666 = arith.cmpi slt, %jit3A_1650, %sign3A_1665 : i32
    %sign3A_1667 = arith.extui %sign3A_1666 : i1 to i32
    %sign3A_1668 = arith.subi %sign3A_1664, %sign3A_1667 : i32
    %ne3A_1669 = vector.broadcast %sign3A_1668 : i32 to vector<32x4xi32>
    %ne3A_1670 = arith.cmpi ne, %sign3A_1661, %ne3A_1669 : vector<32x4xi32>
    %rem3A_1671 = vector.broadcast %jit3A_1650 : i32 to vector<32x4xi32>
    %rem3A_1672 = arith.remsi %concatenate3A_1649, %rem3A_1671 : vector<32x4xi32>
    %ne3A_1673 = arith.constant 0 : i32
    %ne3A_1674 = vector.broadcast %ne3A_1673 : i32 to vector<32x4xi32>
    %ne3A_1675 = arith.cmpi ne, %rem3A_1672, %ne3A_1674 : vector<32x4xi32>
    %and3A_1676 = arith.andi %ne3A_1670, %ne3A_1675 : vector<32x4xi1>
    %sub3A_1677 = arith.constant 1 : i32
    %sub3A_1678 = vector.broadcast %sub3A_1677 : i32 to vector<32x4xi32>
    %sub3A_1679 = arith.subi %div3A_1652, %sub3A_1678 : vector<32x4xi32>
    %select_n3A_1680 = arith.select %and3A_1676, %sub3A_1679, %div3A_1652 : vector<32x4xi1>, vector<32x4xi32>
    %jit3A_1681 = arith.constant 5 : i32
    %eq3A_1682 = arith.constant 0 : i32
    %eq3A_1683 = arith.cmpi eq, %jit3A_1681, %eq3A_1682 : i32
    %jit3A_1684 = arith.constant 1 : i32
    %select_n3A_1685 = arith.select %eq3A_1683, %jit3A_1684, %jit3A_1681 : i32
    %rem3A_1686 = vector.broadcast %select_n3A_1685 : i32 to vector<32x4xi32>
    %rem3A_1687 = arith.remsi %concatenate3A_1649, %rem3A_1686 : vector<32x4xi32>
    %ne3A_1688 = arith.constant 0 : i32
    %ne3A_1689 = vector.broadcast %ne3A_1688 : i32 to vector<32x4xi32>
    %ne3A_1690 = arith.cmpi ne, %rem3A_1687, %ne3A_1689 : vector<32x4xi32>
    %lt3A_1691 = arith.constant 0 : i32
    %lt3A_1692 = vector.broadcast %lt3A_1691 : i32 to vector<32x4xi32>
    %lt3A_1693 = arith.cmpi slt, %rem3A_1687, %lt3A_1692 : vector<32x4xi32>
    %lt3A_1694 = arith.constant 0 : i32
    %lt3A_1695 = arith.cmpi slt, %select_n3A_1685, %lt3A_1694 : i32
    %ne3A_1696 = vector.broadcast %lt3A_1695 : i1 to vector<32x4xi1>
    %ne3A_1697 = vector.broadcast %ne3A_1696 : vector<32x4xi1> to vector<32x4xi1>
    %ne3A_1698 = arith.xori %lt3A_1693, %ne3A_1697 : vector<32x4xi1>
    %and3A_1699 = arith.andi %ne3A_1698, %ne3A_1690 : vector<32x4xi1>
    %add3A_1700 = vector.broadcast %select_n3A_1685 : i32 to vector<32x4xi32>
    %add3A_1701 = arith.addi %rem3A_1687, %add3A_1700 : vector<32x4xi32>
    %select_n3A_1702 = arith.select %and3A_1699, %add3A_1701, %rem3A_1687 : vector<32x4xi1>, vector<32x4xi32>
    %eq3A_1703 = arith.constant 0 : i32
    %eq3A_1704 = vector.broadcast %eq3A_1703 : i32 to vector<32x4xi32>
    %eq3A_1705 = arith.cmpi eq, %select_n3A_1702, %eq3A_1704 : vector<32x4xi32>
    %jit3A_1706 = arith.constant -1.000000e+30 : f32
    %broadcast_in_dim3A_1707 = vector.broadcast %jit3A_1706 : f32 to vector<32x4xf32>
    %select_n3A_1708 = arith.select %eq3A_1705, %broadcast_in_dim3A_1707, %concatenate3A_1648 : vector<32x4xi1>, vector<32x4xf32>
    %get3A_1709 = arith.constant 11 : index
    %get3A_1710 = arith.constant 0 : index
    %get3A_1711 = arith.constant 0 : index
    %get3A_1712 = vector.load %arg0[%get3A_1709, %get3A_1710, %get3A_1711] : memref<16x32x20xf32, #tpu.memory_space<vmem>>, vector<1x32x20xf32>
    %get3A_1713 = vector.shape_cast %get3A_1712 : vector<1x32x20xf32> to vector<32x20xf32>
    %broadcast_in_dim3A_1714 = arith.constant 0.000000e+00 : f32
    %broadcast_in_dim3A_1715 = vector.broadcast %broadcast_in_dim3A_1714 : f32 to vector<32x20xf32>
    %eq3A_1716 = arith.constant 0 : i32
    %eq3A_1717 = vector.broadcast %eq3A_1716 : i32 to vector<32x20xi32>
    %eq3A_1718 = arith.cmpi eq, %select_n3A, %eq3A_1717 : vector<32x20xi32>
    %slice3A_1719 = vector.extract_strided_slice %select_n3A_1708 {offsets = [0, 0], sizes = [32, 1], strides = [1, 1]} : vector<32x4xf32> to vector<32x1xf32>
    %broadcast_in_dim3A_1720 = vector.shape_cast %slice3A_1719 : vector<32x1xf32> to vector<32x1xf32>
    %broadcast_in_dim3A_1721 = vector.broadcast %broadcast_in_dim3A_1720 : vector<32x1xf32> to vector<32x20xf32>
    %select_n3A_1722 = arith.select %eq3A_1718, %broadcast_in_dim3A_1721, %broadcast_in_dim3A_1715 : vector<32x20xi1>, vector<32x20xf32>
    %eq3A_1723 = arith.constant 1 : i32
    %eq3A_1724 = vector.broadcast %eq3A_1723 : i32 to vector<32x20xi32>
    %eq3A_1725 = arith.cmpi eq, %select_n3A, %eq3A_1724 : vector<32x20xi32>
    %slice3A_1726 = vector.extract_strided_slice %select_n3A_1708 {offsets = [0, 1], sizes = [32, 1], strides = [1, 1]} : vector<32x4xf32> to vector<32x1xf32>
    %broadcast_in_dim3A_1727 = vector.shape_cast %slice3A_1726 : vector<32x1xf32> to vector<32x1xf32>
    %broadcast_in_dim3A_1728 = vector.broadcast %broadcast_in_dim3A_1727 : vector<32x1xf32> to vector<32x20xf32>
    %select_n3A_1729 = arith.select %eq3A_1725, %broadcast_in_dim3A_1728, %select_n3A_1722 : vector<32x20xi1>, vector<32x20xf32>
    %eq3A_1730 = arith.constant 2 : i32
    %eq3A_1731 = vector.broadcast %eq3A_1730 : i32 to vector<32x20xi32>
    %eq3A_1732 = arith.cmpi eq, %select_n3A, %eq3A_1731 : vector<32x20xi32>
    %slice3A_1733 = vector.extract_strided_slice %select_n3A_1708 {offsets = [0, 2], sizes = [32, 1], strides = [1, 1]} : vector<32x4xf32> to vector<32x1xf32>
    %broadcast_in_dim3A_1734 = vector.shape_cast %slice3A_1733 : vector<32x1xf32> to vector<32x1xf32>
    %broadcast_in_dim3A_1735 = vector.broadcast %broadcast_in_dim3A_1734 : vector<32x1xf32> to vector<32x20xf32>
    %select_n3A_1736 = arith.select %eq3A_1732, %broadcast_in_dim3A_1735, %select_n3A_1729 : vector<32x20xi1>, vector<32x20xf32>
    %eq3A_1737 = arith.constant 3 : i32
    %eq3A_1738 = vector.broadcast %eq3A_1737 : i32 to vector<32x20xi32>
    %eq3A_1739 = arith.cmpi eq, %select_n3A, %eq3A_1738 : vector<32x20xi32>
    %slice3A_1740 = vector.extract_strided_slice %select_n3A_1708 {offsets = [0, 3], sizes = [32, 1], strides = [1, 1]} : vector<32x4xf32> to vector<32x1xf32>
    %broadcast_in_dim3A_1741 = vector.shape_cast %slice3A_1740 : vector<32x1xf32> to vector<32x1xf32>
    %broadcast_in_dim3A_1742 = vector.broadcast %broadcast_in_dim3A_1741 : vector<32x1xf32> to vector<32x20xf32>
    %select_n3A_1743 = arith.select %eq3A_1739, %broadcast_in_dim3A_1742, %select_n3A_1736 : vector<32x20xi1>, vector<32x20xf32>
    %add3A_1744 = arith.addf %get3A_1713, %select_n3A_1743 : vector<32x20xf32>
    %reduce_max3A_1745 = arith.constant dense<0xFF800000> : vector<32xf32>
    %reduce_max3A_1746 = vector.multi_reduction <maximumf>, %add3A_1744, %reduce_max3A_1745 [1] : vector<32x20xf32> to vector<32xf32>
    %broadcast_in_dim3A_1747 = vector.shape_cast %reduce_max3A_1746 : vector<32xf32> to vector<32x1xf32>
    %eq3A_1748 = vector.broadcast %broadcast_in_dim3A_1747 : vector<32x1xf32> to vector<32x20xf32>
    %eq3A_1749 = arith.cmpf oeq, %add3A_1744, %eq3A_1748 : vector<32x20xf32>
    %jit3A_1750 = arith.constant 20 : i32
    %broadcast_in_dim3A_1751 = vector.broadcast %jit3A_1750 : i32 to vector<32x20xi32>
    %select_n3A_1752 = arith.select %eq3A_1749, %iota3A_0, %broadcast_in_dim3A_1751 : vector<32x20xi1>, vector<32x20xi32>
    %reduce_min3A_1753 = arith.constant dense<2147483647> : vector<32xi32>
    %reduce_min3A_1754 = vector.multi_reduction <minsi>, %select_n3A_1752, %reduce_min3A_1753 [1] : vector<32x20xi32> to vector<32xi32>
    %broadcast_in_dim3A_1755 = vector.shape_cast %reduce_min3A_1754 : vector<32xi32> to vector<32x1xi32>
    %eq3A_1756 = vector.broadcast %broadcast_in_dim3A_1755 : vector<32x1xi32> to vector<32x20xi32>
    %eq3A_1757 = arith.cmpi eq, %iota3A_0, %eq3A_1756 : vector<32x20xi32>
    %jit3A_1758 = arith.constant -1.000000e+30 : f32
    %broadcast_in_dim3A_1759 = vector.broadcast %jit3A_1758 : f32 to vector<32x20xf32>
    %select_n3A_1760 = arith.select %eq3A_1757, %broadcast_in_dim3A_1759, %add3A_1744 : vector<32x20xi1>, vector<32x20xf32>
    %reduce_max3A_1761 = arith.constant dense<0xFF800000> : vector<32xf32>
    %reduce_max3A_1762 = vector.multi_reduction <maximumf>, %select_n3A_1760, %reduce_max3A_1761 [1] : vector<32x20xf32> to vector<32xf32>
    %broadcast_in_dim3A_1763 = vector.shape_cast %reduce_max3A_1762 : vector<32xf32> to vector<32x1xf32>
    %eq3A_1764 = vector.broadcast %broadcast_in_dim3A_1763 : vector<32x1xf32> to vector<32x20xf32>
    %eq3A_1765 = arith.cmpf oeq, %select_n3A_1760, %eq3A_1764 : vector<32x20xf32>
    %jit3A_1766 = arith.constant 20 : i32
    %broadcast_in_dim3A_1767 = vector.broadcast %jit3A_1766 : i32 to vector<32x20xi32>
    %select_n3A_1768 = arith.select %eq3A_1765, %iota3A_0, %broadcast_in_dim3A_1767 : vector<32x20xi1>, vector<32x20xi32>
    %reduce_min3A_1769 = arith.constant dense<2147483647> : vector<32xi32>
    %reduce_min3A_1770 = vector.multi_reduction <minsi>, %select_n3A_1768, %reduce_min3A_1769 [1] : vector<32x20xi32> to vector<32xi32>
    %broadcast_in_dim3A_1771 = vector.shape_cast %reduce_min3A_1770 : vector<32xi32> to vector<32x1xi32>
    %eq3A_1772 = vector.broadcast %broadcast_in_dim3A_1771 : vector<32x1xi32> to vector<32x20xi32>
    %eq3A_1773 = arith.cmpi eq, %iota3A_0, %eq3A_1772 : vector<32x20xi32>
    %jit3A_1774 = arith.constant -1.000000e+30 : f32
    %broadcast_in_dim3A_1775 = vector.broadcast %jit3A_1774 : f32 to vector<32x20xf32>
    %select_n3A_1776 = arith.select %eq3A_1773, %broadcast_in_dim3A_1775, %select_n3A_1760 : vector<32x20xi1>, vector<32x20xf32>
    %reduce_max3A_1777 = arith.constant dense<0xFF800000> : vector<32xf32>
    %reduce_max3A_1778 = vector.multi_reduction <maximumf>, %select_n3A_1776, %reduce_max3A_1777 [1] : vector<32x20xf32> to vector<32xf32>
    %broadcast_in_dim3A_1779 = vector.shape_cast %reduce_max3A_1778 : vector<32xf32> to vector<32x1xf32>
    %eq3A_1780 = vector.broadcast %broadcast_in_dim3A_1779 : vector<32x1xf32> to vector<32x20xf32>
    %eq3A_1781 = arith.cmpf oeq, %select_n3A_1776, %eq3A_1780 : vector<32x20xf32>
    %jit3A_1782 = arith.constant 20 : i32
    %broadcast_in_dim3A_1783 = vector.broadcast %jit3A_1782 : i32 to vector<32x20xi32>
    %select_n3A_1784 = arith.select %eq3A_1781, %iota3A_0, %broadcast_in_dim3A_1783 : vector<32x20xi1>, vector<32x20xi32>
    %reduce_min3A_1785 = arith.constant dense<2147483647> : vector<32xi32>
    %reduce_min3A_1786 = vector.multi_reduction <minsi>, %select_n3A_1784, %reduce_min3A_1785 [1] : vector<32x20xi32> to vector<32xi32>
    %broadcast_in_dim3A_1787 = vector.shape_cast %reduce_min3A_1786 : vector<32xi32> to vector<32x1xi32>
    %eq3A_1788 = vector.broadcast %broadcast_in_dim3A_1787 : vector<32x1xi32> to vector<32x20xi32>
    %eq3A_1789 = arith.cmpi eq, %iota3A_0, %eq3A_1788 : vector<32x20xi32>
    %jit3A_1790 = arith.constant -1.000000e+30 : f32
    %broadcast_in_dim3A_1791 = vector.broadcast %jit3A_1790 : f32 to vector<32x20xf32>
    %select_n3A_1792 = arith.select %eq3A_1789, %broadcast_in_dim3A_1791, %select_n3A_1776 : vector<32x20xi1>, vector<32x20xf32>
    %reduce_max3A_1793 = arith.constant dense<0xFF800000> : vector<32xf32>
    %reduce_max3A_1794 = vector.multi_reduction <maximumf>, %select_n3A_1792, %reduce_max3A_1793 [1] : vector<32x20xf32> to vector<32xf32>
    %broadcast_in_dim3A_1795 = vector.shape_cast %reduce_max3A_1794 : vector<32xf32> to vector<32x1xf32>
    %eq3A_1796 = vector.broadcast %broadcast_in_dim3A_1795 : vector<32x1xf32> to vector<32x20xf32>
    %eq3A_1797 = arith.cmpf oeq, %select_n3A_1792, %eq3A_1796 : vector<32x20xf32>
    %jit3A_1798 = arith.constant 20 : i32
    %broadcast_in_dim3A_1799 = vector.broadcast %jit3A_1798 : i32 to vector<32x20xi32>
    %select_n3A_1800 = arith.select %eq3A_1797, %iota3A_0, %broadcast_in_dim3A_1799 : vector<32x20xi1>, vector<32x20xi32>
    %reduce_min3A_1801 = arith.constant dense<2147483647> : vector<32xi32>
    %reduce_min3A_1802 = vector.multi_reduction <minsi>, %select_n3A_1800, %reduce_min3A_1801 [1] : vector<32x20xi32> to vector<32xi32>
    %broadcast_in_dim3A_1803 = vector.shape_cast %reduce_min3A_1802 : vector<32xi32> to vector<32x1xi32>
    %concatenate3A_1804 = tpu.concatenate %broadcast_in_dim3A_1747, %broadcast_in_dim3A_1763, %broadcast_in_dim3A_1779, %broadcast_in_dim3A_1795 in 1 : vector<32x1xf32>, vector<32x1xf32>, vector<32x1xf32>, vector<32x1xf32> -> vector<32x4xf32>
    %concatenate3A_1805 = tpu.concatenate %broadcast_in_dim3A_1755, %broadcast_in_dim3A_1771, %broadcast_in_dim3A_1787, %broadcast_in_dim3A_1803 in 1 : vector<32x1xi32>, vector<32x1xi32>, vector<32x1xi32>, vector<32x1xi32> -> vector<32x4xi32>
    %jit3A_1806 = arith.constant 5 : i32
    %div3A_1807 = vector.broadcast %jit3A_1806 : i32 to vector<32x4xi32>
    %div3A_1808 = arith.divsi %concatenate3A_1805, %div3A_1807 : vector<32x4xi32>
    %sign3A_1809 = arith.constant 0 : i32
    %sign3A_1810 = vector.broadcast %sign3A_1809 : i32 to vector<32x4xi32>
    %sign3A_1811 = arith.cmpi sgt, %concatenate3A_1805, %sign3A_1810 : vector<32x4xi32>
    %sign3A_1812 = arith.extui %sign3A_1811 : vector<32x4xi1> to vector<32x4xi32>
    %sign3A_1813 = arith.constant 0 : i32
    %sign3A_1814 = vector.broadcast %sign3A_1813 : i32 to vector<32x4xi32>
    %sign3A_1815 = arith.cmpi slt, %concatenate3A_1805, %sign3A_1814 : vector<32x4xi32>
    %sign3A_1816 = arith.extui %sign3A_1815 : vector<32x4xi1> to vector<32x4xi32>
    %sign3A_1817 = arith.subi %sign3A_1812, %sign3A_1816 : vector<32x4xi32>
    %sign3A_1818 = arith.constant 0 : i32
    %sign3A_1819 = arith.cmpi sgt, %jit3A_1806, %sign3A_1818 : i32
    %sign3A_1820 = arith.extui %sign3A_1819 : i1 to i32
    %sign3A_1821 = arith.constant 0 : i32
    %sign3A_1822 = arith.cmpi slt, %jit3A_1806, %sign3A_1821 : i32
    %sign3A_1823 = arith.extui %sign3A_1822 : i1 to i32
    %sign3A_1824 = arith.subi %sign3A_1820, %sign3A_1823 : i32
    %ne3A_1825 = vector.broadcast %sign3A_1824 : i32 to vector<32x4xi32>
    %ne3A_1826 = arith.cmpi ne, %sign3A_1817, %ne3A_1825 : vector<32x4xi32>
    %rem3A_1827 = vector.broadcast %jit3A_1806 : i32 to vector<32x4xi32>
    %rem3A_1828 = arith.remsi %concatenate3A_1805, %rem3A_1827 : vector<32x4xi32>
    %ne3A_1829 = arith.constant 0 : i32
    %ne3A_1830 = vector.broadcast %ne3A_1829 : i32 to vector<32x4xi32>
    %ne3A_1831 = arith.cmpi ne, %rem3A_1828, %ne3A_1830 : vector<32x4xi32>
    %and3A_1832 = arith.andi %ne3A_1826, %ne3A_1831 : vector<32x4xi1>
    %sub3A_1833 = arith.constant 1 : i32
    %sub3A_1834 = vector.broadcast %sub3A_1833 : i32 to vector<32x4xi32>
    %sub3A_1835 = arith.subi %div3A_1808, %sub3A_1834 : vector<32x4xi32>
    %select_n3A_1836 = arith.select %and3A_1832, %sub3A_1835, %div3A_1808 : vector<32x4xi1>, vector<32x4xi32>
    %jit3A_1837 = arith.constant 5 : i32
    %eq3A_1838 = arith.constant 0 : i32
    %eq3A_1839 = arith.cmpi eq, %jit3A_1837, %eq3A_1838 : i32
    %jit3A_1840 = arith.constant 1 : i32
    %select_n3A_1841 = arith.select %eq3A_1839, %jit3A_1840, %jit3A_1837 : i32
    %rem3A_1842 = vector.broadcast %select_n3A_1841 : i32 to vector<32x4xi32>
    %rem3A_1843 = arith.remsi %concatenate3A_1805, %rem3A_1842 : vector<32x4xi32>
    %ne3A_1844 = arith.constant 0 : i32
    %ne3A_1845 = vector.broadcast %ne3A_1844 : i32 to vector<32x4xi32>
    %ne3A_1846 = arith.cmpi ne, %rem3A_1843, %ne3A_1845 : vector<32x4xi32>
    %lt3A_1847 = arith.constant 0 : i32
    %lt3A_1848 = vector.broadcast %lt3A_1847 : i32 to vector<32x4xi32>
    %lt3A_1849 = arith.cmpi slt, %rem3A_1843, %lt3A_1848 : vector<32x4xi32>
    %lt3A_1850 = arith.constant 0 : i32
    %lt3A_1851 = arith.cmpi slt, %select_n3A_1841, %lt3A_1850 : i32
    %ne3A_1852 = vector.broadcast %lt3A_1851 : i1 to vector<32x4xi1>
    %ne3A_1853 = vector.broadcast %ne3A_1852 : vector<32x4xi1> to vector<32x4xi1>
    %ne3A_1854 = arith.xori %lt3A_1849, %ne3A_1853 : vector<32x4xi1>
    %and3A_1855 = arith.andi %ne3A_1854, %ne3A_1846 : vector<32x4xi1>
    %add3A_1856 = vector.broadcast %select_n3A_1841 : i32 to vector<32x4xi32>
    %add3A_1857 = arith.addi %rem3A_1843, %add3A_1856 : vector<32x4xi32>
    %select_n3A_1858 = arith.select %and3A_1855, %add3A_1857, %rem3A_1843 : vector<32x4xi1>, vector<32x4xi32>
    %eq3A_1859 = arith.constant 0 : i32
    %eq3A_1860 = vector.broadcast %eq3A_1859 : i32 to vector<32x4xi32>
    %eq3A_1861 = arith.cmpi eq, %select_n3A_1858, %eq3A_1860 : vector<32x4xi32>
    %jit3A_1862 = arith.constant -1.000000e+30 : f32
    %broadcast_in_dim3A_1863 = vector.broadcast %jit3A_1862 : f32 to vector<32x4xf32>
    %select_n3A_1864 = arith.select %eq3A_1861, %broadcast_in_dim3A_1863, %concatenate3A_1804 : vector<32x4xi1>, vector<32x4xf32>
    %get3A_1865 = arith.constant 12 : index
    %get3A_1866 = arith.constant 0 : index
    %get3A_1867 = arith.constant 0 : index
    %get3A_1868 = vector.load %arg0[%get3A_1865, %get3A_1866, %get3A_1867] : memref<16x32x20xf32, #tpu.memory_space<vmem>>, vector<1x32x20xf32>
    %get3A_1869 = vector.shape_cast %get3A_1868 : vector<1x32x20xf32> to vector<32x20xf32>
    %broadcast_in_dim3A_1870 = arith.constant 0.000000e+00 : f32
    %broadcast_in_dim3A_1871 = vector.broadcast %broadcast_in_dim3A_1870 : f32 to vector<32x20xf32>
    %eq3A_1872 = arith.constant 0 : i32
    %eq3A_1873 = vector.broadcast %eq3A_1872 : i32 to vector<32x20xi32>
    %eq3A_1874 = arith.cmpi eq, %select_n3A, %eq3A_1873 : vector<32x20xi32>
    %slice3A_1875 = vector.extract_strided_slice %select_n3A_1864 {offsets = [0, 0], sizes = [32, 1], strides = [1, 1]} : vector<32x4xf32> to vector<32x1xf32>
    %broadcast_in_dim3A_1876 = vector.shape_cast %slice3A_1875 : vector<32x1xf32> to vector<32x1xf32>
    %broadcast_in_dim3A_1877 = vector.broadcast %broadcast_in_dim3A_1876 : vector<32x1xf32> to vector<32x20xf32>
    %select_n3A_1878 = arith.select %eq3A_1874, %broadcast_in_dim3A_1877, %broadcast_in_dim3A_1871 : vector<32x20xi1>, vector<32x20xf32>
    %eq3A_1879 = arith.constant 1 : i32
    %eq3A_1880 = vector.broadcast %eq3A_1879 : i32 to vector<32x20xi32>
    %eq3A_1881 = arith.cmpi eq, %select_n3A, %eq3A_1880 : vector<32x20xi32>
    %slice3A_1882 = vector.extract_strided_slice %select_n3A_1864 {offsets = [0, 1], sizes = [32, 1], strides = [1, 1]} : vector<32x4xf32> to vector<32x1xf32>
    %broadcast_in_dim3A_1883 = vector.shape_cast %slice3A_1882 : vector<32x1xf32> to vector<32x1xf32>
    %broadcast_in_dim3A_1884 = vector.broadcast %broadcast_in_dim3A_1883 : vector<32x1xf32> to vector<32x20xf32>
    %select_n3A_1885 = arith.select %eq3A_1881, %broadcast_in_dim3A_1884, %select_n3A_1878 : vector<32x20xi1>, vector<32x20xf32>
    %eq3A_1886 = arith.constant 2 : i32
    %eq3A_1887 = vector.broadcast %eq3A_1886 : i32 to vector<32x20xi32>
    %eq3A_1888 = arith.cmpi eq, %select_n3A, %eq3A_1887 : vector<32x20xi32>
    %slice3A_1889 = vector.extract_strided_slice %select_n3A_1864 {offsets = [0, 2], sizes = [32, 1], strides = [1, 1]} : vector<32x4xf32> to vector<32x1xf32>
    %broadcast_in_dim3A_1890 = vector.shape_cast %slice3A_1889 : vector<32x1xf32> to vector<32x1xf32>
    %broadcast_in_dim3A_1891 = vector.broadcast %broadcast_in_dim3A_1890 : vector<32x1xf32> to vector<32x20xf32>
    %select_n3A_1892 = arith.select %eq3A_1888, %broadcast_in_dim3A_1891, %select_n3A_1885 : vector<32x20xi1>, vector<32x20xf32>
    %eq3A_1893 = arith.constant 3 : i32
    %eq3A_1894 = vector.broadcast %eq3A_1893 : i32 to vector<32x20xi32>
    %eq3A_1895 = arith.cmpi eq, %select_n3A, %eq3A_1894 : vector<32x20xi32>
    %slice3A_1896 = vector.extract_strided_slice %select_n3A_1864 {offsets = [0, 3], sizes = [32, 1], strides = [1, 1]} : vector<32x4xf32> to vector<32x1xf32>
    %broadcast_in_dim3A_1897 = vector.shape_cast %slice3A_1896 : vector<32x1xf32> to vector<32x1xf32>
    %broadcast_in_dim3A_1898 = vector.broadcast %broadcast_in_dim3A_1897 : vector<32x1xf32> to vector<32x20xf32>
    %select_n3A_1899 = arith.select %eq3A_1895, %broadcast_in_dim3A_1898, %select_n3A_1892 : vector<32x20xi1>, vector<32x20xf32>
    %add3A_1900 = arith.addf %get3A_1869, %select_n3A_1899 : vector<32x20xf32>
    %reduce_max3A_1901 = arith.constant dense<0xFF800000> : vector<32xf32>
    %reduce_max3A_1902 = vector.multi_reduction <maximumf>, %add3A_1900, %reduce_max3A_1901 [1] : vector<32x20xf32> to vector<32xf32>
    %broadcast_in_dim3A_1903 = vector.shape_cast %reduce_max3A_1902 : vector<32xf32> to vector<32x1xf32>
    %eq3A_1904 = vector.broadcast %broadcast_in_dim3A_1903 : vector<32x1xf32> to vector<32x20xf32>
    %eq3A_1905 = arith.cmpf oeq, %add3A_1900, %eq3A_1904 : vector<32x20xf32>
    %jit3A_1906 = arith.constant 20 : i32
    %broadcast_in_dim3A_1907 = vector.broadcast %jit3A_1906 : i32 to vector<32x20xi32>
    %select_n3A_1908 = arith.select %eq3A_1905, %iota3A_0, %broadcast_in_dim3A_1907 : vector<32x20xi1>, vector<32x20xi32>
    %reduce_min3A_1909 = arith.constant dense<2147483647> : vector<32xi32>
    %reduce_min3A_1910 = vector.multi_reduction <minsi>, %select_n3A_1908, %reduce_min3A_1909 [1] : vector<32x20xi32> to vector<32xi32>
    %broadcast_in_dim3A_1911 = vector.shape_cast %reduce_min3A_1910 : vector<32xi32> to vector<32x1xi32>
    %eq3A_1912 = vector.broadcast %broadcast_in_dim3A_1911 : vector<32x1xi32> to vector<32x20xi32>
    %eq3A_1913 = arith.cmpi eq, %iota3A_0, %eq3A_1912 : vector<32x20xi32>
    %jit3A_1914 = arith.constant -1.000000e+30 : f32
    %broadcast_in_dim3A_1915 = vector.broadcast %jit3A_1914 : f32 to vector<32x20xf32>
    %select_n3A_1916 = arith.select %eq3A_1913, %broadcast_in_dim3A_1915, %add3A_1900 : vector<32x20xi1>, vector<32x20xf32>
    %reduce_max3A_1917 = arith.constant dense<0xFF800000> : vector<32xf32>
    %reduce_max3A_1918 = vector.multi_reduction <maximumf>, %select_n3A_1916, %reduce_max3A_1917 [1] : vector<32x20xf32> to vector<32xf32>
    %broadcast_in_dim3A_1919 = vector.shape_cast %reduce_max3A_1918 : vector<32xf32> to vector<32x1xf32>
    %eq3A_1920 = vector.broadcast %broadcast_in_dim3A_1919 : vector<32x1xf32> to vector<32x20xf32>
    %eq3A_1921 = arith.cmpf oeq, %select_n3A_1916, %eq3A_1920 : vector<32x20xf32>
    %jit3A_1922 = arith.constant 20 : i32
    %broadcast_in_dim3A_1923 = vector.broadcast %jit3A_1922 : i32 to vector<32x20xi32>
    %select_n3A_1924 = arith.select %eq3A_1921, %iota3A_0, %broadcast_in_dim3A_1923 : vector<32x20xi1>, vector<32x20xi32>
    %reduce_min3A_1925 = arith.constant dense<2147483647> : vector<32xi32>
    %reduce_min3A_1926 = vector.multi_reduction <minsi>, %select_n3A_1924, %reduce_min3A_1925 [1] : vector<32x20xi32> to vector<32xi32>
    %broadcast_in_dim3A_1927 = vector.shape_cast %reduce_min3A_1926 : vector<32xi32> to vector<32x1xi32>
    %eq3A_1928 = vector.broadcast %broadcast_in_dim3A_1927 : vector<32x1xi32> to vector<32x20xi32>
    %eq3A_1929 = arith.cmpi eq, %iota3A_0, %eq3A_1928 : vector<32x20xi32>
    %jit3A_1930 = arith.constant -1.000000e+30 : f32
    %broadcast_in_dim3A_1931 = vector.broadcast %jit3A_1930 : f32 to vector<32x20xf32>
    %select_n3A_1932 = arith.select %eq3A_1929, %broadcast_in_dim3A_1931, %select_n3A_1916 : vector<32x20xi1>, vector<32x20xf32>
    %reduce_max3A_1933 = arith.constant dense<0xFF800000> : vector<32xf32>
    %reduce_max3A_1934 = vector.multi_reduction <maximumf>, %select_n3A_1932, %reduce_max3A_1933 [1] : vector<32x20xf32> to vector<32xf32>
    %broadcast_in_dim3A_1935 = vector.shape_cast %reduce_max3A_1934 : vector<32xf32> to vector<32x1xf32>
    %eq3A_1936 = vector.broadcast %broadcast_in_dim3A_1935 : vector<32x1xf32> to vector<32x20xf32>
    %eq3A_1937 = arith.cmpf oeq, %select_n3A_1932, %eq3A_1936 : vector<32x20xf32>
    %jit3A_1938 = arith.constant 20 : i32
    %broadcast_in_dim3A_1939 = vector.broadcast %jit3A_1938 : i32 to vector<32x20xi32>
    %select_n3A_1940 = arith.select %eq3A_1937, %iota3A_0, %broadcast_in_dim3A_1939 : vector<32x20xi1>, vector<32x20xi32>
    %reduce_min3A_1941 = arith.constant dense<2147483647> : vector<32xi32>
    %reduce_min3A_1942 = vector.multi_reduction <minsi>, %select_n3A_1940, %reduce_min3A_1941 [1] : vector<32x20xi32> to vector<32xi32>
    %broadcast_in_dim3A_1943 = vector.shape_cast %reduce_min3A_1942 : vector<32xi32> to vector<32x1xi32>
    %eq3A_1944 = vector.broadcast %broadcast_in_dim3A_1943 : vector<32x1xi32> to vector<32x20xi32>
    %eq3A_1945 = arith.cmpi eq, %iota3A_0, %eq3A_1944 : vector<32x20xi32>
    %jit3A_1946 = arith.constant -1.000000e+30 : f32
    %broadcast_in_dim3A_1947 = vector.broadcast %jit3A_1946 : f32 to vector<32x20xf32>
    %select_n3A_1948 = arith.select %eq3A_1945, %broadcast_in_dim3A_1947, %select_n3A_1932 : vector<32x20xi1>, vector<32x20xf32>
    %reduce_max3A_1949 = arith.constant dense<0xFF800000> : vector<32xf32>
    %reduce_max3A_1950 = vector.multi_reduction <maximumf>, %select_n3A_1948, %reduce_max3A_1949 [1] : vector<32x20xf32> to vector<32xf32>
    %broadcast_in_dim3A_1951 = vector.shape_cast %reduce_max3A_1950 : vector<32xf32> to vector<32x1xf32>
    %eq3A_1952 = vector.broadcast %broadcast_in_dim3A_1951 : vector<32x1xf32> to vector<32x20xf32>
    %eq3A_1953 = arith.cmpf oeq, %select_n3A_1948, %eq3A_1952 : vector<32x20xf32>
    %jit3A_1954 = arith.constant 20 : i32
    %broadcast_in_dim3A_1955 = vector.broadcast %jit3A_1954 : i32 to vector<32x20xi32>
    %select_n3A_1956 = arith.select %eq3A_1953, %iota3A_0, %broadcast_in_dim3A_1955 : vector<32x20xi1>, vector<32x20xi32>
    %reduce_min3A_1957 = arith.constant dense<2147483647> : vector<32xi32>
    %reduce_min3A_1958 = vector.multi_reduction <minsi>, %select_n3A_1956, %reduce_min3A_1957 [1] : vector<32x20xi32> to vector<32xi32>
    %broadcast_in_dim3A_1959 = vector.shape_cast %reduce_min3A_1958 : vector<32xi32> to vector<32x1xi32>
    %concatenate3A_1960 = tpu.concatenate %broadcast_in_dim3A_1903, %broadcast_in_dim3A_1919, %broadcast_in_dim3A_1935, %broadcast_in_dim3A_1951 in 1 : vector<32x1xf32>, vector<32x1xf32>, vector<32x1xf32>, vector<32x1xf32> -> vector<32x4xf32>
    %concatenate3A_1961 = tpu.concatenate %broadcast_in_dim3A_1911, %broadcast_in_dim3A_1927, %broadcast_in_dim3A_1943, %broadcast_in_dim3A_1959 in 1 : vector<32x1xi32>, vector<32x1xi32>, vector<32x1xi32>, vector<32x1xi32> -> vector<32x4xi32>
    %jit3A_1962 = arith.constant 5 : i32
    %div3A_1963 = vector.broadcast %jit3A_1962 : i32 to vector<32x4xi32>
    %div3A_1964 = arith.divsi %concatenate3A_1961, %div3A_1963 : vector<32x4xi32>
    %sign3A_1965 = arith.constant 0 : i32
    %sign3A_1966 = vector.broadcast %sign3A_1965 : i32 to vector<32x4xi32>
    %sign3A_1967 = arith.cmpi sgt, %concatenate3A_1961, %sign3A_1966 : vector<32x4xi32>
    %sign3A_1968 = arith.extui %sign3A_1967 : vector<32x4xi1> to vector<32x4xi32>
    %sign3A_1969 = arith.constant 0 : i32
    %sign3A_1970 = vector.broadcast %sign3A_1969 : i32 to vector<32x4xi32>
    %sign3A_1971 = arith.cmpi slt, %concatenate3A_1961, %sign3A_1970 : vector<32x4xi32>
    %sign3A_1972 = arith.extui %sign3A_1971 : vector<32x4xi1> to vector<32x4xi32>
    %sign3A_1973 = arith.subi %sign3A_1968, %sign3A_1972 : vector<32x4xi32>
    %sign3A_1974 = arith.constant 0 : i32
    %sign3A_1975 = arith.cmpi sgt, %jit3A_1962, %sign3A_1974 : i32
    %sign3A_1976 = arith.extui %sign3A_1975 : i1 to i32
    %sign3A_1977 = arith.constant 0 : i32
    %sign3A_1978 = arith.cmpi slt, %jit3A_1962, %sign3A_1977 : i32
    %sign3A_1979 = arith.extui %sign3A_1978 : i1 to i32
    %sign3A_1980 = arith.subi %sign3A_1976, %sign3A_1979 : i32
    %ne3A_1981 = vector.broadcast %sign3A_1980 : i32 to vector<32x4xi32>
    %ne3A_1982 = arith.cmpi ne, %sign3A_1973, %ne3A_1981 : vector<32x4xi32>
    %rem3A_1983 = vector.broadcast %jit3A_1962 : i32 to vector<32x4xi32>
    %rem3A_1984 = arith.remsi %concatenate3A_1961, %rem3A_1983 : vector<32x4xi32>
    %ne3A_1985 = arith.constant 0 : i32
    %ne3A_1986 = vector.broadcast %ne3A_1985 : i32 to vector<32x4xi32>
    %ne3A_1987 = arith.cmpi ne, %rem3A_1984, %ne3A_1986 : vector<32x4xi32>
    %and3A_1988 = arith.andi %ne3A_1982, %ne3A_1987 : vector<32x4xi1>
    %sub3A_1989 = arith.constant 1 : i32
    %sub3A_1990 = vector.broadcast %sub3A_1989 : i32 to vector<32x4xi32>
    %sub3A_1991 = arith.subi %div3A_1964, %sub3A_1990 : vector<32x4xi32>
    %select_n3A_1992 = arith.select %and3A_1988, %sub3A_1991, %div3A_1964 : vector<32x4xi1>, vector<32x4xi32>
    %jit3A_1993 = arith.constant 5 : i32
    %eq3A_1994 = arith.constant 0 : i32
    %eq3A_1995 = arith.cmpi eq, %jit3A_1993, %eq3A_1994 : i32
    %jit3A_1996 = arith.constant 1 : i32
    %select_n3A_1997 = arith.select %eq3A_1995, %jit3A_1996, %jit3A_1993 : i32
    %rem3A_1998 = vector.broadcast %select_n3A_1997 : i32 to vector<32x4xi32>
    %rem3A_1999 = arith.remsi %concatenate3A_1961, %rem3A_1998 : vector<32x4xi32>
    %ne3A_2000 = arith.constant 0 : i32
    %ne3A_2001 = vector.broadcast %ne3A_2000 : i32 to vector<32x4xi32>
    %ne3A_2002 = arith.cmpi ne, %rem3A_1999, %ne3A_2001 : vector<32x4xi32>
    %lt3A_2003 = arith.constant 0 : i32
    %lt3A_2004 = vector.broadcast %lt3A_2003 : i32 to vector<32x4xi32>
    %lt3A_2005 = arith.cmpi slt, %rem3A_1999, %lt3A_2004 : vector<32x4xi32>
    %lt3A_2006 = arith.constant 0 : i32
    %lt3A_2007 = arith.cmpi slt, %select_n3A_1997, %lt3A_2006 : i32
    %ne3A_2008 = vector.broadcast %lt3A_2007 : i1 to vector<32x4xi1>
    %ne3A_2009 = vector.broadcast %ne3A_2008 : vector<32x4xi1> to vector<32x4xi1>
    %ne3A_2010 = arith.xori %lt3A_2005, %ne3A_2009 : vector<32x4xi1>
    %and3A_2011 = arith.andi %ne3A_2010, %ne3A_2002 : vector<32x4xi1>
    %add3A_2012 = vector.broadcast %select_n3A_1997 : i32 to vector<32x4xi32>
    %add3A_2013 = arith.addi %rem3A_1999, %add3A_2012 : vector<32x4xi32>
    %select_n3A_2014 = arith.select %and3A_2011, %add3A_2013, %rem3A_1999 : vector<32x4xi1>, vector<32x4xi32>
    %eq3A_2015 = arith.constant 0 : i32
    %eq3A_2016 = vector.broadcast %eq3A_2015 : i32 to vector<32x4xi32>
    %eq3A_2017 = arith.cmpi eq, %select_n3A_2014, %eq3A_2016 : vector<32x4xi32>
    %jit3A_2018 = arith.constant -1.000000e+30 : f32
    %broadcast_in_dim3A_2019 = vector.broadcast %jit3A_2018 : f32 to vector<32x4xf32>
    %select_n3A_2020 = arith.select %eq3A_2017, %broadcast_in_dim3A_2019, %concatenate3A_1960 : vector<32x4xi1>, vector<32x4xf32>
    %get3A_2021 = arith.constant 13 : index
    %get3A_2022 = arith.constant 0 : index
    %get3A_2023 = arith.constant 0 : index
    %get3A_2024 = vector.load %arg0[%get3A_2021, %get3A_2022, %get3A_2023] : memref<16x32x20xf32, #tpu.memory_space<vmem>>, vector<1x32x20xf32>
    %get3A_2025 = vector.shape_cast %get3A_2024 : vector<1x32x20xf32> to vector<32x20xf32>
    %broadcast_in_dim3A_2026 = arith.constant 0.000000e+00 : f32
    %broadcast_in_dim3A_2027 = vector.broadcast %broadcast_in_dim3A_2026 : f32 to vector<32x20xf32>
    %eq3A_2028 = arith.constant 0 : i32
    %eq3A_2029 = vector.broadcast %eq3A_2028 : i32 to vector<32x20xi32>
    %eq3A_2030 = arith.cmpi eq, %select_n3A, %eq3A_2029 : vector<32x20xi32>
    %slice3A_2031 = vector.extract_strided_slice %select_n3A_2020 {offsets = [0, 0], sizes = [32, 1], strides = [1, 1]} : vector<32x4xf32> to vector<32x1xf32>
    %broadcast_in_dim3A_2032 = vector.shape_cast %slice3A_2031 : vector<32x1xf32> to vector<32x1xf32>
    %broadcast_in_dim3A_2033 = vector.broadcast %broadcast_in_dim3A_2032 : vector<32x1xf32> to vector<32x20xf32>
    %select_n3A_2034 = arith.select %eq3A_2030, %broadcast_in_dim3A_2033, %broadcast_in_dim3A_2027 : vector<32x20xi1>, vector<32x20xf32>
    %eq3A_2035 = arith.constant 1 : i32
    %eq3A_2036 = vector.broadcast %eq3A_2035 : i32 to vector<32x20xi32>
    %eq3A_2037 = arith.cmpi eq, %select_n3A, %eq3A_2036 : vector<32x20xi32>
    %slice3A_2038 = vector.extract_strided_slice %select_n3A_2020 {offsets = [0, 1], sizes = [32, 1], strides = [1, 1]} : vector<32x4xf32> to vector<32x1xf32>
    %broadcast_in_dim3A_2039 = vector.shape_cast %slice3A_2038 : vector<32x1xf32> to vector<32x1xf32>
    %broadcast_in_dim3A_2040 = vector.broadcast %broadcast_in_dim3A_2039 : vector<32x1xf32> to vector<32x20xf32>
    %select_n3A_2041 = arith.select %eq3A_2037, %broadcast_in_dim3A_2040, %select_n3A_2034 : vector<32x20xi1>, vector<32x20xf32>
    %eq3A_2042 = arith.constant 2 : i32
    %eq3A_2043 = vector.broadcast %eq3A_2042 : i32 to vector<32x20xi32>
    %eq3A_2044 = arith.cmpi eq, %select_n3A, %eq3A_2043 : vector<32x20xi32>
    %slice3A_2045 = vector.extract_strided_slice %select_n3A_2020 {offsets = [0, 2], sizes = [32, 1], strides = [1, 1]} : vector<32x4xf32> to vector<32x1xf32>
    %broadcast_in_dim3A_2046 = vector.shape_cast %slice3A_2045 : vector<32x1xf32> to vector<32x1xf32>
    %broadcast_in_dim3A_2047 = vector.broadcast %broadcast_in_dim3A_2046 : vector<32x1xf32> to vector<32x20xf32>
    %select_n3A_2048 = arith.select %eq3A_2044, %broadcast_in_dim3A_2047, %select_n3A_2041 : vector<32x20xi1>, vector<32x20xf32>
    %eq3A_2049 = arith.constant 3 : i32
    %eq3A_2050 = vector.broadcast %eq3A_2049 : i32 to vector<32x20xi32>
    %eq3A_2051 = arith.cmpi eq, %select_n3A, %eq3A_2050 : vector<32x20xi32>
    %slice3A_2052 = vector.extract_strided_slice %select_n3A_2020 {offsets = [0, 3], sizes = [32, 1], strides = [1, 1]} : vector<32x4xf32> to vector<32x1xf32>
    %broadcast_in_dim3A_2053 = vector.shape_cast %slice3A_2052 : vector<32x1xf32> to vector<32x1xf32>
    %broadcast_in_dim3A_2054 = vector.broadcast %broadcast_in_dim3A_2053 : vector<32x1xf32> to vector<32x20xf32>
    %select_n3A_2055 = arith.select %eq3A_2051, %broadcast_in_dim3A_2054, %select_n3A_2048 : vector<32x20xi1>, vector<32x20xf32>
    %add3A_2056 = arith.addf %get3A_2025, %select_n3A_2055 : vector<32x20xf32>
    %reduce_max3A_2057 = arith.constant dense<0xFF800000> : vector<32xf32>
    %reduce_max3A_2058 = vector.multi_reduction <maximumf>, %add3A_2056, %reduce_max3A_2057 [1] : vector<32x20xf32> to vector<32xf32>
    %broadcast_in_dim3A_2059 = vector.shape_cast %reduce_max3A_2058 : vector<32xf32> to vector<32x1xf32>
    %eq3A_2060 = vector.broadcast %broadcast_in_dim3A_2059 : vector<32x1xf32> to vector<32x20xf32>
    %eq3A_2061 = arith.cmpf oeq, %add3A_2056, %eq3A_2060 : vector<32x20xf32>
    %jit3A_2062 = arith.constant 20 : i32
    %broadcast_in_dim3A_2063 = vector.broadcast %jit3A_2062 : i32 to vector<32x20xi32>
    %select_n3A_2064 = arith.select %eq3A_2061, %iota3A_0, %broadcast_in_dim3A_2063 : vector<32x20xi1>, vector<32x20xi32>
    %reduce_min3A_2065 = arith.constant dense<2147483647> : vector<32xi32>
    %reduce_min3A_2066 = vector.multi_reduction <minsi>, %select_n3A_2064, %reduce_min3A_2065 [1] : vector<32x20xi32> to vector<32xi32>
    %broadcast_in_dim3A_2067 = vector.shape_cast %reduce_min3A_2066 : vector<32xi32> to vector<32x1xi32>
    %eq3A_2068 = vector.broadcast %broadcast_in_dim3A_2067 : vector<32x1xi32> to vector<32x20xi32>
    %eq3A_2069 = arith.cmpi eq, %iota3A_0, %eq3A_2068 : vector<32x20xi32>
    %jit3A_2070 = arith.constant -1.000000e+30 : f32
    %broadcast_in_dim3A_2071 = vector.broadcast %jit3A_2070 : f32 to vector<32x20xf32>
    %select_n3A_2072 = arith.select %eq3A_2069, %broadcast_in_dim3A_2071, %add3A_2056 : vector<32x20xi1>, vector<32x20xf32>
    %reduce_max3A_2073 = arith.constant dense<0xFF800000> : vector<32xf32>
    %reduce_max3A_2074 = vector.multi_reduction <maximumf>, %select_n3A_2072, %reduce_max3A_2073 [1] : vector<32x20xf32> to vector<32xf32>
    %broadcast_in_dim3A_2075 = vector.shape_cast %reduce_max3A_2074 : vector<32xf32> to vector<32x1xf32>
    %eq3A_2076 = vector.broadcast %broadcast_in_dim3A_2075 : vector<32x1xf32> to vector<32x20xf32>
    %eq3A_2077 = arith.cmpf oeq, %select_n3A_2072, %eq3A_2076 : vector<32x20xf32>
    %jit3A_2078 = arith.constant 20 : i32
    %broadcast_in_dim3A_2079 = vector.broadcast %jit3A_2078 : i32 to vector<32x20xi32>
    %select_n3A_2080 = arith.select %eq3A_2077, %iota3A_0, %broadcast_in_dim3A_2079 : vector<32x20xi1>, vector<32x20xi32>
    %reduce_min3A_2081 = arith.constant dense<2147483647> : vector<32xi32>
    %reduce_min3A_2082 = vector.multi_reduction <minsi>, %select_n3A_2080, %reduce_min3A_2081 [1] : vector<32x20xi32> to vector<32xi32>
    %broadcast_in_dim3A_2083 = vector.shape_cast %reduce_min3A_2082 : vector<32xi32> to vector<32x1xi32>
    %eq3A_2084 = vector.broadcast %broadcast_in_dim3A_2083 : vector<32x1xi32> to vector<32x20xi32>
    %eq3A_2085 = arith.cmpi eq, %iota3A_0, %eq3A_2084 : vector<32x20xi32>
    %jit3A_2086 = arith.constant -1.000000e+30 : f32
    %broadcast_in_dim3A_2087 = vector.broadcast %jit3A_2086 : f32 to vector<32x20xf32>
    %select_n3A_2088 = arith.select %eq3A_2085, %broadcast_in_dim3A_2087, %select_n3A_2072 : vector<32x20xi1>, vector<32x20xf32>
    %reduce_max3A_2089 = arith.constant dense<0xFF800000> : vector<32xf32>
    %reduce_max3A_2090 = vector.multi_reduction <maximumf>, %select_n3A_2088, %reduce_max3A_2089 [1] : vector<32x20xf32> to vector<32xf32>
    %broadcast_in_dim3A_2091 = vector.shape_cast %reduce_max3A_2090 : vector<32xf32> to vector<32x1xf32>
    %eq3A_2092 = vector.broadcast %broadcast_in_dim3A_2091 : vector<32x1xf32> to vector<32x20xf32>
    %eq3A_2093 = arith.cmpf oeq, %select_n3A_2088, %eq3A_2092 : vector<32x20xf32>
    %jit3A_2094 = arith.constant 20 : i32
    %broadcast_in_dim3A_2095 = vector.broadcast %jit3A_2094 : i32 to vector<32x20xi32>
    %select_n3A_2096 = arith.select %eq3A_2093, %iota3A_0, %broadcast_in_dim3A_2095 : vector<32x20xi1>, vector<32x20xi32>
    %reduce_min3A_2097 = arith.constant dense<2147483647> : vector<32xi32>
    %reduce_min3A_2098 = vector.multi_reduction <minsi>, %select_n3A_2096, %reduce_min3A_2097 [1] : vector<32x20xi32> to vector<32xi32>
    %broadcast_in_dim3A_2099 = vector.shape_cast %reduce_min3A_2098 : vector<32xi32> to vector<32x1xi32>
    %eq3A_2100 = vector.broadcast %broadcast_in_dim3A_2099 : vector<32x1xi32> to vector<32x20xi32>
    %eq3A_2101 = arith.cmpi eq, %iota3A_0, %eq3A_2100 : vector<32x20xi32>
    %jit3A_2102 = arith.constant -1.000000e+30 : f32
    %broadcast_in_dim3A_2103 = vector.broadcast %jit3A_2102 : f32 to vector<32x20xf32>
    %select_n3A_2104 = arith.select %eq3A_2101, %broadcast_in_dim3A_2103, %select_n3A_2088 : vector<32x20xi1>, vector<32x20xf32>
    %reduce_max3A_2105 = arith.constant dense<0xFF800000> : vector<32xf32>
    %reduce_max3A_2106 = vector.multi_reduction <maximumf>, %select_n3A_2104, %reduce_max3A_2105 [1] : vector<32x20xf32> to vector<32xf32>
    %broadcast_in_dim3A_2107 = vector.shape_cast %reduce_max3A_2106 : vector<32xf32> to vector<32x1xf32>
    %eq3A_2108 = vector.broadcast %broadcast_in_dim3A_2107 : vector<32x1xf32> to vector<32x20xf32>
    %eq3A_2109 = arith.cmpf oeq, %select_n3A_2104, %eq3A_2108 : vector<32x20xf32>
    %jit3A_2110 = arith.constant 20 : i32
    %broadcast_in_dim3A_2111 = vector.broadcast %jit3A_2110 : i32 to vector<32x20xi32>
    %select_n3A_2112 = arith.select %eq3A_2109, %iota3A_0, %broadcast_in_dim3A_2111 : vector<32x20xi1>, vector<32x20xi32>
    %reduce_min3A_2113 = arith.constant dense<2147483647> : vector<32xi32>
    %reduce_min3A_2114 = vector.multi_reduction <minsi>, %select_n3A_2112, %reduce_min3A_2113 [1] : vector<32x20xi32> to vector<32xi32>
    %broadcast_in_dim3A_2115 = vector.shape_cast %reduce_min3A_2114 : vector<32xi32> to vector<32x1xi32>
    %concatenate3A_2116 = tpu.concatenate %broadcast_in_dim3A_2059, %broadcast_in_dim3A_2075, %broadcast_in_dim3A_2091, %broadcast_in_dim3A_2107 in 1 : vector<32x1xf32>, vector<32x1xf32>, vector<32x1xf32>, vector<32x1xf32> -> vector<32x4xf32>
    %concatenate3A_2117 = tpu.concatenate %broadcast_in_dim3A_2067, %broadcast_in_dim3A_2083, %broadcast_in_dim3A_2099, %broadcast_in_dim3A_2115 in 1 : vector<32x1xi32>, vector<32x1xi32>, vector<32x1xi32>, vector<32x1xi32> -> vector<32x4xi32>
    %jit3A_2118 = arith.constant 5 : i32
    %div3A_2119 = vector.broadcast %jit3A_2118 : i32 to vector<32x4xi32>
    %div3A_2120 = arith.divsi %concatenate3A_2117, %div3A_2119 : vector<32x4xi32>
    %sign3A_2121 = arith.constant 0 : i32
    %sign3A_2122 = vector.broadcast %sign3A_2121 : i32 to vector<32x4xi32>
    %sign3A_2123 = arith.cmpi sgt, %concatenate3A_2117, %sign3A_2122 : vector<32x4xi32>
    %sign3A_2124 = arith.extui %sign3A_2123 : vector<32x4xi1> to vector<32x4xi32>
    %sign3A_2125 = arith.constant 0 : i32
    %sign3A_2126 = vector.broadcast %sign3A_2125 : i32 to vector<32x4xi32>
    %sign3A_2127 = arith.cmpi slt, %concatenate3A_2117, %sign3A_2126 : vector<32x4xi32>
    %sign3A_2128 = arith.extui %sign3A_2127 : vector<32x4xi1> to vector<32x4xi32>
    %sign3A_2129 = arith.subi %sign3A_2124, %sign3A_2128 : vector<32x4xi32>
    %sign3A_2130 = arith.constant 0 : i32
    %sign3A_2131 = arith.cmpi sgt, %jit3A_2118, %sign3A_2130 : i32
    %sign3A_2132 = arith.extui %sign3A_2131 : i1 to i32
    %sign3A_2133 = arith.constant 0 : i32
    %sign3A_2134 = arith.cmpi slt, %jit3A_2118, %sign3A_2133 : i32
    %sign3A_2135 = arith.extui %sign3A_2134 : i1 to i32
    %sign3A_2136 = arith.subi %sign3A_2132, %sign3A_2135 : i32
    %ne3A_2137 = vector.broadcast %sign3A_2136 : i32 to vector<32x4xi32>
    %ne3A_2138 = arith.cmpi ne, %sign3A_2129, %ne3A_2137 : vector<32x4xi32>
    %rem3A_2139 = vector.broadcast %jit3A_2118 : i32 to vector<32x4xi32>
    %rem3A_2140 = arith.remsi %concatenate3A_2117, %rem3A_2139 : vector<32x4xi32>
    %ne3A_2141 = arith.constant 0 : i32
    %ne3A_2142 = vector.broadcast %ne3A_2141 : i32 to vector<32x4xi32>
    %ne3A_2143 = arith.cmpi ne, %rem3A_2140, %ne3A_2142 : vector<32x4xi32>
    %and3A_2144 = arith.andi %ne3A_2138, %ne3A_2143 : vector<32x4xi1>
    %sub3A_2145 = arith.constant 1 : i32
    %sub3A_2146 = vector.broadcast %sub3A_2145 : i32 to vector<32x4xi32>
    %sub3A_2147 = arith.subi %div3A_2120, %sub3A_2146 : vector<32x4xi32>
    %select_n3A_2148 = arith.select %and3A_2144, %sub3A_2147, %div3A_2120 : vector<32x4xi1>, vector<32x4xi32>
    %jit3A_2149 = arith.constant 5 : i32
    %eq3A_2150 = arith.constant 0 : i32
    %eq3A_2151 = arith.cmpi eq, %jit3A_2149, %eq3A_2150 : i32
    %jit3A_2152 = arith.constant 1 : i32
    %select_n3A_2153 = arith.select %eq3A_2151, %jit3A_2152, %jit3A_2149 : i32
    %rem3A_2154 = vector.broadcast %select_n3A_2153 : i32 to vector<32x4xi32>
    %rem3A_2155 = arith.remsi %concatenate3A_2117, %rem3A_2154 : vector<32x4xi32>
    %ne3A_2156 = arith.constant 0 : i32
    %ne3A_2157 = vector.broadcast %ne3A_2156 : i32 to vector<32x4xi32>
    %ne3A_2158 = arith.cmpi ne, %rem3A_2155, %ne3A_2157 : vector<32x4xi32>
    %lt3A_2159 = arith.constant 0 : i32
    %lt3A_2160 = vector.broadcast %lt3A_2159 : i32 to vector<32x4xi32>
    %lt3A_2161 = arith.cmpi slt, %rem3A_2155, %lt3A_2160 : vector<32x4xi32>
    %lt3A_2162 = arith.constant 0 : i32
    %lt3A_2163 = arith.cmpi slt, %select_n3A_2153, %lt3A_2162 : i32
    %ne3A_2164 = vector.broadcast %lt3A_2163 : i1 to vector<32x4xi1>
    %ne3A_2165 = vector.broadcast %ne3A_2164 : vector<32x4xi1> to vector<32x4xi1>
    %ne3A_2166 = arith.xori %lt3A_2161, %ne3A_2165 : vector<32x4xi1>
    %and3A_2167 = arith.andi %ne3A_2166, %ne3A_2158 : vector<32x4xi1>
    %add3A_2168 = vector.broadcast %select_n3A_2153 : i32 to vector<32x4xi32>
    %add3A_2169 = arith.addi %rem3A_2155, %add3A_2168 : vector<32x4xi32>
    %select_n3A_2170 = arith.select %and3A_2167, %add3A_2169, %rem3A_2155 : vector<32x4xi1>, vector<32x4xi32>
    %eq3A_2171 = arith.constant 0 : i32
    %eq3A_2172 = vector.broadcast %eq3A_2171 : i32 to vector<32x4xi32>
    %eq3A_2173 = arith.cmpi eq, %select_n3A_2170, %eq3A_2172 : vector<32x4xi32>
    %jit3A_2174 = arith.constant -1.000000e+30 : f32
    %broadcast_in_dim3A_2175 = vector.broadcast %jit3A_2174 : f32 to vector<32x4xf32>
    %select_n3A_2176 = arith.select %eq3A_2173, %broadcast_in_dim3A_2175, %concatenate3A_2116 : vector<32x4xi1>, vector<32x4xf32>
    %get3A_2177 = arith.constant 14 : index
    %get3A_2178 = arith.constant 0 : index
    %get3A_2179 = arith.constant 0 : index
    %get3A_2180 = vector.load %arg0[%get3A_2177, %get3A_2178, %get3A_2179] : memref<16x32x20xf32, #tpu.memory_space<vmem>>, vector<1x32x20xf32>
    %get3A_2181 = vector.shape_cast %get3A_2180 : vector<1x32x20xf32> to vector<32x20xf32>
    %broadcast_in_dim3A_2182 = arith.constant 0.000000e+00 : f32
    %broadcast_in_dim3A_2183 = vector.broadcast %broadcast_in_dim3A_2182 : f32 to vector<32x20xf32>
    %eq3A_2184 = arith.constant 0 : i32
    %eq3A_2185 = vector.broadcast %eq3A_2184 : i32 to vector<32x20xi32>
    %eq3A_2186 = arith.cmpi eq, %select_n3A, %eq3A_2185 : vector<32x20xi32>
    %slice3A_2187 = vector.extract_strided_slice %select_n3A_2176 {offsets = [0, 0], sizes = [32, 1], strides = [1, 1]} : vector<32x4xf32> to vector<32x1xf32>
    %broadcast_in_dim3A_2188 = vector.shape_cast %slice3A_2187 : vector<32x1xf32> to vector<32x1xf32>
    %broadcast_in_dim3A_2189 = vector.broadcast %broadcast_in_dim3A_2188 : vector<32x1xf32> to vector<32x20xf32>
    %select_n3A_2190 = arith.select %eq3A_2186, %broadcast_in_dim3A_2189, %broadcast_in_dim3A_2183 : vector<32x20xi1>, vector<32x20xf32>
    %eq3A_2191 = arith.constant 1 : i32
    %eq3A_2192 = vector.broadcast %eq3A_2191 : i32 to vector<32x20xi32>
    %eq3A_2193 = arith.cmpi eq, %select_n3A, %eq3A_2192 : vector<32x20xi32>
    %slice3A_2194 = vector.extract_strided_slice %select_n3A_2176 {offsets = [0, 1], sizes = [32, 1], strides = [1, 1]} : vector<32x4xf32> to vector<32x1xf32>
    %broadcast_in_dim3A_2195 = vector.shape_cast %slice3A_2194 : vector<32x1xf32> to vector<32x1xf32>
    %broadcast_in_dim3A_2196 = vector.broadcast %broadcast_in_dim3A_2195 : vector<32x1xf32> to vector<32x20xf32>
    %select_n3A_2197 = arith.select %eq3A_2193, %broadcast_in_dim3A_2196, %select_n3A_2190 : vector<32x20xi1>, vector<32x20xf32>
    %eq3A_2198 = arith.constant 2 : i32
    %eq3A_2199 = vector.broadcast %eq3A_2198 : i32 to vector<32x20xi32>
    %eq3A_2200 = arith.cmpi eq, %select_n3A, %eq3A_2199 : vector<32x20xi32>
    %slice3A_2201 = vector.extract_strided_slice %select_n3A_2176 {offsets = [0, 2], sizes = [32, 1], strides = [1, 1]} : vector<32x4xf32> to vector<32x1xf32>
    %broadcast_in_dim3A_2202 = vector.shape_cast %slice3A_2201 : vector<32x1xf32> to vector<32x1xf32>
    %broadcast_in_dim3A_2203 = vector.broadcast %broadcast_in_dim3A_2202 : vector<32x1xf32> to vector<32x20xf32>
    %select_n3A_2204 = arith.select %eq3A_2200, %broadcast_in_dim3A_2203, %select_n3A_2197 : vector<32x20xi1>, vector<32x20xf32>
    %eq3A_2205 = arith.constant 3 : i32
    %eq3A_2206 = vector.broadcast %eq3A_2205 : i32 to vector<32x20xi32>
    %eq3A_2207 = arith.cmpi eq, %select_n3A, %eq3A_2206 : vector<32x20xi32>
    %slice3A_2208 = vector.extract_strided_slice %select_n3A_2176 {offsets = [0, 3], sizes = [32, 1], strides = [1, 1]} : vector<32x4xf32> to vector<32x1xf32>
    %broadcast_in_dim3A_2209 = vector.shape_cast %slice3A_2208 : vector<32x1xf32> to vector<32x1xf32>
    %broadcast_in_dim3A_2210 = vector.broadcast %broadcast_in_dim3A_2209 : vector<32x1xf32> to vector<32x20xf32>
    %select_n3A_2211 = arith.select %eq3A_2207, %broadcast_in_dim3A_2210, %select_n3A_2204 : vector<32x20xi1>, vector<32x20xf32>
    %add3A_2212 = arith.addf %get3A_2181, %select_n3A_2211 : vector<32x20xf32>
    %reduce_max3A_2213 = arith.constant dense<0xFF800000> : vector<32xf32>
    %reduce_max3A_2214 = vector.multi_reduction <maximumf>, %add3A_2212, %reduce_max3A_2213 [1] : vector<32x20xf32> to vector<32xf32>
    %broadcast_in_dim3A_2215 = vector.shape_cast %reduce_max3A_2214 : vector<32xf32> to vector<32x1xf32>
    %eq3A_2216 = vector.broadcast %broadcast_in_dim3A_2215 : vector<32x1xf32> to vector<32x20xf32>
    %eq3A_2217 = arith.cmpf oeq, %add3A_2212, %eq3A_2216 : vector<32x20xf32>
    %jit3A_2218 = arith.constant 20 : i32
    %broadcast_in_dim3A_2219 = vector.broadcast %jit3A_2218 : i32 to vector<32x20xi32>
    %select_n3A_2220 = arith.select %eq3A_2217, %iota3A_0, %broadcast_in_dim3A_2219 : vector<32x20xi1>, vector<32x20xi32>
    %reduce_min3A_2221 = arith.constant dense<2147483647> : vector<32xi32>
    %reduce_min3A_2222 = vector.multi_reduction <minsi>, %select_n3A_2220, %reduce_min3A_2221 [1] : vector<32x20xi32> to vector<32xi32>
    %broadcast_in_dim3A_2223 = vector.shape_cast %reduce_min3A_2222 : vector<32xi32> to vector<32x1xi32>
    %eq3A_2224 = vector.broadcast %broadcast_in_dim3A_2223 : vector<32x1xi32> to vector<32x20xi32>
    %eq3A_2225 = arith.cmpi eq, %iota3A_0, %eq3A_2224 : vector<32x20xi32>
    %jit3A_2226 = arith.constant -1.000000e+30 : f32
    %broadcast_in_dim3A_2227 = vector.broadcast %jit3A_2226 : f32 to vector<32x20xf32>
    %select_n3A_2228 = arith.select %eq3A_2225, %broadcast_in_dim3A_2227, %add3A_2212 : vector<32x20xi1>, vector<32x20xf32>
    %reduce_max3A_2229 = arith.constant dense<0xFF800000> : vector<32xf32>
    %reduce_max3A_2230 = vector.multi_reduction <maximumf>, %select_n3A_2228, %reduce_max3A_2229 [1] : vector<32x20xf32> to vector<32xf32>
    %broadcast_in_dim3A_2231 = vector.shape_cast %reduce_max3A_2230 : vector<32xf32> to vector<32x1xf32>
    %eq3A_2232 = vector.broadcast %broadcast_in_dim3A_2231 : vector<32x1xf32> to vector<32x20xf32>
    %eq3A_2233 = arith.cmpf oeq, %select_n3A_2228, %eq3A_2232 : vector<32x20xf32>
    %jit3A_2234 = arith.constant 20 : i32
    %broadcast_in_dim3A_2235 = vector.broadcast %jit3A_2234 : i32 to vector<32x20xi32>
    %select_n3A_2236 = arith.select %eq3A_2233, %iota3A_0, %broadcast_in_dim3A_2235 : vector<32x20xi1>, vector<32x20xi32>
    %reduce_min3A_2237 = arith.constant dense<2147483647> : vector<32xi32>
    %reduce_min3A_2238 = vector.multi_reduction <minsi>, %select_n3A_2236, %reduce_min3A_2237 [1] : vector<32x20xi32> to vector<32xi32>
    %broadcast_in_dim3A_2239 = vector.shape_cast %reduce_min3A_2238 : vector<32xi32> to vector<32x1xi32>
    %eq3A_2240 = vector.broadcast %broadcast_in_dim3A_2239 : vector<32x1xi32> to vector<32x20xi32>
    %eq3A_2241 = arith.cmpi eq, %iota3A_0, %eq3A_2240 : vector<32x20xi32>
    %jit3A_2242 = arith.constant -1.000000e+30 : f32
    %broadcast_in_dim3A_2243 = vector.broadcast %jit3A_2242 : f32 to vector<32x20xf32>
    %select_n3A_2244 = arith.select %eq3A_2241, %broadcast_in_dim3A_2243, %select_n3A_2228 : vector<32x20xi1>, vector<32x20xf32>
    %reduce_max3A_2245 = arith.constant dense<0xFF800000> : vector<32xf32>
    %reduce_max3A_2246 = vector.multi_reduction <maximumf>, %select_n3A_2244, %reduce_max3A_2245 [1] : vector<32x20xf32> to vector<32xf32>
    %broadcast_in_dim3A_2247 = vector.shape_cast %reduce_max3A_2246 : vector<32xf32> to vector<32x1xf32>
    %eq3A_2248 = vector.broadcast %broadcast_in_dim3A_2247 : vector<32x1xf32> to vector<32x20xf32>
    %eq3A_2249 = arith.cmpf oeq, %select_n3A_2244, %eq3A_2248 : vector<32x20xf32>
    %jit3A_2250 = arith.constant 20 : i32
    %broadcast_in_dim3A_2251 = vector.broadcast %jit3A_2250 : i32 to vector<32x20xi32>
    %select_n3A_2252 = arith.select %eq3A_2249, %iota3A_0, %broadcast_in_dim3A_2251 : vector<32x20xi1>, vector<32x20xi32>
    %reduce_min3A_2253 = arith.constant dense<2147483647> : vector<32xi32>
    %reduce_min3A_2254 = vector.multi_reduction <minsi>, %select_n3A_2252, %reduce_min3A_2253 [1] : vector<32x20xi32> to vector<32xi32>
    %broadcast_in_dim3A_2255 = vector.shape_cast %reduce_min3A_2254 : vector<32xi32> to vector<32x1xi32>
    %eq3A_2256 = vector.broadcast %broadcast_in_dim3A_2255 : vector<32x1xi32> to vector<32x20xi32>
    %eq3A_2257 = arith.cmpi eq, %iota3A_0, %eq3A_2256 : vector<32x20xi32>
    %jit3A_2258 = arith.constant -1.000000e+30 : f32
    %broadcast_in_dim3A_2259 = vector.broadcast %jit3A_2258 : f32 to vector<32x20xf32>
    %select_n3A_2260 = arith.select %eq3A_2257, %broadcast_in_dim3A_2259, %select_n3A_2244 : vector<32x20xi1>, vector<32x20xf32>
    %reduce_max3A_2261 = arith.constant dense<0xFF800000> : vector<32xf32>
    %reduce_max3A_2262 = vector.multi_reduction <maximumf>, %select_n3A_2260, %reduce_max3A_2261 [1] : vector<32x20xf32> to vector<32xf32>
    %broadcast_in_dim3A_2263 = vector.shape_cast %reduce_max3A_2262 : vector<32xf32> to vector<32x1xf32>
    %eq3A_2264 = vector.broadcast %broadcast_in_dim3A_2263 : vector<32x1xf32> to vector<32x20xf32>
    %eq3A_2265 = arith.cmpf oeq, %select_n3A_2260, %eq3A_2264 : vector<32x20xf32>
    %jit3A_2266 = arith.constant 20 : i32
    %broadcast_in_dim3A_2267 = vector.broadcast %jit3A_2266 : i32 to vector<32x20xi32>
    %select_n3A_2268 = arith.select %eq3A_2265, %iota3A_0, %broadcast_in_dim3A_2267 : vector<32x20xi1>, vector<32x20xi32>
    %reduce_min3A_2269 = arith.constant dense<2147483647> : vector<32xi32>
    %reduce_min3A_2270 = vector.multi_reduction <minsi>, %select_n3A_2268, %reduce_min3A_2269 [1] : vector<32x20xi32> to vector<32xi32>
    %broadcast_in_dim3A_2271 = vector.shape_cast %reduce_min3A_2270 : vector<32xi32> to vector<32x1xi32>
    %concatenate3A_2272 = tpu.concatenate %broadcast_in_dim3A_2215, %broadcast_in_dim3A_2231, %broadcast_in_dim3A_2247, %broadcast_in_dim3A_2263 in 1 : vector<32x1xf32>, vector<32x1xf32>, vector<32x1xf32>, vector<32x1xf32> -> vector<32x4xf32>
    %concatenate3A_2273 = tpu.concatenate %broadcast_in_dim3A_2223, %broadcast_in_dim3A_2239, %broadcast_in_dim3A_2255, %broadcast_in_dim3A_2271 in 1 : vector<32x1xi32>, vector<32x1xi32>, vector<32x1xi32>, vector<32x1xi32> -> vector<32x4xi32>
    %jit3A_2274 = arith.constant 5 : i32
    %div3A_2275 = vector.broadcast %jit3A_2274 : i32 to vector<32x4xi32>
    %div3A_2276 = arith.divsi %concatenate3A_2273, %div3A_2275 : vector<32x4xi32>
    %sign3A_2277 = arith.constant 0 : i32
    %sign3A_2278 = vector.broadcast %sign3A_2277 : i32 to vector<32x4xi32>
    %sign3A_2279 = arith.cmpi sgt, %concatenate3A_2273, %sign3A_2278 : vector<32x4xi32>
    %sign3A_2280 = arith.extui %sign3A_2279 : vector<32x4xi1> to vector<32x4xi32>
    %sign3A_2281 = arith.constant 0 : i32
    %sign3A_2282 = vector.broadcast %sign3A_2281 : i32 to vector<32x4xi32>
    %sign3A_2283 = arith.cmpi slt, %concatenate3A_2273, %sign3A_2282 : vector<32x4xi32>
    %sign3A_2284 = arith.extui %sign3A_2283 : vector<32x4xi1> to vector<32x4xi32>
    %sign3A_2285 = arith.subi %sign3A_2280, %sign3A_2284 : vector<32x4xi32>
    %sign3A_2286 = arith.constant 0 : i32
    %sign3A_2287 = arith.cmpi sgt, %jit3A_2274, %sign3A_2286 : i32
    %sign3A_2288 = arith.extui %sign3A_2287 : i1 to i32
    %sign3A_2289 = arith.constant 0 : i32
    %sign3A_2290 = arith.cmpi slt, %jit3A_2274, %sign3A_2289 : i32
    %sign3A_2291 = arith.extui %sign3A_2290 : i1 to i32
    %sign3A_2292 = arith.subi %sign3A_2288, %sign3A_2291 : i32
    %ne3A_2293 = vector.broadcast %sign3A_2292 : i32 to vector<32x4xi32>
    %ne3A_2294 = arith.cmpi ne, %sign3A_2285, %ne3A_2293 : vector<32x4xi32>
    %rem3A_2295 = vector.broadcast %jit3A_2274 : i32 to vector<32x4xi32>
    %rem3A_2296 = arith.remsi %concatenate3A_2273, %rem3A_2295 : vector<32x4xi32>
    %ne3A_2297 = arith.constant 0 : i32
    %ne3A_2298 = vector.broadcast %ne3A_2297 : i32 to vector<32x4xi32>
    %ne3A_2299 = arith.cmpi ne, %rem3A_2296, %ne3A_2298 : vector<32x4xi32>
    %and3A_2300 = arith.andi %ne3A_2294, %ne3A_2299 : vector<32x4xi1>
    %sub3A_2301 = arith.constant 1 : i32
    %sub3A_2302 = vector.broadcast %sub3A_2301 : i32 to vector<32x4xi32>
    %sub3A_2303 = arith.subi %div3A_2276, %sub3A_2302 : vector<32x4xi32>
    %select_n3A_2304 = arith.select %and3A_2300, %sub3A_2303, %div3A_2276 : vector<32x4xi1>, vector<32x4xi32>
    %jit3A_2305 = arith.constant 5 : i32
    %eq3A_2306 = arith.constant 0 : i32
    %eq3A_2307 = arith.cmpi eq, %jit3A_2305, %eq3A_2306 : i32
    %jit3A_2308 = arith.constant 1 : i32
    %select_n3A_2309 = arith.select %eq3A_2307, %jit3A_2308, %jit3A_2305 : i32
    %rem3A_2310 = vector.broadcast %select_n3A_2309 : i32 to vector<32x4xi32>
    %rem3A_2311 = arith.remsi %concatenate3A_2273, %rem3A_2310 : vector<32x4xi32>
    %ne3A_2312 = arith.constant 0 : i32
    %ne3A_2313 = vector.broadcast %ne3A_2312 : i32 to vector<32x4xi32>
    %ne3A_2314 = arith.cmpi ne, %rem3A_2311, %ne3A_2313 : vector<32x4xi32>
    %lt3A_2315 = arith.constant 0 : i32
    %lt3A_2316 = vector.broadcast %lt3A_2315 : i32 to vector<32x4xi32>
    %lt3A_2317 = arith.cmpi slt, %rem3A_2311, %lt3A_2316 : vector<32x4xi32>
    %lt3A_2318 = arith.constant 0 : i32
    %lt3A_2319 = arith.cmpi slt, %select_n3A_2309, %lt3A_2318 : i32
    %ne3A_2320 = vector.broadcast %lt3A_2319 : i1 to vector<32x4xi1>
    %ne3A_2321 = vector.broadcast %ne3A_2320 : vector<32x4xi1> to vector<32x4xi1>
    %ne3A_2322 = arith.xori %lt3A_2317, %ne3A_2321 : vector<32x4xi1>
    %and3A_2323 = arith.andi %ne3A_2322, %ne3A_2314 : vector<32x4xi1>
    %add3A_2324 = vector.broadcast %select_n3A_2309 : i32 to vector<32x4xi32>
    %add3A_2325 = arith.addi %rem3A_2311, %add3A_2324 : vector<32x4xi32>
    %select_n3A_2326 = arith.select %and3A_2323, %add3A_2325, %rem3A_2311 : vector<32x4xi1>, vector<32x4xi32>
    %eq3A_2327 = arith.constant 0 : i32
    %eq3A_2328 = vector.broadcast %eq3A_2327 : i32 to vector<32x4xi32>
    %eq3A_2329 = arith.cmpi eq, %select_n3A_2326, %eq3A_2328 : vector<32x4xi32>
    %jit3A_2330 = arith.constant -1.000000e+30 : f32
    %broadcast_in_dim3A_2331 = vector.broadcast %jit3A_2330 : f32 to vector<32x4xf32>
    %select_n3A_2332 = arith.select %eq3A_2329, %broadcast_in_dim3A_2331, %concatenate3A_2272 : vector<32x4xi1>, vector<32x4xf32>
    %get3A_2333 = arith.constant 15 : index
    %get3A_2334 = arith.constant 0 : index
    %get3A_2335 = arith.constant 0 : index
    %get3A_2336 = vector.load %arg0[%get3A_2333, %get3A_2334, %get3A_2335] : memref<16x32x20xf32, #tpu.memory_space<vmem>>, vector<1x32x20xf32>
    %get3A_2337 = vector.shape_cast %get3A_2336 : vector<1x32x20xf32> to vector<32x20xf32>
    %broadcast_in_dim3A_2338 = arith.constant 0.000000e+00 : f32
    %broadcast_in_dim3A_2339 = vector.broadcast %broadcast_in_dim3A_2338 : f32 to vector<32x20xf32>
    %eq3A_2340 = arith.constant 0 : i32
    %eq3A_2341 = vector.broadcast %eq3A_2340 : i32 to vector<32x20xi32>
    %eq3A_2342 = arith.cmpi eq, %select_n3A, %eq3A_2341 : vector<32x20xi32>
    %slice3A_2343 = vector.extract_strided_slice %select_n3A_2332 {offsets = [0, 0], sizes = [32, 1], strides = [1, 1]} : vector<32x4xf32> to vector<32x1xf32>
    %broadcast_in_dim3A_2344 = vector.shape_cast %slice3A_2343 : vector<32x1xf32> to vector<32x1xf32>
    %broadcast_in_dim3A_2345 = vector.broadcast %broadcast_in_dim3A_2344 : vector<32x1xf32> to vector<32x20xf32>
    %select_n3A_2346 = arith.select %eq3A_2342, %broadcast_in_dim3A_2345, %broadcast_in_dim3A_2339 : vector<32x20xi1>, vector<32x20xf32>
    %eq3A_2347 = arith.constant 1 : i32
    %eq3A_2348 = vector.broadcast %eq3A_2347 : i32 to vector<32x20xi32>
    %eq3A_2349 = arith.cmpi eq, %select_n3A, %eq3A_2348 : vector<32x20xi32>
    %slice3A_2350 = vector.extract_strided_slice %select_n3A_2332 {offsets = [0, 1], sizes = [32, 1], strides = [1, 1]} : vector<32x4xf32> to vector<32x1xf32>
    %broadcast_in_dim3A_2351 = vector.shape_cast %slice3A_2350 : vector<32x1xf32> to vector<32x1xf32>
    %broadcast_in_dim3A_2352 = vector.broadcast %broadcast_in_dim3A_2351 : vector<32x1xf32> to vector<32x20xf32>
    %select_n3A_2353 = arith.select %eq3A_2349, %broadcast_in_dim3A_2352, %select_n3A_2346 : vector<32x20xi1>, vector<32x20xf32>
    %eq3A_2354 = arith.constant 2 : i32
    %eq3A_2355 = vector.broadcast %eq3A_2354 : i32 to vector<32x20xi32>
    %eq3A_2356 = arith.cmpi eq, %select_n3A, %eq3A_2355 : vector<32x20xi32>
    %slice3A_2357 = vector.extract_strided_slice %select_n3A_2332 {offsets = [0, 2], sizes = [32, 1], strides = [1, 1]} : vector<32x4xf32> to vector<32x1xf32>
    %broadcast_in_dim3A_2358 = vector.shape_cast %slice3A_2357 : vector<32x1xf32> to vector<32x1xf32>
    %broadcast_in_dim3A_2359 = vector.broadcast %broadcast_in_dim3A_2358 : vector<32x1xf32> to vector<32x20xf32>
    %select_n3A_2360 = arith.select %eq3A_2356, %broadcast_in_dim3A_2359, %select_n3A_2353 : vector<32x20xi1>, vector<32x20xf32>
    %eq3A_2361 = arith.constant 3 : i32
    %eq3A_2362 = vector.broadcast %eq3A_2361 : i32 to vector<32x20xi32>
    %eq3A_2363 = arith.cmpi eq, %select_n3A, %eq3A_2362 : vector<32x20xi32>
    %slice3A_2364 = vector.extract_strided_slice %select_n3A_2332 {offsets = [0, 3], sizes = [32, 1], strides = [1, 1]} : vector<32x4xf32> to vector<32x1xf32>
    %broadcast_in_dim3A_2365 = vector.shape_cast %slice3A_2364 : vector<32x1xf32> to vector<32x1xf32>
    %broadcast_in_dim3A_2366 = vector.broadcast %broadcast_in_dim3A_2365 : vector<32x1xf32> to vector<32x20xf32>
    %select_n3A_2367 = arith.select %eq3A_2363, %broadcast_in_dim3A_2366, %select_n3A_2360 : vector<32x20xi1>, vector<32x20xf32>
    %add3A_2368 = arith.addf %get3A_2337, %select_n3A_2367 : vector<32x20xf32>
    %reduce_max3A_2369 = arith.constant dense<0xFF800000> : vector<32xf32>
    %reduce_max3A_2370 = vector.multi_reduction <maximumf>, %add3A_2368, %reduce_max3A_2369 [1] : vector<32x20xf32> to vector<32xf32>
    %broadcast_in_dim3A_2371 = vector.shape_cast %reduce_max3A_2370 : vector<32xf32> to vector<32x1xf32>
    %eq3A_2372 = vector.broadcast %broadcast_in_dim3A_2371 : vector<32x1xf32> to vector<32x20xf32>
    %eq3A_2373 = arith.cmpf oeq, %add3A_2368, %eq3A_2372 : vector<32x20xf32>
    %jit3A_2374 = arith.constant 20 : i32
    %broadcast_in_dim3A_2375 = vector.broadcast %jit3A_2374 : i32 to vector<32x20xi32>
    %select_n3A_2376 = arith.select %eq3A_2373, %iota3A_0, %broadcast_in_dim3A_2375 : vector<32x20xi1>, vector<32x20xi32>
    %reduce_min3A_2377 = arith.constant dense<2147483647> : vector<32xi32>
    %reduce_min3A_2378 = vector.multi_reduction <minsi>, %select_n3A_2376, %reduce_min3A_2377 [1] : vector<32x20xi32> to vector<32xi32>
    %broadcast_in_dim3A_2379 = vector.shape_cast %reduce_min3A_2378 : vector<32xi32> to vector<32x1xi32>
    %eq3A_2380 = vector.broadcast %broadcast_in_dim3A_2379 : vector<32x1xi32> to vector<32x20xi32>
    %eq3A_2381 = arith.cmpi eq, %iota3A_0, %eq3A_2380 : vector<32x20xi32>
    %jit3A_2382 = arith.constant -1.000000e+30 : f32
    %broadcast_in_dim3A_2383 = vector.broadcast %jit3A_2382 : f32 to vector<32x20xf32>
    %select_n3A_2384 = arith.select %eq3A_2381, %broadcast_in_dim3A_2383, %add3A_2368 : vector<32x20xi1>, vector<32x20xf32>
    %reduce_max3A_2385 = arith.constant dense<0xFF800000> : vector<32xf32>
    %reduce_max3A_2386 = vector.multi_reduction <maximumf>, %select_n3A_2384, %reduce_max3A_2385 [1] : vector<32x20xf32> to vector<32xf32>
    %broadcast_in_dim3A_2387 = vector.shape_cast %reduce_max3A_2386 : vector<32xf32> to vector<32x1xf32>
    %eq3A_2388 = vector.broadcast %broadcast_in_dim3A_2387 : vector<32x1xf32> to vector<32x20xf32>
    %eq3A_2389 = arith.cmpf oeq, %select_n3A_2384, %eq3A_2388 : vector<32x20xf32>
    %jit3A_2390 = arith.constant 20 : i32
    %broadcast_in_dim3A_2391 = vector.broadcast %jit3A_2390 : i32 to vector<32x20xi32>
    %select_n3A_2392 = arith.select %eq3A_2389, %iota3A_0, %broadcast_in_dim3A_2391 : vector<32x20xi1>, vector<32x20xi32>
    %reduce_min3A_2393 = arith.constant dense<2147483647> : vector<32xi32>
    %reduce_min3A_2394 = vector.multi_reduction <minsi>, %select_n3A_2392, %reduce_min3A_2393 [1] : vector<32x20xi32> to vector<32xi32>
    %broadcast_in_dim3A_2395 = vector.shape_cast %reduce_min3A_2394 : vector<32xi32> to vector<32x1xi32>
    %eq3A_2396 = vector.broadcast %broadcast_in_dim3A_2395 : vector<32x1xi32> to vector<32x20xi32>
    %eq3A_2397 = arith.cmpi eq, %iota3A_0, %eq3A_2396 : vector<32x20xi32>
    %jit3A_2398 = arith.constant -1.000000e+30 : f32
    %broadcast_in_dim3A_2399 = vector.broadcast %jit3A_2398 : f32 to vector<32x20xf32>
    %select_n3A_2400 = arith.select %eq3A_2397, %broadcast_in_dim3A_2399, %select_n3A_2384 : vector<32x20xi1>, vector<32x20xf32>
    %reduce_max3A_2401 = arith.constant dense<0xFF800000> : vector<32xf32>
    %reduce_max3A_2402 = vector.multi_reduction <maximumf>, %select_n3A_2400, %reduce_max3A_2401 [1] : vector<32x20xf32> to vector<32xf32>
    %broadcast_in_dim3A_2403 = vector.shape_cast %reduce_max3A_2402 : vector<32xf32> to vector<32x1xf32>
    %eq3A_2404 = vector.broadcast %broadcast_in_dim3A_2403 : vector<32x1xf32> to vector<32x20xf32>
    %eq3A_2405 = arith.cmpf oeq, %select_n3A_2400, %eq3A_2404 : vector<32x20xf32>
    %jit3A_2406 = arith.constant 20 : i32
    %broadcast_in_dim3A_2407 = vector.broadcast %jit3A_2406 : i32 to vector<32x20xi32>
    %select_n3A_2408 = arith.select %eq3A_2405, %iota3A_0, %broadcast_in_dim3A_2407 : vector<32x20xi1>, vector<32x20xi32>
    %reduce_min3A_2409 = arith.constant dense<2147483647> : vector<32xi32>
    %reduce_min3A_2410 = vector.multi_reduction <minsi>, %select_n3A_2408, %reduce_min3A_2409 [1] : vector<32x20xi32> to vector<32xi32>
    %broadcast_in_dim3A_2411 = vector.shape_cast %reduce_min3A_2410 : vector<32xi32> to vector<32x1xi32>
    %eq3A_2412 = vector.broadcast %broadcast_in_dim3A_2411 : vector<32x1xi32> to vector<32x20xi32>
    %eq3A_2413 = arith.cmpi eq, %iota3A_0, %eq3A_2412 : vector<32x20xi32>
    %jit3A_2414 = arith.constant -1.000000e+30 : f32
    %broadcast_in_dim3A_2415 = vector.broadcast %jit3A_2414 : f32 to vector<32x20xf32>
    %select_n3A_2416 = arith.select %eq3A_2413, %broadcast_in_dim3A_2415, %select_n3A_2400 : vector<32x20xi1>, vector<32x20xf32>
    %reduce_max3A_2417 = arith.constant dense<0xFF800000> : vector<32xf32>
    %reduce_max3A_2418 = vector.multi_reduction <maximumf>, %select_n3A_2416, %reduce_max3A_2417 [1] : vector<32x20xf32> to vector<32xf32>
    %broadcast_in_dim3A_2419 = vector.shape_cast %reduce_max3A_2418 : vector<32xf32> to vector<32x1xf32>
    %eq3A_2420 = vector.broadcast %broadcast_in_dim3A_2419 : vector<32x1xf32> to vector<32x20xf32>
    %eq3A_2421 = arith.cmpf oeq, %select_n3A_2416, %eq3A_2420 : vector<32x20xf32>
    %jit3A_2422 = arith.constant 20 : i32
    %broadcast_in_dim3A_2423 = vector.broadcast %jit3A_2422 : i32 to vector<32x20xi32>
    %select_n3A_2424 = arith.select %eq3A_2421, %iota3A_0, %broadcast_in_dim3A_2423 : vector<32x20xi1>, vector<32x20xi32>
    %reduce_min3A_2425 = arith.constant dense<2147483647> : vector<32xi32>
    %reduce_min3A_2426 = vector.multi_reduction <minsi>, %select_n3A_2424, %reduce_min3A_2425 [1] : vector<32x20xi32> to vector<32xi32>
    %broadcast_in_dim3A_2427 = vector.shape_cast %reduce_min3A_2426 : vector<32xi32> to vector<32x1xi32>
    %concatenate3A_2428 = tpu.concatenate %broadcast_in_dim3A_2371, %broadcast_in_dim3A_2387, %broadcast_in_dim3A_2403, %broadcast_in_dim3A_2419 in 1 : vector<32x1xf32>, vector<32x1xf32>, vector<32x1xf32>, vector<32x1xf32> -> vector<32x4xf32>
    %concatenate3A_2429 = tpu.concatenate %broadcast_in_dim3A_2379, %broadcast_in_dim3A_2395, %broadcast_in_dim3A_2411, %broadcast_in_dim3A_2427 in 1 : vector<32x1xi32>, vector<32x1xi32>, vector<32x1xi32>, vector<32x1xi32> -> vector<32x4xi32>
    %jit3A_2430 = arith.constant 5 : i32
    %div3A_2431 = vector.broadcast %jit3A_2430 : i32 to vector<32x4xi32>
    %div3A_2432 = arith.divsi %concatenate3A_2429, %div3A_2431 : vector<32x4xi32>
    %sign3A_2433 = arith.constant 0 : i32
    %sign3A_2434 = vector.broadcast %sign3A_2433 : i32 to vector<32x4xi32>
    %sign3A_2435 = arith.cmpi sgt, %concatenate3A_2429, %sign3A_2434 : vector<32x4xi32>
    %sign3A_2436 = arith.extui %sign3A_2435 : vector<32x4xi1> to vector<32x4xi32>
    %sign3A_2437 = arith.constant 0 : i32
    %sign3A_2438 = vector.broadcast %sign3A_2437 : i32 to vector<32x4xi32>
    %sign3A_2439 = arith.cmpi slt, %concatenate3A_2429, %sign3A_2438 : vector<32x4xi32>
    %sign3A_2440 = arith.extui %sign3A_2439 : vector<32x4xi1> to vector<32x4xi32>
    %sign3A_2441 = arith.subi %sign3A_2436, %sign3A_2440 : vector<32x4xi32>
    %sign3A_2442 = arith.constant 0 : i32
    %sign3A_2443 = arith.cmpi sgt, %jit3A_2430, %sign3A_2442 : i32
    %sign3A_2444 = arith.extui %sign3A_2443 : i1 to i32
    %sign3A_2445 = arith.constant 0 : i32
    %sign3A_2446 = arith.cmpi slt, %jit3A_2430, %sign3A_2445 : i32
    %sign3A_2447 = arith.extui %sign3A_2446 : i1 to i32
    %sign3A_2448 = arith.subi %sign3A_2444, %sign3A_2447 : i32
    %ne3A_2449 = vector.broadcast %sign3A_2448 : i32 to vector<32x4xi32>
    %ne3A_2450 = arith.cmpi ne, %sign3A_2441, %ne3A_2449 : vector<32x4xi32>
    %rem3A_2451 = vector.broadcast %jit3A_2430 : i32 to vector<32x4xi32>
    %rem3A_2452 = arith.remsi %concatenate3A_2429, %rem3A_2451 : vector<32x4xi32>
    %ne3A_2453 = arith.constant 0 : i32
    %ne3A_2454 = vector.broadcast %ne3A_2453 : i32 to vector<32x4xi32>
    %ne3A_2455 = arith.cmpi ne, %rem3A_2452, %ne3A_2454 : vector<32x4xi32>
    %and3A_2456 = arith.andi %ne3A_2450, %ne3A_2455 : vector<32x4xi1>
    %sub3A_2457 = arith.constant 1 : i32
    %sub3A_2458 = vector.broadcast %sub3A_2457 : i32 to vector<32x4xi32>
    %sub3A_2459 = arith.subi %div3A_2432, %sub3A_2458 : vector<32x4xi32>
    %select_n3A_2460 = arith.select %and3A_2456, %sub3A_2459, %div3A_2432 : vector<32x4xi1>, vector<32x4xi32>
    %reduce_max3A_2461 = arith.constant dense<0xFF800000> : vector<32xf32>
    %reduce_max3A_2462 = vector.multi_reduction <maximumf>, %concatenate3A_2428, %reduce_max3A_2461 [1] : vector<32x4xf32> to vector<32xf32>
    %broadcast_in_dim3A_2463 = vector.shape_cast %reduce_max3A_2462 : vector<32xf32> to vector<32x1xf32>
    %eq3A_2464 = vector.broadcast %broadcast_in_dim3A_2463 : vector<32x1xf32> to vector<32x4xf32>
    %eq3A_2465 = arith.cmpf oeq, %concatenate3A_2428, %eq3A_2464 : vector<32x4xf32>
    %jit3A_2466 = arith.constant 4 : i32
    %broadcast_in_dim3A_2467 = vector.broadcast %jit3A_2466 : i32 to vector<32x4xi32>
    %select_n3A_2468 = arith.select %eq3A_2465, %iota3A, %broadcast_in_dim3A_2467 : vector<32x4xi1>, vector<32x4xi32>
    %reduce_min3A_2469 = arith.constant dense<2147483647> : vector<32xi32>
    %reduce_min3A_2470 = vector.multi_reduction <minsi>, %select_n3A_2468, %reduce_min3A_2469 [1] : vector<32x4xi32> to vector<32xi32>
    %broadcast_in_dim3A_2471 = vector.shape_cast %reduce_min3A_2470 : vector<32xi32> to vector<32x1xi32>
    %iota3A_2472 = tpu.iota {dimensions = array<i32: 1>} : vector<32x128xi32>
    %mul3A = arith.constant 4 : i32
    %mul3A_2473 = vector.broadcast %mul3A : i32 to vector<32x1xi32>
    %mul3A_2474 = arith.muli %mul3A_2473, %iota3A_1 : vector<32x1xi32>
    %add3A_2475 = arith.addi %mul3A_2474, %broadcast_in_dim3A_2471 : vector<32x1xi32>
    %add3A_2476 = arith.constant 1920 : i32
    %add3A_2477 = vector.broadcast %add3A_2476 : i32 to vector<32x1xi32>
    %add3A_2478 = arith.addi %add3A_2477, %add3A_2475 : vector<32x1xi32>
    %swap3A = arith.constant 0 : index
    %swap3A_2479 = arith.constant 15 : index
    %swap3A_2480 = vector.load %arg2[%swap3A, %swap3A_2479] : memref<32x16xi32, #tpu.memory_space<vmem>>, vector<32x1xi32>
    tpu.vector_store %arg2[%swap3A, %swap3A_2479], %add3A_2478 {strides = array<i32>} : memref<32x16xi32, #tpu.memory_space<vmem>>, vector<32x1xi32>,
    %get3A_2481 = arith.constant 15 : index
    %get3A_2482 = arith.constant 0 : index
    %get3A_2483 = arith.constant 0 : index
    %get3A_2484 = vector.load %arg1[%get3A_2481, %get3A_2482, %get3A_2483] : memref<16x1x128xf32, #tpu.memory_space<vmem>>, vector<1x1x128xf32>
    %get3A_2485 = vector.shape_cast %get3A_2484 : vector<1x1x128xf32> to vector<1x128xf32>
    %broadcast_in_dim3A_2486 = vector.shape_cast %get3A_2485 : vector<1x128xf32> to vector<1x128xf32>
    %broadcast_in_dim3A_2487 = vector.broadcast %broadcast_in_dim3A_2486 : vector<1x128xf32> to vector<32x128xf32>
    %bitcast_convert_type3A = tpu.bitcast %broadcast_in_dim3A_2487 : vector<32x128xf32> -> vector<32x128xi32>
    %eq3A_2488 = vector.broadcast %add3A_2475 : vector<32x1xi32> to vector<32x128xi32>
    %eq3A_2489 = arith.cmpi eq, %iota3A_2472, %eq3A_2488 : vector<32x128xi32>
    %jit3A_2490 = arith.constant 0 : i32
    %broadcast_in_dim3A_2491 = vector.broadcast %jit3A_2490 : i32 to vector<32x128xi32>
    %select_n3A_2492 = arith.select %eq3A_2489, %bitcast_convert_type3A, %broadcast_in_dim3A_2491 : vector<32x128xi1>, vector<32x128xi32>
    %reduce_sum3A = arith.constant dense<0> : vector<32xi32>
    %reduce_sum3A_2493 = vector.multi_reduction <add>, %select_n3A_2492, %reduce_sum3A [1] : vector<32x128xi32> to vector<32xi32>
    %broadcast_in_dim3A_2494 = vector.shape_cast %reduce_sum3A_2493 : vector<32xi32> to vector<32x1xi32>
    %bitcast_convert_type3A_2495 = tpu.bitcast %broadcast_in_dim3A_2494 : vector<32x1xi32> -> vector<32x1xf32>
    %swap3A_2496 = arith.constant 0 : index
    %swap3A_2497 = arith.constant 15 : index
    %swap3A_2498 = vector.load %arg3[%swap3A_2496, %swap3A_2497] : memref<32x16xf32, #tpu.memory_space<vmem>>, vector<32x1xf32>
    tpu.vector_store %arg3[%swap3A_2496, %swap3A_2497], %bitcast_convert_type3A_2495 {strides = array<i32>} : memref<32x16xf32, #tpu.memory_space<vmem>>, vector<32x1xf32>,
    %eq3A_2499 = vector.broadcast %broadcast_in_dim3A_2471 : vector<32x1xi32> to vector<32x4xi32>
    %eq3A_2500 = arith.cmpi eq, %iota3A, %eq3A_2499 : vector<32x4xi32>
    %jit3A_2501 = arith.constant 4 : i32
    %broadcast_in_dim3A_2502 = vector.broadcast %jit3A_2501 : i32 to vector<32x4xi32>
    %select_n3A_2503 = arith.select %eq3A_2500, %select_n3A_2460, %broadcast_in_dim3A_2502 : vector<32x4xi1>, vector<32x4xi32>
    %reduce_min3A_2504 = arith.constant dense<2147483647> : vector<32xi32>
    %reduce_min3A_2505 = vector.multi_reduction <minsi>, %select_n3A_2503, %reduce_min3A_2504 [1] : vector<32x4xi32> to vector<32xi32>
    %broadcast_in_dim3A_2506 = vector.shape_cast %reduce_min3A_2505 : vector<32xi32> to vector<32x1xi32>
    %mul3A_2507 = arith.constant 4 : i32
    %mul3A_2508 = vector.broadcast %mul3A_2507 : i32 to vector<32x1xi32>
    %mul3A_2509 = arith.muli %mul3A_2508, %iota3A_1 : vector<32x1xi32>
    %add3A_2510 = arith.addi %mul3A_2509, %broadcast_in_dim3A_2506 : vector<32x1xi32>
    %add3A_2511 = arith.constant 1792 : i32
    %add3A_2512 = vector.broadcast %add3A_2511 : i32 to vector<32x1xi32>
    %add3A_2513 = arith.addi %add3A_2512, %add3A_2510 : vector<32x1xi32>
    %swap3A_2514 = arith.constant 0 : index
    %swap3A_2515 = arith.constant 14 : index
    %swap3A_2516 = vector.load %arg2[%swap3A_2514, %swap3A_2515] : memref<32x16xi32, #tpu.memory_space<vmem>>, vector<32x1xi32>
    tpu.vector_store %arg2[%swap3A_2514, %swap3A_2515], %add3A_2513 {strides = array<i32>} : memref<32x16xi32, #tpu.memory_space<vmem>>, vector<32x1xi32>,
    %get3A_2517 = arith.constant 14 : index
    %get3A_2518 = arith.constant 0 : index
    %get3A_2519 = arith.constant 0 : index
    %get3A_2520 = vector.load %arg1[%get3A_2517, %get3A_2518, %get3A_2519] : memref<16x1x128xf32, #tpu.memory_space<vmem>>, vector<1x1x128xf32>
    %get3A_2521 = vector.shape_cast %get3A_2520 : vector<1x1x128xf32> to vector<1x128xf32>
    %broadcast_in_dim3A_2522 = vector.shape_cast %get3A_2521 : vector<1x128xf32> to vector<1x128xf32>
    %broadcast_in_dim3A_2523 = vector.broadcast %broadcast_in_dim3A_2522 : vector<1x128xf32> to vector<32x128xf32>
    %bitcast_convert_type3A_2524 = tpu.bitcast %broadcast_in_dim3A_2523 : vector<32x128xf32> -> vector<32x128xi32>
    %eq3A_2525 = vector.broadcast %add3A_2510 : vector<32x1xi32> to vector<32x128xi32>
    %eq3A_2526 = arith.cmpi eq, %iota3A_2472, %eq3A_2525 : vector<32x128xi32>
    %jit3A_2527 = arith.constant 0 : i32
    %broadcast_in_dim3A_2528 = vector.broadcast %jit3A_2527 : i32 to vector<32x128xi32>
    %select_n3A_2529 = arith.select %eq3A_2526, %bitcast_convert_type3A_2524, %broadcast_in_dim3A_2528 : vector<32x128xi1>, vector<32x128xi32>
    %reduce_sum3A_2530 = arith.constant dense<0> : vector<32xi32>
    %reduce_sum3A_2531 = vector.multi_reduction <add>, %select_n3A_2529, %reduce_sum3A_2530 [1] : vector<32x128xi32> to vector<32xi32>
    %broadcast_in_dim3A_2532 = vector.shape_cast %reduce_sum3A_2531 : vector<32xi32> to vector<32x1xi32>
    %bitcast_convert_type3A_2533 = tpu.bitcast %broadcast_in_dim3A_2532 : vector<32x1xi32> -> vector<32x1xf32>
    %swap3A_2534 = arith.constant 0 : index
    %swap3A_2535 = arith.constant 14 : index
    %swap3A_2536 = vector.load %arg3[%swap3A_2534, %swap3A_2535] : memref<32x16xf32, #tpu.memory_space<vmem>>, vector<32x1xf32>
    tpu.vector_store %arg3[%swap3A_2534, %swap3A_2535], %bitcast_convert_type3A_2533 {strides = array<i32>} : memref<32x16xf32, #tpu.memory_space<vmem>>, vector<32x1xf32>,
    %eq3A_2537 = vector.broadcast %broadcast_in_dim3A_2506 : vector<32x1xi32> to vector<32x4xi32>
    %eq3A_2538 = arith.cmpi eq, %iota3A, %eq3A_2537 : vector<32x4xi32>
    %jit3A_2539 = arith.constant 4 : i32
    %broadcast_in_dim3A_2540 = vector.broadcast %jit3A_2539 : i32 to vector<32x4xi32>
    %select_n3A_2541 = arith.select %eq3A_2538, %select_n3A_2304, %broadcast_in_dim3A_2540 : vector<32x4xi1>, vector<32x4xi32>
    %reduce_min3A_2542 = arith.constant dense<2147483647> : vector<32xi32>
    %reduce_min3A_2543 = vector.multi_reduction <minsi>, %select_n3A_2541, %reduce_min3A_2542 [1] : vector<32x4xi32> to vector<32xi32>
    %broadcast_in_dim3A_2544 = vector.shape_cast %reduce_min3A_2543 : vector<32xi32> to vector<32x1xi32>
    %mul3A_2545 = arith.constant 4 : i32
    %mul3A_2546 = vector.broadcast %mul3A_2545 : i32 to vector<32x1xi32>
    %mul3A_2547 = arith.muli %mul3A_2546, %iota3A_1 : vector<32x1xi32>
    %add3A_2548 = arith.addi %mul3A_2547, %broadcast_in_dim3A_2544 : vector<32x1xi32>
    %add3A_2549 = arith.constant 1664 : i32
    %add3A_2550 = vector.broadcast %add3A_2549 : i32 to vector<32x1xi32>
    %add3A_2551 = arith.addi %add3A_2550, %add3A_2548 : vector<32x1xi32>
    %swap3A_2552 = arith.constant 0 : index
    %swap3A_2553 = arith.constant 13 : index
    %swap3A_2554 = vector.load %arg2[%swap3A_2552, %swap3A_2553] : memref<32x16xi32, #tpu.memory_space<vmem>>, vector<32x1xi32>
    tpu.vector_store %arg2[%swap3A_2552, %swap3A_2553], %add3A_2551 {strides = array<i32>} : memref<32x16xi32, #tpu.memory_space<vmem>>, vector<32x1xi32>,
    %get3A_2555 = arith.constant 13 : index
    %get3A_2556 = arith.constant 0 : index
    %get3A_2557 = arith.constant 0 : index
    %get3A_2558 = vector.load %arg1[%get3A_2555, %get3A_2556, %get3A_2557] : memref<16x1x128xf32, #tpu.memory_space<vmem>>, vector<1x1x128xf32>
    %get3A_2559 = vector.shape_cast %get3A_2558 : vector<1x1x128xf32> to vector<1x128xf32>
    %broadcast_in_dim3A_2560 = vector.shape_cast %get3A_2559 : vector<1x128xf32> to vector<1x128xf32>
    %broadcast_in_dim3A_2561 = vector.broadcast %broadcast_in_dim3A_2560 : vector<1x128xf32> to vector<32x128xf32>
    %bitcast_convert_type3A_2562 = tpu.bitcast %broadcast_in_dim3A_2561 : vector<32x128xf32> -> vector<32x128xi32>
    %eq3A_2563 = vector.broadcast %add3A_2548 : vector<32x1xi32> to vector<32x128xi32>
    %eq3A_2564 = arith.cmpi eq, %iota3A_2472, %eq3A_2563 : vector<32x128xi32>
    %jit3A_2565 = arith.constant 0 : i32
    %broadcast_in_dim3A_2566 = vector.broadcast %jit3A_2565 : i32 to vector<32x128xi32>
    %select_n3A_2567 = arith.select %eq3A_2564, %bitcast_convert_type3A_2562, %broadcast_in_dim3A_2566 : vector<32x128xi1>, vector<32x128xi32>
    %reduce_sum3A_2568 = arith.constant dense<0> : vector<32xi32>
    %reduce_sum3A_2569 = vector.multi_reduction <add>, %select_n3A_2567, %reduce_sum3A_2568 [1] : vector<32x128xi32> to vector<32xi32>
    %broadcast_in_dim3A_2570 = vector.shape_cast %reduce_sum3A_2569 : vector<32xi32> to vector<32x1xi32>
    %bitcast_convert_type3A_2571 = tpu.bitcast %broadcast_in_dim3A_2570 : vector<32x1xi32> -> vector<32x1xf32>
    %swap3A_2572 = arith.constant 0 : index
    %swap3A_2573 = arith.constant 13 : index
    %swap3A_2574 = vector.load %arg3[%swap3A_2572, %swap3A_2573] : memref<32x16xf32, #tpu.memory_space<vmem>>, vector<32x1xf32>
    tpu.vector_store %arg3[%swap3A_2572, %swap3A_2573], %bitcast_convert_type3A_2571 {strides = array<i32>} : memref<32x16xf32, #tpu.memory_space<vmem>>, vector<32x1xf32>,
    %eq3A_2575 = vector.broadcast %broadcast_in_dim3A_2544 : vector<32x1xi32> to vector<32x4xi32>
    %eq3A_2576 = arith.cmpi eq, %iota3A, %eq3A_2575 : vector<32x4xi32>
    %jit3A_2577 = arith.constant 4 : i32
    %broadcast_in_dim3A_2578 = vector.broadcast %jit3A_2577 : i32 to vector<32x4xi32>
    %select_n3A_2579 = arith.select %eq3A_2576, %select_n3A_2148, %broadcast_in_dim3A_2578 : vector<32x4xi1>, vector<32x4xi32>
    %reduce_min3A_2580 = arith.constant dense<2147483647> : vector<32xi32>
    %reduce_min3A_2581 = vector.multi_reduction <minsi>, %select_n3A_2579, %reduce_min3A_2580 [1] : vector<32x4xi32> to vector<32xi32>
    %broadcast_in_dim3A_2582 = vector.shape_cast %reduce_min3A_2581 : vector<32xi32> to vector<32x1xi32>
    %mul3A_2583 = arith.constant 4 : i32
    %mul3A_2584 = vector.broadcast %mul3A_2583 : i32 to vector<32x1xi32>
    %mul3A_2585 = arith.muli %mul3A_2584, %iota3A_1 : vector<32x1xi32>
    %add3A_2586 = arith.addi %mul3A_2585, %broadcast_in_dim3A_2582 : vector<32x1xi32>
    %add3A_2587 = arith.constant 1536 : i32
    %add3A_2588 = vector.broadcast %add3A_2587 : i32 to vector<32x1xi32>
    %add3A_2589 = arith.addi %add3A_2588, %add3A_2586 : vector<32x1xi32>
    %swap3A_2590 = arith.constant 0 : index
    %swap3A_2591 = arith.constant 12 : index
    %swap3A_2592 = vector.load %arg2[%swap3A_2590, %swap3A_2591] : memref<32x16xi32, #tpu.memory_space<vmem>>, vector<32x1xi32>
    tpu.vector_store %arg2[%swap3A_2590, %swap3A_2591], %add3A_2589 {strides = array<i32>} : memref<32x16xi32, #tpu.memory_space<vmem>>, vector<32x1xi32>,
    %get3A_2593 = arith.constant 12 : index
    %get3A_2594 = arith.constant 0 : index
    %get3A_2595 = arith.constant 0 : index
    %get3A_2596 = vector.load %arg1[%get3A_2593, %get3A_2594, %get3A_2595] : memref<16x1x128xf32, #tpu.memory_space<vmem>>, vector<1x1x128xf32>
    %get3A_2597 = vector.shape_cast %get3A_2596 : vector<1x1x128xf32> to vector<1x128xf32>
    %broadcast_in_dim3A_2598 = vector.shape_cast %get3A_2597 : vector<1x128xf32> to vector<1x128xf32>
    %broadcast_in_dim3A_2599 = vector.broadcast %broadcast_in_dim3A_2598 : vector<1x128xf32> to vector<32x128xf32>
    %bitcast_convert_type3A_2600 = tpu.bitcast %broadcast_in_dim3A_2599 : vector<32x128xf32> -> vector<32x128xi32>
    %eq3A_2601 = vector.broadcast %add3A_2586 : vector<32x1xi32> to vector<32x128xi32>
    %eq3A_2602 = arith.cmpi eq, %iota3A_2472, %eq3A_2601 : vector<32x128xi32>
    %jit3A_2603 = arith.constant 0 : i32
    %broadcast_in_dim3A_2604 = vector.broadcast %jit3A_2603 : i32 to vector<32x128xi32>
    %select_n3A_2605 = arith.select %eq3A_2602, %bitcast_convert_type3A_2600, %broadcast_in_dim3A_2604 : vector<32x128xi1>, vector<32x128xi32>
    %reduce_sum3A_2606 = arith.constant dense<0> : vector<32xi32>
    %reduce_sum3A_2607 = vector.multi_reduction <add>, %select_n3A_2605, %reduce_sum3A_2606 [1] : vector<32x128xi32> to vector<32xi32>
    %broadcast_in_dim3A_2608 = vector.shape_cast %reduce_sum3A_2607 : vector<32xi32> to vector<32x1xi32>
    %bitcast_convert_type3A_2609 = tpu.bitcast %broadcast_in_dim3A_2608 : vector<32x1xi32> -> vector<32x1xf32>
    %swap3A_2610 = arith.constant 0 : index
    %swap3A_2611 = arith.constant 12 : index
    %swap3A_2612 = vector.load %arg3[%swap3A_2610, %swap3A_2611] : memref<32x16xf32, #tpu.memory_space<vmem>>, vector<32x1xf32>
    tpu.vector_store %arg3[%swap3A_2610, %swap3A_2611], %bitcast_convert_type3A_2609 {strides = array<i32>} : memref<32x16xf32, #tpu.memory_space<vmem>>, vector<32x1xf32>,
    %eq3A_2613 = vector.broadcast %broadcast_in_dim3A_2582 : vector<32x1xi32> to vector<32x4xi32>
    %eq3A_2614 = arith.cmpi eq, %iota3A, %eq3A_2613 : vector<32x4xi32>
    %jit3A_2615 = arith.constant 4 : i32
    %broadcast_in_dim3A_2616 = vector.broadcast %jit3A_2615 : i32 to vector<32x4xi32>
    %select_n3A_2617 = arith.select %eq3A_2614, %select_n3A_1992, %broadcast_in_dim3A_2616 : vector<32x4xi1>, vector<32x4xi32>
    %reduce_min3A_2618 = arith.constant dense<2147483647> : vector<32xi32>
    %reduce_min3A_2619 = vector.multi_reduction <minsi>, %select_n3A_2617, %reduce_min3A_2618 [1] : vector<32x4xi32> to vector<32xi32>
    %broadcast_in_dim3A_2620 = vector.shape_cast %reduce_min3A_2619 : vector<32xi32> to vector<32x1xi32>
    %mul3A_2621 = arith.constant 4 : i32
    %mul3A_2622 = vector.broadcast %mul3A_2621 : i32 to vector<32x1xi32>
    %mul3A_2623 = arith.muli %mul3A_2622, %iota3A_1 : vector<32x1xi32>
    %add3A_2624 = arith.addi %mul3A_2623, %broadcast_in_dim3A_2620 : vector<32x1xi32>
    %add3A_2625 = arith.constant 1408 : i32
    %add3A_2626 = vector.broadcast %add3A_2625 : i32 to vector<32x1xi32>
    %add3A_2627 = arith.addi %add3A_2626, %add3A_2624 : vector<32x1xi32>
    %swap3A_2628 = arith.constant 0 : index
    %swap3A_2629 = arith.constant 11 : index
    %swap3A_2630 = vector.load %arg2[%swap3A_2628, %swap3A_2629] : memref<32x16xi32, #tpu.memory_space<vmem>>, vector<32x1xi32>
    tpu.vector_store %arg2[%swap3A_2628, %swap3A_2629], %add3A_2627 {strides = array<i32>} : memref<32x16xi32, #tpu.memory_space<vmem>>, vector<32x1xi32>,
    %get3A_2631 = arith.constant 11 : index
    %get3A_2632 = arith.constant 0 : index
    %get3A_2633 = arith.constant 0 : index
    %get3A_2634 = vector.load %arg1[%get3A_2631, %get3A_2632, %get3A_2633] : memref<16x1x128xf32, #tpu.memory_space<vmem>>, vector<1x1x128xf32>
    %get3A_2635 = vector.shape_cast %get3A_2634 : vector<1x1x128xf32> to vector<1x128xf32>
    %broadcast_in_dim3A_2636 = vector.shape_cast %get3A_2635 : vector<1x128xf32> to vector<1x128xf32>
    %broadcast_in_dim3A_2637 = vector.broadcast %broadcast_in_dim3A_2636 : vector<1x128xf32> to vector<32x128xf32>
    %bitcast_convert_type3A_2638 = tpu.bitcast %broadcast_in_dim3A_2637 : vector<32x128xf32> -> vector<32x128xi32>
    %eq3A_2639 = vector.broadcast %add3A_2624 : vector<32x1xi32> to vector<32x128xi32>
    %eq3A_2640 = arith.cmpi eq, %iota3A_2472, %eq3A_2639 : vector<32x128xi32>
    %jit3A_2641 = arith.constant 0 : i32
    %broadcast_in_dim3A_2642 = vector.broadcast %jit3A_2641 : i32 to vector<32x128xi32>
    %select_n3A_2643 = arith.select %eq3A_2640, %bitcast_convert_type3A_2638, %broadcast_in_dim3A_2642 : vector<32x128xi1>, vector<32x128xi32>
    %reduce_sum3A_2644 = arith.constant dense<0> : vector<32xi32>
    %reduce_sum3A_2645 = vector.multi_reduction <add>, %select_n3A_2643, %reduce_sum3A_2644 [1] : vector<32x128xi32> to vector<32xi32>
    %broadcast_in_dim3A_2646 = vector.shape_cast %reduce_sum3A_2645 : vector<32xi32> to vector<32x1xi32>
    %bitcast_convert_type3A_2647 = tpu.bitcast %broadcast_in_dim3A_2646 : vector<32x1xi32> -> vector<32x1xf32>
    %swap3A_2648 = arith.constant 0 : index
    %swap3A_2649 = arith.constant 11 : index
    %swap3A_2650 = vector.load %arg3[%swap3A_2648, %swap3A_2649] : memref<32x16xf32, #tpu.memory_space<vmem>>, vector<32x1xf32>
    tpu.vector_store %arg3[%swap3A_2648, %swap3A_2649], %bitcast_convert_type3A_2647 {strides = array<i32>} : memref<32x16xf32, #tpu.memory_space<vmem>>, vector<32x1xf32>,
    %eq3A_2651 = vector.broadcast %broadcast_in_dim3A_2620 : vector<32x1xi32> to vector<32x4xi32>
    %eq3A_2652 = arith.cmpi eq, %iota3A, %eq3A_2651 : vector<32x4xi32>
    %jit3A_2653 = arith.constant 4 : i32
    %broadcast_in_dim3A_2654 = vector.broadcast %jit3A_2653 : i32 to vector<32x4xi32>
    %select_n3A_2655 = arith.select %eq3A_2652, %select_n3A_1836, %broadcast_in_dim3A_2654 : vector<32x4xi1>, vector<32x4xi32>
    %reduce_min3A_2656 = arith.constant dense<2147483647> : vector<32xi32>
    %reduce_min3A_2657 = vector.multi_reduction <minsi>, %select_n3A_2655, %reduce_min3A_2656 [1] : vector<32x4xi32> to vector<32xi32>
    %broadcast_in_dim3A_2658 = vector.shape_cast %reduce_min3A_2657 : vector<32xi32> to vector<32x1xi32>
    %mul3A_2659 = arith.constant 4 : i32
    %mul3A_2660 = vector.broadcast %mul3A_2659 : i32 to vector<32x1xi32>
    %mul3A_2661 = arith.muli %mul3A_2660, %iota3A_1 : vector<32x1xi32>
    %add3A_2662 = arith.addi %mul3A_2661, %broadcast_in_dim3A_2658 : vector<32x1xi32>
    %add3A_2663 = arith.constant 1280 : i32
    %add3A_2664 = vector.broadcast %add3A_2663 : i32 to vector<32x1xi32>
    %add3A_2665 = arith.addi %add3A_2664, %add3A_2662 : vector<32x1xi32>
    %swap3A_2666 = arith.constant 0 : index
    %swap3A_2667 = arith.constant 10 : index
    %swap3A_2668 = vector.load %arg2[%swap3A_2666, %swap3A_2667] : memref<32x16xi32, #tpu.memory_space<vmem>>, vector<32x1xi32>
    tpu.vector_store %arg2[%swap3A_2666, %swap3A_2667], %add3A_2665 {strides = array<i32>} : memref<32x16xi32, #tpu.memory_space<vmem>>, vector<32x1xi32>,
    %get3A_2669 = arith.constant 10 : index
    %get3A_2670 = arith.constant 0 : index
    %get3A_2671 = arith.constant 0 : index
    %get3A_2672 = vector.load %arg1[%get3A_2669, %get3A_2670, %get3A_2671] : memref<16x1x128xf32, #tpu.memory_space<vmem>>, vector<1x1x128xf32>
    %get3A_2673 = vector.shape_cast %get3A_2672 : vector<1x1x128xf32> to vector<1x128xf32>
    %broadcast_in_dim3A_2674 = vector.shape_cast %get3A_2673 : vector<1x128xf32> to vector<1x128xf32>
    %broadcast_in_dim3A_2675 = vector.broadcast %broadcast_in_dim3A_2674 : vector<1x128xf32> to vector<32x128xf32>
    %bitcast_convert_type3A_2676 = tpu.bitcast %broadcast_in_dim3A_2675 : vector<32x128xf32> -> vector<32x128xi32>
    %eq3A_2677 = vector.broadcast %add3A_2662 : vector<32x1xi32> to vector<32x128xi32>
    %eq3A_2678 = arith.cmpi eq, %iota3A_2472, %eq3A_2677 : vector<32x128xi32>
    %jit3A_2679 = arith.constant 0 : i32
    %broadcast_in_dim3A_2680 = vector.broadcast %jit3A_2679 : i32 to vector<32x128xi32>
    %select_n3A_2681 = arith.select %eq3A_2678, %bitcast_convert_type3A_2676, %broadcast_in_dim3A_2680 : vector<32x128xi1>, vector<32x128xi32>
    %reduce_sum3A_2682 = arith.constant dense<0> : vector<32xi32>
    %reduce_sum3A_2683 = vector.multi_reduction <add>, %select_n3A_2681, %reduce_sum3A_2682 [1] : vector<32x128xi32> to vector<32xi32>
    %broadcast_in_dim3A_2684 = vector.shape_cast %reduce_sum3A_2683 : vector<32xi32> to vector<32x1xi32>
    %bitcast_convert_type3A_2685 = tpu.bitcast %broadcast_in_dim3A_2684 : vector<32x1xi32> -> vector<32x1xf32>
    %swap3A_2686 = arith.constant 0 : index
    %swap3A_2687 = arith.constant 10 : index
    %swap3A_2688 = vector.load %arg3[%swap3A_2686, %swap3A_2687] : memref<32x16xf32, #tpu.memory_space<vmem>>, vector<32x1xf32>
    tpu.vector_store %arg3[%swap3A_2686, %swap3A_2687], %bitcast_convert_type3A_2685 {strides = array<i32>} : memref<32x16xf32, #tpu.memory_space<vmem>>, vector<32x1xf32>,
    %eq3A_2689 = vector.broadcast %broadcast_in_dim3A_2658 : vector<32x1xi32> to vector<32x4xi32>
    %eq3A_2690 = arith.cmpi eq, %iota3A, %eq3A_2689 : vector<32x4xi32>
    %jit3A_2691 = arith.constant 4 : i32
    %broadcast_in_dim3A_2692 = vector.broadcast %jit3A_2691 : i32 to vector<32x4xi32>
    %select_n3A_2693 = arith.select %eq3A_2690, %select_n3A_1680, %broadcast_in_dim3A_2692 : vector<32x4xi1>, vector<32x4xi32>
    %reduce_min3A_2694 = arith.constant dense<2147483647> : vector<32xi32>
    %reduce_min3A_2695 = vector.multi_reduction <minsi>, %select_n3A_2693, %reduce_min3A_2694 [1] : vector<32x4xi32> to vector<32xi32>
    %broadcast_in_dim3A_2696 = vector.shape_cast %reduce_min3A_2695 : vector<32xi32> to vector<32x1xi32>
    %mul3A_2697 = arith.constant 4 : i32
    %mul3A_2698 = vector.broadcast %mul3A_2697 : i32 to vector<32x1xi32>
    %mul3A_2699 = arith.muli %mul3A_2698, %iota3A_1 : vector<32x1xi32>
    %add3A_2700 = arith.addi %mul3A_2699, %broadcast_in_dim3A_2696 : vector<32x1xi32>
    %add3A_2701 = arith.constant 1152 : i32
    %add3A_2702 = vector.broadcast %add3A_2701 : i32 to vector<32x1xi32>
    %add3A_2703 = arith.addi %add3A_2702, %add3A_2700 : vector<32x1xi32>
    %swap3A_2704 = arith.constant 0 : index
    %swap3A_2705 = arith.constant 9 : index
    %swap3A_2706 = vector.load %arg2[%swap3A_2704, %swap3A_2705] : memref<32x16xi32, #tpu.memory_space<vmem>>, vector<32x1xi32>
    tpu.vector_store %arg2[%swap3A_2704, %swap3A_2705], %add3A_2703 {strides = array<i32>} : memref<32x16xi32, #tpu.memory_space<vmem>>, vector<32x1xi32>,
    %get3A_2707 = arith.constant 9 : index
    %get3A_2708 = arith.constant 0 : index
    %get3A_2709 = arith.constant 0 : index
    %get3A_2710 = vector.load %arg1[%get3A_2707, %get3A_2708, %get3A_2709] : memref<16x1x128xf32, #tpu.memory_space<vmem>>, vector<1x1x128xf32>
    %get3A_2711 = vector.shape_cast %get3A_2710 : vector<1x1x128xf32> to vector<1x128xf32>
    %broadcast_in_dim3A_2712 = vector.shape_cast %get3A_2711 : vector<1x128xf32> to vector<1x128xf32>
    %broadcast_in_dim3A_2713 = vector.broadcast %broadcast_in_dim3A_2712 : vector<1x128xf32> to vector<32x128xf32>
    %bitcast_convert_type3A_2714 = tpu.bitcast %broadcast_in_dim3A_2713 : vector<32x128xf32> -> vector<32x128xi32>
    %eq3A_2715 = vector.broadcast %add3A_2700 : vector<32x1xi32> to vector<32x128xi32>
    %eq3A_2716 = arith.cmpi eq, %iota3A_2472, %eq3A_2715 : vector<32x128xi32>
    %jit3A_2717 = arith.constant 0 : i32
    %broadcast_in_dim3A_2718 = vector.broadcast %jit3A_2717 : i32 to vector<32x128xi32>
    %select_n3A_2719 = arith.select %eq3A_2716, %bitcast_convert_type3A_2714, %broadcast_in_dim3A_2718 : vector<32x128xi1>, vector<32x128xi32>
    %reduce_sum3A_2720 = arith.constant dense<0> : vector<32xi32>
    %reduce_sum3A_2721 = vector.multi_reduction <add>, %select_n3A_2719, %reduce_sum3A_2720 [1] : vector<32x128xi32> to vector<32xi32>
    %broadcast_in_dim3A_2722 = vector.shape_cast %reduce_sum3A_2721 : vector<32xi32> to vector<32x1xi32>
    %bitcast_convert_type3A_2723 = tpu.bitcast %broadcast_in_dim3A_2722 : vector<32x1xi32> -> vector<32x1xf32>
    %swap3A_2724 = arith.constant 0 : index
    %swap3A_2725 = arith.constant 9 : index
    %swap3A_2726 = vector.load %arg3[%swap3A_2724, %swap3A_2725] : memref<32x16xf32, #tpu.memory_space<vmem>>, vector<32x1xf32>
    tpu.vector_store %arg3[%swap3A_2724, %swap3A_2725], %bitcast_convert_type3A_2723 {strides = array<i32>} : memref<32x16xf32, #tpu.memory_space<vmem>>, vector<32x1xf32>,
    %eq3A_2727 = vector.broadcast %broadcast_in_dim3A_2696 : vector<32x1xi32> to vector<32x4xi32>
    %eq3A_2728 = arith.cmpi eq, %iota3A, %eq3A_2727 : vector<32x4xi32>
    %jit3A_2729 = arith.constant 4 : i32
    %broadcast_in_dim3A_2730 = vector.broadcast %jit3A_2729 : i32 to vector<32x4xi32>
    %select_n3A_2731 = arith.select %eq3A_2728, %select_n3A_1524, %broadcast_in_dim3A_2730 : vector<32x4xi1>, vector<32x4xi32>
    %reduce_min3A_2732 = arith.constant dense<2147483647> : vector<32xi32>
    %reduce_min3A_2733 = vector.multi_reduction <minsi>, %select_n3A_2731, %reduce_min3A_2732 [1] : vector<32x4xi32> to vector<32xi32>
    %broadcast_in_dim3A_2734 = vector.shape_cast %reduce_min3A_2733 : vector<32xi32> to vector<32x1xi32>
    %mul3A_2735 = arith.constant 4 : i32
    %mul3A_2736 = vector.broadcast %mul3A_2735 : i32 to vector<32x1xi32>
    %mul3A_2737 = arith.muli %mul3A_2736, %iota3A_1 : vector<32x1xi32>
    %add3A_2738 = arith.addi %mul3A_2737, %broadcast_in_dim3A_2734 : vector<32x1xi32>
    %add3A_2739 = arith.constant 1024 : i32
    %add3A_2740 = vector.broadcast %add3A_2739 : i32 to vector<32x1xi32>
    %add3A_2741 = arith.addi %add3A_2740, %add3A_2738 : vector<32x1xi32>
    %swap3A_2742 = arith.constant 0 : index
    %swap3A_2743 = arith.constant 8 : index
    %swap3A_2744 = vector.load %arg2[%swap3A_2742, %swap3A_2743] : memref<32x16xi32, #tpu.memory_space<vmem>>, vector<32x1xi32>
    tpu.vector_store %arg2[%swap3A_2742, %swap3A_2743], %add3A_2741 {strides = array<i32>} : memref<32x16xi32, #tpu.memory_space<vmem>>, vector<32x1xi32>,
    %get3A_2745 = arith.constant 8 : index
    %get3A_2746 = arith.constant 0 : index
    %get3A_2747 = arith.constant 0 : index
    %get3A_2748 = vector.load %arg1[%get3A_2745, %get3A_2746, %get3A_2747] : memref<16x1x128xf32, #tpu.memory_space<vmem>>, vector<1x1x128xf32>
    %get3A_2749 = vector.shape_cast %get3A_2748 : vector<1x1x128xf32> to vector<1x128xf32>
    %broadcast_in_dim3A_2750 = vector.shape_cast %get3A_2749 : vector<1x128xf32> to vector<1x128xf32>
    %broadcast_in_dim3A_2751 = vector.broadcast %broadcast_in_dim3A_2750 : vector<1x128xf32> to vector<32x128xf32>
    %bitcast_convert_type3A_2752 = tpu.bitcast %broadcast_in_dim3A_2751 : vector<32x128xf32> -> vector<32x128xi32>
    %eq3A_2753 = vector.broadcast %add3A_2738 : vector<32x1xi32> to vector<32x128xi32>
    %eq3A_2754 = arith.cmpi eq, %iota3A_2472, %eq3A_2753 : vector<32x128xi32>
    %jit3A_2755 = arith.constant 0 : i32
    %broadcast_in_dim3A_2756 = vector.broadcast %jit3A_2755 : i32 to vector<32x128xi32>
    %select_n3A_2757 = arith.select %eq3A_2754, %bitcast_convert_type3A_2752, %broadcast_in_dim3A_2756 : vector<32x128xi1>, vector<32x128xi32>
    %reduce_sum3A_2758 = arith.constant dense<0> : vector<32xi32>
    %reduce_sum3A_2759 = vector.multi_reduction <add>, %select_n3A_2757, %reduce_sum3A_2758 [1] : vector<32x128xi32> to vector<32xi32>
    %broadcast_in_dim3A_2760 = vector.shape_cast %reduce_sum3A_2759 : vector<32xi32> to vector<32x1xi32>
    %bitcast_convert_type3A_2761 = tpu.bitcast %broadcast_in_dim3A_2760 : vector<32x1xi32> -> vector<32x1xf32>
    %swap3A_2762 = arith.constant 0 : index
    %swap3A_2763 = arith.constant 8 : index
    %swap3A_2764 = vector.load %arg3[%swap3A_2762, %swap3A_2763] : memref<32x16xf32, #tpu.memory_space<vmem>>, vector<32x1xf32>
    tpu.vector_store %arg3[%swap3A_2762, %swap3A_2763], %bitcast_convert_type3A_2761 {strides = array<i32>} : memref<32x16xf32, #tpu.memory_space<vmem>>, vector<32x1xf32>,
    %eq3A_2765 = vector.broadcast %broadcast_in_dim3A_2734 : vector<32x1xi32> to vector<32x4xi32>
    %eq3A_2766 = arith.cmpi eq, %iota3A, %eq3A_2765 : vector<32x4xi32>
    %jit3A_2767 = arith.constant 4 : i32
    %broadcast_in_dim3A_2768 = vector.broadcast %jit3A_2767 : i32 to vector<32x4xi32>
    %select_n3A_2769 = arith.select %eq3A_2766, %select_n3A_1368, %broadcast_in_dim3A_2768 : vector<32x4xi1>, vector<32x4xi32>
    %reduce_min3A_2770 = arith.constant dense<2147483647> : vector<32xi32>
    %reduce_min3A_2771 = vector.multi_reduction <minsi>, %select_n3A_2769, %reduce_min3A_2770 [1] : vector<32x4xi32> to vector<32xi32>
    %broadcast_in_dim3A_2772 = vector.shape_cast %reduce_min3A_2771 : vector<32xi32> to vector<32x1xi32>
    %mul3A_2773 = arith.constant 4 : i32
    %mul3A_2774 = vector.broadcast %mul3A_2773 : i32 to vector<32x1xi32>
    %mul3A_2775 = arith.muli %mul3A_2774, %iota3A_1 : vector<32x1xi32>
    %add3A_2776 = arith.addi %mul3A_2775, %broadcast_in_dim3A_2772 : vector<32x1xi32>
    %add3A_2777 = arith.constant 896 : i32
    %add3A_2778 = vector.broadcast %add3A_2777 : i32 to vector<32x1xi32>
    %add3A_2779 = arith.addi %add3A_2778, %add3A_2776 : vector<32x1xi32>
    %swap3A_2780 = arith.constant 0 : index
    %swap3A_2781 = arith.constant 7 : index
    %swap3A_2782 = vector.load %arg2[%swap3A_2780, %swap3A_2781] : memref<32x16xi32, #tpu.memory_space<vmem>>, vector<32x1xi32>
    tpu.vector_store %arg2[%swap3A_2780, %swap3A_2781], %add3A_2779 {strides = array<i32>} : memref<32x16xi32, #tpu.memory_space<vmem>>, vector<32x1xi32>,
    %get3A_2783 = arith.constant 7 : index
    %get3A_2784 = arith.constant 0 : index
    %get3A_2785 = arith.constant 0 : index
    %get3A_2786 = vector.load %arg1[%get3A_2783, %get3A_2784, %get3A_2785] : memref<16x1x128xf32, #tpu.memory_space<vmem>>, vector<1x1x128xf32>
    %get3A_2787 = vector.shape_cast %get3A_2786 : vector<1x1x128xf32> to vector<1x128xf32>
    %broadcast_in_dim3A_2788 = vector.shape_cast %get3A_2787 : vector<1x128xf32> to vector<1x128xf32>
    %broadcast_in_dim3A_2789 = vector.broadcast %broadcast_in_dim3A_2788 : vector<1x128xf32> to vector<32x128xf32>
    %bitcast_convert_type3A_2790 = tpu.bitcast %broadcast_in_dim3A_2789 : vector<32x128xf32> -> vector<32x128xi32>
    %eq3A_2791 = vector.broadcast %add3A_2776 : vector<32x1xi32> to vector<32x128xi32>
    %eq3A_2792 = arith.cmpi eq, %iota3A_2472, %eq3A_2791 : vector<32x128xi32>
    %jit3A_2793 = arith.constant 0 : i32
    %broadcast_in_dim3A_2794 = vector.broadcast %jit3A_2793 : i32 to vector<32x128xi32>
    %select_n3A_2795 = arith.select %eq3A_2792, %bitcast_convert_type3A_2790, %broadcast_in_dim3A_2794 : vector<32x128xi1>, vector<32x128xi32>
    %reduce_sum3A_2796 = arith.constant dense<0> : vector<32xi32>
    %reduce_sum3A_2797 = vector.multi_reduction <add>, %select_n3A_2795, %reduce_sum3A_2796 [1] : vector<32x128xi32> to vector<32xi32>
    %broadcast_in_dim3A_2798 = vector.shape_cast %reduce_sum3A_2797 : vector<32xi32> to vector<32x1xi32>
    %bitcast_convert_type3A_2799 = tpu.bitcast %broadcast_in_dim3A_2798 : vector<32x1xi32> -> vector<32x1xf32>
    %swap3A_2800 = arith.constant 0 : index
    %swap3A_2801 = arith.constant 7 : index
    %swap3A_2802 = vector.load %arg3[%swap3A_2800, %swap3A_2801] : memref<32x16xf32, #tpu.memory_space<vmem>>, vector<32x1xf32>
    tpu.vector_store %arg3[%swap3A_2800, %swap3A_2801], %bitcast_convert_type3A_2799 {strides = array<i32>} : memref<32x16xf32, #tpu.memory_space<vmem>>, vector<32x1xf32>,
    %eq3A_2803 = vector.broadcast %broadcast_in_dim3A_2772 : vector<32x1xi32> to vector<32x4xi32>
    %eq3A_2804 = arith.cmpi eq, %iota3A, %eq3A_2803 : vector<32x4xi32>
    %jit3A_2805 = arith.constant 4 : i32
    %broadcast_in_dim3A_2806 = vector.broadcast %jit3A_2805 : i32 to vector<32x4xi32>
    %select_n3A_2807 = arith.select %eq3A_2804, %select_n3A_1212, %broadcast_in_dim3A_2806 : vector<32x4xi1>, vector<32x4xi32>
    %reduce_min3A_2808 = arith.constant dense<2147483647> : vector<32xi32>
    %reduce_min3A_2809 = vector.multi_reduction <minsi>, %select_n3A_2807, %reduce_min3A_2808 [1] : vector<32x4xi32> to vector<32xi32>
    %broadcast_in_dim3A_2810 = vector.shape_cast %reduce_min3A_2809 : vector<32xi32> to vector<32x1xi32>
    %mul3A_2811 = arith.constant 4 : i32
    %mul3A_2812 = vector.broadcast %mul3A_2811 : i32 to vector<32x1xi32>
    %mul3A_2813 = arith.muli %mul3A_2812, %iota3A_1 : vector<32x1xi32>
    %add3A_2814 = arith.addi %mul3A_2813, %broadcast_in_dim3A_2810 : vector<32x1xi32>
    %add3A_2815 = arith.constant 768 : i32
    %add3A_2816 = vector.broadcast %add3A_2815 : i32 to vector<32x1xi32>
    %add3A_2817 = arith.addi %add3A_2816, %add3A_2814 : vector<32x1xi32>
    %swap3A_2818 = arith.constant 0 : index
    %swap3A_2819 = arith.constant 6 : index
    %swap3A_2820 = vector.load %arg2[%swap3A_2818, %swap3A_2819] : memref<32x16xi32, #tpu.memory_space<vmem>>, vector<32x1xi32>
    tpu.vector_store %arg2[%swap3A_2818, %swap3A_2819], %add3A_2817 {strides = array<i32>} : memref<32x16xi32, #tpu.memory_space<vmem>>, vector<32x1xi32>,
    %get3A_2821 = arith.constant 6 : index
    %get3A_2822 = arith.constant 0 : index
    %get3A_2823 = arith.constant 0 : index
    %get3A_2824 = vector.load %arg1[%get3A_2821, %get3A_2822, %get3A_2823] : memref<16x1x128xf32, #tpu.memory_space<vmem>>, vector<1x1x128xf32>
    %get3A_2825 = vector.shape_cast %get3A_2824 : vector<1x1x128xf32> to vector<1x128xf32>
    %broadcast_in_dim3A_2826 = vector.shape_cast %get3A_2825 : vector<1x128xf32> to vector<1x128xf32>
    %broadcast_in_dim3A_2827 = vector.broadcast %broadcast_in_dim3A_2826 : vector<1x128xf32> to vector<32x128xf32>
    %bitcast_convert_type3A_2828 = tpu.bitcast %broadcast_in_dim3A_2827 : vector<32x128xf32> -> vector<32x128xi32>
    %eq3A_2829 = vector.broadcast %add3A_2814 : vector<32x1xi32> to vector<32x128xi32>
    %eq3A_2830 = arith.cmpi eq, %iota3A_2472, %eq3A_2829 : vector<32x128xi32>
    %jit3A_2831 = arith.constant 0 : i32
    %broadcast_in_dim3A_2832 = vector.broadcast %jit3A_2831 : i32 to vector<32x128xi32>
    %select_n3A_2833 = arith.select %eq3A_2830, %bitcast_convert_type3A_2828, %broadcast_in_dim3A_2832 : vector<32x128xi1>, vector<32x128xi32>
    %reduce_sum3A_2834 = arith.constant dense<0> : vector<32xi32>
    %reduce_sum3A_2835 = vector.multi_reduction <add>, %select_n3A_2833, %reduce_sum3A_2834 [1] : vector<32x128xi32> to vector<32xi32>
    %broadcast_in_dim3A_2836 = vector.shape_cast %reduce_sum3A_2835 : vector<32xi32> to vector<32x1xi32>
    %bitcast_convert_type3A_2837 = tpu.bitcast %broadcast_in_dim3A_2836 : vector<32x1xi32> -> vector<32x1xf32>
    %swap3A_2838 = arith.constant 0 : index
    %swap3A_2839 = arith.constant 6 : index
    %swap3A_2840 = vector.load %arg3[%swap3A_2838, %swap3A_2839] : memref<32x16xf32, #tpu.memory_space<vmem>>, vector<32x1xf32>
    tpu.vector_store %arg3[%swap3A_2838, %swap3A_2839], %bitcast_convert_type3A_2837 {strides = array<i32>} : memref<32x16xf32, #tpu.memory_space<vmem>>, vector<32x1xf32>,
    %eq3A_2841 = vector.broadcast %broadcast_in_dim3A_2810 : vector<32x1xi32> to vector<32x4xi32>
    %eq3A_2842 = arith.cmpi eq, %iota3A, %eq3A_2841 : vector<32x4xi32>
    %jit3A_2843 = arith.constant 4 : i32
    %broadcast_in_dim3A_2844 = vector.broadcast %jit3A_2843 : i32 to vector<32x4xi32>
    %select_n3A_2845 = arith.select %eq3A_2842, %select_n3A_1056, %broadcast_in_dim3A_2844 : vector<32x4xi1>, vector<32x4xi32>
    %reduce_min3A_2846 = arith.constant dense<2147483647> : vector<32xi32>
    %reduce_min3A_2847 = vector.multi_reduction <minsi>, %select_n3A_2845, %reduce_min3A_2846 [1] : vector<32x4xi32> to vector<32xi32>
    %broadcast_in_dim3A_2848 = vector.shape_cast %reduce_min3A_2847 : vector<32xi32> to vector<32x1xi32>
    %mul3A_2849 = arith.constant 4 : i32
    %mul3A_2850 = vector.broadcast %mul3A_2849 : i32 to vector<32x1xi32>
    %mul3A_2851 = arith.muli %mul3A_2850, %iota3A_1 : vector<32x1xi32>
    %add3A_2852 = arith.addi %mul3A_2851, %broadcast_in_dim3A_2848 : vector<32x1xi32>
    %add3A_2853 = arith.constant 640 : i32
    %add3A_2854 = vector.broadcast %add3A_2853 : i32 to vector<32x1xi32>
    %add3A_2855 = arith.addi %add3A_2854, %add3A_2852 : vector<32x1xi32>
    %swap3A_2856 = arith.constant 0 : index
    %swap3A_2857 = arith.constant 5 : index
    %swap3A_2858 = vector.load %arg2[%swap3A_2856, %swap3A_2857] : memref<32x16xi32, #tpu.memory_space<vmem>>, vector<32x1xi32>
    tpu.vector_store %arg2[%swap3A_2856, %swap3A_2857], %add3A_2855 {strides = array<i32>} : memref<32x16xi32, #tpu.memory_space<vmem>>, vector<32x1xi32>,
    %get3A_2859 = arith.constant 5 : index
    %get3A_2860 = arith.constant 0 : index
    %get3A_2861 = arith.constant 0 : index
    %get3A_2862 = vector.load %arg1[%get3A_2859, %get3A_2860, %get3A_2861] : memref<16x1x128xf32, #tpu.memory_space<vmem>>, vector<1x1x128xf32>
    %get3A_2863 = vector.shape_cast %get3A_2862 : vector<1x1x128xf32> to vector<1x128xf32>
    %broadcast_in_dim3A_2864 = vector.shape_cast %get3A_2863 : vector<1x128xf32> to vector<1x128xf32>
    %broadcast_in_dim3A_2865 = vector.broadcast %broadcast_in_dim3A_2864 : vector<1x128xf32> to vector<32x128xf32>
    %bitcast_convert_type3A_2866 = tpu.bitcast %broadcast_in_dim3A_2865 : vector<32x128xf32> -> vector<32x128xi32>
    %eq3A_2867 = vector.broadcast %add3A_2852 : vector<32x1xi32> to vector<32x128xi32>
    %eq3A_2868 = arith.cmpi eq, %iota3A_2472, %eq3A_2867 : vector<32x128xi32>
    %jit3A_2869 = arith.constant 0 : i32
    %broadcast_in_dim3A_2870 = vector.broadcast %jit3A_2869 : i32 to vector<32x128xi32>
    %select_n3A_2871 = arith.select %eq3A_2868, %bitcast_convert_type3A_2866, %broadcast_in_dim3A_2870 : vector<32x128xi1>, vector<32x128xi32>
    %reduce_sum3A_2872 = arith.constant dense<0> : vector<32xi32>
    %reduce_sum3A_2873 = vector.multi_reduction <add>, %select_n3A_2871, %reduce_sum3A_2872 [1] : vector<32x128xi32> to vector<32xi32>
    %broadcast_in_dim3A_2874 = vector.shape_cast %reduce_sum3A_2873 : vector<32xi32> to vector<32x1xi32>
    %bitcast_convert_type3A_2875 = tpu.bitcast %broadcast_in_dim3A_2874 : vector<32x1xi32> -> vector<32x1xf32>
    %swap3A_2876 = arith.constant 0 : index
    %swap3A_2877 = arith.constant 5 : index
    %swap3A_2878 = vector.load %arg3[%swap3A_2876, %swap3A_2877] : memref<32x16xf32, #tpu.memory_space<vmem>>, vector<32x1xf32>
    tpu.vector_store %arg3[%swap3A_2876, %swap3A_2877], %bitcast_convert_type3A_2875 {strides = array<i32>} : memref<32x16xf32, #tpu.memory_space<vmem>>, vector<32x1xf32>,
    %eq3A_2879 = vector.broadcast %broadcast_in_dim3A_2848 : vector<32x1xi32> to vector<32x4xi32>
    %eq3A_2880 = arith.cmpi eq, %iota3A, %eq3A_2879 : vector<32x4xi32>
    %jit3A_2881 = arith.constant 4 : i32
    %broadcast_in_dim3A_2882 = vector.broadcast %jit3A_2881 : i32 to vector<32x4xi32>
    %select_n3A_2883 = arith.select %eq3A_2880, %select_n3A_900, %broadcast_in_dim3A_2882 : vector<32x4xi1>, vector<32x4xi32>
    %reduce_min3A_2884 = arith.constant dense<2147483647> : vector<32xi32>
    %reduce_min3A_2885 = vector.multi_reduction <minsi>, %select_n3A_2883, %reduce_min3A_2884 [1] : vector<32x4xi32> to vector<32xi32>
    %broadcast_in_dim3A_2886 = vector.shape_cast %reduce_min3A_2885 : vector<32xi32> to vector<32x1xi32>
    %mul3A_2887 = arith.constant 4 : i32
    %mul3A_2888 = vector.broadcast %mul3A_2887 : i32 to vector<32x1xi32>
    %mul3A_2889 = arith.muli %mul3A_2888, %iota3A_1 : vector<32x1xi32>
    %add3A_2890 = arith.addi %mul3A_2889, %broadcast_in_dim3A_2886 : vector<32x1xi32>
    %add3A_2891 = arith.constant 512 : i32
    %add3A_2892 = vector.broadcast %add3A_2891 : i32 to vector<32x1xi32>
    %add3A_2893 = arith.addi %add3A_2892, %add3A_2890 : vector<32x1xi32>
    %swap3A_2894 = arith.constant 0 : index
    %swap3A_2895 = arith.constant 4 : index
    %swap3A_2896 = vector.load %arg2[%swap3A_2894, %swap3A_2895] : memref<32x16xi32, #tpu.memory_space<vmem>>, vector<32x1xi32>
    tpu.vector_store %arg2[%swap3A_2894, %swap3A_2895], %add3A_2893 {strides = array<i32>} : memref<32x16xi32, #tpu.memory_space<vmem>>, vector<32x1xi32>,
    %get3A_2897 = arith.constant 4 : index
    %get3A_2898 = arith.constant 0 : index
    %get3A_2899 = arith.constant 0 : index
    %get3A_2900 = vector.load %arg1[%get3A_2897, %get3A_2898, %get3A_2899] : memref<16x1x128xf32, #tpu.memory_space<vmem>>, vector<1x1x128xf32>
    %get3A_2901 = vector.shape_cast %get3A_2900 : vector<1x1x128xf32> to vector<1x128xf32>
    %broadcast_in_dim3A_2902 = vector.shape_cast %get3A_2901 : vector<1x128xf32> to vector<1x128xf32>
    %broadcast_in_dim3A_2903 = vector.broadcast %broadcast_in_dim3A_2902 : vector<1x128xf32> to vector<32x128xf32>
    %bitcast_convert_type3A_2904 = tpu.bitcast %broadcast_in_dim3A_2903 : vector<32x128xf32> -> vector<32x128xi32>
    %eq3A_2905 = vector.broadcast %add3A_2890 : vector<32x1xi32> to vector<32x128xi32>
    %eq3A_2906 = arith.cmpi eq, %iota3A_2472, %eq3A_2905 : vector<32x128xi32>
    %jit3A_2907 = arith.constant 0 : i32
    %broadcast_in_dim3A_2908 = vector.broadcast %jit3A_2907 : i32 to vector<32x128xi32>
    %select_n3A_2909 = arith.select %eq3A_2906, %bitcast_convert_type3A_2904, %broadcast_in_dim3A_2908 : vector<32x128xi1>, vector<32x128xi32>
    %reduce_sum3A_2910 = arith.constant dense<0> : vector<32xi32>
    %reduce_sum3A_2911 = vector.multi_reduction <add>, %select_n3A_2909, %reduce_sum3A_2910 [1] : vector<32x128xi32> to vector<32xi32>
    %broadcast_in_dim3A_2912 = vector.shape_cast %reduce_sum3A_2911 : vector<32xi32> to vector<32x1xi32>
    %bitcast_convert_type3A_2913 = tpu.bitcast %broadcast_in_dim3A_2912 : vector<32x1xi32> -> vector<32x1xf32>
    %swap3A_2914 = arith.constant 0 : index
    %swap3A_2915 = arith.constant 4 : index
    %swap3A_2916 = vector.load %arg3[%swap3A_2914, %swap3A_2915] : memref<32x16xf32, #tpu.memory_space<vmem>>, vector<32x1xf32>
    tpu.vector_store %arg3[%swap3A_2914, %swap3A_2915], %bitcast_convert_type3A_2913 {strides = array<i32>} : memref<32x16xf32, #tpu.memory_space<vmem>>, vector<32x1xf32>,
    %eq3A_2917 = vector.broadcast %broadcast_in_dim3A_2886 : vector<32x1xi32> to vector<32x4xi32>
    %eq3A_2918 = arith.cmpi eq, %iota3A, %eq3A_2917 : vector<32x4xi32>
    %jit3A_2919 = arith.constant 4 : i32
    %broadcast_in_dim3A_2920 = vector.broadcast %jit3A_2919 : i32 to vector<32x4xi32>
    %select_n3A_2921 = arith.select %eq3A_2918, %select_n3A_744, %broadcast_in_dim3A_2920 : vector<32x4xi1>, vector<32x4xi32>
    %reduce_min3A_2922 = arith.constant dense<2147483647> : vector<32xi32>
    %reduce_min3A_2923 = vector.multi_reduction <minsi>, %select_n3A_2921, %reduce_min3A_2922 [1] : vector<32x4xi32> to vector<32xi32>
    %broadcast_in_dim3A_2924 = vector.shape_cast %reduce_min3A_2923 : vector<32xi32> to vector<32x1xi32>
    %mul3A_2925 = arith.constant 4 : i32
    %mul3A_2926 = vector.broadcast %mul3A_2925 : i32 to vector<32x1xi32>
    %mul3A_2927 = arith.muli %mul3A_2926, %iota3A_1 : vector<32x1xi32>
    %add3A_2928 = arith.addi %mul3A_2927, %broadcast_in_dim3A_2924 : vector<32x1xi32>
    %add3A_2929 = arith.constant 384 : i32
    %add3A_2930 = vector.broadcast %add3A_2929 : i32 to vector<32x1xi32>
    %add3A_2931 = arith.addi %add3A_2930, %add3A_2928 : vector<32x1xi32>
    %swap3A_2932 = arith.constant 0 : index
    %swap3A_2933 = arith.constant 3 : index
    %swap3A_2934 = vector.load %arg2[%swap3A_2932, %swap3A_2933] : memref<32x16xi32, #tpu.memory_space<vmem>>, vector<32x1xi32>
    tpu.vector_store %arg2[%swap3A_2932, %swap3A_2933], %add3A_2931 {strides = array<i32>} : memref<32x16xi32, #tpu.memory_space<vmem>>, vector<32x1xi32>,
    %get3A_2935 = arith.constant 3 : index
    %get3A_2936 = arith.constant 0 : index
    %get3A_2937 = arith.constant 0 : index
    %get3A_2938 = vector.load %arg1[%get3A_2935, %get3A_2936, %get3A_2937] : memref<16x1x128xf32, #tpu.memory_space<vmem>>, vector<1x1x128xf32>
    %get3A_2939 = vector.shape_cast %get3A_2938 : vector<1x1x128xf32> to vector<1x128xf32>
    %broadcast_in_dim3A_2940 = vector.shape_cast %get3A_2939 : vector<1x128xf32> to vector<1x128xf32>
    %broadcast_in_dim3A_2941 = vector.broadcast %broadcast_in_dim3A_2940 : vector<1x128xf32> to vector<32x128xf32>
    %bitcast_convert_type3A_2942 = tpu.bitcast %broadcast_in_dim3A_2941 : vector<32x128xf32> -> vector<32x128xi32>
    %eq3A_2943 = vector.broadcast %add3A_2928 : vector<32x1xi32> to vector<32x128xi32>
    %eq3A_2944 = arith.cmpi eq, %iota3A_2472, %eq3A_2943 : vector<32x128xi32>
    %jit3A_2945 = arith.constant 0 : i32
    %broadcast_in_dim3A_2946 = vector.broadcast %jit3A_2945 : i32 to vector<32x128xi32>
    %select_n3A_2947 = arith.select %eq3A_2944, %bitcast_convert_type3A_2942, %broadcast_in_dim3A_2946 : vector<32x128xi1>, vector<32x128xi32>
    %reduce_sum3A_2948 = arith.constant dense<0> : vector<32xi32>
    %reduce_sum3A_2949 = vector.multi_reduction <add>, %select_n3A_2947, %reduce_sum3A_2948 [1] : vector<32x128xi32> to vector<32xi32>
    %broadcast_in_dim3A_2950 = vector.shape_cast %reduce_sum3A_2949 : vector<32xi32> to vector<32x1xi32>
    %bitcast_convert_type3A_2951 = tpu.bitcast %broadcast_in_dim3A_2950 : vector<32x1xi32> -> vector<32x1xf32>
    %swap3A_2952 = arith.constant 0 : index
    %swap3A_2953 = arith.constant 3 : index
    %swap3A_2954 = vector.load %arg3[%swap3A_2952, %swap3A_2953] : memref<32x16xf32, #tpu.memory_space<vmem>>, vector<32x1xf32>
    tpu.vector_store %arg3[%swap3A_2952, %swap3A_2953], %bitcast_convert_type3A_2951 {strides = array<i32>} : memref<32x16xf32, #tpu.memory_space<vmem>>, vector<32x1xf32>,
    %eq3A_2955 = vector.broadcast %broadcast_in_dim3A_2924 : vector<32x1xi32> to vector<32x4xi32>
    %eq3A_2956 = arith.cmpi eq, %iota3A, %eq3A_2955 : vector<32x4xi32>
    %jit3A_2957 = arith.constant 4 : i32
    %broadcast_in_dim3A_2958 = vector.broadcast %jit3A_2957 : i32 to vector<32x4xi32>
    %select_n3A_2959 = arith.select %eq3A_2956, %select_n3A_588, %broadcast_in_dim3A_2958 : vector<32x4xi1>, vector<32x4xi32>
    %reduce_min3A_2960 = arith.constant dense<2147483647> : vector<32xi32>
    %reduce_min3A_2961 = vector.multi_reduction <minsi>, %select_n3A_2959, %reduce_min3A_2960 [1] : vector<32x4xi32> to vector<32xi32>
    %broadcast_in_dim3A_2962 = vector.shape_cast %reduce_min3A_2961 : vector<32xi32> to vector<32x1xi32>
    %mul3A_2963 = arith.constant 4 : i32
    %mul3A_2964 = vector.broadcast %mul3A_2963 : i32 to vector<32x1xi32>
    %mul3A_2965 = arith.muli %mul3A_2964, %iota3A_1 : vector<32x1xi32>
    %add3A_2966 = arith.addi %mul3A_2965, %broadcast_in_dim3A_2962 : vector<32x1xi32>
    %add3A_2967 = arith.constant 256 : i32
    %add3A_2968 = vector.broadcast %add3A_2967 : i32 to vector<32x1xi32>
    %add3A_2969 = arith.addi %add3A_2968, %add3A_2966 : vector<32x1xi32>
    %swap3A_2970 = arith.constant 0 : index
    %swap3A_2971 = arith.constant 2 : index
    %swap3A_2972 = vector.load %arg2[%swap3A_2970, %swap3A_2971] : memref<32x16xi32, #tpu.memory_space<vmem>>, vector<32x1xi32>
    tpu.vector_store %arg2[%swap3A_2970, %swap3A_2971], %add3A_2969 {strides = array<i32>} : memref<32x16xi32, #tpu.memory_space<vmem>>, vector<32x1xi32>,
    %get3A_2973 = arith.constant 2 : index
    %get3A_2974 = arith.constant 0 : index
    %get3A_2975 = arith.constant 0 : index
    %get3A_2976 = vector.load %arg1[%get3A_2973, %get3A_2974, %get3A_2975] : memref<16x1x128xf32, #tpu.memory_space<vmem>>, vector<1x1x128xf32>
    %get3A_2977 = vector.shape_cast %get3A_2976 : vector<1x1x128xf32> to vector<1x128xf32>
    %broadcast_in_dim3A_2978 = vector.shape_cast %get3A_2977 : vector<1x128xf32> to vector<1x128xf32>
    %broadcast_in_dim3A_2979 = vector.broadcast %broadcast_in_dim3A_2978 : vector<1x128xf32> to vector<32x128xf32>
    %bitcast_convert_type3A_2980 = tpu.bitcast %broadcast_in_dim3A_2979 : vector<32x128xf32> -> vector<32x128xi32>
    %eq3A_2981 = vector.broadcast %add3A_2966 : vector<32x1xi32> to vector<32x128xi32>
    %eq3A_2982 = arith.cmpi eq, %iota3A_2472, %eq3A_2981 : vector<32x128xi32>
    %jit3A_2983 = arith.constant 0 : i32
    %broadcast_in_dim3A_2984 = vector.broadcast %jit3A_2983 : i32 to vector<32x128xi32>
    %select_n3A_2985 = arith.select %eq3A_2982, %bitcast_convert_type3A_2980, %broadcast_in_dim3A_2984 : vector<32x128xi1>, vector<32x128xi32>
    %reduce_sum3A_2986 = arith.constant dense<0> : vector<32xi32>
    %reduce_sum3A_2987 = vector.multi_reduction <add>, %select_n3A_2985, %reduce_sum3A_2986 [1] : vector<32x128xi32> to vector<32xi32>
    %broadcast_in_dim3A_2988 = vector.shape_cast %reduce_sum3A_2987 : vector<32xi32> to vector<32x1xi32>
    %bitcast_convert_type3A_2989 = tpu.bitcast %broadcast_in_dim3A_2988 : vector<32x1xi32> -> vector<32x1xf32>
    %swap3A_2990 = arith.constant 0 : index
    %swap3A_2991 = arith.constant 2 : index
    %swap3A_2992 = vector.load %arg3[%swap3A_2990, %swap3A_2991] : memref<32x16xf32, #tpu.memory_space<vmem>>, vector<32x1xf32>
    tpu.vector_store %arg3[%swap3A_2990, %swap3A_2991], %bitcast_convert_type3A_2989 {strides = array<i32>} : memref<32x16xf32, #tpu.memory_space<vmem>>, vector<32x1xf32>,
    %eq3A_2993 = vector.broadcast %broadcast_in_dim3A_2962 : vector<32x1xi32> to vector<32x4xi32>
    %eq3A_2994 = arith.cmpi eq, %iota3A, %eq3A_2993 : vector<32x4xi32>
    %jit3A_2995 = arith.constant 4 : i32
    %broadcast_in_dim3A_2996 = vector.broadcast %jit3A_2995 : i32 to vector<32x4xi32>
    %select_n3A_2997 = arith.select %eq3A_2994, %select_n3A_432, %broadcast_in_dim3A_2996 : vector<32x4xi1>, vector<32x4xi32>
    %reduce_min3A_2998 = arith.constant dense<2147483647> : vector<32xi32>
    %reduce_min3A_2999 = vector.multi_reduction <minsi>, %select_n3A_2997, %reduce_min3A_2998 [1] : vector<32x4xi32> to vector<32xi32>
    %broadcast_in_dim3A_3000 = vector.shape_cast %reduce_min3A_2999 : vector<32xi32> to vector<32x1xi32>
    %mul3A_3001 = arith.constant 4 : i32
    %mul3A_3002 = vector.broadcast %mul3A_3001 : i32 to vector<32x1xi32>
    %mul3A_3003 = arith.muli %mul3A_3002, %iota3A_1 : vector<32x1xi32>
    %add3A_3004 = arith.addi %mul3A_3003, %broadcast_in_dim3A_3000 : vector<32x1xi32>
    %add3A_3005 = arith.constant 128 : i32
    %add3A_3006 = vector.broadcast %add3A_3005 : i32 to vector<32x1xi32>
    %add3A_3007 = arith.addi %add3A_3006, %add3A_3004 : vector<32x1xi32>
    %swap3A_3008 = arith.constant 0 : index
    %swap3A_3009 = arith.constant 1 : index
    %swap3A_3010 = vector.load %arg2[%swap3A_3008, %swap3A_3009] : memref<32x16xi32, #tpu.memory_space<vmem>>, vector<32x1xi32>
    tpu.vector_store %arg2[%swap3A_3008, %swap3A_3009], %add3A_3007 {strides = array<i32>} : memref<32x16xi32, #tpu.memory_space<vmem>>, vector<32x1xi32>,
    %get3A_3011 = arith.constant 1 : index
    %get3A_3012 = arith.constant 0 : index
    %get3A_3013 = arith.constant 0 : index
    %get3A_3014 = vector.load %arg1[%get3A_3011, %get3A_3012, %get3A_3013] : memref<16x1x128xf32, #tpu.memory_space<vmem>>, vector<1x1x128xf32>
    %get3A_3015 = vector.shape_cast %get3A_3014 : vector<1x1x128xf32> to vector<1x128xf32>
    %broadcast_in_dim3A_3016 = vector.shape_cast %get3A_3015 : vector<1x128xf32> to vector<1x128xf32>
    %broadcast_in_dim3A_3017 = vector.broadcast %broadcast_in_dim3A_3016 : vector<1x128xf32> to vector<32x128xf32>
    %bitcast_convert_type3A_3018 = tpu.bitcast %broadcast_in_dim3A_3017 : vector<32x128xf32> -> vector<32x128xi32>
    %eq3A_3019 = vector.broadcast %add3A_3004 : vector<32x1xi32> to vector<32x128xi32>
    %eq3A_3020 = arith.cmpi eq, %iota3A_2472, %eq3A_3019 : vector<32x128xi32>
    %jit3A_3021 = arith.constant 0 : i32
    %broadcast_in_dim3A_3022 = vector.broadcast %jit3A_3021 : i32 to vector<32x128xi32>
    %select_n3A_3023 = arith.select %eq3A_3020, %bitcast_convert_type3A_3018, %broadcast_in_dim3A_3022 : vector<32x128xi1>, vector<32x128xi32>
    %reduce_sum3A_3024 = arith.constant dense<0> : vector<32xi32>
    %reduce_sum3A_3025 = vector.multi_reduction <add>, %select_n3A_3023, %reduce_sum3A_3024 [1] : vector<32x128xi32> to vector<32xi32>
    %broadcast_in_dim3A_3026 = vector.shape_cast %reduce_sum3A_3025 : vector<32xi32> to vector<32x1xi32>
    %bitcast_convert_type3A_3027 = tpu.bitcast %broadcast_in_dim3A_3026 : vector<32x1xi32> -> vector<32x1xf32>
    %swap3A_3028 = arith.constant 0 : index
    %swap3A_3029 = arith.constant 1 : index
    %swap3A_3030 = vector.load %arg3[%swap3A_3028, %swap3A_3029] : memref<32x16xf32, #tpu.memory_space<vmem>>, vector<32x1xf32>
    tpu.vector_store %arg3[%swap3A_3028, %swap3A_3029], %bitcast_convert_type3A_3027 {strides = array<i32>} : memref<32x16xf32, #tpu.memory_space<vmem>>, vector<32x1xf32>,
    %eq3A_3031 = vector.broadcast %broadcast_in_dim3A_3000 : vector<32x1xi32> to vector<32x4xi32>
    %eq3A_3032 = arith.cmpi eq, %iota3A, %eq3A_3031 : vector<32x4xi32>
    %jit3A_3033 = arith.constant 4 : i32
    %broadcast_in_dim3A_3034 = vector.broadcast %jit3A_3033 : i32 to vector<32x4xi32>
    %select_n3A_3035 = arith.select %eq3A_3032, %select_n3A_276, %broadcast_in_dim3A_3034 : vector<32x4xi1>, vector<32x4xi32>
    %reduce_min3A_3036 = arith.constant dense<2147483647> : vector<32xi32>
    %reduce_min3A_3037 = vector.multi_reduction <minsi>, %select_n3A_3035, %reduce_min3A_3036 [1] : vector<32x4xi32> to vector<32xi32>
    %broadcast_in_dim3A_3038 = vector.shape_cast %reduce_min3A_3037 : vector<32xi32> to vector<32x1xi32>
    %mul3A_3039 = arith.constant 4 : i32
    %mul3A_3040 = vector.broadcast %mul3A_3039 : i32 to vector<32x1xi32>
    %mul3A_3041 = arith.muli %mul3A_3040, %iota3A_1 : vector<32x1xi32>
    %add3A_3042 = arith.addi %mul3A_3041, %broadcast_in_dim3A_3038 : vector<32x1xi32>
    %add3A_3043 = arith.constant 0 : i32
    %add3A_3044 = vector.broadcast %add3A_3043 : i32 to vector<32x1xi32>
    %add3A_3045 = arith.addi %add3A_3044, %add3A_3042 : vector<32x1xi32>
    %swap3A_3046 = arith.constant 0 : index
    %swap3A_3047 = arith.constant 0 : index
    %swap3A_3048 = vector.load %arg2[%swap3A_3046, %swap3A_3047] : memref<32x16xi32, #tpu.memory_space<vmem>>, vector<32x1xi32>
    tpu.vector_store %arg2[%swap3A_3046, %swap3A_3047], %add3A_3045 {strides = array<i32>} : memref<32x16xi32, #tpu.memory_space<vmem>>, vector<32x1xi32>,
    %get3A_3049 = arith.constant 0 : index
    %get3A_3050 = arith.constant 0 : index
    %get3A_3051 = arith.constant 0 : index
    %get3A_3052 = vector.load %arg1[%get3A_3049, %get3A_3050, %get3A_3051] : memref<16x1x128xf32, #tpu.memory_space<vmem>>, vector<1x1x128xf32>
    %get3A_3053 = vector.shape_cast %get3A_3052 : vector<1x1x128xf32> to vector<1x128xf32>
    %broadcast_in_dim3A_3054 = vector.shape_cast %get3A_3053 : vector<1x128xf32> to vector<1x128xf32>
    %broadcast_in_dim3A_3055 = vector.broadcast %broadcast_in_dim3A_3054 : vector<1x128xf32> to vector<32x128xf32>
    %bitcast_convert_type3A_3056 = tpu.bitcast %broadcast_in_dim3A_3055 : vector<32x128xf32> -> vector<32x128xi32>
    %eq3A_3057 = vector.broadcast %add3A_3042 : vector<32x1xi32> to vector<32x128xi32>
    %eq3A_3058 = arith.cmpi eq, %iota3A_2472, %eq3A_3057 : vector<32x128xi32>
    %jit3A_3059 = arith.constant 0 : i32
    %broadcast_in_dim3A_3060 = vector.broadcast %jit3A_3059 : i32 to vector<32x128xi32>
    %select_n3A_3061 = arith.select %eq3A_3058, %bitcast_convert_type3A_3056, %broadcast_in_dim3A_3060 : vector<32x128xi1>, vector<32x128xi32>
    %reduce_sum3A_3062 = arith.constant dense<0> : vector<32xi32>
    %reduce_sum3A_3063 = vector.multi_reduction <add>, %select_n3A_3061, %reduce_sum3A_3062 [1] : vector<32x128xi32> to vector<32xi32>
    %broadcast_in_dim3A_3064 = vector.shape_cast %reduce_sum3A_3063 : vector<32xi32> to vector<32x1xi32>
    %bitcast_convert_type3A_3065 = tpu.bitcast %broadcast_in_dim3A_3064 : vector<32x1xi32> -> vector<32x1xf32>
    %swap3A_3066 = arith.constant 0 : index
    %swap3A_3067 = arith.constant 0 : index
    %swap3A_3068 = vector.load %arg3[%swap3A_3066, %swap3A_3067] : memref<32x16xf32, #tpu.memory_space<vmem>>, vector<32x1xf32>
    tpu.vector_store %arg3[%swap3A_3066, %swap3A_3067], %bitcast_convert_type3A_3065 {strides = array<i32>} : memref<32x16xf32, #tpu.memory_space<vmem>>, vector<32x1xf32>,
    return
  }
}

</mosaic_0001>

<sc_bundles>
// kernel: kernel.5.cloned.1.call-start
scs
__scs_entry_jumppad:
0x0: {  	(pc) =	sbr.rel $0x88, $3  }
0x1: {  	(tag) =	ssettag $0x0;
	lr =	simm.s32 $0x1  }
0x2: {  	[smem:$0x3FA0] =	sst lr;
	_ =	strace $0xD0000000  }
0x3: {  	_ = 	snop  }
0x4: {  	_ = 	snop  }
0x5: {  	_ = 	snop  }
0x6: {  	_ = 	snop  }
0x7: {  	_ = 	snop  }
__scs_overlays_trampoline_lowered:
0x8: {  	[smem:$0x3FAF] =	sst s0  }
0x9: {  	[smem:$0x3FB0] =	sst s1  }
0xa: {  	[smem:$0x3FB1] =	sst s2  }
0xb: {  	[smem:$0x3FB2] =	sst s3  }
0xc: {  	[smem:$0x3FB3] =	sst s4  }
0xd: {  	[smem:$0x3FB4] =	sst s5  }
0xe: {  	[smem:$0x3FB5] =	sst s6  }
0xf: {  	[smem:$0x3FB6] =	sst s7  }
0x10: {  	[smem:$0x3FB7] =	sst s8  }
0x11: {  	[smem:$0x3FB8] =	sst s9;
	s0 =	simm.s32 @!p0 $0x0  }
0x12: {  	s1 =	sld [smem:$0x3F9E];
	s0 =	simm.s32 @p0 $0x1  }
0x13: {  	[smem:$0x3FB9] =	sst s0;
	s0 =	simm.s32 @!p1 $0x0  }
0x14: {  	s2 =	sld [smem:$0x3F9D];
	s0 =	simm.s32 @p1 $0x1  }
0x15: {  	[smem:$0x3FBA] =	sst s0;
	s0 =	simm.s32 @!p2 $0x0  }
0x16: {  	s3 =	sld [smem:$0x3FDB];
	s0 =	simm.s32 @p2 $0x1  }
0x17: {  	s4 =	simm.s32 $0x1BF5;
	[smem:$0x3FBC] =	sst s0  }
0x18: {  	s0 =	sld [smem:$0x3F9F];
	_ =	swait.ge [sflag:s4], $0x0  }
0x19: {  	s7 =	sld [smem:$0x3FA0]  }
0x1a: {  	s8 =	sadd.s32 $0xFFFFE003, lr  }
0x1b: {  	s9 =	sadd.s32 $0xFFFFFEF7, lr;
	s5 =	simm.s32 $0xFFFFFFFF;
	p2 =	slt.u32 s8, $0xFFFFF086  }
0x1c: {  	p1 =	slt.u32 s9, $0xF7A;
	s5 =	simm.s32 @!p2 $0x0  }
0x1d: {  	s5 =	simm.s32 @p1 $0x1;
	p0 =	seq.s32 s7, s2  }
0x1e: {  	s7 =	smul.u32 @!p0 $0xF7A, s2;
	p2 =	seq.s32 @!p0 s5, $0x0  }
0x1f: {  	s9 =	smul.u32 $0xF7A, s1;
	s8 =	simm.s32 @!p0 $0x1BF5;
	p2 =	por !p2, p0  }
0x20: {  	[sflag:s8] =	ssyncset.s32 @!p0 $0xFFFFF086;
	s6 =	sadd.s32 @!p0 s3, s7;
	s7 =	simm.s32 @!p0 $0x108  }
0x21: {  	s3 =	sadd.s32 s3, s9;
	s6 =	sadd.s32 @!p0 $0x88, s6;
	s7 =	simm.s32 @p2 $0x1082  }
0x22: {  	[simem:s7], [sflag:s8] =	dma.local @!p0 [hbm:s6], $0xF7A  }
0x23: {  	s9 =	sor.u32 $0xD0000000, s2;
	s6 =	simm.s32 $0x108;
	_ =	swait.ge @!p0 [sflag:s8], $0x0  }
0x24: {  	s3 =	sadd.s32 $0x88, s3;
	s6 =	simm.s32 @!p1 $0x1082;
	[sflag:s4] =	ssyncset.s32 $0xFFFFF086  }
0x25: {  	[simem:s6], [sflag:s4] =	dma.local [hbm:s3], $0xF7A  }
0x26: {  	[smem:$0x3FA0] =	sst s1;
	(tag) =	ssettag s2;
	_ =	strace s9  }
0x27: {  	s1 =	sld [smem:$0x3FB0]  }
0x28: {  	s2 =	sld [smem:$0x3FB1]  }
0x29: {  	s4 =	sld [smem:$0x3FB3]  }
0x2a: {  	p0 =	seq.s32 s5, $0x0;
	s5 =	sld [smem:$0x3FB4]  }
0x2b: {  	s6 =	sld [smem:$0x3FB5]  }
0x2c: {  	s7 =	sld [smem:$0x3FB6]  }
0x2d: {  	s3 =	simm.s32 $0x108;
	s8 =	sld [smem:$0x3FB7]  }
0x2e: {  	s3 =	simm.s32 @!p0 $0x1082;
	s9 =	sld [smem:$0x3FB8]  }
0x2f: {  	lr =	sadd.s32 s0, s3;
	s0 =	sld [smem:$0x3FAF]  }
0x30: {  	s3 =	sld [smem:$0x3FB2]  }
0x31: {  	[smem:$0x3FBB] =	sst s10  }
0x32: {  	s10 =	sld [smem:$0x3FB9];
	_ =	sdelay $0x3  }
0x33: {  	p0 =	seq.s32 s10, $0x1;
	s10 =	sld [smem:$0x3FBB];
	_ =	sdelay $0x3  }
0x34: {  	[smem:$0x3FBB] =	sst s10  }
0x35: {  	s10 =	sld [smem:$0x3FBA];
	_ =	sdelay $0x3  }
0x36: {  	p1 =	seq.s32 s10, $0x1;
	s10 =	sld [smem:$0x3FBB];
	_ =	sdelay $0x3  }
0x37: {  	[smem:$0x3FBB] =	sst s10  }
0x38: {  	s10 =	sld [smem:$0x3FBC]  }
0x39: {  	_ = 	snop;
	(pc) =	sbr.ind lr, $3  }
0x3a: {  	_ = 	snop  }
0x3b: {  	_ = 	snop  }
0x3c: {  	p2 =	seq.s32 s10, $0x1;
	s10 =	sld [smem:$0x3FBB]  }
0x3d: {  	_ =	shalt  }
0x3e: {  	_ =	shalt  }
0x3f: {  	_ =	shalt  }
0x40: {  	_ =	shalt  }
0x41: {  	_ =	shalt  }
0x42: {  	_ =	shalt  }
0x43: {  	_ =	shalt  }
0x44: {  	_ =	shalt  }
0x45: {  	_ =	shalt  }
0x46: {  	_ =	shalt  }
0x47: {  	_ =	shalt  }
0x48: {  	_ =	shalt  }
0x49: {  	_ =	shalt  }
0x4a: {  	_ =	shalt  }
0x4b: {  	_ =	shalt  }
0x4c: {  	_ =	shalt  }
0x4d: {  	_ =	shalt  }
0x4e: {  	_ =	shalt  }
0x4f: {  	_ =	shalt  }
0x50: {  	_ =	shalt  }
0x51: {  	_ =	shalt  }
0x52: {  	_ =	shalt  }
0x53: {  	_ =	shalt  }
0x54: {  	_ =	shalt  }
0x55: {  	_ =	shalt  }
0x56: {  	_ =	shalt  }
0x57: {  	_ =	shalt  }
0x58: {  	_ =	shalt  }
0x59: {  	_ =	shalt  }
0x5a: {  	_ =	shalt  }
0x5b: {  	_ =	shalt  }
0x5c: {  	_ =	shalt  }
0x5d: {  	_ =	shalt  }
0x5e: {  	_ =	shalt  }
0x5f: {  	_ =	shalt  }
0x60: {  	_ =	shalt  }
0x61: {  	_ =	shalt  }
0x62: {  	_ =	shalt  }
0x63: {  	_ =	shalt  }
0x64: {  	_ =	shalt  }
0x65: {  	_ =	shalt  }
0x66: {  	_ =	shalt  }
0x67: {  	_ =	shalt  }
0x68: {  	_ =	shalt  }
0x69: {  	_ =	shalt  }
0x6a: {  	_ =	shalt  }
0x6b: {  	_ =	shalt  }
0x6c: {  	_ =	shalt  }
0x6d: {  	_ =	shalt  }
0x6e: {  	_ =	shalt  }
0x6f: {  	_ =	shalt  }
0x70: {  	_ =	shalt  }
0x71: {  	_ =	shalt  }
0x72: {  	_ =	shalt  }
0x73: {  	_ =	shalt  }
0x74: {  	_ =	shalt  }
0x75: {  	_ =	shalt  }
0x76: {  	_ =	shalt  }
0x77: {  	_ =	shalt  }
0x78: {  	_ =	shalt  }
0x79: {  	_ =	shalt  }
0x7a: {  	_ =	shalt  }
0x7b: {  	_ =	shalt  }
0x7c: {  	_ =	shalt  }
0x7d: {  	_ =	shalt  }
0x7e: {  	_ =	shalt  }
0x7f: {  	_ =	shalt  }
0x80: {  	_ =	shalt  }
0x81: {  	_ =	shalt  }
0x82: {  	_ =	shalt  }
0x83: {  	_ =	shalt  }
0x84: {  	_ =	shalt  }
0x85: {  	_ =	shalt  }
0x86: {  	_ =	shalt  }
0x87: {  	_ =	shalt  }
.Lfunc_end0:
.L_simem_size_0:
called_computation_lowered:
.L_overlay_start_0:
0x88: {  	s2 =	sld [smem:$0x3FD9]  }
0x89: {  	s3 =	sld [smem:$0x3FFE];
	_ =	sdelay $0x1  }
0x8a: {  	s1 =	srdreg.scid  }
0x8b: {  	s0 =	sand.u32 $0x1, s1  }
0x8c: {  	s17 =	sshll.u32 s0, $0xA;
	s2 =	sadd.s32 s3, s2  }
0x8d: {  	s2 =	sadd.s32 s2, s17  }
0x8e: {  	[smem:$0x3FC7] =	sst s2  }
0x8f: {  	_ = 	snop  }
0x90: {  	s2 =	sld [smem:$0x3FD0];
	(tm) =	ssettm $0x1  }
0x91: {  	s18 =	sld [smem:$0x3FFB];
	_ =	sdelay $0x3  }
0x92: {  	_ =	strace s18  }
0x93: {  	s3 =	sld [smem:$0x3FFC];
	_ =	sdelay $0x3  }
0x94: {  	_ =	strace s3  }
0x95: {  	s3 =	sld [smem:$0x3FFD];
	_ =	sdelay $0x3  }
0x96: {  	_ =	strace s3  }
0x97: {  	_ =	strace $0x8FFFFFFF  }
0x98: {  	s19 =	sld [smem:$0x3FDB];
	_ =	sdelay $0x1  }
0x99: {  	s4 =	simm.s32 $_scs_section_size  }
0x9a: {  	s5 =	simm.s32 $_size__tile_overlayer_lowered;
	s6 =	simm.s32 $_tile_overlayer_lowered  }
0x9b: {  	s22 =	simm.s32 $0x1BFF;
	s21 =	sshll.u32 s6, $0x1;
	s3 =	sadd.s32 s4, s19  }
0x9c: {  	s7 =	simm.s32 $0x0;
	s20 =	sshll.u32 s5, $0x1;
	s5 =	sadd.s32 s21, s3  }
0x9d: {  	[timem:s7], [sflag:s22] =	dma.local [hbm:s5], s20  }
0x9e: {  	_ =	swait.ge [sflag:s22], s20  }
0x9f: {  	s4 =	ssub.s32 $0x0, s20;
	[sflag:s22] =	ssyncset.done $0x0  }
0xa0: {  	[sflag:s22] =	ssyncadd.s32 s4;
	_ =	sdelay $0x1  }
0xa1: {  	s23 =	simm.s32 $0x1B8B  }
0xa2: {  	_ =	swait.ge [sflag:s23], $0x1  }
0xa3: {  	[sflag:s23] =	ssyncset.done $0x0  }
0xa4: {  	s25 =	simm.s32 $0x1B8E;
	s24 =	sld [smem:$0x3FFE];
	[sflag:s23] =	ssyncadd.s32 $0xFFFFFFFF  }
0xa5: {  	s26 =	simm.s32 $execute0_lowered;
	[smem:$0x3FD2] =	sst s25  }
0xa6: {  	s5 =	sshll.u32 s26, $0x1;
	_ =	strace $0x80000046;
	[dreg:$0x1] =	wrdreg $0xFFFFFFFF  }
0xa7: {  	s28 =	simm.s32 $_size_execute0_lowered;
	s3 =	sadd.s32 s3, s5;
	[dreg:$0x0] =	wrdreg $0x0  }
0xa8: {  	s5 =	sshll.u32 s28, $0x1;
	[dreg:$0x2] =	wrdreg s3  }
0xa9: {  	[dreg:$0x3] =	wrdreg s5  }
0xaa: {  	[dreg:$0x4] =	wrdreg $0xC0  }
0xab: {  	_ =	task [dreg:s7], $0x5FFFF  }
0xac: {  	[dreg:$0x1] =	wrdreg $0xFFFFFFFF  }
0xad: {  	[dreg:$0x0] =	wrdreg $0x60  }
0xae: {  	[dreg:$0x2] =	wrdreg s24  }
0xaf: {  	[dreg:$0x3] =	wrdreg s2  }
0xb0: {  	[dreg:$0x4] =	wrdreg $0x9  }
0xb1: {  	_ =	task.clear_ibuf [dreg:s7], $0x5FFFF;
	_ =	strace $0x90000046  }
0xb2: {  	s29 =	simm.s32 $0x9;
	_ =	strace $0x80000048  }
0xb3: {  	_ =	swait.ge [sflag:s29], $0x1  }
0xb4: {  	[sflag:s29] =	ssyncadd.s32 $0xFFFFFFFF  }
0xb5: {  	_ =	strace $0x90000048  }
0xb6: {  	_ =	sfence  }
0xb7: {  	s30 =	sld [smem:$0x0];
	_ =	sdelay $0x2  }
0xb8: {  	s31 =	sshll.u32 s1, $0xD;
	s1 =	sshrl.u32 s1, $0x2  }
0xb9: {  	s3 =	sand.u32 $0x4000, s31;
	s1 =	sadd.s32 s1, s30  }
0xba: {  	s0 =	sor.u32 s3, s0;
	s1 =	sshll.u32 s1, $0x11  }
0xbb: {  	s0 =	sor.u32 s1, s0  }
0xbc: {  	s0 =	sadd.s32 $0x8F2B, s0  }
0xbd: {  	[sflag:s0] =	ssyncadd.remote.s32 $0x1  }
0xbe: {  	_ =	sfence.sel $0xFFFF  }
0xbf: {  	[dreg:$0x0] =	wrdreg $0xFFFFFFFF;
	(pc) =	sbr.abs _section_cstart, $3  }
0xc0: {  	[dreg:$0x1] =	wrdreg $0xFFFFFFFF  }
0xc1: {  	_ =	task.clear_ibuf [dreg:s7], $0x2FFFF;
	_ =	strace $0x9FFFFFFF  }
0xc2: {  	(tm) =	ssettm $0x7FFFFFFF  }
0xc3: {  	_ =	shalt  }
tec
execute0_lowered:
.L_overlay_start_1:
0x0: {  	(tag) =	ssettag $0x1  }
0x1: {  	s4 =	rddreg [dreg:$0x0]  }
0x2: {  	s5 =	rddreg [dreg:$0x1]  }
0x3: {  	s0 =	rddreg [dreg:$0x2];
	s2 =	simm.s32 $0x0;
	s3 =	srdreg.scid  }
0x4: {  	s1 =	stileid.u32;
	s13 =	simm.s32 $0x4;
	s14 =	simm.s32 $0x120  }
0x5: {  	s15 =	simm.s32 $0x1;
	s16 =	simm.s32 $0x8;
	s17 =	simm.s32 $0x9D60  }
0x6: {  	s18 =	simm.s32 $0x2;
	s19 =	simm.s32 $0x10;
	s20 =	simm.s32 $0x18  }
0x7: {  	s21 =	simm.s32 $0x0;
	[smem:$0x7FF] =	sst s2;
	s6 =	sand.u32 $0x1, s3  }
0x8: {  	s28 =	sshll.u32 s1, $0x1;
	s3 =	sadd.s32 $0x278600, s4;
	s11 =	sadd.s32 $0x400, s4  }
0x9: {  	_ =	strace $0x80000047;
	s7 =	sor.u32 s6, s28;
	s6 =	ssub.s32 $0x2, s6  }
0xa: {  	s8 =	sshll.u32 s7, $0x2;
	s9 =	sshrl.u32 s6, $0x1;
	s10 =	smul.u32 $0x27100, s7  }
0xb: {  	s29 =	smul.u32 $0x4E20, s7;
	s7 =	sshll.u32 s7, $0x5;
	s8 =	sadd.s32 s8, s4  }
0xc: {  	s12 =	ssub.s32 s6, s9;
	s5 =	sadd.s32 s5, s7;
	s4 =	sadd.s32 $0x278400, s8  }
0xd: {  	s30 =	sshrl.u32 s10, $0x3;
	s6 =	sadd.s32 s11, s29;
	s10 =	smax.u32 s12, $0x1  }
0xe: {  	s12 =	simm.s32 $0x20;
	s31 =	sadd.s32 s11, s30;
	s11 =	simm.s32 $0x3  }
0xf: {  	s7 =	sadd.s32 $0x1388, s31;
	s8 =	sadd.s32 $0x2710, s31;
	s9 =	sadd.s32 $0x3A98, s31  }
.LBB2_1:
0x10: {  	[tilespmem:s2], [sflag:$0x3] =	stream.linear.gather [hbm4b:s4+s2], $0x20, $0x38;
	[tilespmem:$0x139A0] =	vst v63  }
0x11: {  	_ =	swait.ge [sflag:s11], $0x20  }
0x12: {  	[sflag:s11] =	ssyncset.done $0x0  }
0x13: {  	[sflag:s11] =	ssyncadd.s32 $0xFFFFFFE0  }
0x14: {  	[tilespmem:s12], [sflag:$0x3] =	stream.linear.gather [hbm4b:s5+s2], $0x100, $0x38;
	[tilespmem:$0x139A0] =	vst v63  }
0x15: {  	_ =	swait.ge [sflag:s11], $0x100  }
0x16: {  	[sflag:s11] =	ssyncset.done $0x0  }
0x17: {  	[sflag:s11] =	ssyncadd.s32 $0xFFFFFF00  }
0x18: {  	[tilespmem:s14], [sflag:$0x1] =	stream.indirect.gather [hbm4b:s3+s13], $0x2710, s2, s13, $0xb8;
	[tilespmem:$0x139A0] =	vst v63  }
0x19: {  	_ =	swait.ge [sflag:s15], $0x9C40  }
0x1a: {  	[sflag:s15] =	ssyncset.done $0x0  }
0x1b: {  	[sflag:s15] =	ssyncadd.s32 $0xFFFF63C0  }
0x1c: {  	[tilespmem:s17], [sflag:$0x2] =	stream.indirect.gather [hbm4b:s3+s13], $0x2710, s16, s13, $0xb8;
	[tilespmem:$0x139A0] =	vst v63  }
0x1d: {  	s22 =	simm.s32 $0x0;
	v0 =	vld [tilespmem:$0x20]  }
0x1e: {  	v2 =	vld [tilespmem:s22+$0x120]  }
0x1f: {  	v4 =	vld [tilespmem:s22+$0x130]  }
0x20: {  	v3 =	vld [tilespmem:s22+$0x140]  }
0x21: {  	s23 =	simm.s32 $0x140;
	v1 =	vld [tilespmem:s22+$0x150]  }
.LBB2_2:
0x22: {  	p0 =	sne.s32 s23, $0x9B00;
	v5 =	vld [tilespmem:s22+$0x160]  }
0x23: {  	v2 =	vsub.f32 v2, v0  }
0x24: {  	v4 =	vsub.f32 v4, v0  }
.Ltmp0:
0x25: {  	s24 =	sshra.s32 s23, $0x2;
	[tilespmem:s22+$0x120] =	vst v2;
	v3 =	vsub.f32 v3, v0;
	(pc) =	sbr.rel @p0 .LBB2_2-.Ltmp0, $4  }
0x26: {  	v2 =	vld [tilespmem:s24+$0x120];
	[tilespmem:s22+$0x130] =	vst v4;
	v1 =	vsub.f32 v1, v0  }
0x27: {  	v4 =	vld [tilespmem:s24+$0x130];
	[tilespmem:s22+$0x140] =	vst v3;
	v5 =	vsub.f32 v5, v0  }
0x28: {  	v3 =	vld [tilespmem:s24+$0x140];
	[tilespmem:s22+$0x150] =	vst v1  }
0x29: {  	s23 =	sadd.s32 $0x140, s23;
	v1 =	vld [tilespmem:s24+$0x150];
	[tilespmem:s22+$0x160] =	vst v5;
	s22 =	smov.u32 s24  }
0x2a: {  	v5 =	vld [tilespmem:s22+$0x160]  }
0x2b: {  	v2 =	vsub.f32 v2, v0  }
0x2c: {  	v4 =	vsub.f32 v4, v0  }
0x2d: {  	[tilespmem:s22+$0x120] =	vst v2;
	v2 =	vsub.f32 v3, v0  }
0x2e: {  	[tilespmem:s22+$0x130] =	vst v4;
	v1 =	vsub.f32 v1, v0  }
0x2f: {  	[tilespmem:s22+$0x140] =	vst v2;
	v0 =	vsub.f32 v5, v0  }
0x30: {  	[tilespmem:s22+$0x150] =	vst v1  }
0x31: {  	[tilespmem:s22+$0x160] =	vst v0  }
0x32: {  	s22 =	simm.s32 $0x0;
	v0 =	vld [tilespmem:$0x30]  }
0x33: {  	v2 =	vld [tilespmem:s22+$0x2830]  }
0x34: {  	v4 =	vld [tilespmem:s22+$0x2840]  }
0x35: {  	v3 =	vld [tilespmem:s22+$0x2850]  }
0x36: {  	s23 =	simm.s32 $0x140;
	v1 =	vld [tilespmem:s22+$0x2860]  }
.LBB2_4:
0x37: {  	p0 =	sne.s32 s23, $0x9B00;
	v5 =	vld [tilespmem:s22+$0x2870]  }
0x38: {  	v2 =	vsub.f32 v2, v0  }
0x39: {  	v4 =	vsub.f32 v4, v0  }
.Ltmp1:
0x3a: {  	s24 =	sshra.s32 s23, $0x2;
	[tilespmem:s22+$0x2830] =	vst v2;
	v3 =	vsub.f32 v3, v0;
	(pc) =	sbr.rel @p0 .LBB2_4-.Ltmp1, $4  }
0x3b: {  	v2 =	vld [tilespmem:s24+$0x2830];
	[tilespmem:s22+$0x2840] =	vst v4;
	v1 =	vsub.f32 v1, v0  }
0x3c: {  	v4 =	vld [tilespmem:s24+$0x2840];
	[tilespmem:s22+$0x2850] =	vst v3;
	v5 =	vsub.f32 v5, v0  }
0x3d: {  	v3 =	vld [tilespmem:s24+$0x2850];
	[tilespmem:s22+$0x2860] =	vst v1  }
0x3e: {  	s23 =	sadd.s32 $0x140, s23;
	v1 =	vld [tilespmem:s24+$0x2860];
	[tilespmem:s22+$0x2870] =	vst v5;
	s22 =	smov.u32 s24  }
0x3f: {  	v5 =	vld [tilespmem:s22+$0x2870]  }
0x40: {  	v2 =	vsub.f32 v2, v0  }
0x41: {  	v4 =	vsub.f32 v4, v0  }
0x42: {  	[tilespmem:s22+$0x2830] =	vst v2;
	v2 =	vsub.f32 v3, v0  }
0x43: {  	[tilespmem:s22+$0x2840] =	vst v4;
	v1 =	vsub.f32 v1, v0  }
0x44: {  	[tilespmem:s22+$0x2850] =	vst v2;
	v0 =	vsub.f32 v5, v0  }
0x45: {  	[tilespmem:s22+$0x2860] =	vst v1  }
0x46: {  	[tilespmem:s22+$0x2870] =	vst v0  }
0x47: {  	s22 =	simm.s32 $0x0;
	v0 =	vld [tilespmem:$0x40]  }
0x48: {  	v2 =	vld [tilespmem:s22+$0x4F40]  }
0x49: {  	v4 =	vld [tilespmem:s22+$0x4F50]  }
0x4a: {  	v3 =	vld [tilespmem:s22+$0x4F60]  }
0x4b: {  	s23 =	simm.s32 $0x140;
	v1 =	vld [tilespmem:s22+$0x4F70]  }
.LBB2_6:
0x4c: {  	p0 =	sne.s32 s23, $0x9B00;
	v5 =	vld [tilespmem:s22+$0x4F80]  }
0x4d: {  	v2 =	vsub.f32 v2, v0  }
0x4e: {  	v4 =	vsub.f32 v4, v0  }
.Ltmp2:
0x4f: {  	s24 =	sshra.s32 s23, $0x2;
	[tilespmem:s22+$0x4F40] =	vst v2;
	v3 =	vsub.f32 v3, v0;
	(pc) =	sbr.rel @p0 .LBB2_6-.Ltmp2, $4  }
0x50: {  	v2 =	vld [tilespmem:s24+$0x4F40];
	[tilespmem:s22+$0x4F50] =	vst v4;
	v1 =	vsub.f32 v1, v0  }
0x51: {  	v4 =	vld [tilespmem:s24+$0x4F50];
	[tilespmem:s22+$0x4F60] =	vst v3;
	v5 =	vsub.f32 v5, v0  }
0x52: {  	v3 =	vld [tilespmem:s24+$0x4F60];
	[tilespmem:s22+$0x4F70] =	vst v1  }
0x53: {  	s23 =	sadd.s32 $0x140, s23;
	v1 =	vld [tilespmem:s24+$0x4F70];
	[tilespmem:s22+$0x4F80] =	vst v5;
	s22 =	smov.u32 s24  }
0x54: {  	v5 =	vld [tilespmem:s22+$0x4F80]  }
0x55: {  	v2 =	vsub.f32 v2, v0  }
0x56: {  	v4 =	vsub.f32 v4, v0  }
0x57: {  	[tilespmem:s22+$0x4F40] =	vst v2;
	v2 =	vsub.f32 v3, v0  }
0x58: {  	[tilespmem:s22+$0x4F50] =	vst v4;
	v1 =	vsub.f32 v1, v0  }
0x59: {  	[tilespmem:s22+$0x4F60] =	vst v2;
	v0 =	vsub.f32 v5, v0  }
0x5a: {  	[tilespmem:s22+$0x4F70] =	vst v1  }
0x5b: {  	[tilespmem:s22+$0x4F80] =	vst v0  }
0x5c: {  	s22 =	simm.s32 $0x0;
	v0 =	vld [tilespmem:$0x50]  }
0x5d: {  	v2 =	vld [tilespmem:s22+$0x7650]  }
0x5e: {  	v4 =	vld [tilespmem:s22+$0x7660]  }
0x5f: {  	v3 =	vld [tilespmem:s22+$0x7670]  }
0x60: {  	s23 =	simm.s32 $0x140;
	v1 =	vld [tilespmem:s22+$0x7680]  }
.LBB2_8:
0x61: {  	p0 =	sne.s32 s23, $0x9B00;
	v5 =	vld [tilespmem:s22+$0x7690]  }
0x62: {  	v2 =	vsub.f32 v2, v0  }
0x63: {  	v4 =	vsub.f32 v4, v0  }
.Ltmp3:
0x64: {  	s24 =	sshra.s32 s23, $0x2;
	[tilespmem:s22+$0x7650] =	vst v2;
	v3 =	vsub.f32 v3, v0;
	(pc) =	sbr.rel @p0 .LBB2_8-.Ltmp3, $4  }
0x65: {  	v2 =	vld [tilespmem:s24+$0x7650];
	[tilespmem:s22+$0x7660] =	vst v4;
	v1 =	vsub.f32 v1, v0  }
0x66: {  	v4 =	vld [tilespmem:s24+$0x7660];
	[tilespmem:s22+$0x7670] =	vst v3;
	v5 =	vsub.f32 v5, v0  }
0x67: {  	v3 =	vld [tilespmem:s24+$0x7670];
	[tilespmem:s22+$0x7680] =	vst v1  }
0x68: {  	s23 =	sadd.s32 $0x140, s23;
	v1 =	vld [tilespmem:s24+$0x7680];
	[tilespmem:s22+$0x7690] =	vst v5;
	s22 =	smov.u32 s24  }
0x69: {  	v5 =	vld [tilespmem:s22+$0x7690]  }
0x6a: {  	v2 =	vsub.f32 v2, v0  }
0x6b: {  	v4 =	vsub.f32 v4, v0  }
0x6c: {  	[tilespmem:s22+$0x7650] =	vst v2;
	v2 =	vsub.f32 v3, v0  }
0x6d: {  	[tilespmem:s22+$0x7660] =	vst v4;
	v1 =	vsub.f32 v1, v0  }
0x6e: {  	[tilespmem:s22+$0x7670] =	vst v2;
	v0 =	vsub.f32 v5, v0  }
0x6f: {  	[tilespmem:s22+$0x7680] =	vst v1  }
0x70: {  	s31 =	simm.s32 $0x0;
	[tilespmem:s22+$0x7690] =	vst v0  }
0x71: {  	[hbm4b:s6+s31] =	stream.linear.scatter [tilespmem:s14], [sflag:$0x3], $0x9C40, $0x38;
	[tilespmem:$0x139A0] =	vst v63  }
0x72: {  	_ =	swait.ge [sflag:s11], $0x9C40  }
0x73: {  	[sflag:s11] =	ssyncset.done $0x0  }
0x74: {  	[sflag:s11] =	ssyncadd.s32 $0xFFFF63C0  }
0x75: {  	_ =	swait.ge [sflag:s18], $0x9C40  }
0x76: {  	[sflag:s18] =	ssyncset.done $0x0  }
0x77: {  	[sflag:s18] =	ssyncadd.s32 $0xFFFF63C0  }
0x78: {  	[tilespmem:s14], [sflag:$0x1] =	stream.indirect.gather [hbm4b:s3+s13], $0x2710, s19, s13, $0xb8;
	[tilespmem:$0x139A0] =	vst v63  }
0x79: {  	s22 =	simm.s32 $0x0;
	v0 =	vld [tilespmem:$0x60]  }
0x7a: {  	v2 =	vld [tilespmem:s22+$0x9D60]  }
0x7b: {  	v4 =	vld [tilespmem:s22+$0x9D70]  }
0x7c: {  	v3 =	vld [tilespmem:s22+$0x9D80]  }
0x7d: {  	s23 =	simm.s32 $0x140;
	v1 =	vld [tilespmem:s22+$0x9D90]  }
.LBB2_10:
0x7e: {  	p0 =	sne.s32 s23, $0x9B00;
	v5 =	vld [tilespmem:s22+$0x9DA0]  }
0x7f: {  	v2 =	vsub.f32 v2, v0  }
0x80: {  	v4 =	vsub.f32 v4, v0  }
.Ltmp4:
0x81: {  	s24 =	sshra.s32 s23, $0x2;
	[tilespmem:s22+$0x9D60] =	vst v2;
	v3 =	vsub.f32 v3, v0;
	(pc) =	sbr.rel @p0 .LBB2_10-.Ltmp4, $4  }
0x82: {  	v2 =	vld [tilespmem:s24+$0x9D60];
	[tilespmem:s22+$0x9D70] =	vst v4;
	v1 =	vsub.f32 v1, v0  }
0x83: {  	v4 =	vld [tilespmem:s24+$0x9D70];
	[tilespmem:s22+$0x9D80] =	vst v3;
	v5 =	vsub.f32 v5, v0  }
0x84: {  	v3 =	vld [tilespmem:s24+$0x9D80];
	[tilespmem:s22+$0x9D90] =	vst v1  }
0x85: {  	s23 =	sadd.s32 $0x140, s23;
	v1 =	vld [tilespmem:s24+$0x9D90];
	[tilespmem:s22+$0x9DA0] =	vst v5;
	s22 =	smov.u32 s24  }
0x86: {  	v5 =	vld [tilespmem:s22+$0x9DA0]  }
0x87: {  	v2 =	vsub.f32 v2, v0  }
0x88: {  	v4 =	vsub.f32 v4, v0  }
0x89: {  	[tilespmem:s22+$0x9D60] =	vst v2;
	v2 =	vsub.f32 v3, v0  }
0x8a: {  	[tilespmem:s22+$0x9D70] =	vst v4;
	v1 =	vsub.f32 v1, v0  }
0x8b: {  	[tilespmem:s22+$0x9D80] =	vst v2;
	v0 =	vsub.f32 v5, v0  }
0x8c: {  	[tilespmem:s22+$0x9D90] =	vst v1  }
0x8d: {  	[tilespmem:s22+$0x9DA0] =	vst v0  }
0x8e: {  	s22 =	simm.s32 $0x0;
	v0 =	vld [tilespmem:$0x70]  }
0x8f: {  	v2 =	vld [tilespmem:s22+$0xC470]  }
0x90: {  	v4 =	vld [tilespmem:s22+$0xC480]  }
0x91: {  	v3 =	vld [tilespmem:s22+$0xC490]  }
0x92: {  	s23 =	simm.s32 $0x140;
	v1 =	vld [tilespmem:s22+$0xC4A0]  }
.LBB2_12:
0x93: {  	p0 =	sne.s32 s23, $0x9B00;
	v5 =	vld [tilespmem:s22+$0xC4B0]  }
0x94: {  	v2 =	vsub.f32 v2, v0  }
0x95: {  	v4 =	vsub.f32 v4, v0  }
.Ltmp5:
0x96: {  	s24 =	sshra.s32 s23, $0x2;
	[tilespmem:s22+$0xC470] =	vst v2;
	v3 =	vsub.f32 v3, v0;
	(pc) =	sbr.rel @p0 .LBB2_12-.Ltmp5, $4  }
0x97: {  	v2 =	vld [tilespmem:s24+$0xC470];
	[tilespmem:s22+$0xC480] =	vst v4;
	v1 =	vsub.f32 v1, v0  }
0x98: {  	v4 =	vld [tilespmem:s24+$0xC480];
	[tilespmem:s22+$0xC490] =	vst v3;
	v5 =	vsub.f32 v5, v0  }
0x99: {  	v3 =	vld [tilespmem:s24+$0xC490];
	[tilespmem:s22+$0xC4A0] =	vst v1  }
0x9a: {  	s23 =	sadd.s32 $0x140, s23;
	v1 =	vld [tilespmem:s24+$0xC4A0];
	[tilespmem:s22+$0xC4B0] =	vst v5;
	s22 =	smov.u32 s24  }
0x9b: {  	v5 =	vld [tilespmem:s22+$0xC4B0]  }
0x9c: {  	v2 =	vsub.f32 v2, v0  }
0x9d: {  	v4 =	vsub.f32 v4, v0  }
0x9e: {  	[tilespmem:s22+$0xC470] =	vst v2;
	v2 =	vsub.f32 v3, v0  }
0x9f: {  	[tilespmem:s22+$0xC480] =	vst v4;
	v1 =	vsub.f32 v1, v0  }
0xa0: {  	[tilespmem:s22+$0xC490] =	vst v2;
	v0 =	vsub.f32 v5, v0  }
0xa1: {  	[tilespmem:s22+$0xC4A0] =	vst v1  }
0xa2: {  	[tilespmem:s22+$0xC4B0] =	vst v0  }
0xa3: {  	s22 =	simm.s32 $0x0;
	v0 =	vld [tilespmem:$0x80]  }
0xa4: {  	v2 =	vld [tilespmem:s22+$0xEB80]  }
0xa5: {  	v4 =	vld [tilespmem:s22+$0xEB90]  }
0xa6: {  	v3 =	vld [tilespmem:s22+$0xEBA0]  }
0xa7: {  	s23 =	simm.s32 $0x140;
	v1 =	vld [tilespmem:s22+$0xEBB0]  }
.LBB2_14:
0xa8: {  	p0 =	sne.s32 s23, $0x9B00;
	v5 =	vld [tilespmem:s22+$0xEBC0]  }
0xa9: {  	v2 =	vsub.f32 v2, v0  }
0xaa: {  	v4 =	vsub.f32 v4, v0  }
.Ltmp6:
0xab: {  	s24 =	sshra.s32 s23, $0x2;
	[tilespmem:s22+$0xEB80] =	vst v2;
	v3 =	vsub.f32 v3, v0;
	(pc) =	sbr.rel @p0 .LBB2_14-.Ltmp6, $4  }
0xac: {  	v2 =	vld [tilespmem:s24+$0xEB80];
	[tilespmem:s22+$0xEB90] =	vst v4;
	v1 =	vsub.f32 v1, v0  }
0xad: {  	v4 =	vld [tilespmem:s24+$0xEB90];
	[tilespmem:s22+$0xEBA0] =	vst v3;
	v5 =	vsub.f32 v5, v0  }
0xae: {  	v3 =	vld [tilespmem:s24+$0xEBA0];
	[tilespmem:s22+$0xEBB0] =	vst v1  }
0xaf: {  	s23 =	sadd.s32 $0x140, s23;
	v1 =	vld [tilespmem:s24+$0xEBB0];
	[tilespmem:s22+$0xEBC0] =	vst v5;
	s22 =	smov.u32 s24  }
0xb0: {  	v5 =	vld [tilespmem:s22+$0xEBC0]  }
0xb1: {  	v2 =	vsub.f32 v2, v0  }
0xb2: {  	v4 =	vsub.f32 v4, v0  }
0xb3: {  	[tilespmem:s22+$0xEB80] =	vst v2;
	v2 =	vsub.f32 v3, v0  }
0xb4: {  	[tilespmem:s22+$0xEB90] =	vst v4;
	v1 =	vsub.f32 v1, v0  }
0xb5: {  	[tilespmem:s22+$0xEBA0] =	vst v2;
	v0 =	vsub.f32 v5, v0  }
0xb6: {  	[tilespmem:s22+$0xEBB0] =	vst v1  }
0xb7: {  	[tilespmem:s22+$0xEBC0] =	vst v0  }
0xb8: {  	s22 =	simm.s32 $0x0;
	v0 =	vld [tilespmem:$0x90]  }
0xb9: {  	v2 =	vld [tilespmem:s22+$0x11290]  }
0xba: {  	v4 =	vld [tilespmem:s22+$0x112A0]  }
0xbb: {  	v3 =	vld [tilespmem:s22+$0x112B0]  }
0xbc: {  	s23 =	simm.s32 $0x140;
	v1 =	vld [tilespmem:s22+$0x112C0]  }
.LBB2_16:
0xbd: {  	p0 =	sne.s32 s23, $0x9B00;
	v5 =	vld [tilespmem:s22+$0x112D0]  }
0xbe: {  	v2 =	vsub.f32 v2, v0  }
0xbf: {  	v4 =	vsub.f32 v4, v0  }
.Ltmp7:
0xc0: {  	s24 =	sshra.s32 s23, $0x2;
	[tilespmem:s22+$0x11290] =	vst v2;
	v3 =	vsub.f32 v3, v0;
	(pc) =	sbr.rel @p0 .LBB2_16-.Ltmp7, $4  }
0xc1: {  	v2 =	vld [tilespmem:s24+$0x11290];
	[tilespmem:s22+$0x112A0] =	vst v4;
	v1 =	vsub.f32 v1, v0  }
0xc2: {  	v4 =	vld [tilespmem:s24+$0x112A0];
	[tilespmem:s22+$0x112B0] =	vst v3;
	v5 =	vsub.f32 v5, v0  }
0xc3: {  	v3 =	vld [tilespmem:s24+$0x112B0];
	[tilespmem:s22+$0x112C0] =	vst v1  }
0xc4: {  	s23 =	sadd.s32 $0x140, s23;
	v1 =	vld [tilespmem:s24+$0x112C0];
	[tilespmem:s22+$0x112D0] =	vst v5;
	s22 =	smov.u32 s24  }
0xc5: {  	v5 =	vld [tilespmem:s22+$0x112D0]  }
0xc6: {  	v2 =	vsub.f32 v2, v0  }
0xc7: {  	v4 =	vsub.f32 v4, v0  }
0xc8: {  	[tilespmem:s22+$0x11290] =	vst v2;
	v2 =	vsub.f32 v3, v0  }
0xc9: {  	[tilespmem:s22+$0x112A0] =	vst v4;
	v1 =	vsub.f32 v1, v0  }
0xca: {  	[tilespmem:s22+$0x112B0] =	vst v2;
	v0 =	vsub.f32 v5, v0  }
0xcb: {  	[tilespmem:s22+$0x112C0] =	vst v1  }
0xcc: {  	s31 =	simm.s32 $0x0;
	[tilespmem:s22+$0x112D0] =	vst v0  }
0xcd: {  	[hbm4b:s7+s31] =	stream.linear.scatter [tilespmem:s17], [sflag:$0x3], $0x9C40, $0x38;
	[tilespmem:$0x139A0] =	vst v63  }
0xce: {  	_ =	swait.ge [sflag:s11], $0x9C40  }
0xcf: {  	[sflag:s11] =	ssyncset.done $0x0  }
0xd0: {  	[sflag:s11] =	ssyncadd.s32 $0xFFFF63C0  }
0xd1: {  	_ =	swait.ge [sflag:s15], $0x9C40  }
0xd2: {  	[sflag:s15] =	ssyncset.done $0x0  }
0xd3: {  	[sflag:s15] =	ssyncadd.s32 $0xFFFF63C0  }
0xd4: {  	[tilespmem:s17], [sflag:$0x2] =	stream.indirect.gather [hbm4b:s3+s13], $0x2710, s20, s13, $0xb8;
	[tilespmem:$0x139A0] =	vst v63  }
0xd5: {  	s22 =	simm.s32 $0x0;
	v0 =	vld [tilespmem:$0xA0]  }
0xd6: {  	v2 =	vld [tilespmem:s22+$0x120]  }
0xd7: {  	v4 =	vld [tilespmem:s22+$0x130]  }
0xd8: {  	v3 =	vld [tilespmem:s22+$0x140]  }
0xd9: {  	s23 =	simm.s32 $0x140;
	v1 =	vld [tilespmem:s22+$0x150]  }
.LBB2_18:
0xda: {  	p0 =	sne.s32 s23, $0x9B00;
	v5 =	vld [tilespmem:s22+$0x160]  }
0xdb: {  	v2 =	vsub.f32 v2, v0  }
0xdc: {  	v4 =	vsub.f32 v4, v0  }
.Ltmp8:
0xdd: {  	s24 =	sshra.s32 s23, $0x2;
	[tilespmem:s22+$0x120] =	vst v2;
	v3 =	vsub.f32 v3, v0;
	(pc) =	sbr.rel @p0 .LBB2_18-.Ltmp8, $4  }
0xde: {  	v2 =	vld [tilespmem:s24+$0x120];
	[tilespmem:s22+$0x130] =	vst v4;
	v1 =	vsub.f32 v1, v0  }
0xdf: {  	v4 =	vld [tilespmem:s24+$0x130];
	[tilespmem:s22+$0x140] =	vst v3;
	v5 =	vsub.f32 v5, v0  }
0xe0: {  	v3 =	vld [tilespmem:s24+$0x140];
	[tilespmem:s22+$0x150] =	vst v1  }
0xe1: {  	s23 =	sadd.s32 $0x140, s23;
	v1 =	vld [tilespmem:s24+$0x150];
	[tilespmem:s22+$0x160] =	vst v5;
	s22 =	smov.u32 s24  }
0xe2: {  	v5 =	vld [tilespmem:s22+$0x160]  }
0xe3: {  	v2 =	vsub.f32 v2, v0  }
0xe4: {  	v4 =	vsub.f32 v4, v0  }
0xe5: {  	[tilespmem:s22+$0x120] =	vst v2;
	v2 =	vsub.f32 v3, v0  }
0xe6: {  	[tilespmem:s22+$0x130] =	vst v4;
	v1 =	vsub.f32 v1, v0  }
0xe7: {  	[tilespmem:s22+$0x140] =	vst v2;
	v0 =	vsub.f32 v5, v0  }
0xe8: {  	[tilespmem:s22+$0x150] =	vst v1  }
0xe9: {  	[tilespmem:s22+$0x160] =	vst v0  }
0xea: {  	s22 =	simm.s32 $0x0;
	v0 =	vld [tilespmem:$0xB0]  }
0xeb: {  	v2 =	vld [tilespmem:s22+$0x2830]  }
0xec: {  	v4 =	vld [tilespmem:s22+$0x2840]  }
0xed: {  	v3 =	vld [tilespmem:s22+$0x2850]  }
0xee: {  	s23 =	simm.s32 $0x140;
	v1 =	vld [tilespmem:s22+$0x2860]  }
.LBB2_20:
0xef: {  	p0 =	sne.s32 s23, $0x9B00;
	v5 =	vld [tilespmem:s22+$0x2870]  }
0xf0: {  	v2 =	vsub.f32 v2, v0  }
0xf1: {  	v4 =	vsub.f32 v4, v0  }
.Ltmp9:
0xf2: {  	s24 =	sshra.s32 s23, $0x2;
	[tilespmem:s22+$0x2830] =	vst v2;
	v3 =	vsub.f32 v3, v0;
	(pc) =	sbr.rel @p0 .LBB2_20-.Ltmp9, $4  }
0xf3: {  	v2 =	vld [tilespmem:s24+$0x2830];
	[tilespmem:s22+$0x2840] =	vst v4;
	v1 =	vsub.f32 v1, v0  }
0xf4: {  	v4 =	vld [tilespmem:s24+$0x2840];
	[tilespmem:s22+$0x2850] =	vst v3;
	v5 =	vsub.f32 v5, v0  }
0xf5: {  	v3 =	vld [tilespmem:s24+$0x2850];
	[tilespmem:s22+$0x2860] =	vst v1  }
0xf6: {  	s23 =	sadd.s32 $0x140, s23;
	v1 =	vld [tilespmem:s24+$0x2860];
	[tilespmem:s22+$0x2870] =	vst v5;
	s22 =	smov.u32 s24  }
0xf7: {  	v5 =	vld [tilespmem:s22+$0x2870]  }
0xf8: {  	v2 =	vsub.f32 v2, v0  }
0xf9: {  	v4 =	vsub.f32 v4, v0  }
0xfa: {  	[tilespmem:s22+$0x2830] =	vst v2;
	v2 =	vsub.f32 v3, v0  }
0xfb: {  	[tilespmem:s22+$0x2840] =	vst v4;
	v1 =	vsub.f32 v1, v0  }
0xfc: {  	[tilespmem:s22+$0x2850] =	vst v2;
	v0 =	vsub.f32 v5, v0  }
0xfd: {  	[tilespmem:s22+$0x2860] =	vst v1  }
0xfe: {  	[tilespmem:s22+$0x2870] =	vst v0  }
0xff: {  	s22 =	simm.s32 $0x0;
	v0 =	vld [tilespmem:$0xC0]  }
0x100: {  	v2 =	vld [tilespmem:s22+$0x4F40]  }
0x101: {  	v4 =	vld [tilespmem:s22+$0x4F50]  }
0x102: {  	v3 =	vld [tilespmem:s22+$0x4F60]  }
0x103: {  	s23 =	simm.s32 $0x140;
	v1 =	vld [tilespmem:s22+$0x4F70]  }
.LBB2_22:
0x104: {  	p0 =	sne.s32 s23, $0x9B00;
	v5 =	vld [tilespmem:s22+$0x4F80]  }
0x105: {  	v2 =	vsub.f32 v2, v0  }
0x106: {  	v4 =	vsub.f32 v4, v0  }
.Ltmp10:
0x107: {  	s24 =	sshra.s32 s23, $0x2;
	[tilespmem:s22+$0x4F40] =	vst v2;
	v3 =	vsub.f32 v3, v0;
	(pc) =	sbr.rel @p0 .LBB2_22-.Ltmp10, $4  }
0x108: {  	v2 =	vld [tilespmem:s24+$0x4F40];
	[tilespmem:s22+$0x4F50] =	vst v4;
	v1 =	vsub.f32 v1, v0  }
0x109: {  	v4 =	vld [tilespmem:s24+$0x4F50];
	[tilespmem:s22+$0x4F60] =	vst v3;
	v5 =	vsub.f32 v5, v0  }
0x10a: {  	v3 =	vld [tilespmem:s24+$0x4F60];
	[tilespmem:s22+$0x4F70] =	vst v1  }
0x10b: {  	s23 =	sadd.s32 $0x140, s23;
	v1 =	vld [tilespmem:s24+$0x4F70];
	[tilespmem:s22+$0x4F80] =	vst v5;
	s22 =	smov.u32 s24  }
0x10c: {  	v5 =	vld [tilespmem:s22+$0x4F80]  }
0x10d: {  	v2 =	vsub.f32 v2, v0  }
0x10e: {  	v4 =	vsub.f32 v4, v0  }
0x10f: {  	[tilespmem:s22+$0x4F40] =	vst v2;
	v2 =	vsub.f32 v3, v0  }
0x110: {  	[tilespmem:s22+$0x4F50] =	vst v4;
	v1 =	vsub.f32 v1, v0  }
0x111: {  	[tilespmem:s22+$0x4F60] =	vst v2;
	v0 =	vsub.f32 v5, v0  }
0x112: {  	[tilespmem:s22+$0x4F70] =	vst v1  }
0x113: {  	[tilespmem:s22+$0x4F80] =	vst v0  }
0x114: {  	s22 =	simm.s32 $0x0;
	v0 =	vld [tilespmem:$0xD0]  }
0x115: {  	v2 =	vld [tilespmem:s22+$0x7650]  }
0x116: {  	v4 =	vld [tilespmem:s22+$0x7660]  }
0x117: {  	v3 =	vld [tilespmem:s22+$0x7670]  }
0x118: {  	s23 =	simm.s32 $0x140;
	v1 =	vld [tilespmem:s22+$0x7680]  }
.LBB2_24:
0x119: {  	p0 =	sne.s32 s23, $0x9B00;
	v5 =	vld [tilespmem:s22+$0x7690]  }
0x11a: {  	v2 =	vsub.f32 v2, v0  }
0x11b: {  	v4 =	vsub.f32 v4, v0  }
.Ltmp11:
0x11c: {  	s24 =	sshra.s32 s23, $0x2;
	[tilespmem:s22+$0x7650] =	vst v2;
	v3 =	vsub.f32 v3, v0;
	(pc) =	sbr.rel @p0 .LBB2_24-.Ltmp11, $4  }
0x11d: {  	v2 =	vld [tilespmem:s24+$0x7650];
	[tilespmem:s22+$0x7660] =	vst v4;
	v1 =	vsub.f32 v1, v0  }
0x11e: {  	v4 =	vld [tilespmem:s24+$0x7660];
	[tilespmem:s22+$0x7670] =	vst v3;
	v5 =	vsub.f32 v5, v0  }
0x11f: {  	v3 =	vld [tilespmem:s24+$0x7670];
	[tilespmem:s22+$0x7680] =	vst v1  }
0x120: {  	s23 =	sadd.s32 $0x140, s23;
	v1 =	vld [tilespmem:s24+$0x7680];
	[tilespmem:s22+$0x7690] =	vst v5;
	s22 =	smov.u32 s24  }
0x121: {  	v5 =	vld [tilespmem:s22+$0x7690]  }
0x122: {  	v2 =	vsub.f32 v2, v0  }
0x123: {  	v4 =	vsub.f32 v4, v0  }
0x124: {  	[tilespmem:s22+$0x7650] =	vst v2;
	v2 =	vsub.f32 v3, v0  }
0x125: {  	[tilespmem:s22+$0x7660] =	vst v4;
	v1 =	vsub.f32 v1, v0  }
0x126: {  	[tilespmem:s22+$0x7670] =	vst v2;
	v0 =	vsub.f32 v5, v0  }
0x127: {  	[tilespmem:s22+$0x7680] =	vst v1  }
0x128: {  	s31 =	simm.s32 $0x0;
	[tilespmem:s22+$0x7690] =	vst v0  }
0x129: {  	[hbm4b:s8+s31] =	stream.linear.scatter [tilespmem:s14], [sflag:$0x3], $0x9C40, $0x38;
	[tilespmem:$0x139A0] =	vst v63  }
0x12a: {  	_ =	swait.ge [sflag:s11], $0x9C40  }
0x12b: {  	[sflag:s11] =	ssyncset.done $0x0  }
0x12c: {  	[sflag:s11] =	ssyncadd.s32 $0xFFFF63C0  }
0x12d: {  	_ =	swait.ge [sflag:s18], $0x9C40  }
0x12e: {  	[sflag:s18] =	ssyncset.done $0x0  }
0x12f: {  	[sflag:s18] =	ssyncadd.s32 $0xFFFF63C0  }
0x130: {  	s22 =	simm.s32 $0x0;
	v0 =	vld [tilespmem:$0xE0]  }
0x131: {  	v2 =	vld [tilespmem:s22+$0x9D60]  }
0x132: {  	v4 =	vld [tilespmem:s22+$0x9D70]  }
0x133: {  	v3 =	vld [tilespmem:s22+$0x9D80]  }
0x134: {  	s23 =	simm.s32 $0x140;
	v1 =	vld [tilespmem:s22+$0x9D90]  }
.LBB2_26:
0x135: {  	p0 =	sne.s32 s23, $0x9B00;
	v5 =	vld [tilespmem:s22+$0x9DA0]  }
0x136: {  	v2 =	vsub.f32 v2, v0  }
0x137: {  	v4 =	vsub.f32 v4, v0  }
.Ltmp12:
0x138: {  	s24 =	sshra.s32 s23, $0x2;
	[tilespmem:s22+$0x9D60] =	vst v2;
	v3 =	vsub.f32 v3, v0;
	(pc) =	sbr.rel @p0 .LBB2_26-.Ltmp12, $4  }
0x139: {  	v2 =	vld [tilespmem:s24+$0x9D60];
	[tilespmem:s22+$0x9D70] =	vst v4;
	v1 =	vsub.f32 v1, v0  }
0x13a: {  	v4 =	vld [tilespmem:s24+$0x9D70];
	[tilespmem:s22+$0x9D80] =	vst v3;
	v5 =	vsub.f32 v5, v0  }
0x13b: {  	v3 =	vld [tilespmem:s24+$0x9D80];
	[tilespmem:s22+$0x9D90] =	vst v1  }
0x13c: {  	s23 =	sadd.s32 $0x140, s23;
	v1 =	vld [tilespmem:s24+$0x9D90];
	[tilespmem:s22+$0x9DA0] =	vst v5;
	s22 =	smov.u32 s24  }
0x13d: {  	v5 =	vld [tilespmem:s22+$0x9DA0]  }
0x13e: {  	v2 =	vsub.f32 v2, v0  }
0x13f: {  	v4 =	vsub.f32 v4, v0  }
0x140: {  	[tilespmem:s22+$0x9D60] =	vst v2;
	v2 =	vsub.f32 v3, v0  }
0x141: {  	[tilespmem:s22+$0x9D70] =	vst v4;
	v1 =	vsub.f32 v1, v0  }
0x142: {  	[tilespmem:s22+$0x9D80] =	vst v2;
	v0 =	vsub.f32 v5, v0  }
0x143: {  	[tilespmem:s22+$0x9D90] =	vst v1  }
0x144: {  	[tilespmem:s22+$0x9DA0] =	vst v0  }
0x145: {  	s22 =	simm.s32 $0x0;
	v0 =	vld [tilespmem:$0xF0]  }
0x146: {  	v2 =	vld [tilespmem:s22+$0xC470]  }
0x147: {  	v4 =	vld [tilespmem:s22+$0xC480]  }
0x148: {  	v3 =	vld [tilespmem:s22+$0xC490]  }
0x149: {  	s23 =	simm.s32 $0x140;
	v1 =	vld [tilespmem:s22+$0xC4A0]  }
.LBB2_28:
0x14a: {  	p0 =	sne.s32 s23, $0x9B00;
	v5 =	vld [tilespmem:s22+$0xC4B0]  }
0x14b: {  	v2 =	vsub.f32 v2, v0  }
0x14c: {  	v4 =	vsub.f32 v4, v0  }
.Ltmp13:
0x14d: {  	s24 =	sshra.s32 s23, $0x2;
	[tilespmem:s22+$0xC470] =	vst v2;
	v3 =	vsub.f32 v3, v0;
	(pc) =	sbr.rel @p0 .LBB2_28-.Ltmp13, $4  }
0x14e: {  	v2 =	vld [tilespmem:s24+$0xC470];
	[tilespmem:s22+$0xC480] =	vst v4;
	v1 =	vsub.f32 v1, v0  }
0x14f: {  	v4 =	vld [tilespmem:s24+$0xC480];
	[tilespmem:s22+$0xC490] =	vst v3;
	v5 =	vsub.f32 v5, v0  }
0x150: {  	v3 =	vld [tilespmem:s24+$0xC490];
	[tilespmem:s22+$0xC4A0] =	vst v1  }
0x151: {  	s23 =	sadd.s32 $0x140, s23;
	v1 =	vld [tilespmem:s24+$0xC4A0];
	[tilespmem:s22+$0xC4B0] =	vst v5;
	s22 =	smov.u32 s24  }
0x152: {  	v5 =	vld [tilespmem:s22+$0xC4B0]  }
0x153: {  	v2 =	vsub.f32 v2, v0  }
0x154: {  	v4 =	vsub.f32 v4, v0  }
0x155: {  	[tilespmem:s22+$0xC470] =	vst v2;
	v2 =	vsub.f32 v3, v0  }
0x156: {  	[tilespmem:s22+$0xC480] =	vst v4;
	v1 =	vsub.f32 v1, v0  }
0x157: {  	[tilespmem:s22+$0xC490] =	vst v2;
	v0 =	vsub.f32 v5, v0  }
0x158: {  	[tilespmem:s22+$0xC4A0] =	vst v1  }
0x159: {  	[tilespmem:s22+$0xC4B0] =	vst v0  }
0x15a: {  	s22 =	simm.s32 $0x0;
	v0 =	vld [tilespmem:$0x100]  }
0x15b: {  	v2 =	vld [tilespmem:s22+$0xEB80]  }
0x15c: {  	v4 =	vld [tilespmem:s22+$0xEB90]  }
0x15d: {  	v3 =	vld [tilespmem:s22+$0xEBA0]  }
0x15e: {  	s23 =	simm.s32 $0x140;
	v1 =	vld [tilespmem:s22+$0xEBB0]  }
.LBB2_30:
0x15f: {  	p0 =	sne.s32 s23, $0x9B00;
	v5 =	vld [tilespmem:s22+$0xEBC0]  }
0x160: {  	v2 =	vsub.f32 v2, v0  }
0x161: {  	v4 =	vsub.f32 v4, v0  }
.Ltmp14:
0x162: {  	s24 =	sshra.s32 s23, $0x2;
	[tilespmem:s22+$0xEB80] =	vst v2;
	v3 =	vsub.f32 v3, v0;
	(pc) =	sbr.rel @p0 .LBB2_30-.Ltmp14, $4  }
0x163: {  	v2 =	vld [tilespmem:s24+$0xEB80];
	[tilespmem:s22+$0xEB90] =	vst v4;
	v1 =	vsub.f32 v1, v0  }
0x164: {  	v4 =	vld [tilespmem:s24+$0xEB90];
	[tilespmem:s22+$0xEBA0] =	vst v3;
	v5 =	vsub.f32 v5, v0  }
0x165: {  	v3 =	vld [tilespmem:s24+$0xEBA0];
	[tilespmem:s22+$0xEBB0] =	vst v1  }
0x166: {  	s23 =	sadd.s32 $0x140, s23;
	v1 =	vld [tilespmem:s24+$0xEBB0];
	[tilespmem:s22+$0xEBC0] =	vst v5;
	s22 =	smov.u32 s24  }
0x167: {  	v5 =	vld [tilespmem:s22+$0xEBC0]  }
0x168: {  	v2 =	vsub.f32 v2, v0  }
0x169: {  	v4 =	vsub.f32 v4, v0  }
0x16a: {  	[tilespmem:s22+$0xEB80] =	vst v2;
	v2 =	vsub.f32 v3, v0  }
0x16b: {  	[tilespmem:s22+$0xEB90] =	vst v4;
	v1 =	vsub.f32 v1, v0  }
0x16c: {  	[tilespmem:s22+$0xEBA0] =	vst v2;
	v0 =	vsub.f32 v5, v0  }
0x16d: {  	[tilespmem:s22+$0xEBB0] =	vst v1  }
0x16e: {  	[tilespmem:s22+$0xEBC0] =	vst v0  }
0x16f: {  	s22 =	simm.s32 $0x0;
	v0 =	vld [tilespmem:$0x110]  }
0x170: {  	v2 =	vld [tilespmem:s22+$0x11290]  }
0x171: {  	v4 =	vld [tilespmem:s22+$0x112A0]  }
0x172: {  	v3 =	vld [tilespmem:s22+$0x112B0]  }
0x173: {  	s23 =	simm.s32 $0x140;
	v1 =	vld [tilespmem:s22+$0x112C0]  }
.LBB2_32:
0x174: {  	p0 =	sne.s32 s23, $0x9B00;
	v5 =	vld [tilespmem:s22+$0x112D0]  }
0x175: {  	v2 =	vsub.f32 v2, v0  }
0x176: {  	v4 =	vsub.f32 v4, v0  }
.Ltmp15:
0x177: {  	s24 =	sshra.s32 s23, $0x2;
	[tilespmem:s22+$0x11290] =	vst v2;
	v3 =	vsub.f32 v3, v0;
	(pc) =	sbr.rel @p0 .LBB2_32-.Ltmp15, $4  }
0x178: {  	v2 =	vld [tilespmem:s24+$0x11290];
	[tilespmem:s22+$0x112A0] =	vst v4;
	v1 =	vsub.f32 v1, v0  }
0x179: {  	v4 =	vld [tilespmem:s24+$0x112A0];
	[tilespmem:s22+$0x112B0] =	vst v3;
	v5 =	vsub.f32 v5, v0  }
0x17a: {  	v3 =	vld [tilespmem:s24+$0x112B0];
	[tilespmem:s22+$0x112C0] =	vst v1  }
0x17b: {  	s23 =	sadd.s32 $0x140, s23;
	v1 =	vld [tilespmem:s24+$0x112C0];
	[tilespmem:s22+$0x112D0] =	vst v5;
	s22 =	smov.u32 s24  }
0x17c: {  	v5 =	vld [tilespmem:s22+$0x112D0]  }
0x17d: {  	v2 =	vsub.f32 v2, v0  }
0x17e: {  	v4 =	vsub.f32 v4, v0  }
0x17f: {  	[tilespmem:s22+$0x11290] =	vst v2;
	v62 =	vsub.f32 v3, v0  }
0x180: {  	[tilespmem:s22+$0x112A0] =	vst v4;
	v1 =	vsub.f32 v1, v0  }
0x181: {  	s21 =	sadd.s32 $0x1, s21;
	[tilespmem:s22+$0x112B0] =	vst v62;
	v63 =	vsub.f32 v5, v0  }
0x182: {  	p0 =	sne.s32 s21, s10;
	[tilespmem:s22+$0x112C0] =	vst v1  }
.Ltmp16:
0x183: {  	[tilespmem:s22+$0x112D0] =	vst v63;
	(pc) =	sbr.rel @p0 .LBB2_1-.Ltmp16, $4  }
0x184: {  	[hbm4b:s9+s2] =	stream.linear.scatter [tilespmem:s17], [sflag:$0x3], $0x9C40, $0x38;
	[tilespmem:$0x139A0] =	vst v63  }
0x185: {  	_ =	swait.ge [sflag:s11], $0x9C40  }
0x186: {  	[sflag:s11] =	ssyncset.done $0x0  }
0x187: {  	[sflag:s11] =	ssyncadd.s32 $0xFFFF63C0  }
0x188: {  	_ =	sfence.sel $0x180000  }
0x189: {  	[bflag:$0x0] =	sbarrier.arrive $0xFFFF  }
0x18a: {  	p0 =	sne.s32 s1, $0x0;
	_ =	strace $0x90000047  }
0x18b: {  	s0 =	sadd.s32 @!p0 $0x100000, s0;
	[bflag:$0x2] =	sbarrier.arrive $0xFFFF  }
0x18c: {  	[sflag:s0] =	ssyncadd.tile.s32 @!p0 $0x1;
	_ =	shalt  }
.Lfunc_end2:
_tile_overlayer_lowered:
.L_overlay_start_2:
0x18d: {  	(tag) =	ssettag $0x2  }
0x18e: {  	s0 =	rddreg [dreg:$0x0];
	s2 =	stileid.u32  }
0x18f: {  	s1 =	rddreg [dreg:$0x1];
	p0 =	sne.s32 s2, $0x0  }
0x190: {  	s3 =	rddreg [dreg:$0x2];
	[bflag:$0x3] =	sbarrier.arrive $0xFFFF;
	s2 =	simm.s32 @!p0 $0x1C03  }
0x191: {  	[timem:s3], [sflag:s2] =	dma.local @!p0 [hbm:s0], s1  }
0x192: {  	s0 =	simm.s32 @!p0 $0x3  }
0x193: {  	_ =	swait.ge @!p0 [sflag:s0], s1  }
0x194: {  	s1 =	ssub.s32 @!p0 $0x0, s1;
	[sflag:s0] =	ssyncset.done @!p0 $0x0  }
0x195: {  	[sflag:s0] =	ssyncadd.s32 @!p0 s1  }
0x196: {  	[bflag:$0x3] =	sbarrier.arrive $0xFFFF  }
0x197: {  	_ =	shalt  }

</sc_bundles>
